<compile_context>
chip_gen: v7x
topology: tpu7x:2x2x1
jax: 0.10.2.dev20260603
libtpu: 0.0.44.dev20260713+nightly
codegen_flags: <defaults>
</compile_context>

<pallas_src>
import functools

import jax
import jax.numpy as jnp
from jax import lax
from jax.experimental import pallas as pl
from jax.experimental.pallas import tpu as pltpu
from jax.experimental.pallas import tpu_sc as plsc

f32 = jnp.float32
i32 = jnp.int32

N = 10000
E = 320000
D = 128
G = 64
C = 32

NW = 32
CH = 64
DEPTH = 4
NCH0 = 320
NCH1 = 0
HNCH = 64
EPAD = 16 * (NCH0 + NCH1) * CH
CED = EPAD // NW

NPAD = 10112
RPT = NPAD // 16
BLK = 632
NBLK = NPAD // BLK

def _sc_mesh():
    return plsc.VectorSubcoreMesh(core_axis_name="c", subcore_axis_name="s",
                                  num_cores=2, num_subcores=16)



def _deg_body(dst_hbm, out_hbm, acc_v, idx_v):
    cid = lax.axis_index("c")
    sid = lax.axis_index("s")
    wid = cid * 16 + sid

    def zero(i, carry):
        acc_v[pl.ds(i * 16, 16)] = jnp.zeros((16,), f32)
        return carry

    lax.fori_loop(0, NPAD // 16, zero, 0)

    pltpu.sync_copy(dst_hbm.at[pl.ds(wid * CED, CED)], idx_v)
    ones = jnp.ones((16,), f32)

    def inner(j, c2):
        idx = idx_v[pl.ds(j * 16, 16)]
        plsc.addupdate_scatter(acc_v, [idx], ones)
        return c2

    lax.fori_loop(0, CED // 16, inner, 0)
    pltpu.sync_copy(acc_v, out_hbm.at[wid])


def _deg_call(dst_p):
    return pl.kernel(
        _deg_body,
        out_type=jax.ShapeDtypeStruct((NW, NPAD), f32),
        mesh=_sc_mesh(),
        scratch_types=[
            pltpu.VMEM((NPAD,), f32),
            pltpu.VMEM((CED,), i32),
        ],
        compiler_params=pltpu.CompilerParams(needs_layout_passes=False),
    )(dst_p)



def _scatter_body(y_hbm, src_hbm, dst2_hbm, zeros_hbm, out_hbm,
                  sidx, didx2, rows, shared, *sems):
    gsem = sems[:DEPTH]
    ssem = sems[DEPTH:]
    cid = lax.axis_index("c")
    sid = lax.axis_index("s")
    r0 = sid * RPT

    pltpu.sync_copy(zeros_hbm.at[pl.ds(r0, RPT)], shared.at[pl.ds(r0, RPT)])
    plsc.subcore_barrier()

    def slot(j):
        return rows.at[pl.ds(j * CH, CH)]

    def gather(k, j):
        pltpu.async_copy(y_hbm.at[sidx.at[pl.ds(k * CH, CH)]], slot(j),
                         gsem[j])

    def gwait(j):
        pltpu.make_async_copy(y_hbm.at[sidx.at[pl.ds(0, CH)]], slot(j),
                              gsem[j]).wait()

    def swait(j):
        pltpu.make_async_copy(slot(j), shared.at[didx2.at[0]],
                              ssem[j]).wait()

    def run(base_chunk, nch):
        pltpu.sync_copy(src_hbm.at[pl.ds(base_chunk * CH, nch * CH)],
                        sidx.at[pl.ds(0, nch * CH)])
        pltpu.sync_copy(dst2_hbm.at[pl.ds(base_chunk, nch)],
                        didx2.at[pl.ds(0, nch)])

        for j in range(DEPTH):
            gather(j, j)

        def group(q, carry):
            k = DEPTH * q
            for j in range(DEPTH):
                gwait(j)
                pltpu.async_copy(slot(j), shared.at[didx2.at[k + j]],
                                 ssem[j], add=True)
            for j in range(DEPTH):
                swait(j)

                @pl.when(k + DEPTH + j < nch)
                def _g(j=j, k=k):
                    gather(k + DEPTH + j, j)

            return carry

        lax.fori_loop(0, nch // DEPTH, group, 0)

    @pl.when(cid == 0)
    def _c0():
        for r in range(NCH0 // HNCH):
            run(sid * NCH0 + r * HNCH, HNCH)

    @pl.when(cid == 1)
    def _c1():
        for r in range(NCH1 // HNCH):
            run(16 * NCH0 + sid * NCH1 + r * HNCH, HNCH)

    plsc.subcore_barrier()
    pltpu.sync_copy(shared.at[pl.ds(r0, RPT)], out_hbm.at[cid, pl.ds(r0, RPT)])


def _scatter_call(y, src_p, dst2d, zeros_big):
    return pl.kernel(
        _scatter_body,
        out_type=jax.ShapeDtypeStruct((2, NPAD, D), f32),
        mesh=_sc_mesh(),
        scratch_types=[
            pltpu.VMEM((HNCH * CH,), i32),
            pltpu.VMEM((HNCH, CH), i32),
            pltpu.VMEM((DEPTH * CH, D), f32),
            pltpu.VMEM_SHARED((NPAD, D), f32),
        ] + [pltpu.SemaphoreType.DMA] * (2 * DEPTH),
        compiler_params=pltpu.CompilerParams(needs_layout_passes=False),
    )(y, src_p, dst2d, zeros_big)



def _dinv_of(deg_ref):
    return lax.rsqrt(jnp.sum(deg_ref[...], axis=1) + 1.0)[:, None]


def _k1_body(x_ref, w_ref, deg_ref, y_ref):
    xw = jnp.dot(x_ref[...], w_ref[...], preferred_element_type=f32)
    y_ref[...] = xw * _dinv_of(deg_ref)


def _k1(x_p, W1, deg_parts):
    return pl.pallas_call(
        _k1_body,
        grid=(NBLK,),
        in_specs=[
            pl.BlockSpec((BLK, D), lambda i: (i, 0)),
            pl.BlockSpec((D, D), lambda i: (0, 0)),
            pl.BlockSpec((BLK, NW), lambda i: (i, 0)),
        ],
        out_specs=pl.BlockSpec((BLK, D), lambda i: (i, 0)),
        out_shape=jax.ShapeDtypeStruct((NPAD, D), f32),
    )(x_p, W1, deg_parts)


def _kmid_body(sp_ref, y1_ref, deg_ref, b_ref, w_ref, y2_ref):
    dinv = _dinv_of(deg_ref)
    s = sp_ref[0] + sp_ref[1] + y1_ref[...]
    h = jnp.maximum(s * dinv + b_ref[...], 0.0)
    y2_ref[...] = jnp.dot(h, w_ref[...], preferred_element_type=f32) * dinv


def _kmid(s1, y1, deg_parts, b1, W2):
    return pl.pallas_call(
        _kmid_body,
        grid=(NBLK,),
        in_specs=[
            pl.BlockSpec((2, BLK, D), lambda i: (0, i, 0)),
            pl.BlockSpec((BLK, D), lambda i: (i, 0)),
            pl.BlockSpec((BLK, NW), lambda i: (i, 0)),
            pl.BlockSpec((1, D), lambda i: (0, 0)),
            pl.BlockSpec((D, D), lambda i: (0, 0)),
        ],
        out_specs=pl.BlockSpec((BLK, D), lambda i: (i, 0)),
        out_shape=jax.ShapeDtypeStruct((NPAD, D), f32),
    )(s1, y1, deg_parts, b1, W2)


def _kfin_body(sp_ref, y2_ref, deg_ref, b_ref, batch_ref, wc_ref, bc_ref,
               out_ref, acc, cnt):
    i = pl.program_id(0)

    @pl.when(i == 0)
    def _init():
        acc[...] = jnp.zeros_like(acc)
        cnt[...] = jnp.zeros_like(cnt)

    dinv = _dinv_of(deg_ref)
    h = jnp.maximum((sp_ref[0] + sp_ref[1] + y2_ref[...]) * dinv + b_ref[...],
                    0.0)
    row = i * BLK + lax.broadcasted_iota(i32, (1, BLK), 1)
    seg = lax.broadcasted_iota(i32, (G, BLK), 0)
    onehot = jnp.where((seg == batch_ref[0]) & (row < N), 1.0, 0.0)
    acc[...] += jnp.dot(onehot, h, preferred_element_type=f32)
    cnt[...] = cnt[...] + jnp.sum(onehot, axis=1, keepdims=True)

    @pl.when(i == NBLK - 1)
    def _fin():
        pooled = acc[...] / jnp.maximum(cnt[...], 1.0)
        out_ref[...] = lax.dot_general(
            pooled, wc_ref[...], (((1,), (1,)), ((), ())),
            preferred_element_type=f32) + bc_ref[...]


def _kfin(s2, y2, deg_parts, b2, batch3d, Wc, bc):
    return pl.pallas_call(
        _kfin_body,
        grid=(NBLK,),
        in_specs=[
            pl.BlockSpec((2, BLK, D), lambda i: (0, i, 0)),
            pl.BlockSpec((BLK, D), lambda i: (i, 0)),
            pl.BlockSpec((BLK, NW), lambda i: (i, 0)),
            pl.BlockSpec((1, D), lambda i: (0, 0)),
            pl.BlockSpec((1, 1, BLK), lambda i: (i, 0, 0)),
            pl.BlockSpec((C, D), lambda i: (0, 0)),
            pl.BlockSpec((1, C), lambda i: (0, 0)),
        ],
        out_specs=pl.BlockSpec((G, C), lambda i: (0, 0)),
        out_shape=jax.ShapeDtypeStruct((G, C), f32),
        scratch_shapes=[
            pltpu.VMEM((G, D), f32),
            pltpu.VMEM((G, D), f32),
        ],
    )(s2, y2, deg_parts, b2, batch3d, Wc, bc)



def kernel(x, edge_index, batch, W1, b1, W2, b2, Wc, bc):
    src_p = jnp.concatenate([edge_index[0], jnp.full((EPAD - E,), N, i32)])
    pad_dst = N + jnp.arange(EPAD - E, dtype=i32) % (NPAD - N)
    dst_p = jnp.concatenate([edge_index[1], pad_dst])
    x_p = jnp.pad(x, ((0, NPAD - N), (0, 0)))
    batch3d = jnp.pad(batch, (0, NPAD - N)).reshape(NBLK, 1, BLK)
    zeros_big = jnp.zeros((NPAD, D), f32)

    dst2d = dst_p.reshape(EPAD // CH, CH)
    deg_parts = _deg_call(dst_p).T
    y1 = _k1(x_p, W1, deg_parts)
    s1 = _scatter_call(y1, src_p, dst2d, zeros_big)
    y2 = _kmid(s1, y1, deg_parts, b1.reshape(1, D), W2)
    s2 = _scatter_call(y2, src_p, dst2d, zeros_big)
    return _kfin(s2, y2, deg_parts, b2.reshape(1, D), batch3d, Wc,
                 bc.reshape(1, C))

# --- scband reference (transcript-rebuilt; emitter-appended) ---
"""Pipeline reference for scband-window-gcn-8031588843742 (READ-ONLY COPY).

The authoritative reference and input builder live on the scoring server;
editing this copy changes nothing except your own understanding.
"""

import jax, jax.numpy as jnp
import numpy as np

N = 10000
E = 320000
D = 128
H = 128
O = 128
C = 32
G = 64


def setup_inputs(seed: int = 0) -> dict:
    key = jax.random.key(seed)
    ks = jax.random.split(key, 10)
    x = jax.random.normal(ks[0], (N, D), dtype=jnp.float32)
    edge_index = jax.random.randint(ks[1], (2, E), 0, N, dtype=jnp.int32)
    batch = jnp.sort(jax.random.randint(ks[2], (N,), 0, G, dtype=jnp.int32))
    W1 = jax.random.normal(ks[3], (D, H), dtype=jnp.float32) * (1.0 / np.sqrt(D))
    b1 = jnp.zeros((H,), dtype=jnp.float32)
    W2 = jax.random.normal(ks[4], (H, O), dtype=jnp.float32) * (1.0 / np.sqrt(H))
    b2 = jnp.zeros((O,), dtype=jnp.float32)
    Wc = jax.random.normal(ks[5], (C, O), dtype=jnp.float32) * (1.0 / np.sqrt(O))
    bc = jnp.zeros((C,), dtype=jnp.float32)
    return {"x": x, "edge_index": edge_index, "batch": batch,
            "W1": W1, "b1": b1, "W2": W2, "b2": b2, "Wc": Wc, "bc": bc}


def _gcn_conv(x, edge_index, W, b):
    # GCNConv: add self-loops, symmetric normalization D^-1/2 A_hat D^-1/2 (XW) + b
    src = edge_index[0]
    dst = edge_index[1]
    loop = jnp.arange(N, dtype=src.dtype)
    src = jnp.concatenate([src, loop])
    dst = jnp.concatenate([dst, loop])
    deg = jnp.zeros((N,), dtype=x.dtype).at[dst].add(1.0)
    dinv = jnp.where(deg > 0, jax.lax.rsqrt(deg), 0.0)
    norm = dinv[src] * dinv[dst]
    xw = x @ W
    msg = xw[src] * norm[:, None]
    out = jnp.zeros((N, W.shape[1]), dtype=x.dtype).at[dst].add(msg)
    return out + b


def reference(x, edge_index, batch, W1, b1, W2, b2, Wc, bc):
    h = jax.nn.relu(_gcn_conv(x, edge_index, W1, b1))
    # dropout is identity in eval mode (training=False)
    h = jax.nn.relu(_gcn_conv(h, edge_index, W2, b2))
    sums = jax.ops.segment_sum(h, batch, num_segments=G)
    cnt = jax.ops.segment_sum(jnp.ones((N,), dtype=h.dtype), batch, num_segments=G)
    pooled = sums / jnp.maximum(cnt, 1.0)[:, None]
    return pooled @ Wc.T + bc

if __name__ == "__main__":
    import jax
    _d = setup_inputs()
    print(jax.jit(kernel)(*tuple(_d.values())))

</pallas_src>

<mosaic_0001>
#map = affine_map<(d0, d1) -> (0)>
#map1 = affine_map<(d0, d1) -> (0, 0)>
module attributes {stable_mosaic.version = 14 : i64} {
  func.func @_deg_body(%arg0: i32, %arg1: i32, %arg2: memref<327680xi32, #tpu.memory_space<hbm>>, %arg3: memref<32x10112xf32, #tpu.memory_space<hbm>>, %arg4: memref<10112xf32, #tpu.memory_space<vmem>>, %arg5: memref<10240xi32, #tpu.memory_space<vmem>>) attributes {dimension_semantics = [#tpu.dimension_semantics<core_parallel>, #tpu.dimension_semantics<subcore_parallel>], iteration_bounds = array<i64: 2, 16>, scalar_prefetch = 0 : i64, scratch_operands = 2 : i64, tpu.core_type = #tpu.core_type<sc_vector_subcore>, window_params = [{transform_indices = #map}, {transform_indices = #map1}]} {
    %mul3A = arith.constant 16 : i32
    %mul3A_0 = arith.muli %arg0, %mul3A : i32
    %add3A = arith.addi %mul3A_0, %arg1 : i32
    %scan3A = arith.constant 0 : i32
    %scan3A_1 = arith.constant 0 : i32
    %scan3A_2 = arith.constant 632 : i32
    %scan3A_3 = arith.addi %scan3A_1, %scan3A_2 : i32
    %scan3A_4 = arith.constant 1 : i32
    scf.for %scan3A_15 = %scan3A_1 to %scan3A_3 step %scan3A_4  : i32 {
      %broadcast_in_dim3A_16 = arith.constant 0.000000e+00 : f32
      %broadcast_in_dim3A_17 = vector.broadcast %broadcast_in_dim3A_16 : f32 to vector<16xf32>
      %mul3A_18 = arith.constant 16 : i32
      %mul3A_19 = arith.muli %scan3A_15, %mul3A_18 : i32
      %swap3A = arith.index_cast %mul3A_19 : i32 to index
      %swap3A_20 = tpu.vector_load %arg4[%swap3A] {strides = array<i32>} : memref<10112xf32, #tpu.memory_space<vmem>>, vector<16xf32>,
      tpu.vector_store %arg4[%swap3A], %broadcast_in_dim3A_17 {strides = array<i32>} : memref<10112xf32, #tpu.memory_space<vmem>>, vector<16xf32>,
    }
    %scan3A_5 = arith.constant 632 : i32
    %mul3A_6 = arith.constant 10240 : i32
    %mul3A_7 = arith.muli %add3A, %mul3A_6 : i32
    "tpu.region"() ({
      %run_scoped3A = tpu.sem_alloc : memref<!tpu.dma_semaphore, #tpu.memory_space<semaphore_mem>>
      %dma_start3A = tpu.memref_slice %arg2[%mul3A_7] : memref<327680xi32, #tpu.memory_space<hbm>> -> memref<10240xi32, #tpu.memory_space<hbm>>
      %dma_start3A_15 = tpu.memref_slice %arg2[%mul3A_7] : memref<327680xi32, #tpu.memory_space<hbm>> -> memref<10240xi32, #tpu.memory_space<hbm>>
      tpu.enqueue_dma source(%dma_start3A_15 : memref<10240xi32, #tpu.memory_space<hbm>>) target(%arg5 : memref<10240xi32, #tpu.memory_space<vmem>>) target_semaphore(%run_scoped3A : memref<!tpu.dma_semaphore, #tpu.memory_space<semaphore_mem>>)
      %dma_wait3A = tpu.memref_slice %arg2[%mul3A_7] : memref<327680xi32, #tpu.memory_space<hbm>> -> memref<10240xi32, #tpu.memory_space<hbm>>
      %dma_wait3A_16 = tpu.memref_slice %arg2[%mul3A_7] : memref<327680xi32, #tpu.memory_space<hbm>> -> memref<10240xi32, #tpu.memory_space<hbm>>
      tpu.wait_dma2 semaphore(%run_scoped3A : memref<!tpu.dma_semaphore, #tpu.memory_space<semaphore_mem>>) src(%dma_wait3A_16 : memref<10240xi32, #tpu.memory_space<hbm>>) dst(%arg5 : memref<10240xi32, #tpu.memory_space<vmem>>)
      tpu.yield
    }) : () -> ()
    %broadcast_in_dim3A = arith.constant 1.000000e+00 : f32
    %broadcast_in_dim3A_8 = vector.broadcast %broadcast_in_dim3A : f32 to vector<16xf32>
    %scan3A_9 = arith.constant 0 : i32
    %scan3A_10 = arith.constant 0 : i32
    %scan3A_11 = arith.constant 640 : i32
    %scan3A_12 = arith.addi %scan3A_10, %scan3A_11 : i32
    %scan3A_13 = arith.constant 1 : i32
    scf.for %scan3A_15 = %scan3A_10 to %scan3A_12 step %scan3A_13  : i32 {
      %mul3A_16 = arith.constant 16 : i32
      %mul3A_17 = arith.muli %scan3A_15, %mul3A_16 : i32
      %get3A = arith.index_cast %mul3A_17 : i32 to index
      %get3A_18 = tpu.vector_load %arg5[%get3A] {strides = array<i32>} : memref<10240xi32, #tpu.memory_space<vmem>>, vector<16xi32>,
      tpu.vector_store_idx %arg4[%get3A_18], %broadcast_in_dim3A_8 {add = true} : memref<10112xf32, #tpu.memory_space<vmem>>[vector<16xi32>], vector<16xf32>,
    }
    %scan3A_14 = arith.constant 640 : i32
    "tpu.region"() ({
      %run_scoped3A = tpu.sem_alloc : memref<!tpu.dma_semaphore, #tpu.memory_space<semaphore_mem>>
      %dma_start3A = arith.constant 0 : i32
      %dma_start3A_15 = tpu.memref_slice %arg3[%add3A, %dma_start3A] : memref<32x10112xf32, #tpu.memory_space<hbm>> -> memref<1x10112xf32, #tpu.memory_space<hbm>>
      %dma_start3A_16 = tpu.memref_squeeze %dma_start3A_15 : memref<1x10112xf32, #tpu.memory_space<hbm>> -> memref<10112xf32, #tpu.memory_space<hbm>>
      %dma_start3A_17 = arith.constant 0 : i32
      %dma_start3A_18 = tpu.memref_slice %arg3[%add3A, %dma_start3A_17] : memref<32x10112xf32, #tpu.memory_space<hbm>> -> memref<1x10112xf32, #tpu.memory_space<hbm>>
      %dma_start3A_19 = tpu.memref_squeeze %dma_start3A_18 : memref<1x10112xf32, #tpu.memory_space<hbm>> -> memref<10112xf32, #tpu.memory_space<hbm>>
      tpu.enqueue_dma source(%arg4 : memref<10112xf32, #tpu.memory_space<vmem>>) target(%dma_start3A_19 : memref<10112xf32, #tpu.memory_space<hbm>>) target_semaphore(%run_scoped3A : memref<!tpu.dma_semaphore, #tpu.memory_space<semaphore_mem>>)
      %dma_wait3A = arith.constant 0 : i32
      %dma_wait3A_20 = tpu.memref_slice %arg3[%add3A, %dma_wait3A] : memref<32x10112xf32, #tpu.memory_space<hbm>> -> memref<1x10112xf32, #tpu.memory_space<hbm>>
      %dma_wait3A_21 = tpu.memref_squeeze %dma_wait3A_20 : memref<1x10112xf32, #tpu.memory_space<hbm>> -> memref<10112xf32, #tpu.memory_space<hbm>>
      %dma_wait3A_22 = arith.constant 0 : i32
      %dma_wait3A_23 = tpu.memref_slice %arg3[%add3A, %dma_wait3A_22] : memref<32x10112xf32, #tpu.memory_space<hbm>> -> memref<1x10112xf32, #tpu.memory_space<hbm>>
      %dma_wait3A_24 = tpu.memref_squeeze %dma_wait3A_23 : memref<1x10112xf32, #tpu.memory_space<hbm>> -> memref<10112xf32, #tpu.memory_space<hbm>>
      tpu.wait_dma2 semaphore(%run_scoped3A : memref<!tpu.dma_semaphore, #tpu.memory_space<semaphore_mem>>) src(%arg4 : memref<10112xf32, #tpu.memory_space<vmem>>) dst(%dma_wait3A_24 : memref<10112xf32, #tpu.memory_space<hbm>>)
      tpu.yield
    }) : () -> ()
    return
  }
}

#map = affine_map<(d0, d1) -> (0, 0)>
#map1 = affine_map<(d0, d1) -> (0)>
#map2 = affine_map<(d0, d1) -> (0, 0, 0)>
module attributes {stable_mosaic.version = 14 : i64} {
  func.func @_scatter_body(%arg0: i32, %arg1: i32, %arg2: memref<10112x128xf32, #tpu.memory_space<hbm>>, %arg3: memref<327680xi32, #tpu.memory_space<hbm>>, %arg4: memref<5120x64xi32, #tpu.memory_space<hbm>>, %arg5: memref<10112x128xf32, #tpu.memory_space<hbm>>, %arg6: memref<2x10112x128xf32, #tpu.memory_space<hbm>>, %arg7: memref<4096xi32, #tpu.memory_space<vmem>>, %arg8: memref<64x64xi32, #tpu.memory_space<vmem>>, %arg9: memref<256x128xf32, #tpu.memory_space<vmem>>, %arg10: memref<10112x128xf32, #tpu.memory_space<vmem_shared>>, %arg11: memref<!tpu.dma_semaphore, #tpu.memory_space<semaphore_mem>>, %arg12: memref<!tpu.dma_semaphore, #tpu.memory_space<semaphore_mem>>, %arg13: memref<!tpu.dma_semaphore, #tpu.memory_space<semaphore_mem>>, %arg14: memref<!tpu.dma_semaphore, #tpu.memory_space<semaphore_mem>>, %arg15: memref<!tpu.dma_semaphore, #tpu.memory_space<semaphore_mem>>, %arg16: memref<!tpu.dma_semaphore, #tpu.memory_space<semaphore_mem>>, %arg17: memref<!tpu.dma_semaphore, #tpu.memory_space<semaphore_mem>>, %arg18: memref<!tpu.dma_semaphore, #tpu.memory_space<semaphore_mem>>) attributes {dimension_semantics = [#tpu.dimension_semantics<core_parallel>, #tpu.dimension_semantics<subcore_parallel>], iteration_bounds = array<i64: 2, 16>, scalar_prefetch = 0 : i64, scratch_operands = 12 : i64, tpu.core_type = #tpu.core_type<sc_vector_subcore>, window_params = [{transform_indices = #map}, {transform_indices = #map1}, {transform_indices = #map}, {transform_indices = #map}, {transform_indices = #map2}]} {
    %mul3A = arith.constant 632 : i32
    %mul3A_0 = arith.muli %arg1, %mul3A : i32
    "tpu.region"() ({
      %run_scoped3A = tpu.sem_alloc : memref<!tpu.dma_semaphore, #tpu.memory_space<semaphore_mem>>
      %dma_start3A = arith.constant 0 : i32
      %dma_start3A_9 = tpu.memref_slice %arg10[%mul3A_0, %dma_start3A] : memref<10112x128xf32, #tpu.memory_space<vmem_shared>> -> memref<632x128xf32, #tpu.memory_space<vmem_shared>>
      %dma_start3A_10 = arith.constant 0 : i32
      %dma_start3A_11 = tpu.memref_slice %arg5[%mul3A_0, %dma_start3A_10] : memref<10112x128xf32, #tpu.memory_space<hbm>> -> memref<632x128xf32, #tpu.memory_space<hbm>>
      tpu.enqueue_dma source(%dma_start3A_11 : memref<632x128xf32, #tpu.memory_space<hbm>>) target(%dma_start3A_9 : memref<632x128xf32, #tpu.memory_space<vmem_shared>>) target_semaphore(%run_scoped3A : memref<!tpu.dma_semaphore, #tpu.memory_space<semaphore_mem>>)
      %dma_wait3A = arith.constant 0 : i32
      %dma_wait3A_12 = tpu.memref_slice %arg10[%mul3A_0, %dma_wait3A] : memref<10112x128xf32, #tpu.memory_space<vmem_shared>> -> memref<632x128xf32, #tpu.memory_space<vmem_shared>>
      %dma_wait3A_13 = arith.constant 0 : i32
      %dma_wait3A_14 = tpu.memref_slice %arg5[%mul3A_0, %dma_wait3A_13] : memref<10112x128xf32, #tpu.memory_space<hbm>> -> memref<632x128xf32, #tpu.memory_space<hbm>>
      tpu.wait_dma2 semaphore(%run_scoped3A : memref<!tpu.dma_semaphore, #tpu.memory_space<semaphore_mem>>) src(%dma_wait3A_14 : memref<632x128xf32, #tpu.memory_space<hbm>>) dst(%dma_wait3A_12 : memref<632x128xf32, #tpu.memory_space<vmem_shared>>)
      tpu.yield
    }) : () -> ()
    %barrier3A = arith.constant 0 : index
    tpu.barrier barrier_id(%barrier3A)
    %eq3A = arith.constant 0 : i32
    %eq3A_1 = arith.cmpi eq, %arg0, %eq3A : i32
    %convert_element_type3A = arith.extui %eq3A_1 : i1 to i32
    %cond3A = arith.constant 0 : i32
    %cond3A_2 = arith.cmpi ne, %convert_element_type3A, %cond3A : i32
    scf.if %cond3A_2 {
      %mul3A_9 = arith.constant 320 : i32
      %mul3A_10 = arith.muli %arg1, %mul3A_9 : i32
      %add3A = arith.constant 0 : i32
      %add3A_11 = arith.addi %mul3A_10, %add3A : i32
      %mul3A_12 = arith.constant 64 : i32
      %mul3A_13 = arith.muli %add3A_11, %mul3A_12 : i32
      "tpu.region"() ({
        %run_scoped3A = tpu.sem_alloc : memref<!tpu.dma_semaphore, #tpu.memory_space<semaphore_mem>>
        %dma_start3A_226 = arith.constant 0 : i32
        %dma_start3A_227 = tpu.memref_slice %arg7[%dma_start3A_226] : memref<4096xi32, #tpu.memory_space<vmem>> -> memref<4096xi32, #tpu.memory_space<vmem>>
        %dma_start3A_228 = tpu.memref_slice %arg3[%mul3A_13] : memref<327680xi32, #tpu.memory_space<hbm>> -> memref<4096xi32, #tpu.memory_space<hbm>>
        %dma_start3A_229 = arith.constant 0 : i32
        %dma_start3A_230 = tpu.memref_slice %arg7[%dma_start3A_229] : memref<4096xi32, #tpu.memory_space<vmem>> -> memref<4096xi32, #tpu.memory_space<vmem>>
        %dma_start3A_231 = tpu.memref_slice %arg3[%mul3A_13] : memref<327680xi32, #tpu.memory_space<hbm>> -> memref<4096xi32, #tpu.memory_space<hbm>>
        tpu.enqueue_dma source(%dma_start3A_231 : memref<4096xi32, #tpu.memory_space<hbm>>) target(%dma_start3A_230 : memref<4096xi32, #tpu.memory_space<vmem>>) target_semaphore(%run_scoped3A : memref<!tpu.dma_semaphore, #tpu.memory_space<semaphore_mem>>)
        %dma_wait3A = arith.constant 0 : i32
        %dma_wait3A_232 = tpu.memref_slice %arg7[%dma_wait3A] : memref<4096xi32, #tpu.memory_space<vmem>> -> memref<4096xi32, #tpu.memory_space<vmem>>
        %dma_wait3A_233 = tpu.memref_slice %arg3[%mul3A_13] : memref<327680xi32, #tpu.memory_space<hbm>> -> memref<4096xi32, #tpu.memory_space<hbm>>
        %dma_wait3A_234 = arith.constant 0 : i32
        %dma_wait3A_235 = tpu.memref_slice %arg7[%dma_wait3A_234] : memref<4096xi32, #tpu.memory_space<vmem>> -> memref<4096xi32, #tpu.memory_space<vmem>>
        %dma_wait3A_236 = tpu.memref_slice %arg3[%mul3A_13] : memref<327680xi32, #tpu.memory_space<hbm>> -> memref<4096xi32, #tpu.memory_space<hbm>>
        tpu.wait_dma2 semaphore(%run_scoped3A : memref<!tpu.dma_semaphore, #tpu.memory_space<semaphore_mem>>) src(%dma_wait3A_236 : memref<4096xi32, #tpu.memory_space<hbm>>) dst(%dma_wait3A_235 : memref<4096xi32, #tpu.memory_space<vmem>>)
        tpu.yield
      }) : () -> ()
      "tpu.region"() ({
        %run_scoped3A = tpu.sem_alloc : memref<!tpu.dma_semaphore, #tpu.memory_space<semaphore_mem>>
        %dma_start3A_226 = arith.constant 0 : i32
        %dma_start3A_227 = arith.constant 0 : i32
        %dma_start3A_228 = tpu.memref_slice %arg8[%dma_start3A_226, %dma_start3A_227] : memref<64x64xi32, #tpu.memory_space<vmem>> -> memref<64x64xi32, #tpu.memory_space<vmem>>
        %dma_start3A_229 = arith.constant 0 : i32
        %dma_start3A_230 = tpu.memref_slice %arg4[%add3A_11, %dma_start3A_229] : memref<5120x64xi32, #tpu.memory_space<hbm>> -> memref<64x64xi32, #tpu.memory_space<hbm>>
        %dma_start3A_231 = arith.constant 0 : i32
        %dma_start3A_232 = arith.constant 0 : i32
        %dma_start3A_233 = tpu.memref_slice %arg8[%dma_start3A_231, %dma_start3A_232] : memref<64x64xi32, #tpu.memory_space<vmem>> -> memref<64x64xi32, #tpu.memory_space<vmem>>
        %dma_start3A_234 = arith.constant 0 : i32
        %dma_start3A_235 = tpu.memref_slice %arg4[%add3A_11, %dma_start3A_234] : memref<5120x64xi32, #tpu.memory_space<hbm>> -> memref<64x64xi32, #tpu.memory_space<hbm>>
        tpu.enqueue_dma source(%dma_start3A_235 : memref<64x64xi32, #tpu.memory_space<hbm>>) target(%dma_start3A_233 : memref<64x64xi32, #tpu.memory_space<vmem>>) target_semaphore(%run_scoped3A : memref<!tpu.dma_semaphore, #tpu.memory_space<semaphore_mem>>)
        %dma_wait3A = arith.constant 0 : i32
        %dma_wait3A_236 = arith.constant 0 : i32
        %dma_wait3A_237 = tpu.memref_slice %arg8[%dma_wait3A, %dma_wait3A_236] : memref<64x64xi32, #tpu.memory_space<vmem>> -> memref<64x64xi32, #tpu.memory_space<vmem>>
        %dma_wait3A_238 = arith.constant 0 : i32
        %dma_wait3A_239 = tpu.memref_slice %arg4[%add3A_11, %dma_wait3A_238] : memref<5120x64xi32, #tpu.memory_space<hbm>> -> memref<64x64xi32, #tpu.memory_space<hbm>>
        %dma_wait3A_240 = arith.constant 0 : i32
        %dma_wait3A_241 = arith.constant 0 : i32
        %dma_wait3A_242 = tpu.memref_slice %arg8[%dma_wait3A_240, %dma_wait3A_241] : memref<64x64xi32, #tpu.memory_space<vmem>> -> memref<64x64xi32, #tpu.memory_space<vmem>>
        %dma_wait3A_243 = arith.constant 0 : i32
        %dma_wait3A_244 = tpu.memref_slice %arg4[%add3A_11, %dma_wait3A_243] : memref<5120x64xi32, #tpu.memory_space<hbm>> -> memref<64x64xi32, #tpu.memory_space<hbm>>
        tpu.wait_dma2 semaphore(%run_scoped3A : memref<!tpu.dma_semaphore, #tpu.memory_space<semaphore_mem>>) src(%dma_wait3A_244 : memref<64x64xi32, #tpu.memory_space<hbm>>) dst(%dma_wait3A_242 : memref<64x64xi32, #tpu.memory_space<vmem>>)
        tpu.yield
      }) : () -> ()
      %dma_start3A = arith.constant 0 : i32
      %dma_start3A_14 = arith.constant 0 : i32
      %dma_start3A_15 = tpu.memref_slice %arg9[%dma_start3A, %dma_start3A_14] : memref<256x128xf32, #tpu.memory_space<vmem>> -> memref<64x128xf32, #tpu.memory_space<vmem>>
      %dma_start3A_16 = arith.constant 0 : i32
      %dma_start3A_17 = tpu.memref_slice %arg7[%dma_start3A_16] : memref<4096xi32, #tpu.memory_space<vmem>> -> memref<64xi32, #tpu.memory_space<vmem>>
      %dma_start3A_18 = arith.constant 0 : i32
      %dma_start3A_19 = arith.constant 0 : i32
      %dma_start3A_20 = tpu.memref_slice %arg2[%dma_start3A_18, %dma_start3A_19] : memref<10112x128xf32, #tpu.memory_space<hbm>> -> memref<10112x128xf32, #tpu.memory_space<hbm>>
      tpu.enqueue_indirect_dma source(%dma_start3A_20 : memref<10112x128xf32, #tpu.memory_space<hbm>>) target(%dma_start3A_15 : memref<64x128xf32, #tpu.memory_space<vmem>>) offsets(%dma_start3A_17 : memref<64xi32, #tpu.memory_space<vmem>>) semaphore(%arg11 : memref<!tpu.dma_semaphore, #tpu.memory_space<semaphore_mem>>)
      %dma_start3A_21 = arith.constant 64 : i32
      %dma_start3A_22 = arith.constant 0 : i32
      %dma_start3A_23 = tpu.memref_slice %arg9[%dma_start3A_21, %dma_start3A_22] : memref<256x128xf32, #tpu.memory_space<vmem>> -> memref<64x128xf32, #tpu.memory_space<vmem>>
      %dma_start3A_24 = arith.constant 64 : i32
      %dma_start3A_25 = tpu.memref_slice %arg7[%dma_start3A_24] : memref<4096xi32, #tpu.memory_space<vmem>> -> memref<64xi32, #tpu.memory_space<vmem>>
      %dma_start3A_26 = arith.constant 0 : i32
      %dma_start3A_27 = arith.constant 0 : i32
      %dma_start3A_28 = tpu.memref_slice %arg2[%dma_start3A_26, %dma_start3A_27] : memref<10112x128xf32, #tpu.memory_space<hbm>> -> memref<10112x128xf32, #tpu.memory_space<hbm>>
      tpu.enqueue_indirect_dma source(%dma_start3A_28 : memref<10112x128xf32, #tpu.memory_space<hbm>>) target(%dma_start3A_23 : memref<64x128xf32, #tpu.memory_space<vmem>>) offsets(%dma_start3A_25 : memref<64xi32, #tpu.memory_space<vmem>>) semaphore(%arg12 : memref<!tpu.dma_semaphore, #tpu.memory_space<semaphore_mem>>)
      %dma_start3A_29 = arith.constant 128 : i32
      %dma_start3A_30 = arith.constant 0 : i32
      %dma_start3A_31 = tpu.memref_slice %arg9[%dma_start3A_29, %dma_start3A_30] : memref<256x128xf32, #tpu.memory_space<vmem>> -> memref<64x128xf32, #tpu.memory_space<vmem>>
      %dma_start3A_32 = arith.constant 128 : i32
      %dma_start3A_33 = tpu.memref_slice %arg7[%dma_start3A_32] : memref<4096xi32, #tpu.memory_space<vmem>> -> memref<64xi32, #tpu.memory_space<vmem>>
      %dma_start3A_34 = arith.constant 0 : i32
      %dma_start3A_35 = arith.constant 0 : i32
      %dma_start3A_36 = tpu.memref_slice %arg2[%dma_start3A_34, %dma_start3A_35] : memref<10112x128xf32, #tpu.memory_space<hbm>> -> memref<10112x128xf32, #tpu.memory_space<hbm>>
      tpu.enqueue_indirect_dma source(%dma_start3A_36 : memref<10112x128xf32, #tpu.memory_space<hbm>>) target(%dma_start3A_31 : memref<64x128xf32, #tpu.memory_space<vmem>>) offsets(%dma_start3A_33 : memref<64xi32, #tpu.memory_space<vmem>>) semaphore(%arg13 : memref<!tpu.dma_semaphore, #tpu.memory_space<semaphore_mem>>)
      %dma_start3A_37 = arith.constant 192 : i32
      %dma_start3A_38 = arith.constant 0 : i32
      %dma_start3A_39 = tpu.memref_slice %arg9[%dma_start3A_37, %dma_start3A_38] : memref<256x128xf32, #tpu.memory_space<vmem>> -> memref<64x128xf32, #tpu.memory_space<vmem>>
      %dma_start3A_40 = arith.constant 192 : i32
      %dma_start3A_41 = tpu.memref_slice %arg7[%dma_start3A_40] : memref<4096xi32, #tpu.memory_space<vmem>> -> memref<64xi32, #tpu.memory_space<vmem>>
      %dma_start3A_42 = arith.constant 0 : i32
      %dma_start3A_43 = arith.constant 0 : i32
      %dma_start3A_44 = tpu.memref_slice %arg2[%dma_start3A_42, %dma_start3A_43] : memref<10112x128xf32, #tpu.memory_space<hbm>> -> memref<10112x128xf32, #tpu.memory_space<hbm>>
      tpu.enqueue_indirect_dma source(%dma_start3A_44 : memref<10112x128xf32, #tpu.memory_space<hbm>>) target(%dma_start3A_39 : memref<64x128xf32, #tpu.memory_space<vmem>>) offsets(%dma_start3A_41 : memref<64xi32, #tpu.memory_space<vmem>>) semaphore(%arg14 : memref<!tpu.dma_semaphore, #tpu.memory_space<semaphore_mem>>)
      %scan3A = arith.constant 0 : i32
      %scan3A_45 = arith.constant 0 : i32
      %scan3A_46 = arith.constant 16 : i32
      %scan3A_47 = arith.addi %scan3A_45, %scan3A_46 : i32
      %scan3A_48 = arith.constant 1 : i32
      scf.for %scan3A_226 = %scan3A_45 to %scan3A_47 step %scan3A_48  : i32 {
        %mul3A_227 = arith.constant 4 : i32
        %mul3A_228 = arith.muli %mul3A_227, %scan3A_226 : i32
        %dma_wait3A = arith.constant 0 : i32
        %dma_wait3A_229 = arith.constant 0 : i32
        %dma_wait3A_230 = tpu.memref_slice %arg9[%dma_wait3A, %dma_wait3A_229] : memref<256x128xf32, #tpu.memory_space<vmem>> -> memref<64x128xf32, #tpu.memory_space<vmem>>
        %dma_wait3A_231 = arith.constant 0 : i32
        %dma_wait3A_232 = tpu.memref_slice %arg7[%dma_wait3A_231] : memref<4096xi32, #tpu.memory_space<vmem>> -> memref<64xi32, #tpu.memory_space<vmem>>
        %dma_wait3A_233 = arith.constant 0 : i32
        %dma_wait3A_234 = arith.constant 0 : i32
        %dma_wait3A_235 = tpu.memref_slice %arg2[%dma_wait3A_233, %dma_wait3A_234] : memref<10112x128xf32, #tpu.memory_space<hbm>> -> memref<10112x128xf32, #tpu.memory_space<hbm>>
        tpu.wait_indirect_dma semaphore(%arg11 : memref<!tpu.dma_semaphore, #tpu.memory_space<semaphore_mem>>) src(%dma_wait3A_235 : memref<10112x128xf32, #tpu.memory_space<hbm>>) dst(%dma_wait3A_230 : memref<64x128xf32, #tpu.memory_space<vmem>>)
        %add3A_236 = arith.constant 0 : i32
        %add3A_237 = arith.addi %mul3A_228, %add3A_236 : i32
        %dma_start3A_238 = arith.constant 0 : i32
        %dma_start3A_239 = arith.constant 0 : i32
        %dma_start3A_240 = tpu.memref_slice %arg9[%dma_start3A_238, %dma_start3A_239] : memref<256x128xf32, #tpu.memory_space<vmem>> -> memref<64x128xf32, #tpu.memory_space<vmem>>
        %dma_start3A_241 = arith.constant 0 : i32
        %dma_start3A_242 = tpu.memref_slice %arg8[%add3A_237, %dma_start3A_241] : memref<64x64xi32, #tpu.memory_space<vmem>> -> memref<1x64xi32, #tpu.memory_space<vmem>>
        %dma_start3A_243 = tpu.memref_squeeze %dma_start3A_242 : memref<1x64xi32, #tpu.memory_space<vmem>> -> memref<64xi32, #tpu.memory_space<vmem>>
        %dma_start3A_244 = arith.constant 0 : i32
        %dma_start3A_245 = arith.constant 0 : i32
        %dma_start3A_246 = tpu.memref_slice %arg10[%dma_start3A_244, %dma_start3A_245] : memref<10112x128xf32, #tpu.memory_space<vmem_shared>> -> memref<10112x128xf32, #tpu.memory_space<vmem_shared>>
        tpu.enqueue_indirect_dma source(%dma_start3A_240 : memref<64x128xf32, #tpu.memory_space<vmem>>) target(%dma_start3A_246 : memref<10112x128xf32, #tpu.memory_space<vmem_shared>>) offsets(%dma_start3A_243 : memref<64xi32, #tpu.memory_space<vmem>>) semaphore(%arg15 : memref<!tpu.dma_semaphore, #tpu.memory_space<semaphore_mem>>) {add = true}
        %dma_wait3A_247 = arith.constant 64 : i32
        %dma_wait3A_248 = arith.constant 0 : i32
        %dma_wait3A_249 = tpu.memref_slice %arg9[%dma_wait3A_247, %dma_wait3A_248] : memref<256x128xf32, #tpu.memory_space<vmem>> -> memref<64x128xf32, #tpu.memory_space<vmem>>
        %dma_wait3A_250 = arith.constant 0 : i32
        %dma_wait3A_251 = tpu.memref_slice %arg7[%dma_wait3A_250] : memref<4096xi32, #tpu.memory_space<vmem>> -> memref<64xi32, #tpu.memory_space<vmem>>
        %dma_wait3A_252 = arith.constant 0 : i32
        %dma_wait3A_253 = arith.constant 0 : i32
        %dma_wait3A_254 = tpu.memref_slice %arg2[%dma_wait3A_252, %dma_wait3A_253] : memref<10112x128xf32, #tpu.memory_space<hbm>> -> memref<10112x128xf32, #tpu.memory_space<hbm>>
        tpu.wait_indirect_dma semaphore(%arg12 : memref<!tpu.dma_semaphore, #tpu.memory_space<semaphore_mem>>) src(%dma_wait3A_254 : memref<10112x128xf32, #tpu.memory_space<hbm>>) dst(%dma_wait3A_249 : memref<64x128xf32, #tpu.memory_space<vmem>>)
        %add3A_255 = arith.constant 1 : i32
        %add3A_256 = arith.addi %mul3A_228, %add3A_255 : i32
        %dma_start3A_257 = arith.constant 64 : i32
        %dma_start3A_258 = arith.constant 0 : i32
        %dma_start3A_259 = tpu.memref_slice %arg9[%dma_start3A_257, %dma_start3A_258] : memref<256x128xf32, #tpu.memory_space<vmem>> -> memref<64x128xf32, #tpu.memory_space<vmem>>
        %dma_start3A_260 = arith.constant 0 : i32
        %dma_start3A_261 = tpu.memref_slice %arg8[%add3A_256, %dma_start3A_260] : memref<64x64xi32, #tpu.memory_space<vmem>> -> memref<1x64xi32, #tpu.memory_space<vmem>>
        %dma_start3A_262 = tpu.memref_squeeze %dma_start3A_261 : memref<1x64xi32, #tpu.memory_space<vmem>> -> memref<64xi32, #tpu.memory_space<vmem>>
        %dma_start3A_263 = arith.constant 0 : i32
        %dma_start3A_264 = arith.constant 0 : i32
        %dma_start3A_265 = tpu.memref_slice %arg10[%dma_start3A_263, %dma_start3A_264] : memref<10112x128xf32, #tpu.memory_space<vmem_shared>> -> memref<10112x128xf32, #tpu.memory_space<vmem_shared>>
        tpu.enqueue_indirect_dma source(%dma_start3A_259 : memref<64x128xf32, #tpu.memory_space<vmem>>) target(%dma_start3A_265 : memref<10112x128xf32, #tpu.memory_space<vmem_shared>>) offsets(%dma_start3A_262 : memref<64xi32, #tpu.memory_space<vmem>>) semaphore(%arg16 : memref<!tpu.dma_semaphore, #tpu.memory_space<semaphore_mem>>) {add = true}
        %dma_wait3A_266 = arith.constant 128 : i32
        %dma_wait3A_267 = arith.constant 0 : i32
        %dma_wait3A_268 = tpu.memref_slice %arg9[%dma_wait3A_266, %dma_wait3A_267] : memref<256x128xf32, #tpu.memory_space<vmem>> -> memref<64x128xf32, #tpu.memory_space<vmem>>
        %dma_wait3A_269 = arith.constant 0 : i32
        %dma_wait3A_270 = tpu.memref_slice %arg7[%dma_wait3A_269] : memref<4096xi32, #tpu.memory_space<vmem>> -> memref<64xi32, #tpu.memory_space<vmem>>
        %dma_wait3A_271 = arith.constant 0 : i32
        %dma_wait3A_272 = arith.constant 0 : i32
        %dma_wait3A_273 = tpu.memref_slice %arg2[%dma_wait3A_271, %dma_wait3A_272] : memref<10112x128xf32, #tpu.memory_space<hbm>> -> memref<10112x128xf32, #tpu.memory_space<hbm>>
        tpu.wait_indirect_dma semaphore(%arg13 : memref<!tpu.dma_semaphore, #tpu.memory_space<semaphore_mem>>) src(%dma_wait3A_273 : memref<10112x128xf32, #tpu.memory_space<hbm>>) dst(%dma_wait3A_268 : memref<64x128xf32, #tpu.memory_space<vmem>>)
        %add3A_274 = arith.constant 2 : i32
        %add3A_275 = arith.addi %mul3A_228, %add3A_274 : i32
        %dma_start3A_276 = arith.constant 128 : i32
        %dma_start3A_277 = arith.constant 0 : i32
        %dma_start3A_278 = tpu.memref_slice %arg9[%dma_start3A_276, %dma_start3A_277] : memref<256x128xf32, #tpu.memory_space<vmem>> -> memref<64x128xf32, #tpu.memory_space<vmem>>
        %dma_start3A_279 = arith.constant 0 : i32
        %dma_start3A_280 = tpu.memref_slice %arg8[%add3A_275, %dma_start3A_279] : memref<64x64xi32, #tpu.memory_space<vmem>> -> memref<1x64xi32, #tpu.memory_space<vmem>>
        %dma_start3A_281 = tpu.memref_squeeze %dma_start3A_280 : memref<1x64xi32, #tpu.memory_space<vmem>> -> memref<64xi32, #tpu.memory_space<vmem>>
        %dma_start3A_282 = arith.constant 0 : i32
        %dma_start3A_283 = arith.constant 0 : i32
        %dma_start3A_284 = tpu.memref_slice %arg10[%dma_start3A_282, %dma_start3A_283] : memref<10112x128xf32, #tpu.memory_space<vmem_shared>> -> memref<10112x128xf32, #tpu.memory_space<vmem_shared>>
        tpu.enqueue_indirect_dma source(%dma_start3A_278 : memref<64x128xf32, #tpu.memory_space<vmem>>) target(%dma_start3A_284 : memref<10112x128xf32, #tpu.memory_space<vmem_shared>>) offsets(%dma_start3A_281 : memref<64xi32, #tpu.memory_space<vmem>>) semaphore(%arg17 : memref<!tpu.dma_semaphore, #tpu.memory_space<semaphore_mem>>) {add = true}
        %dma_wait3A_285 = arith.constant 192 : i32
        %dma_wait3A_286 = arith.constant 0 : i32
        %dma_wait3A_287 = tpu.memref_slice %arg9[%dma_wait3A_285, %dma_wait3A_286] : memref<256x128xf32, #tpu.memory_space<vmem>> -> memref<64x128xf32, #tpu.memory_space<vmem>>
        %dma_wait3A_288 = arith.constant 0 : i32
        %dma_wait3A_289 = tpu.memref_slice %arg7[%dma_wait3A_288] : memref<4096xi32, #tpu.memory_space<vmem>> -> memref<64xi32, #tpu.memory_space<vmem>>
        %dma_wait3A_290 = arith.constant 0 : i32
        %dma_wait3A_291 = arith.constant 0 : i32
        %dma_wait3A_292 = tpu.memref_slice %arg2[%dma_wait3A_290, %dma_wait3A_291] : memref<10112x128xf32, #tpu.memory_space<hbm>> -> memref<10112x128xf32, #tpu.memory_space<hbm>>
        tpu.wait_indirect_dma semaphore(%arg14 : memref<!tpu.dma_semaphore, #tpu.memory_space<semaphore_mem>>) src(%dma_wait3A_292 : memref<10112x128xf32, #tpu.memory_space<hbm>>) dst(%dma_wait3A_287 : memref<64x128xf32, #tpu.memory_space<vmem>>)
        %add3A_293 = arith.constant 3 : i32
        %add3A_294 = arith.addi %mul3A_228, %add3A_293 : i32
        %dma_start3A_295 = arith.constant 192 : i32
        %dma_start3A_296 = arith.constant 0 : i32
        %dma_start3A_297 = tpu.memref_slice %arg9[%dma_start3A_295, %dma_start3A_296] : memref<256x128xf32, #tpu.memory_space<vmem>> -> memref<64x128xf32, #tpu.memory_space<vmem>>
        %dma_start3A_298 = arith.constant 0 : i32
        %dma_start3A_299 = tpu.memref_slice %arg8[%add3A_294, %dma_start3A_298] : memref<64x64xi32, #tpu.memory_space<vmem>> -> memref<1x64xi32, #tpu.memory_space<vmem>>
        %dma_start3A_300 = tpu.memref_squeeze %dma_start3A_299 : memref<1x64xi32, #tpu.memory_space<vmem>> -> memref<64xi32, #tpu.memory_space<vmem>>
        %dma_start3A_301 = arith.constant 0 : i32
        %dma_start3A_302 = arith.constant 0 : i32
        %dma_start3A_303 = tpu.memref_slice %arg10[%dma_start3A_301, %dma_start3A_302] : memref<10112x128xf32, #tpu.memory_space<vmem_shared>> -> memref<10112x128xf32, #tpu.memory_space<vmem_shared>>
        tpu.enqueue_indirect_dma source(%dma_start3A_297 : memref<64x128xf32, #tpu.memory_space<vmem>>) target(%dma_start3A_303 : memref<10112x128xf32, #tpu.memory_space<vmem_shared>>) offsets(%dma_start3A_300 : memref<64xi32, #tpu.memory_space<vmem>>) semaphore(%arg18 : memref<!tpu.dma_semaphore, #tpu.memory_space<semaphore_mem>>) {add = true}
        %dma_wait3A_304 = arith.constant 0 : i32
        %dma_wait3A_305 = arith.constant 0 : i32
        %dma_wait3A_306 = arith.constant 0 : i32
        %dma_wait3A_307 = tpu.memref_slice %arg9[%dma_wait3A_305, %dma_wait3A_306] : memref<256x128xf32, #tpu.memory_space<vmem>> -> memref<64x128xf32, #tpu.memory_space<vmem>>
        %dma_wait3A_308 = arith.constant 0 : i32
        %dma_wait3A_309 = tpu.memref_slice %arg8[%dma_wait3A_304, %dma_wait3A_308] : memref<64x64xi32, #tpu.memory_space<vmem>> -> memref<1x64xi32, #tpu.memory_space<vmem>>
        %dma_wait3A_310 = tpu.memref_squeeze %dma_wait3A_309 : memref<1x64xi32, #tpu.memory_space<vmem>> -> memref<64xi32, #tpu.memory_space<vmem>>
        %dma_wait3A_311 = arith.constant 0 : i32
        %dma_wait3A_312 = arith.constant 0 : i32
        %dma_wait3A_313 = tpu.memref_slice %arg10[%dma_wait3A_311, %dma_wait3A_312] : memref<10112x128xf32, #tpu.memory_space<vmem_shared>> -> memref<10112x128xf32, #tpu.memory_space<vmem_shared>>
        tpu.wait_indirect_dma semaphore(%arg15 : memref<!tpu.dma_semaphore, #tpu.memory_space<semaphore_mem>>) src(%dma_wait3A_307 : memref<64x128xf32, #tpu.memory_space<vmem>>) dst(%dma_wait3A_313 : memref<10112x128xf32, #tpu.memory_space<vmem_shared>>)
        %add3A_314 = arith.constant 4 : i32
        %add3A_315 = arith.addi %mul3A_228, %add3A_314 : i32
        %add3A_316 = arith.constant 0 : i32
        %add3A_317 = arith.addi %add3A_315, %add3A_316 : i32
        %lt3A = arith.constant 64 : i32
        %lt3A_318 = arith.cmpi slt, %add3A_317, %lt3A : i32
        %convert_element_type3A_319 = arith.extui %lt3A_318 : i1 to i32
        %cond3A_320 = arith.constant 0 : i32
        %cond3A_321 = arith.cmpi ne, %convert_element_type3A_319, %cond3A_320 : i32
        scf.if %cond3A_321 {
          %add3A_379 = arith.constant 4 : i32
          %add3A_380 = arith.addi %mul3A_228, %add3A_379 : i32
          %add3A_381 = arith.constant 0 : i32
          %add3A_382 = arith.addi %add3A_380, %add3A_381 : i32
          %mul3A_383 = arith.constant 64 : i32
          %mul3A_384 = arith.muli %add3A_382, %mul3A_383 : i32
          %dma_start3A_385 = arith.constant 0 : i32
          %dma_start3A_386 = arith.constant 0 : i32
          %dma_start3A_387 = tpu.memref_slice %arg9[%dma_start3A_385, %dma_start3A_386] : memref<256x128xf32, #tpu.memory_space<vmem>> -> memref<64x128xf32, #tpu.memory_space<vmem>>
          %dma_start3A_388 = tpu.memref_slice %arg7[%mul3A_384] : memref<4096xi32, #tpu.memory_space<vmem>> -> memref<64xi32, #tpu.memory_space<vmem>>
          %dma_start3A_389 = arith.constant 0 : i32
          %dma_start3A_390 = arith.constant 0 : i32
          %dma_start3A_391 = tpu.memref_slice %arg2[%dma_start3A_389, %dma_start3A_390] : memref<10112x128xf32, #tpu.memory_space<hbm>> -> memref<10112x128xf32, #tpu.memory_space<hbm>>
          tpu.enqueue_indirect_dma source(%dma_start3A_391 : memref<10112x128xf32, #tpu.memory_space<hbm>>) target(%dma_start3A_387 : memref<64x128xf32, #tpu.memory_space<vmem>>) offsets(%dma_start3A_388 : memref<64xi32, #tpu.memory_space<vmem>>) semaphore(%arg11 : memref<!tpu.dma_semaphore, #tpu.memory_space<semaphore_mem>>)
        } else {
        }
        %dma_wait3A_322 = arith.constant 0 : i32
        %dma_wait3A_323 = arith.constant 64 : i32
        %dma_wait3A_324 = arith.constant 0 : i32
        %dma_wait3A_325 = tpu.memref_slice %arg9[%dma_wait3A_323, %dma_wait3A_324] : memref<256x128xf32, #tpu.memory_space<vmem>> -> memref<64x128xf32, #tpu.memory_space<vmem>>
        %dma_wait3A_326 = arith.constant 0 : i32
        %dma_wait3A_327 = tpu.memref_slice %arg8[%dma_wait3A_322, %dma_wait3A_326] : memref<64x64xi32, #tpu.memory_space<vmem>> -> memref<1x64xi32, #tpu.memory_space<vmem>>
        %dma_wait3A_328 = tpu.memref_squeeze %dma_wait3A_327 : memref<1x64xi32, #tpu.memory_space<vmem>> -> memref<64xi32, #tpu.memory_space<vmem>>
        %dma_wait3A_329 = arith.constant 0 : i32
        %dma_wait3A_330 = arith.constant 0 : i32
        %dma_wait3A_331 = tpu.memref_slice %arg10[%dma_wait3A_329, %dma_wait3A_330] : memref<10112x128xf32, #tpu.memory_space<vmem_shared>> -> memref<10112x128xf32, #tpu.memory_space<vmem_shared>>
        tpu.wait_indirect_dma semaphore(%arg16 : memref<!tpu.dma_semaphore, #tpu.memory_space<semaphore_mem>>) src(%dma_wait3A_325 : memref<64x128xf32, #tpu.memory_space<vmem>>) dst(%dma_wait3A_331 : memref<10112x128xf32, #tpu.memory_space<vmem_shared>>)
        %add3A_332 = arith.constant 4 : i32
        %add3A_333 = arith.addi %mul3A_228, %add3A_332 : i32
        %add3A_334 = arith.constant 1 : i32
        %add3A_335 = arith.addi %add3A_333, %add3A_334 : i32
        %lt3A_336 = arith.constant 64 : i32
        %lt3A_337 = arith.cmpi slt, %add3A_335, %lt3A_336 : i32
        %convert_element_type3A_338 = arith.extui %lt3A_337 : i1 to i32
        %cond3A_339 = arith.constant 0 : i32
        %cond3A_340 = arith.cmpi ne, %convert_element_type3A_338, %cond3A_339 : i32
        scf.if %cond3A_340 {
          %add3A_379 = arith.constant 4 : i32
          %add3A_380 = arith.addi %mul3A_228, %add3A_379 : i32
          %add3A_381 = arith.constant 1 : i32
          %add3A_382 = arith.addi %add3A_380, %add3A_381 : i32
          %mul3A_383 = arith.constant 64 : i32
          %mul3A_384 = arith.muli %add3A_382, %mul3A_383 : i32
          %dma_start3A_385 = arith.constant 64 : i32
          %dma_start3A_386 = arith.constant 0 : i32
          %dma_start3A_387 = tpu.memref_slice %arg9[%dma_start3A_385, %dma_start3A_386] : memref<256x128xf32, #tpu.memory_space<vmem>> -> memref<64x128xf32, #tpu.memory_space<vmem>>
          %dma_start3A_388 = tpu.memref_slice %arg7[%mul3A_384] : memref<4096xi32, #tpu.memory_space<vmem>> -> memref<64xi32, #tpu.memory_space<vmem>>
          %dma_start3A_389 = arith.constant 0 : i32
          %dma_start3A_390 = arith.constant 0 : i32
          %dma_start3A_391 = tpu.memref_slice %arg2[%dma_start3A_389, %dma_start3A_390] : memref<10112x128xf32, #tpu.memory_space<hbm>> -> memref<10112x128xf32, #tpu.memory_space<hbm>>
          tpu.enqueue_indirect_dma source(%dma_start3A_391 : memref<10112x128xf32, #tpu.memory_space<hbm>>) target(%dma_start3A_387 : memref<64x128xf32, #tpu.memory_space<vmem>>) offsets(%dma_start3A_388 : memref<64xi32, #tpu.memory_space<vmem>>) semaphore(%arg12 : memref<!tpu.dma_semaphore, #tpu.memory_space<semaphore_mem>>)
        } else {
        }
        %dma_wait3A_341 = arith.constant 0 : i32
        %dma_wait3A_342 = arith.constant 128 : i32
        %dma_wait3A_343 = arith.constant 0 : i32
        %dma_wait3A_344 = tpu.memref_slice %arg9[%dma_wait3A_342, %dma_wait3A_343] : memref<256x128xf32, #tpu.memory_space<vmem>> -> memref<64x128xf32, #tpu.memory_space<vmem>>
        %dma_wait3A_345 = arith.constant 0 : i32
        %dma_wait3A_346 = tpu.memref_slice %arg8[%dma_wait3A_341, %dma_wait3A_345] : memref<64x64xi32, #tpu.memory_space<vmem>> -> memref<1x64xi32, #tpu.memory_space<vmem>>
        %dma_wait3A_347 = tpu.memref_squeeze %dma_wait3A_346 : memref<1x64xi32, #tpu.memory_space<vmem>> -> memref<64xi32, #tpu.memory_space<vmem>>
        %dma_wait3A_348 = arith.constant 0 : i32
        %dma_wait3A_349 = arith.constant 0 : i32
        %dma_wait3A_350 = tpu.memref_slice %arg10[%dma_wait3A_348, %dma_wait3A_349] : memref<10112x128xf32, #tpu.memory_space<vmem_shared>> -> memref<10112x128xf32, #tpu.memory_space<vmem_shared>>
        tpu.wait_indirect_dma semaphore(%arg17 : memref<!tpu.dma_semaphore, #tpu.memory_space<semaphore_mem>>) src(%dma_wait3A_344 : memref<64x128xf32, #tpu.memory_space<vmem>>) dst(%dma_wait3A_350 : memref<10112x128xf32, #tpu.memory_space<vmem_shared>>)
        %add3A_351 = arith.constant 4 : i32
        %add3A_352 = arith.addi %mul3A_228, %add3A_351 : i32
        %add3A_353 = arith.constant 2 : i32
        %add3A_354 = arith.addi %add3A_352, %add3A_353 : i32
        %lt3A_355 = arith.constant 64 : i32
        %lt3A_356 = arith.cmpi slt, %add3A_354, %lt3A_355 : i32
        %convert_element_type3A_357 = arith.extui %lt3A_356 : i1 to i32
        %cond3A_358 = arith.constant 0 : i32
        %cond3A_359 = arith.cmpi ne, %convert_element_type3A_357, %cond3A_358 : i32
        scf.if %cond3A_359 {
          %add3A_379 = arith.constant 4 : i32
          %add3A_380 = arith.addi %mul3A_228, %add3A_379 : i32
          %add3A_381 = arith.constant 2 : i32
          %add3A_382 = arith.addi %add3A_380, %add3A_381 : i32
          %mul3A_383 = arith.constant 64 : i32
          %mul3A_384 = arith.muli %add3A_382, %mul3A_383 : i32
          %dma_start3A_385 = arith.constant 128 : i32
          %dma_start3A_386 = arith.constant 0 : i32
          %dma_start3A_387 = tpu.memref_slice %arg9[%dma_start3A_385, %dma_start3A_386] : memref<256x128xf32, #tpu.memory_space<vmem>> -> memref<64x128xf32, #tpu.memory_space<vmem>>
          %dma_start3A_388 = tpu.memref_slice %arg7[%mul3A_384] : memref<4096xi32, #tpu.memory_space<vmem>> -> memref<64xi32, #tpu.memory_space<vmem>>
          %dma_start3A_389 = arith.constant 0 : i32
          %dma_start3A_390 = arith.constant 0 : i32
          %dma_start3A_391 = tpu.memref_slice %arg2[%dma_start3A_389, %dma_start3A_390] : memref<10112x128xf32, #tpu.memory_space<hbm>> -> memref<10112x128xf32, #tpu.memory_space<hbm>>
          tpu.enqueue_indirect_dma source(%dma_start3A_391 : memref<10112x128xf32, #tpu.memory_space<hbm>>) target(%dma_start3A_387 : memref<64x128xf32, #tpu.memory_space<vmem>>) offsets(%dma_start3A_388 : memref<64xi32, #tpu.memory_space<vmem>>) semaphore(%arg13 : memref<!tpu.dma_semaphore, #tpu.memory_space<semaphore_mem>>)
        } else {
        }
        %dma_wait3A_360 = arith.constant 0 : i32
        %dma_wait3A_361 = arith.constant 192 : i32
        %dma_wait3A_362 = arith.constant 0 : i32
        %dma_wait3A_363 = tpu.memref_slice %arg9[%dma_wait3A_361, %dma_wait3A_362] : memref<256x128xf32, #tpu.memory_space<vmem>> -> memref<64x128xf32, #tpu.memory_space<vmem>>
        %dma_wait3A_364 = arith.constant 0 : i32
        %dma_wait3A_365 = tpu.memref_slice %arg8[%dma_wait3A_360, %dma_wait3A_364] : memref<64x64xi32, #tpu.memory_space<vmem>> -> memref<1x64xi32, #tpu.memory_space<vmem>>
        %dma_wait3A_366 = tpu.memref_squeeze %dma_wait3A_365 : memref<1x64xi32, #tpu.memory_space<vmem>> -> memref<64xi32, #tpu.memory_space<vmem>>
        %dma_wait3A_367 = arith.constant 0 : i32
        %dma_wait3A_368 = arith.constant 0 : i32
        %dma_wait3A_369 = tpu.memref_slice %arg10[%dma_wait3A_367, %dma_wait3A_368] : memref<10112x128xf32, #tpu.memory_space<vmem_shared>> -> memref<10112x128xf32, #tpu.memory_space<vmem_shared>>
        tpu.wait_indirect_dma semaphore(%arg18 : memref<!tpu.dma_semaphore, #tpu.memory_space<semaphore_mem>>) src(%dma_wait3A_363 : memref<64x128xf32, #tpu.memory_space<vmem>>) dst(%dma_wait3A_369 : memref<10112x128xf32, #tpu.memory_space<vmem_shared>>)
        %add3A_370 = arith.constant 4 : i32
        %add3A_371 = arith.addi %mul3A_228, %add3A_370 : i32
        %add3A_372 = arith.constant 3 : i32
        %add3A_373 = arith.addi %add3A_371, %add3A_372 : i32
        %lt3A_374 = arith.constant 64 : i32
        %lt3A_375 = arith.cmpi slt, %add3A_373, %lt3A_374 : i32
        %convert_element_type3A_376 = arith.extui %lt3A_375 : i1 to i32
        %cond3A_377 = arith.constant 0 : i32
        %cond3A_378 = arith.cmpi ne, %convert_element_type3A_376, %cond3A_377 : i32
        scf.if %cond3A_378 {
          %add3A_379 = arith.constant 4 : i32
          %add3A_380 = arith.addi %mul3A_228, %add3A_379 : i32
          %add3A_381 = arith.constant 3 : i32
          %add3A_382 = arith.addi %add3A_380, %add3A_381 : i32
          %mul3A_383 = arith.constant 64 : i32
          %mul3A_384 = arith.muli %add3A_382, %mul3A_383 : i32
          %dma_start3A_385 = arith.constant 192 : i32
          %dma_start3A_386 = arith.constant 0 : i32
          %dma_start3A_387 = tpu.memref_slice %arg9[%dma_start3A_385, %dma_start3A_386] : memref<256x128xf32, #tpu.memory_space<vmem>> -> memref<64x128xf32, #tpu.memory_space<vmem>>
          %dma_start3A_388 = tpu.memref_slice %arg7[%mul3A_384] : memref<4096xi32, #tpu.memory_space<vmem>> -> memref<64xi32, #tpu.memory_space<vmem>>
          %dma_start3A_389 = arith.constant 0 : i32
          %dma_start3A_390 = arith.constant 0 : i32
          %dma_start3A_391 = tpu.memref_slice %arg2[%dma_start3A_389, %dma_start3A_390] : memref<10112x128xf32, #tpu.memory_space<hbm>> -> memref<10112x128xf32, #tpu.memory_space<hbm>>
          tpu.enqueue_indirect_dma source(%dma_start3A_391 : memref<10112x128xf32, #tpu.memory_space<hbm>>) target(%dma_start3A_387 : memref<64x128xf32, #tpu.memory_space<vmem>>) offsets(%dma_start3A_388 : memref<64xi32, #tpu.memory_space<vmem>>) semaphore(%arg14 : memref<!tpu.dma_semaphore, #tpu.memory_space<semaphore_mem>>)
        } else {
        }
      }
      %scan3A_49 = arith.constant 16 : i32
      %mul3A_50 = arith.constant 320 : i32
      %mul3A_51 = arith.muli %arg1, %mul3A_50 : i32
      %add3A_52 = arith.constant 64 : i32
      %add3A_53 = arith.addi %mul3A_51, %add3A_52 : i32
      %mul3A_54 = arith.constant 64 : i32
      %mul3A_55 = arith.muli %add3A_53, %mul3A_54 : i32
      "tpu.region"() ({
        %run_scoped3A = tpu.sem_alloc : memref<!tpu.dma_semaphore, #tpu.memory_space<semaphore_mem>>
        %dma_start3A_226 = arith.constant 0 : i32
        %dma_start3A_227 = tpu.memref_slice %arg7[%dma_start3A_226] : memref<4096xi32, #tpu.memory_space<vmem>> -> memref<4096xi32, #tpu.memory_space<vmem>>
        %dma_start3A_228 = tpu.memref_slice %arg3[%mul3A_55] : memref<327680xi32, #tpu.memory_space<hbm>> -> memref<4096xi32, #tpu.memory_space<hbm>>
        %dma_start3A_229 = arith.constant 0 : i32
        %dma_start3A_230 = tpu.memref_slice %arg7[%dma_start3A_229] : memref<4096xi32, #tpu.memory_space<vmem>> -> memref<4096xi32, #tpu.memory_space<vmem>>
        %dma_start3A_231 = tpu.memref_slice %arg3[%mul3A_55] : memref<327680xi32, #tpu.memory_space<hbm>> -> memref<4096xi32, #tpu.memory_space<hbm>>
        tpu.enqueue_dma source(%dma_start3A_231 : memref<4096xi32, #tpu.memory_space<hbm>>) target(%dma_start3A_230 : memref<4096xi32, #tpu.memory_space<vmem>>) target_semaphore(%run_scoped3A : memref<!tpu.dma_semaphore, #tpu.memory_space<semaphore_mem>>)
        %dma_wait3A = arith.constant 0 : i32
        %dma_wait3A_232 = tpu.memref_slice %arg7[%dma_wait3A] : memref<4096xi32, #tpu.memory_space<vmem>> -> memref<4096xi32, #tpu.memory_space<vmem>>
        %dma_wait3A_233 = tpu.memref_slice %arg3[%mul3A_55] : memref<327680xi32, #tpu.memory_space<hbm>> -> memref<4096xi32, #tpu.memory_space<hbm>>
        %dma_wait3A_234 = arith.constant 0 : i32
        %dma_wait3A_235 = tpu.memref_slice %arg7[%dma_wait3A_234] : memref<4096xi32, #tpu.memory_space<vmem>> -> memref<4096xi32, #tpu.memory_space<vmem>>
        %dma_wait3A_236 = tpu.memref_slice %arg3[%mul3A_55] : memref<327680xi32, #tpu.memory_space<hbm>> -> memref<4096xi32, #tpu.memory_space<hbm>>
        tpu.wait_dma2 semaphore(%run_scoped3A : memref<!tpu.dma_semaphore, #tpu.memory_space<semaphore_mem>>) src(%dma_wait3A_236 : memref<4096xi32, #tpu.memory_space<hbm>>) dst(%dma_wait3A_235 : memref<4096xi32, #tpu.memory_space<vmem>>)
        tpu.yield
      }) : () -> ()
      "tpu.region"() ({
        %run_scoped3A = tpu.sem_alloc : memref<!tpu.dma_semaphore, #tpu.memory_space<semaphore_mem>>
        %dma_start3A_226 = arith.constant 0 : i32
        %dma_start3A_227 = arith.constant 0 : i32
        %dma_start3A_228 = tpu.memref_slice %arg8[%dma_start3A_226, %dma_start3A_227] : memref<64x64xi32, #tpu.memory_space<vmem>> -> memref<64x64xi32, #tpu.memory_space<vmem>>
        %dma_start3A_229 = arith.constant 0 : i32
        %dma_start3A_230 = tpu.memref_slice %arg4[%add3A_53, %dma_start3A_229] : memref<5120x64xi32, #tpu.memory_space<hbm>> -> memref<64x64xi32, #tpu.memory_space<hbm>>
        %dma_start3A_231 = arith.constant 0 : i32
        %dma_start3A_232 = arith.constant 0 : i32
        %dma_start3A_233 = tpu.memref_slice %arg8[%dma_start3A_231, %dma_start3A_232] : memref<64x64xi32, #tpu.memory_space<vmem>> -> memref<64x64xi32, #tpu.memory_space<vmem>>
        %dma_start3A_234 = arith.constant 0 : i32
        %dma_start3A_235 = tpu.memref_slice %arg4[%add3A_53, %dma_start3A_234] : memref<5120x64xi32, #tpu.memory_space<hbm>> -> memref<64x64xi32, #tpu.memory_space<hbm>>
        tpu.enqueue_dma source(%dma_start3A_235 : memref<64x64xi32, #tpu.memory_space<hbm>>) target(%dma_start3A_233 : memref<64x64xi32, #tpu.memory_space<vmem>>) target_semaphore(%run_scoped3A : memref<!tpu.dma_semaphore, #tpu.memory_space<semaphore_mem>>)
        %dma_wait3A = arith.constant 0 : i32
        %dma_wait3A_236 = arith.constant 0 : i32
        %dma_wait3A_237 = tpu.memref_slice %arg8[%dma_wait3A, %dma_wait3A_236] : memref<64x64xi32, #tpu.memory_space<vmem>> -> memref<64x64xi32, #tpu.memory_space<vmem>>
        %dma_wait3A_238 = arith.constant 0 : i32
        %dma_wait3A_239 = tpu.memref_slice %arg4[%add3A_53, %dma_wait3A_238] : memref<5120x64xi32, #tpu.memory_space<hbm>> -> memref<64x64xi32, #tpu.memory_space<hbm>>
        %dma_wait3A_240 = arith.constant 0 : i32
        %dma_wait3A_241 = arith.constant 0 : i32
        %dma_wait3A_242 = tpu.memref_slice %arg8[%dma_wait3A_240, %dma_wait3A_241] : memref<64x64xi32, #tpu.memory_space<vmem>> -> memref<64x64xi32, #tpu.memory_space<vmem>>
        %dma_wait3A_243 = arith.constant 0 : i32
        %dma_wait3A_244 = tpu.memref_slice %arg4[%add3A_53, %dma_wait3A_243] : memref<5120x64xi32, #tpu.memory_space<hbm>> -> memref<64x64xi32, #tpu.memory_space<hbm>>
        tpu.wait_dma2 semaphore(%run_scoped3A : memref<!tpu.dma_semaphore, #tpu.memory_space<semaphore_mem>>) src(%dma_wait3A_244 : memref<64x64xi32, #tpu.memory_space<hbm>>) dst(%dma_wait3A_242 : memref<64x64xi32, #tpu.memory_space<vmem>>)
        tpu.yield
      }) : () -> ()
      %dma_start3A_56 = arith.constant 0 : i32
      %dma_start3A_57 = arith.constant 0 : i32
      %dma_start3A_58 = tpu.memref_slice %arg9[%dma_start3A_56, %dma_start3A_57] : memref<256x128xf32, #tpu.memory_space<vmem>> -> memref<64x128xf32, #tpu.memory_space<vmem>>
      %dma_start3A_59 = arith.constant 0 : i32
      %dma_start3A_60 = tpu.memref_slice %arg7[%dma_start3A_59] : memref<4096xi32, #tpu.memory_space<vmem>> -> memref<64xi32, #tpu.memory_space<vmem>>
      %dma_start3A_61 = arith.constant 0 : i32
      %dma_start3A_62 = arith.constant 0 : i32
      %dma_start3A_63 = tpu.memref_slice %arg2[%dma_start3A_61, %dma_start3A_62] : memref<10112x128xf32, #tpu.memory_space<hbm>> -> memref<10112x128xf32, #tpu.memory_space<hbm>>
      tpu.enqueue_indirect_dma source(%dma_start3A_63 : memref<10112x128xf32, #tpu.memory_space<hbm>>) target(%dma_start3A_58 : memref<64x128xf32, #tpu.memory_space<vmem>>) offsets(%dma_start3A_60 : memref<64xi32, #tpu.memory_space<vmem>>) semaphore(%arg11 : memref<!tpu.dma_semaphore, #tpu.memory_space<semaphore_mem>>)
      %dma_start3A_64 = arith.constant 64 : i32
      %dma_start3A_65 = arith.constant 0 : i32
      %dma_start3A_66 = tpu.memref_slice %arg9[%dma_start3A_64, %dma_start3A_65] : memref<256x128xf32, #tpu.memory_space<vmem>> -> memref<64x128xf32, #tpu.memory_space<vmem>>
      %dma_start3A_67 = arith.constant 64 : i32
      %dma_start3A_68 = tpu.memref_slice %arg7[%dma_start3A_67] : memref<4096xi32, #tpu.memory_space<vmem>> -> memref<64xi32, #tpu.memory_space<vmem>>
      %dma_start3A_69 = arith.constant 0 : i32
      %dma_start3A_70 = arith.constant 0 : i32
      %dma_start3A_71 = tpu.memref_slice %arg2[%dma_start3A_69, %dma_start3A_70] : memref<10112x128xf32, #tpu.memory_space<hbm>> -> memref<10112x128xf32, #tpu.memory_space<hbm>>
      tpu.enqueue_indirect_dma source(%dma_start3A_71 : memref<10112x128xf32, #tpu.memory_space<hbm>>) target(%dma_start3A_66 : memref<64x128xf32, #tpu.memory_space<vmem>>) offsets(%dma_start3A_68 : memref<64xi32, #tpu.memory_space<vmem>>) semaphore(%arg12 : memref<!tpu.dma_semaphore, #tpu.memory_space<semaphore_mem>>)
      %dma_start3A_72 = arith.constant 128 : i32
      %dma_start3A_73 = arith.constant 0 : i32
      %dma_start3A_74 = tpu.memref_slice %arg9[%dma_start3A_72, %dma_start3A_73] : memref<256x128xf32, #tpu.memory_space<vmem>> -> memref<64x128xf32, #tpu.memory_space<vmem>>
      %dma_start3A_75 = arith.constant 128 : i32
      %dma_start3A_76 = tpu.memref_slice %arg7[%dma_start3A_75] : memref<4096xi32, #tpu.memory_space<vmem>> -> memref<64xi32, #tpu.memory_space<vmem>>
      %dma_start3A_77 = arith.constant 0 : i32
      %dma_start3A_78 = arith.constant 0 : i32
      %dma_start3A_79 = tpu.memref_slice %arg2[%dma_start3A_77, %dma_start3A_78] : memref<10112x128xf32, #tpu.memory_space<hbm>> -> memref<10112x128xf32, #tpu.memory_space<hbm>>
      tpu.enqueue_indirect_dma source(%dma_start3A_79 : memref<10112x128xf32, #tpu.memory_space<hbm>>) target(%dma_start3A_74 : memref<64x128xf32, #tpu.memory_space<vmem>>) offsets(%dma_start3A_76 : memref<64xi32, #tpu.memory_space<vmem>>) semaphore(%arg13 : memref<!tpu.dma_semaphore, #tpu.memory_space<semaphore_mem>>)
      %dma_start3A_80 = arith.constant 192 : i32
      %dma_start3A_81 = arith.constant 0 : i32
      %dma_start3A_82 = tpu.memref_slice %arg9[%dma_start3A_80, %dma_start3A_81] : memref<256x128xf32, #tpu.memory_space<vmem>> -> memref<64x128xf32, #tpu.memory_space<vmem>>
      %dma_start3A_83 = arith.constant 192 : i32
      %dma_start3A_84 = tpu.memref_slice %arg7[%dma_start3A_83] : memref<4096xi32, #tpu.memory_space<vmem>> -> memref<64xi32, #tpu.memory_space<vmem>>
      %dma_start3A_85 = arith.constant 0 : i32
      %dma_start3A_86 = arith.constant 0 : i32
      %dma_start3A_87 = tpu.memref_slice %arg2[%dma_start3A_85, %dma_start3A_86] : memref<10112x128xf32, #tpu.memory_space<hbm>> -> memref<10112x128xf32, #tpu.memory_space<hbm>>
      tpu.enqueue_indirect_dma source(%dma_start3A_87 : memref<10112x128xf32, #tpu.memory_space<hbm>>) target(%dma_start3A_82 : memref<64x128xf32, #tpu.memory_space<vmem>>) offsets(%dma_start3A_84 : memref<64xi32, #tpu.memory_space<vmem>>) semaphore(%arg14 : memref<!tpu.dma_semaphore, #tpu.memory_space<semaphore_mem>>)
      %scan3A_88 = arith.constant 0 : i32
      %scan3A_89 = arith.constant 0 : i32
      %scan3A_90 = arith.constant 16 : i32
      %scan3A_91 = arith.addi %scan3A_89, %scan3A_90 : i32
      %scan3A_92 = arith.constant 1 : i32
      scf.for %scan3A_226 = %scan3A_89 to %scan3A_91 step %scan3A_92  : i32 {
        %mul3A_227 = arith.constant 4 : i32
        %mul3A_228 = arith.muli %mul3A_227, %scan3A_226 : i32
        %dma_wait3A = arith.constant 0 : i32
        %dma_wait3A_229 = arith.constant 0 : i32
        %dma_wait3A_230 = tpu.memref_slice %arg9[%dma_wait3A, %dma_wait3A_229] : memref<256x128xf32, #tpu.memory_space<vmem>> -> memref<64x128xf32, #tpu.memory_space<vmem>>
        %dma_wait3A_231 = arith.constant 0 : i32
        %dma_wait3A_232 = tpu.memref_slice %arg7[%dma_wait3A_231] : memref<4096xi32, #tpu.memory_space<vmem>> -> memref<64xi32, #tpu.memory_space<vmem>>
        %dma_wait3A_233 = arith.constant 0 : i32
        %dma_wait3A_234 = arith.constant 0 : i32
        %dma_wait3A_235 = tpu.memref_slice %arg2[%dma_wait3A_233, %dma_wait3A_234] : memref<10112x128xf32, #tpu.memory_space<hbm>> -> memref<10112x128xf32, #tpu.memory_space<hbm>>
        tpu.wait_indirect_dma semaphore(%arg11 : memref<!tpu.dma_semaphore, #tpu.memory_space<semaphore_mem>>) src(%dma_wait3A_235 : memref<10112x128xf32, #tpu.memory_space<hbm>>) dst(%dma_wait3A_230 : memref<64x128xf32, #tpu.memory_space<vmem>>)
        %add3A_236 = arith.constant 0 : i32
        %add3A_237 = arith.addi %mul3A_228, %add3A_236 : i32
        %dma_start3A_238 = arith.constant 0 : i32
        %dma_start3A_239 = arith.constant 0 : i32
        %dma_start3A_240 = tpu.memref_slice %arg9[%dma_start3A_238, %dma_start3A_239] : memref<256x128xf32, #tpu.memory_space<vmem>> -> memref<64x128xf32, #tpu.memory_space<vmem>>
        %dma_start3A_241 = arith.constant 0 : i32
        %dma_start3A_242 = tpu.memref_slice %arg8[%add3A_237, %dma_start3A_241] : memref<64x64xi32, #tpu.memory_space<vmem>> -> memref<1x64xi32, #tpu.memory_space<vmem>>
        %dma_start3A_243 = tpu.memref_squeeze %dma_start3A_242 : memref<1x64xi32, #tpu.memory_space<vmem>> -> memref<64xi32, #tpu.memory_space<vmem>>
        %dma_start3A_244 = arith.constant 0 : i32
        %dma_start3A_245 = arith.constant 0 : i32
        %dma_start3A_246 = tpu.memref_slice %arg10[%dma_start3A_244, %dma_start3A_245] : memref<10112x128xf32, #tpu.memory_space<vmem_shared>> -> memref<10112x128xf32, #tpu.memory_space<vmem_shared>>
        tpu.enqueue_indirect_dma source(%dma_start3A_240 : memref<64x128xf32, #tpu.memory_space<vmem>>) target(%dma_start3A_246 : memref<10112x128xf32, #tpu.memory_space<vmem_shared>>) offsets(%dma_start3A_243 : memref<64xi32, #tpu.memory_space<vmem>>) semaphore(%arg15 : memref<!tpu.dma_semaphore, #tpu.memory_space<semaphore_mem>>) {add = true}
        %dma_wait3A_247 = arith.constant 64 : i32
        %dma_wait3A_248 = arith.constant 0 : i32
        %dma_wait3A_249 = tpu.memref_slice %arg9[%dma_wait3A_247, %dma_wait3A_248] : memref<256x128xf32, #tpu.memory_space<vmem>> -> memref<64x128xf32, #tpu.memory_space<vmem>>
        %dma_wait3A_250 = arith.constant 0 : i32
        %dma_wait3A_251 = tpu.memref_slice %arg7[%dma_wait3A_250] : memref<4096xi32, #tpu.memory_space<vmem>> -> memref<64xi32, #tpu.memory_space<vmem>>
        %dma_wait3A_252 = arith.constant 0 : i32
        %dma_wait3A_253 = arith.constant 0 : i32
        %dma_wait3A_254 = tpu.memref_slice %arg2[%dma_wait3A_252, %dma_wait3A_253] : memref<10112x128xf32, #tpu.memory_space<hbm>> -> memref<10112x128xf32, #tpu.memory_space<hbm>>
        tpu.wait_indirect_dma semaphore(%arg12 : memref<!tpu.dma_semaphore, #tpu.memory_space<semaphore_mem>>) src(%dma_wait3A_254 : memref<10112x128xf32, #tpu.memory_space<hbm>>) dst(%dma_wait3A_249 : memref<64x128xf32, #tpu.memory_space<vmem>>)
        %add3A_255 = arith.constant 1 : i32
        %add3A_256 = arith.addi %mul3A_228, %add3A_255 : i32
        %dma_start3A_257 = arith.constant 64 : i32
        %dma_start3A_258 = arith.constant 0 : i32
        %dma_start3A_259 = tpu.memref_slice %arg9[%dma_start3A_257, %dma_start3A_258] : memref<256x128xf32, #tpu.memory_space<vmem>> -> memref<64x128xf32, #tpu.memory_space<vmem>>
        %dma_start3A_260 = arith.constant 0 : i32
        %dma_start3A_261 = tpu.memref_slice %arg8[%add3A_256, %dma_start3A_260] : memref<64x64xi32, #tpu.memory_space<vmem>> -> memref<1x64xi32, #tpu.memory_space<vmem>>
        %dma_start3A_262 = tpu.memref_squeeze %dma_start3A_261 : memref<1x64xi32, #tpu.memory_space<vmem>> -> memref<64xi32, #tpu.memory_space<vmem>>
        %dma_start3A_263 = arith.constant 0 : i32
        %dma_start3A_264 = arith.constant 0 : i32
        %dma_start3A_265 = tpu.memref_slice %arg10[%dma_start3A_263, %dma_start3A_264] : memref<10112x128xf32, #tpu.memory_space<vmem_shared>> -> memref<10112x128xf32, #tpu.memory_space<vmem_shared>>
        tpu.enqueue_indirect_dma source(%dma_start3A_259 : memref<64x128xf32, #tpu.memory_space<vmem>>) target(%dma_start3A_265 : memref<10112x128xf32, #tpu.memory_space<vmem_shared>>) offsets(%dma_start3A_262 : memref<64xi32, #tpu.memory_space<vmem>>) semaphore(%arg16 : memref<!tpu.dma_semaphore, #tpu.memory_space<semaphore_mem>>) {add = true}
        %dma_wait3A_266 = arith.constant 128 : i32
        %dma_wait3A_267 = arith.constant 0 : i32
        %dma_wait3A_268 = tpu.memref_slice %arg9[%dma_wait3A_266, %dma_wait3A_267] : memref<256x128xf32, #tpu.memory_space<vmem>> -> memref<64x128xf32, #tpu.memory_space<vmem>>
        %dma_wait3A_269 = arith.constant 0 : i32
        %dma_wait3A_270 = tpu.memref_slice %arg7[%dma_wait3A_269] : memref<4096xi32, #tpu.memory_space<vmem>> -> memref<64xi32, #tpu.memory_space<vmem>>
        %dma_wait3A_271 = arith.constant 0 : i32
        %dma_wait3A_272 = arith.constant 0 : i32
        %dma_wait3A_273 = tpu.memref_slice %arg2[%dma_wait3A_271, %dma_wait3A_272] : memref<10112x128xf32, #tpu.memory_space<hbm>> -> memref<10112x128xf32, #tpu.memory_space<hbm>>
        tpu.wait_indirect_dma semaphore(%arg13 : memref<!tpu.dma_semaphore, #tpu.memory_space<semaphore_mem>>) src(%dma_wait3A_273 : memref<10112x128xf32, #tpu.memory_space<hbm>>) dst(%dma_wait3A_268 : memref<64x128xf32, #tpu.memory_space<vmem>>)
        %add3A_274 = arith.constant 2 : i32
        %add3A_275 = arith.addi %mul3A_228, %add3A_274 : i32
        %dma_start3A_276 = arith.constant 128 : i32
        %dma_start3A_277 = arith.constant 0 : i32
        %dma_start3A_278 = tpu.memref_slice %arg9[%dma_start3A_276, %dma_start3A_277] : memref<256x128xf32, #tpu.memory_space<vmem>> -> memref<64x128xf32, #tpu.memory_space<vmem>>
        %dma_start3A_279 = arith.constant 0 : i32
        %dma_start3A_280 = tpu.memref_slice %arg8[%add3A_275, %dma_start3A_279] : memref<64x64xi32, #tpu.memory_space<vmem>> -> memref<1x64xi32, #tpu.memory_space<vmem>>
        %dma_start3A_281 = tpu.memref_squeeze %dma_start3A_280 : memref<1x64xi32, #tpu.memory_space<vmem>> -> memref<64xi32, #tpu.memory_space<vmem>>
        %dma_start3A_282 = arith.constant 0 : i32
        %dma_start3A_283 = arith.constant 0 : i32
        %dma_start3A_284 = tpu.memref_slice %arg10[%dma_start3A_282, %dma_start3A_283] : memref<10112x128xf32, #tpu.memory_space<vmem_shared>> -> memref<10112x128xf32, #tpu.memory_space<vmem_shared>>
        tpu.enqueue_indirect_dma source(%dma_start3A_278 : memref<64x128xf32, #tpu.memory_space<vmem>>) target(%dma_start3A_284 : memref<10112x128xf32, #tpu.memory_space<vmem_shared>>) offsets(%dma_start3A_281 : memref<64xi32, #tpu.memory_space<vmem>>) semaphore(%arg17 : memref<!tpu.dma_semaphore, #tpu.memory_space<semaphore_mem>>) {add = true}
        %dma_wait3A_285 = arith.constant 192 : i32
        %dma_wait3A_286 = arith.constant 0 : i32
        %dma_wait3A_287 = tpu.memref_slice %arg9[%dma_wait3A_285, %dma_wait3A_286] : memref<256x128xf32, #tpu.memory_space<vmem>> -> memref<64x128xf32, #tpu.memory_space<vmem>>
        %dma_wait3A_288 = arith.constant 0 : i32
        %dma_wait3A_289 = tpu.memref_slice %arg7[%dma_wait3A_288] : memref<4096xi32, #tpu.memory_space<vmem>> -> memref<64xi32, #tpu.memory_space<vmem>>
        %dma_wait3A_290 = arith.constant 0 : i32
        %dma_wait3A_291 = arith.constant 0 : i32
        %dma_wait3A_292 = tpu.memref_slice %arg2[%dma_wait3A_290, %dma_wait3A_291] : memref<10112x128xf32, #tpu.memory_space<hbm>> -> memref<10112x128xf32, #tpu.memory_space<hbm>>
        tpu.wait_indirect_dma semaphore(%arg14 : memref<!tpu.dma_semaphore, #tpu.memory_space<semaphore_mem>>) src(%dma_wait3A_292 : memref<10112x128xf32, #tpu.memory_space<hbm>>) dst(%dma_wait3A_287 : memref<64x128xf32, #tpu.memory_space<vmem>>)
        %add3A_293 = arith.constant 3 : i32
        %add3A_294 = arith.addi %mul3A_228, %add3A_293 : i32
        %dma_start3A_295 = arith.constant 192 : i32
        %dma_start3A_296 = arith.constant 0 : i32
        %dma_start3A_297 = tpu.memref_slice %arg9[%dma_start3A_295, %dma_start3A_296] : memref<256x128xf32, #tpu.memory_space<vmem>> -> memref<64x128xf32, #tpu.memory_space<vmem>>
        %dma_start3A_298 = arith.constant 0 : i32
        %dma_start3A_299 = tpu.memref_slice %arg8[%add3A_294, %dma_start3A_298] : memref<64x64xi32, #tpu.memory_space<vmem>> -> memref<1x64xi32, #tpu.memory_space<vmem>>
        %dma_start3A_300 = tpu.memref_squeeze %dma_start3A_299 : memref<1x64xi32, #tpu.memory_space<vmem>> -> memref<64xi32, #tpu.memory_space<vmem>>
        %dma_start3A_301 = arith.constant 0 : i32
        %dma_start3A_302 = arith.constant 0 : i32
        %dma_start3A_303 = tpu.memref_slice %arg10[%dma_start3A_301, %dma_start3A_302] : memref<10112x128xf32, #tpu.memory_space<vmem_shared>> -> memref<10112x128xf32, #tpu.memory_space<vmem_shared>>
        tpu.enqueue_indirect_dma source(%dma_start3A_297 : memref<64x128xf32, #tpu.memory_space<vmem>>) target(%dma_start3A_303 : memref<10112x128xf32, #tpu.memory_space<vmem_shared>>) offsets(%dma_start3A_300 : memref<64xi32, #tpu.memory_space<vmem>>) semaphore(%arg18 : memref<!tpu.dma_semaphore, #tpu.memory_space<semaphore_mem>>) {add = true}
        %dma_wait3A_304 = arith.constant 0 : i32
        %dma_wait3A_305 = arith.constant 0 : i32
        %dma_wait3A_306 = arith.constant 0 : i32
        %dma_wait3A_307 = tpu.memref_slice %arg9[%dma_wait3A_305, %dma_wait3A_306] : memref<256x128xf32, #tpu.memory_space<vmem>> -> memref<64x128xf32, #tpu.memory_space<vmem>>
        %dma_wait3A_308 = arith.constant 0 : i32
        %dma_wait3A_309 = tpu.memref_slice %arg8[%dma_wait3A_304, %dma_wait3A_308] : memref<64x64xi32, #tpu.memory_space<vmem>> -> memref<1x64xi32, #tpu.memory_space<vmem>>
        %dma_wait3A_310 = tpu.memref_squeeze %dma_wait3A_309 : memref<1x64xi32, #tpu.memory_space<vmem>> -> memref<64xi32, #tpu.memory_space<vmem>>
        %dma_wait3A_311 = arith.constant 0 : i32
        %dma_wait3A_312 = arith.constant 0 : i32
        %dma_wait3A_313 = tpu.memref_slice %arg10[%dma_wait3A_311, %dma_wait3A_312] : memref<10112x128xf32, #tpu.memory_space<vmem_shared>> -> memref<10112x128xf32, #tpu.memory_space<vmem_shared>>
        tpu.wait_indirect_dma semaphore(%arg15 : memref<!tpu.dma_semaphore, #tpu.memory_space<semaphore_mem>>) src(%dma_wait3A_307 : memref<64x128xf32, #tpu.memory_space<vmem>>) dst(%dma_wait3A_313 : memref<10112x128xf32, #tpu.memory_space<vmem_shared>>)
        %add3A_314 = arith.constant 4 : i32
        %add3A_315 = arith.addi %mul3A_228, %add3A_314 : i32
        %add3A_316 = arith.constant 0 : i32
        %add3A_317 = arith.addi %add3A_315, %add3A_316 : i32
        %lt3A = arith.constant 64 : i32
        %lt3A_318 = arith.cmpi slt, %add3A_317, %lt3A : i32
        %convert_element_type3A_319 = arith.extui %lt3A_318 : i1 to i32
        %cond3A_320 = arith.constant 0 : i32
        %cond3A_321 = arith.cmpi ne, %convert_element_type3A_319, %cond3A_320 : i32
        scf.if %cond3A_321 {
          %add3A_379 = arith.constant 4 : i32
          %add3A_380 = arith.addi %mul3A_228, %add3A_379 : i32
          %add3A_381 = arith.constant 0 : i32
          %add3A_382 = arith.addi %add3A_380, %add3A_381 : i32
          %mul3A_383 = arith.constant 64 : i32
          %mul3A_384 = arith.muli %add3A_382, %mul3A_383 : i32
          %dma_start3A_385 = arith.constant 0 : i32
          %dma_start3A_386 = arith.constant 0 : i32
          %dma_start3A_387 = tpu.memref_slice %arg9[%dma_start3A_385, %dma_start3A_386] : memref<256x128xf32, #tpu.memory_space<vmem>> -> memref<64x128xf32, #tpu.memory_space<vmem>>
          %dma_start3A_388 = tpu.memref_slice %arg7[%mul3A_384] : memref<4096xi32, #tpu.memory_space<vmem>> -> memref<64xi32, #tpu.memory_space<vmem>>
          %dma_start3A_389 = arith.constant 0 : i32
          %dma_start3A_390 = arith.constant 0 : i32
          %dma_start3A_391 = tpu.memref_slice %arg2[%dma_start3A_389, %dma_start3A_390] : memref<10112x128xf32, #tpu.memory_space<hbm>> -> memref<10112x128xf32, #tpu.memory_space<hbm>>
          tpu.enqueue_indirect_dma source(%dma_start3A_391 : memref<10112x128xf32, #tpu.memory_space<hbm>>) target(%dma_start3A_387 : memref<64x128xf32, #tpu.memory_space<vmem>>) offsets(%dma_start3A_388 : memref<64xi32, #tpu.memory_space<vmem>>) semaphore(%arg11 : memref<!tpu.dma_semaphore, #tpu.memory_space<semaphore_mem>>)
        } else {
        }
        %dma_wait3A_322 = arith.constant 0 : i32
        %dma_wait3A_323 = arith.constant 64 : i32
        %dma_wait3A_324 = arith.constant 0 : i32
        %dma_wait3A_325 = tpu.memref_slice %arg9[%dma_wait3A_323, %dma_wait3A_324] : memref<256x128xf32, #tpu.memory_space<vmem>> -> memref<64x128xf32, #tpu.memory_space<vmem>>
        %dma_wait3A_326 = arith.constant 0 : i32
        %dma_wait3A_327 = tpu.memref_slice %arg8[%dma_wait3A_322, %dma_wait3A_326] : memref<64x64xi32, #tpu.memory_space<vmem>> -> memref<1x64xi32, #tpu.memory_space<vmem>>
        %dma_wait3A_328 = tpu.memref_squeeze %dma_wait3A_327 : memref<1x64xi32, #tpu.memory_space<vmem>> -> memref<64xi32, #tpu.memory_space<vmem>>
        %dma_wait3A_329 = arith.constant 0 : i32
        %dma_wait3A_330 = arith.constant 0 : i32
        %dma_wait3A_331 = tpu.memref_slice %arg10[%dma_wait3A_329, %dma_wait3A_330] : memref<10112x128xf32, #tpu.memory_space<vmem_shared>> -> memref<10112x128xf32, #tpu.memory_space<vmem_shared>>
        tpu.wait_indirect_dma semaphore(%arg16 : memref<!tpu.dma_semaphore, #tpu.memory_space<semaphore_mem>>) src(%dma_wait3A_325 : memref<64x128xf32, #tpu.memory_space<vmem>>) dst(%dma_wait3A_331 : memref<10112x128xf32, #tpu.memory_space<vmem_shared>>)
        %add3A_332 = arith.constant 4 : i32
        %add3A_333 = arith.addi %mul3A_228, %add3A_332 : i32
        %add3A_334 = arith.constant 1 : i32
        %add3A_335 = arith.addi %add3A_333, %add3A_334 : i32
        %lt3A_336 = arith.constant 64 : i32
        %lt3A_337 = arith.cmpi slt, %add3A_335, %lt3A_336 : i32
        %convert_element_type3A_338 = arith.extui %lt3A_337 : i1 to i32
        %cond3A_339 = arith.constant 0 : i32
        %cond3A_340 = arith.cmpi ne, %convert_element_type3A_338, %cond3A_339 : i32
        scf.if %cond3A_340 {
          %add3A_379 = arith.constant 4 : i32
          %add3A_380 = arith.addi %mul3A_228, %add3A_379 : i32
          %add3A_381 = arith.constant 1 : i32
          %add3A_382 = arith.addi %add3A_380, %add3A_381 : i32
          %mul3A_383 = arith.constant 64 : i32
          %mul3A_384 = arith.muli %add3A_382, %mul3A_383 : i32
          %dma_start3A_385 = arith.constant 64 : i32
          %dma_start3A_386 = arith.constant 0 : i32
          %dma_start3A_387 = tpu.memref_slice %arg9[%dma_start3A_385, %dma_start3A_386] : memref<256x128xf32, #tpu.memory_space<vmem>> -> memref<64x128xf32, #tpu.memory_space<vmem>>
          %dma_start3A_388 = tpu.memref_slice %arg7[%mul3A_384] : memref<4096xi32, #tpu.memory_space<vmem>> -> memref<64xi32, #tpu.memory_space<vmem>>
          %dma_start3A_389 = arith.constant 0 : i32
          %dma_start3A_390 = arith.constant 0 : i32
          %dma_start3A_391 = tpu.memref_slice %arg2[%dma_start3A_389, %dma_start3A_390] : memref<10112x128xf32, #tpu.memory_space<hbm>> -> memref<10112x128xf32, #tpu.memory_space<hbm>>
          tpu.enqueue_indirect_dma source(%dma_start3A_391 : memref<10112x128xf32, #tpu.memory_space<hbm>>) target(%dma_start3A_387 : memref<64x128xf32, #tpu.memory_space<vmem>>) offsets(%dma_start3A_388 : memref<64xi32, #tpu.memory_space<vmem>>) semaphore(%arg12 : memref<!tpu.dma_semaphore, #tpu.memory_space<semaphore_mem>>)
        } else {
        }
        %dma_wait3A_341 = arith.constant 0 : i32
        %dma_wait3A_342 = arith.constant 128 : i32
        %dma_wait3A_343 = arith.constant 0 : i32
        %dma_wait3A_344 = tpu.memref_slice %arg9[%dma_wait3A_342, %dma_wait3A_343] : memref<256x128xf32, #tpu.memory_space<vmem>> -> memref<64x128xf32, #tpu.memory_space<vmem>>
        %dma_wait3A_345 = arith.constant 0 : i32
        %dma_wait3A_346 = tpu.memref_slice %arg8[%dma_wait3A_341, %dma_wait3A_345] : memref<64x64xi32, #tpu.memory_space<vmem>> -> memref<1x64xi32, #tpu.memory_space<vmem>>
        %dma_wait3A_347 = tpu.memref_squeeze %dma_wait3A_346 : memref<1x64xi32, #tpu.memory_space<vmem>> -> memref<64xi32, #tpu.memory_space<vmem>>
        %dma_wait3A_348 = arith.constant 0 : i32
        %dma_wait3A_349 = arith.constant 0 : i32
        %dma_wait3A_350 = tpu.memref_slice %arg10[%dma_wait3A_348, %dma_wait3A_349] : memref<10112x128xf32, #tpu.memory_space<vmem_shared>> -> memref<10112x128xf32, #tpu.memory_space<vmem_shared>>
        tpu.wait_indirect_dma semaphore(%arg17 : memref<!tpu.dma_semaphore, #tpu.memory_space<semaphore_mem>>) src(%dma_wait3A_344 : memref<64x128xf32, #tpu.memory_space<vmem>>) dst(%dma_wait3A_350 : memref<10112x128xf32, #tpu.memory_space<vmem_shared>>)
        %add3A_351 = arith.constant 4 : i32
        %add3A_352 = arith.addi %mul3A_228, %add3A_351 : i32
        %add3A_353 = arith.constant 2 : i32
        %add3A_354 = arith.addi %add3A_352, %add3A_353 : i32
        %lt3A_355 = arith.constant 64 : i32
        %lt3A_356 = arith.cmpi slt, %add3A_354, %lt3A_355 : i32
        %convert_element_type3A_357 = arith.extui %lt3A_356 : i1 to i32
        %cond3A_358 = arith.constant 0 : i32
        %cond3A_359 = arith.cmpi ne, %convert_element_type3A_357, %cond3A_358 : i32
        scf.if %cond3A_359 {
          %add3A_379 = arith.constant 4 : i32
          %add3A_380 = arith.addi %mul3A_228, %add3A_379 : i32
          %add3A_381 = arith.constant 2 : i32
          %add3A_382 = arith.addi %add3A_380, %add3A_381 : i32
          %mul3A_383 = arith.constant 64 : i32
          %mul3A_384 = arith.muli %add3A_382, %mul3A_383 : i32
          %dma_start3A_385 = arith.constant 128 : i32
          %dma_start3A_386 = arith.constant 0 : i32
          %dma_start3A_387 = tpu.memref_slice %arg9[%dma_start3A_385, %dma_start3A_386] : memref<256x128xf32, #tpu.memory_space<vmem>> -> memref<64x128xf32, #tpu.memory_space<vmem>>
          %dma_start3A_388 = tpu.memref_slice %arg7[%mul3A_384] : memref<4096xi32, #tpu.memory_space<vmem>> -> memref<64xi32, #tpu.memory_space<vmem>>
          %dma_start3A_389 = arith.constant 0 : i32
          %dma_start3A_390 = arith.constant 0 : i32
          %dma_start3A_391 = tpu.memref_slice %arg2[%dma_start3A_389, %dma_start3A_390] : memref<10112x128xf32, #tpu.memory_space<hbm>> -> memref<10112x128xf32, #tpu.memory_space<hbm>>
          tpu.enqueue_indirect_dma source(%dma_start3A_391 : memref<10112x128xf32, #tpu.memory_space<hbm>>) target(%dma_start3A_387 : memref<64x128xf32, #tpu.memory_space<vmem>>) offsets(%dma_start3A_388 : memref<64xi32, #tpu.memory_space<vmem>>) semaphore(%arg13 : memref<!tpu.dma_semaphore, #tpu.memory_space<semaphore_mem>>)
        } else {
        }
        %dma_wait3A_360 = arith.constant 0 : i32
        %dma_wait3A_361 = arith.constant 192 : i32
        %dma_wait3A_362 = arith.constant 0 : i32
        %dma_wait3A_363 = tpu.memref_slice %arg9[%dma_wait3A_361, %dma_wait3A_362] : memref<256x128xf32, #tpu.memory_space<vmem>> -> memref<64x128xf32, #tpu.memory_space<vmem>>
        %dma_wait3A_364 = arith.constant 0 : i32
        %dma_wait3A_365 = tpu.memref_slice %arg8[%dma_wait3A_360, %dma_wait3A_364] : memref<64x64xi32, #tpu.memory_space<vmem>> -> memref<1x64xi32, #tpu.memory_space<vmem>>
        %dma_wait3A_366 = tpu.memref_squeeze %dma_wait3A_365 : memref<1x64xi32, #tpu.memory_space<vmem>> -> memref<64xi32, #tpu.memory_space<vmem>>
        %dma_wait3A_367 = arith.constant 0 : i32
        %dma_wait3A_368 = arith.constant 0 : i32
        %dma_wait3A_369 = tpu.memref_slice %arg10[%dma_wait3A_367, %dma_wait3A_368] : memref<10112x128xf32, #tpu.memory_space<vmem_shared>> -> memref<10112x128xf32, #tpu.memory_space<vmem_shared>>
        tpu.wait_indirect_dma semaphore(%arg18 : memref<!tpu.dma_semaphore, #tpu.memory_space<semaphore_mem>>) src(%dma_wait3A_363 : memref<64x128xf32, #tpu.memory_space<vmem>>) dst(%dma_wait3A_369 : memref<10112x128xf32, #tpu.memory_space<vmem_shared>>)
        %add3A_370 = arith.constant 4 : i32
        %add3A_371 = arith.addi %mul3A_228, %add3A_370 : i32
        %add3A_372 = arith.constant 3 : i32
        %add3A_373 = arith.addi %add3A_371, %add3A_372 : i32
        %lt3A_374 = arith.constant 64 : i32
        %lt3A_375 = arith.cmpi slt, %add3A_373, %lt3A_374 : i32
        %convert_element_type3A_376 = arith.extui %lt3A_375 : i1 to i32
        %cond3A_377 = arith.constant 0 : i32
        %cond3A_378 = arith.cmpi ne, %convert_element_type3A_376, %cond3A_377 : i32
        scf.if %cond3A_378 {
          %add3A_379 = arith.constant 4 : i32
          %add3A_380 = arith.addi %mul3A_228, %add3A_379 : i32
          %add3A_381 = arith.constant 3 : i32
          %add3A_382 = arith.addi %add3A_380, %add3A_381 : i32
          %mul3A_383 = arith.constant 64 : i32
          %mul3A_384 = arith.muli %add3A_382, %mul3A_383 : i32
          %dma_start3A_385 = arith.constant 192 : i32
          %dma_start3A_386 = arith.constant 0 : i32
          %dma_start3A_387 = tpu.memref_slice %arg9[%dma_start3A_385, %dma_start3A_386] : memref<256x128xf32, #tpu.memory_space<vmem>> -> memref<64x128xf32, #tpu.memory_space<vmem>>
          %dma_start3A_388 = tpu.memref_slice %arg7[%mul3A_384] : memref<4096xi32, #tpu.memory_space<vmem>> -> memref<64xi32, #tpu.memory_space<vmem>>
          %dma_start3A_389 = arith.constant 0 : i32
          %dma_start3A_390 = arith.constant 0 : i32
          %dma_start3A_391 = tpu.memref_slice %arg2[%dma_start3A_389, %dma_start3A_390] : memref<10112x128xf32, #tpu.memory_space<hbm>> -> memref<10112x128xf32, #tpu.memory_space<hbm>>
          tpu.enqueue_indirect_dma source(%dma_start3A_391 : memref<10112x128xf32, #tpu.memory_space<hbm>>) target(%dma_start3A_387 : memref<64x128xf32, #tpu.memory_space<vmem>>) offsets(%dma_start3A_388 : memref<64xi32, #tpu.memory_space<vmem>>) semaphore(%arg14 : memref<!tpu.dma_semaphore, #tpu.memory_space<semaphore_mem>>)
        } else {
        }
      }
      %scan3A_93 = arith.constant 16 : i32
      %mul3A_94 = arith.constant 320 : i32
      %mul3A_95 = arith.muli %arg1, %mul3A_94 : i32
      %add3A_96 = arith.constant 128 : i32
      %add3A_97 = arith.addi %mul3A_95, %add3A_96 : i32
      %mul3A_98 = arith.constant 64 : i32
      %mul3A_99 = arith.muli %add3A_97, %mul3A_98 : i32
      "tpu.region"() ({
        %run_scoped3A = tpu.sem_alloc : memref<!tpu.dma_semaphore, #tpu.memory_space<semaphore_mem>>
        %dma_start3A_226 = arith.constant 0 : i32
        %dma_start3A_227 = tpu.memref_slice %arg7[%dma_start3A_226] : memref<4096xi32, #tpu.memory_space<vmem>> -> memref<4096xi32, #tpu.memory_space<vmem>>
        %dma_start3A_228 = tpu.memref_slice %arg3[%mul3A_99] : memref<327680xi32, #tpu.memory_space<hbm>> -> memref<4096xi32, #tpu.memory_space<hbm>>
        %dma_start3A_229 = arith.constant 0 : i32
        %dma_start3A_230 = tpu.memref_slice %arg7[%dma_start3A_229] : memref<4096xi32, #tpu.memory_space<vmem>> -> memref<4096xi32, #tpu.memory_space<vmem>>
        %dma_start3A_231 = tpu.memref_slice %arg3[%mul3A_99] : memref<327680xi32, #tpu.memory_space<hbm>> -> memref<4096xi32, #tpu.memory_space<hbm>>
        tpu.enqueue_dma source(%dma_start3A_231 : memref<4096xi32, #tpu.memory_space<hbm>>) target(%dma_start3A_230 : memref<4096xi32, #tpu.memory_space<vmem>>) target_semaphore(%run_scoped3A : memref<!tpu.dma_semaphore, #tpu.memory_space<semaphore_mem>>)
        %dma_wait3A = arith.constant 0 : i32
        %dma_wait3A_232 = tpu.memref_slice %arg7[%dma_wait3A] : memref<4096xi32, #tpu.memory_space<vmem>> -> memref<4096xi32, #tpu.memory_space<vmem>>
        %dma_wait3A_233 = tpu.memref_slice %arg3[%mul3A_99] : memref<327680xi32, #tpu.memory_space<hbm>> -> memref<4096xi32, #tpu.memory_space<hbm>>
        %dma_wait3A_234 = arith.constant 0 : i32
        %dma_wait3A_235 = tpu.memref_slice %arg7[%dma_wait3A_234] : memref<4096xi32, #tpu.memory_space<vmem>> -> memref<4096xi32, #tpu.memory_space<vmem>>
        %dma_wait3A_236 = tpu.memref_slice %arg3[%mul3A_99] : memref<327680xi32, #tpu.memory_space<hbm>> -> memref<4096xi32, #tpu.memory_space<hbm>>
        tpu.wait_dma2 semaphore(%run_scoped3A : memref<!tpu.dma_semaphore, #tpu.memory_space<semaphore_mem>>) src(%dma_wait3A_236 : memref<4096xi32, #tpu.memory_space<hbm>>) dst(%dma_wait3A_235 : memref<4096xi32, #tpu.memory_space<vmem>>)
        tpu.yield
      }) : () -> ()
      "tpu.region"() ({
        %run_scoped3A = tpu.sem_alloc : memref<!tpu.dma_semaphore, #tpu.memory_space<semaphore_mem>>
        %dma_start3A_226 = arith.constant 0 : i32
        %dma_start3A_227 = arith.constant 0 : i32
        %dma_start3A_228 = tpu.memref_slice %arg8[%dma_start3A_226, %dma_start3A_227] : memref<64x64xi32, #tpu.memory_space<vmem>> -> memref<64x64xi32, #tpu.memory_space<vmem>>
        %dma_start3A_229 = arith.constant 0 : i32
        %dma_start3A_230 = tpu.memref_slice %arg4[%add3A_97, %dma_start3A_229] : memref<5120x64xi32, #tpu.memory_space<hbm>> -> memref<64x64xi32, #tpu.memory_space<hbm>>
        %dma_start3A_231 = arith.constant 0 : i32
        %dma_start3A_232 = arith.constant 0 : i32
        %dma_start3A_233 = tpu.memref_slice %arg8[%dma_start3A_231, %dma_start3A_232] : memref<64x64xi32, #tpu.memory_space<vmem>> -> memref<64x64xi32, #tpu.memory_space<vmem>>
        %dma_start3A_234 = arith.constant 0 : i32
        %dma_start3A_235 = tpu.memref_slice %arg4[%add3A_97, %dma_start3A_234] : memref<5120x64xi32, #tpu.memory_space<hbm>> -> memref<64x64xi32, #tpu.memory_space<hbm>>
        tpu.enqueue_dma source(%dma_start3A_235 : memref<64x64xi32, #tpu.memory_space<hbm>>) target(%dma_start3A_233 : memref<64x64xi32, #tpu.memory_space<vmem>>) target_semaphore(%run_scoped3A : memref<!tpu.dma_semaphore, #tpu.memory_space<semaphore_mem>>)
        %dma_wait3A = arith.constant 0 : i32
        %dma_wait3A_236 = arith.constant 0 : i32
        %dma_wait3A_237 = tpu.memref_slice %arg8[%dma_wait3A, %dma_wait3A_236] : memref<64x64xi32, #tpu.memory_space<vmem>> -> memref<64x64xi32, #tpu.memory_space<vmem>>
        %dma_wait3A_238 = arith.constant 0 : i32
        %dma_wait3A_239 = tpu.memref_slice %arg4[%add3A_97, %dma_wait3A_238] : memref<5120x64xi32, #tpu.memory_space<hbm>> -> memref<64x64xi32, #tpu.memory_space<hbm>>
        %dma_wait3A_240 = arith.constant 0 : i32
        %dma_wait3A_241 = arith.constant 0 : i32
        %dma_wait3A_242 = tpu.memref_slice %arg8[%dma_wait3A_240, %dma_wait3A_241] : memref<64x64xi32, #tpu.memory_space<vmem>> -> memref<64x64xi32, #tpu.memory_space<vmem>>
        %dma_wait3A_243 = arith.constant 0 : i32
        %dma_wait3A_244 = tpu.memref_slice %arg4[%add3A_97, %dma_wait3A_243] : memref<5120x64xi32, #tpu.memory_space<hbm>> -> memref<64x64xi32, #tpu.memory_space<hbm>>
        tpu.wait_dma2 semaphore(%run_scoped3A : memref<!tpu.dma_semaphore, #tpu.memory_space<semaphore_mem>>) src(%dma_wait3A_244 : memref<64x64xi32, #tpu.memory_space<hbm>>) dst(%dma_wait3A_242 : memref<64x64xi32, #tpu.memory_space<vmem>>)
        tpu.yield
      }) : () -> ()
      %dma_start3A_100 = arith.constant 0 : i32
      %dma_start3A_101 = arith.constant 0 : i32
      %dma_start3A_102 = tpu.memref_slice %arg9[%dma_start3A_100, %dma_start3A_101] : memref<256x128xf32, #tpu.memory_space<vmem>> -> memref<64x128xf32, #tpu.memory_space<vmem>>
      %dma_start3A_103 = arith.constant 0 : i32
      %dma_start3A_104 = tpu.memref_slice %arg7[%dma_start3A_103] : memref<4096xi32, #tpu.memory_space<vmem>> -> memref<64xi32, #tpu.memory_space<vmem>>
      %dma_start3A_105 = arith.constant 0 : i32
      %dma_start3A_106 = arith.constant 0 : i32
      %dma_start3A_107 = tpu.memref_slice %arg2[%dma_start3A_105, %dma_start3A_106] : memref<10112x128xf32, #tpu.memory_space<hbm>> -> memref<10112x128xf32, #tpu.memory_space<hbm>>
      tpu.enqueue_indirect_dma source(%dma_start3A_107 : memref<10112x128xf32, #tpu.memory_space<hbm>>) target(%dma_start3A_102 : memref<64x128xf32, #tpu.memory_space<vmem>>) offsets(%dma_start3A_104 : memref<64xi32, #tpu.memory_space<vmem>>) semaphore(%arg11 : memref<!tpu.dma_semaphore, #tpu.memory_space<semaphore_mem>>)
      %dma_start3A_108 = arith.constant 64 : i32
      %dma_start3A_109 = arith.constant 0 : i32
      %dma_start3A_110 = tpu.memref_slice %arg9[%dma_start3A_108, %dma_start3A_109] : memref<256x128xf32, #tpu.memory_space<vmem>> -> memref<64x128xf32, #tpu.memory_space<vmem>>
      %dma_start3A_111 = arith.constant 64 : i32
      %dma_start3A_112 = tpu.memref_slice %arg7[%dma_start3A_111] : memref<4096xi32, #tpu.memory_space<vmem>> -> memref<64xi32, #tpu.memory_space<vmem>>
      %dma_start3A_113 = arith.constant 0 : i32
      %dma_start3A_114 = arith.constant 0 : i32
      %dma_start3A_115 = tpu.memref_slice %arg2[%dma_start3A_113, %dma_start3A_114] : memref<10112x128xf32, #tpu.memory_space<hbm>> -> memref<10112x128xf32, #tpu.memory_space<hbm>>
      tpu.enqueue_indirect_dma source(%dma_start3A_115 : memref<10112x128xf32, #tpu.memory_space<hbm>>) target(%dma_start3A_110 : memref<64x128xf32, #tpu.memory_space<vmem>>) offsets(%dma_start3A_112 : memref<64xi32, #tpu.memory_space<vmem>>) semaphore(%arg12 : memref<!tpu.dma_semaphore, #tpu.memory_space<semaphore_mem>>)
      %dma_start3A_116 = arith.constant 128 : i32
      %dma_start3A_117 = arith.constant 0 : i32
      %dma_start3A_118 = tpu.memref_slice %arg9[%dma_start3A_116, %dma_start3A_117] : memref<256x128xf32, #tpu.memory_space<vmem>> -> memref<64x128xf32, #tpu.memory_space<vmem>>
      %dma_start3A_119 = arith.constant 128 : i32
      %dma_start3A_120 = tpu.memref_slice %arg7[%dma_start3A_119] : memref<4096xi32, #tpu.memory_space<vmem>> -> memref<64xi32, #tpu.memory_space<vmem>>
      %dma_start3A_121 = arith.constant 0 : i32
      %dma_start3A_122 = arith.constant 0 : i32
      %dma_start3A_123 = tpu.memref_slice %arg2[%dma_start3A_121, %dma_start3A_122] : memref<10112x128xf32, #tpu.memory_space<hbm>> -> memref<10112x128xf32, #tpu.memory_space<hbm>>
      tpu.enqueue_indirect_dma source(%dma_start3A_123 : memref<10112x128xf32, #tpu.memory_space<hbm>>) target(%dma_start3A_118 : memref<64x128xf32, #tpu.memory_space<vmem>>) offsets(%dma_start3A_120 : memref<64xi32, #tpu.memory_space<vmem>>) semaphore(%arg13 : memref<!tpu.dma_semaphore, #tpu.memory_space<semaphore_mem>>)
      %dma_start3A_124 = arith.constant 192 : i32
      %dma_start3A_125 = arith.constant 0 : i32
      %dma_start3A_126 = tpu.memref_slice %arg9[%dma_start3A_124, %dma_start3A_125] : memref<256x128xf32, #tpu.memory_space<vmem>> -> memref<64x128xf32, #tpu.memory_space<vmem>>
      %dma_start3A_127 = arith.constant 192 : i32
      %dma_start3A_128 = tpu.memref_slice %arg7[%dma_start3A_127] : memref<4096xi32, #tpu.memory_space<vmem>> -> memref<64xi32, #tpu.memory_space<vmem>>
      %dma_start3A_129 = arith.constant 0 : i32
      %dma_start3A_130 = arith.constant 0 : i32
      %dma_start3A_131 = tpu.memref_slice %arg2[%dma_start3A_129, %dma_start3A_130] : memref<10112x128xf32, #tpu.memory_space<hbm>> -> memref<10112x128xf32, #tpu.memory_space<hbm>>
      tpu.enqueue_indirect_dma source(%dma_start3A_131 : memref<10112x128xf32, #tpu.memory_space<hbm>>) target(%dma_start3A_126 : memref<64x128xf32, #tpu.memory_space<vmem>>) offsets(%dma_start3A_128 : memref<64xi32, #tpu.memory_space<vmem>>) semaphore(%arg14 : memref<!tpu.dma_semaphore, #tpu.memory_space<semaphore_mem>>)
      %scan3A_132 = arith.constant 0 : i32
      %scan3A_133 = arith.constant 0 : i32
      %scan3A_134 = arith.constant 16 : i32
      %scan3A_135 = arith.addi %scan3A_133, %scan3A_134 : i32
      %scan3A_136 = arith.constant 1 : i32
      scf.for %scan3A_226 = %scan3A_133 to %scan3A_135 step %scan3A_136  : i32 {
        %mul3A_227 = arith.constant 4 : i32
        %mul3A_228 = arith.muli %mul3A_227, %scan3A_226 : i32
        %dma_wait3A = arith.constant 0 : i32
        %dma_wait3A_229 = arith.constant 0 : i32
        %dma_wait3A_230 = tpu.memref_slice %arg9[%dma_wait3A, %dma_wait3A_229] : memref<256x128xf32, #tpu.memory_space<vmem>> -> memref<64x128xf32, #tpu.memory_space<vmem>>
        %dma_wait3A_231 = arith.constant 0 : i32
        %dma_wait3A_232 = tpu.memref_slice %arg7[%dma_wait3A_231] : memref<4096xi32, #tpu.memory_space<vmem>> -> memref<64xi32, #tpu.memory_space<vmem>>
        %dma_wait3A_233 = arith.constant 0 : i32
        %dma_wait3A_234 = arith.constant 0 : i32
        %dma_wait3A_235 = tpu.memref_slice %arg2[%dma_wait3A_233, %dma_wait3A_234] : memref<10112x128xf32, #tpu.memory_space<hbm>> -> memref<10112x128xf32, #tpu.memory_space<hbm>>
        tpu.wait_indirect_dma semaphore(%arg11 : memref<!tpu.dma_semaphore, #tpu.memory_space<semaphore_mem>>) src(%dma_wait3A_235 : memref<10112x128xf32, #tpu.memory_space<hbm>>) dst(%dma_wait3A_230 : memref<64x128xf32, #tpu.memory_space<vmem>>)
        %add3A_236 = arith.constant 0 : i32
        %add3A_237 = arith.addi %mul3A_228, %add3A_236 : i32
        %dma_start3A_238 = arith.constant 0 : i32
        %dma_start3A_239 = arith.constant 0 : i32
        %dma_start3A_240 = tpu.memref_slice %arg9[%dma_start3A_238, %dma_start3A_239] : memref<256x128xf32, #tpu.memory_space<vmem>> -> memref<64x128xf32, #tpu.memory_space<vmem>>
        %dma_start3A_241 = arith.constant 0 : i32
        %dma_start3A_242 = tpu.memref_slice %arg8[%add3A_237, %dma_start3A_241] : memref<64x64xi32, #tpu.memory_space<vmem>> -> memref<1x64xi32, #tpu.memory_space<vmem>>
        %dma_start3A_243 = tpu.memref_squeeze %dma_start3A_242 : memref<1x64xi32, #tpu.memory_space<vmem>> -> memref<64xi32, #tpu.memory_space<vmem>>
        %dma_start3A_244 = arith.constant 0 : i32
        %dma_start3A_245 = arith.constant 0 : i32
        %dma_start3A_246 = tpu.memref_slice %arg10[%dma_start3A_244, %dma_start3A_245] : memref<10112x128xf32, #tpu.memory_space<vmem_shared>> -> memref<10112x128xf32, #tpu.memory_space<vmem_shared>>
        tpu.enqueue_indirect_dma source(%dma_start3A_240 : memref<64x128xf32, #tpu.memory_space<vmem>>) target(%dma_start3A_246 : memref<10112x128xf32, #tpu.memory_space<vmem_shared>>) offsets(%dma_start3A_243 : memref<64xi32, #tpu.memory_space<vmem>>) semaphore(%arg15 : memref<!tpu.dma_semaphore, #tpu.memory_space<semaphore_mem>>) {add = true}
        %dma_wait3A_247 = arith.constant 64 : i32
        %dma_wait3A_248 = arith.constant 0 : i32
        %dma_wait3A_249 = tpu.memref_slice %arg9[%dma_wait3A_247, %dma_wait3A_248] : memref<256x128xf32, #tpu.memory_space<vmem>> -> memref<64x128xf32, #tpu.memory_space<vmem>>
        %dma_wait3A_250 = arith.constant 0 : i32
        %dma_wait3A_251 = tpu.memref_slice %arg7[%dma_wait3A_250] : memref<4096xi32, #tpu.memory_space<vmem>> -> memref<64xi32, #tpu.memory_space<vmem>>
        %dma_wait3A_252 = arith.constant 0 : i32
        %dma_wait3A_253 = arith.constant 0 : i32
        %dma_wait3A_254 = tpu.memref_slice %arg2[%dma_wait3A_252, %dma_wait3A_253] : memref<10112x128xf32, #tpu.memory_space<hbm>> -> memref<10112x128xf32, #tpu.memory_space<hbm>>
        tpu.wait_indirect_dma semaphore(%arg12 : memref<!tpu.dma_semaphore, #tpu.memory_space<semaphore_mem>>) src(%dma_wait3A_254 : memref<10112x128xf32, #tpu.memory_space<hbm>>) dst(%dma_wait3A_249 : memref<64x128xf32, #tpu.memory_space<vmem>>)
        %add3A_255 = arith.constant 1 : i32
        %add3A_256 = arith.addi %mul3A_228, %add3A_255 : i32
        %dma_start3A_257 = arith.constant 64 : i32
        %dma_start3A_258 = arith.constant 0 : i32
        %dma_start3A_259 = tpu.memref_slice %arg9[%dma_start3A_257, %dma_start3A_258] : memref<256x128xf32, #tpu.memory_space<vmem>> -> memref<64x128xf32, #tpu.memory_space<vmem>>
        %dma_start3A_260 = arith.constant 0 : i32
        %dma_start3A_261 = tpu.memref_slice %arg8[%add3A_256, %dma_start3A_260] : memref<64x64xi32, #tpu.memory_space<vmem>> -> memref<1x64xi32, #tpu.memory_space<vmem>>
        %dma_start3A_262 = tpu.memref_squeeze %dma_start3A_261 : memref<1x64xi32, #tpu.memory_space<vmem>> -> memref<64xi32, #tpu.memory_space<vmem>>
        %dma_start3A_263 = arith.constant 0 : i32
        %dma_start3A_264 = arith.constant 0 : i32
        %dma_start3A_265 = tpu.memref_slice %arg10[%dma_start3A_263, %dma_start3A_264] : memref<10112x128xf32, #tpu.memory_space<vmem_shared>> -> memref<10112x128xf32, #tpu.memory_space<vmem_shared>>
        tpu.enqueue_indirect_dma source(%dma_start3A_259 : memref<64x128xf32, #tpu.memory_space<vmem>>) target(%dma_start3A_265 : memref<10112x128xf32, #tpu.memory_space<vmem_shared>>) offsets(%dma_start3A_262 : memref<64xi32, #tpu.memory_space<vmem>>) semaphore(%arg16 : memref<!tpu.dma_semaphore, #tpu.memory_space<semaphore_mem>>) {add = true}
        %dma_wait3A_266 = arith.constant 128 : i32
        %dma_wait3A_267 = arith.constant 0 : i32
        %dma_wait3A_268 = tpu.memref_slice %arg9[%dma_wait3A_266, %dma_wait3A_267] : memref<256x128xf32, #tpu.memory_space<vmem>> -> memref<64x128xf32, #tpu.memory_space<vmem>>
        %dma_wait3A_269 = arith.constant 0 : i32
        %dma_wait3A_270 = tpu.memref_slice %arg7[%dma_wait3A_269] : memref<4096xi32, #tpu.memory_space<vmem>> -> memref<64xi32, #tpu.memory_space<vmem>>
        %dma_wait3A_271 = arith.constant 0 : i32
        %dma_wait3A_272 = arith.constant 0 : i32
        %dma_wait3A_273 = tpu.memref_slice %arg2[%dma_wait3A_271, %dma_wait3A_272] : memref<10112x128xf32, #tpu.memory_space<hbm>> -> memref<10112x128xf32, #tpu.memory_space<hbm>>
        tpu.wait_indirect_dma semaphore(%arg13 : memref<!tpu.dma_semaphore, #tpu.memory_space<semaphore_mem>>) src(%dma_wait3A_273 : memref<10112x128xf32, #tpu.memory_space<hbm>>) dst(%dma_wait3A_268 : memref<64x128xf32, #tpu.memory_space<vmem>>)
        %add3A_274 = arith.constant 2 : i32
        %add3A_275 = arith.addi %mul3A_228, %add3A_274 : i32
        %dma_start3A_276 = arith.constant 128 : i32
        %dma_start3A_277 = arith.constant 0 : i32
        %dma_start3A_278 = tpu.memref_slice %arg9[%dma_start3A_276, %dma_start3A_277] : memref<256x128xf32, #tpu.memory_space<vmem>> -> memref<64x128xf32, #tpu.memory_space<vmem>>
        %dma_start3A_279 = arith.constant 0 : i32
        %dma_start3A_280 = tpu.memref_slice %arg8[%add3A_275, %dma_start3A_279] : memref<64x64xi32, #tpu.memory_space<vmem>> -> memref<1x64xi32, #tpu.memory_space<vmem>>
        %dma_start3A_281 = tpu.memref_squeeze %dma_start3A_280 : memref<1x64xi32, #tpu.memory_space<vmem>> -> memref<64xi32, #tpu.memory_space<vmem>>
        %dma_start3A_282 = arith.constant 0 : i32
        %dma_start3A_283 = arith.constant 0 : i32
        %dma_start3A_284 = tpu.memref_slice %arg10[%dma_start3A_282, %dma_start3A_283] : memref<10112x128xf32, #tpu.memory_space<vmem_shared>> -> memref<10112x128xf32, #tpu.memory_space<vmem_shared>>
        tpu.enqueue_indirect_dma source(%dma_start3A_278 : memref<64x128xf32, #tpu.memory_space<vmem>>) target(%dma_start3A_284 : memref<10112x128xf32, #tpu.memory_space<vmem_shared>>) offsets(%dma_start3A_281 : memref<64xi32, #tpu.memory_space<vmem>>) semaphore(%arg17 : memref<!tpu.dma_semaphore, #tpu.memory_space<semaphore_mem>>) {add = true}
        %dma_wait3A_285 = arith.constant 192 : i32
        %dma_wait3A_286 = arith.constant 0 : i32
        %dma_wait3A_287 = tpu.memref_slice %arg9[%dma_wait3A_285, %dma_wait3A_286] : memref<256x128xf32, #tpu.memory_space<vmem>> -> memref<64x128xf32, #tpu.memory_space<vmem>>
        %dma_wait3A_288 = arith.constant 0 : i32
        %dma_wait3A_289 = tpu.memref_slice %arg7[%dma_wait3A_288] : memref<4096xi32, #tpu.memory_space<vmem>> -> memref<64xi32, #tpu.memory_space<vmem>>
        %dma_wait3A_290 = arith.constant 0 : i32
        %dma_wait3A_291 = arith.constant 0 : i32
        %dma_wait3A_292 = tpu.memref_slice %arg2[%dma_wait3A_290, %dma_wait3A_291] : memref<10112x128xf32, #tpu.memory_space<hbm>> -> memref<10112x128xf32, #tpu.memory_space<hbm>>
        tpu.wait_indirect_dma semaphore(%arg14 : memref<!tpu.dma_semaphore, #tpu.memory_space<semaphore_mem>>) src(%dma_wait3A_292 : memref<10112x128xf32, #tpu.memory_space<hbm>>) dst(%dma_wait3A_287 : memref<64x128xf32, #tpu.memory_space<vmem>>)
        %add3A_293 = arith.constant 3 : i32
        %add3A_294 = arith.addi %mul3A_228, %add3A_293 : i32
        %dma_start3A_295 = arith.constant 192 : i32
        %dma_start3A_296 = arith.constant 0 : i32
        %dma_start3A_297 = tpu.memref_slice %arg9[%dma_start3A_295, %dma_start3A_296] : memref<256x128xf32, #tpu.memory_space<vmem>> -> memref<64x128xf32, #tpu.memory_space<vmem>>
        %dma_start3A_298 = arith.constant 0 : i32
        %dma_start3A_299 = tpu.memref_slice %arg8[%add3A_294, %dma_start3A_298] : memref<64x64xi32, #tpu.memory_space<vmem>> -> memref<1x64xi32, #tpu.memory_space<vmem>>
        %dma_start3A_300 = tpu.memref_squeeze %dma_start3A_299 : memref<1x64xi32, #tpu.memory_space<vmem>> -> memref<64xi32, #tpu.memory_space<vmem>>
        %dma_start3A_301 = arith.constant 0 : i32
        %dma_start3A_302 = arith.constant 0 : i32
        %dma_start3A_303 = tpu.memref_slice %arg10[%dma_start3A_301, %dma_start3A_302] : memref<10112x128xf32, #tpu.memory_space<vmem_shared>> -> memref<10112x128xf32, #tpu.memory_space<vmem_shared>>
        tpu.enqueue_indirect_dma source(%dma_start3A_297 : memref<64x128xf32, #tpu.memory_space<vmem>>) target(%dma_start3A_303 : memref<10112x128xf32, #tpu.memory_space<vmem_shared>>) offsets(%dma_start3A_300 : memref<64xi32, #tpu.memory_space<vmem>>) semaphore(%arg18 : memref<!tpu.dma_semaphore, #tpu.memory_space<semaphore_mem>>) {add = true}
        %dma_wait3A_304 = arith.constant 0 : i32
        %dma_wait3A_305 = arith.constant 0 : i32
        %dma_wait3A_306 = arith.constant 0 : i32
        %dma_wait3A_307 = tpu.memref_slice %arg9[%dma_wait3A_305, %dma_wait3A_306] : memref<256x128xf32, #tpu.memory_space<vmem>> -> memref<64x128xf32, #tpu.memory_space<vmem>>
        %dma_wait3A_308 = arith.constant 0 : i32
        %dma_wait3A_309 = tpu.memref_slice %arg8[%dma_wait3A_304, %dma_wait3A_308] : memref<64x64xi32, #tpu.memory_space<vmem>> -> memref<1x64xi32, #tpu.memory_space<vmem>>
        %dma_wait3A_310 = tpu.memref_squeeze %dma_wait3A_309 : memref<1x64xi32, #tpu.memory_space<vmem>> -> memref<64xi32, #tpu.memory_space<vmem>>
        %dma_wait3A_311 = arith.constant 0 : i32
        %dma_wait3A_312 = arith.constant 0 : i32
        %dma_wait3A_313 = tpu.memref_slice %arg10[%dma_wait3A_311, %dma_wait3A_312] : memref<10112x128xf32, #tpu.memory_space<vmem_shared>> -> memref<10112x128xf32, #tpu.memory_space<vmem_shared>>
        tpu.wait_indirect_dma semaphore(%arg15 : memref<!tpu.dma_semaphore, #tpu.memory_space<semaphore_mem>>) src(%dma_wait3A_307 : memref<64x128xf32, #tpu.memory_space<vmem>>) dst(%dma_wait3A_313 : memref<10112x128xf32, #tpu.memory_space<vmem_shared>>)
        %add3A_314 = arith.constant 4 : i32
        %add3A_315 = arith.addi %mul3A_228, %add3A_314 : i32
        %add3A_316 = arith.constant 0 : i32
        %add3A_317 = arith.addi %add3A_315, %add3A_316 : i32
        %lt3A = arith.constant 64 : i32
        %lt3A_318 = arith.cmpi slt, %add3A_317, %lt3A : i32
        %convert_element_type3A_319 = arith.extui %lt3A_318 : i1 to i32
        %cond3A_320 = arith.constant 0 : i32
        %cond3A_321 = arith.cmpi ne, %convert_element_type3A_319, %cond3A_320 : i32
        scf.if %cond3A_321 {
          %add3A_379 = arith.constant 4 : i32
          %add3A_380 = arith.addi %mul3A_228, %add3A_379 : i32
          %add3A_381 = arith.constant 0 : i32
          %add3A_382 = arith.addi %add3A_380, %add3A_381 : i32
          %mul3A_383 = arith.constant 64 : i32
          %mul3A_384 = arith.muli %add3A_382, %mul3A_383 : i32
          %dma_start3A_385 = arith.constant 0 : i32
          %dma_start3A_386 = arith.constant 0 : i32
          %dma_start3A_387 = tpu.memref_slice %arg9[%dma_start3A_385, %dma_start3A_386] : memref<256x128xf32, #tpu.memory_space<vmem>> -> memref<64x128xf32, #tpu.memory_space<vmem>>
          %dma_start3A_388 = tpu.memref_slice %arg7[%mul3A_384] : memref<4096xi32, #tpu.memory_space<vmem>> -> memref<64xi32, #tpu.memory_space<vmem>>
          %dma_start3A_389 = arith.constant 0 : i32
          %dma_start3A_390 = arith.constant 0 : i32
          %dma_start3A_391 = tpu.memref_slice %arg2[%dma_start3A_389, %dma_start3A_390] : memref<10112x128xf32, #tpu.memory_space<hbm>> -> memref<10112x128xf32, #tpu.memory_space<hbm>>
          tpu.enqueue_indirect_dma source(%dma_start3A_391 : memref<10112x128xf32, #tpu.memory_space<hbm>>) target(%dma_start3A_387 : memref<64x128xf32, #tpu.memory_space<vmem>>) offsets(%dma_start3A_388 : memref<64xi32, #tpu.memory_space<vmem>>) semaphore(%arg11 : memref<!tpu.dma_semaphore, #tpu.memory_space<semaphore_mem>>)
        } else {
        }
        %dma_wait3A_322 = arith.constant 0 : i32
        %dma_wait3A_323 = arith.constant 64 : i32
        %dma_wait3A_324 = arith.constant 0 : i32
        %dma_wait3A_325 = tpu.memref_slice %arg9[%dma_wait3A_323, %dma_wait3A_324] : memref<256x128xf32, #tpu.memory_space<vmem>> -> memref<64x128xf32, #tpu.memory_space<vmem>>
        %dma_wait3A_326 = arith.constant 0 : i32
        %dma_wait3A_327 = tpu.memref_slice %arg8[%dma_wait3A_322, %dma_wait3A_326] : memref<64x64xi32, #tpu.memory_space<vmem>> -> memref<1x64xi32, #tpu.memory_space<vmem>>
        %dma_wait3A_328 = tpu.memref_squeeze %dma_wait3A_327 : memref<1x64xi32, #tpu.memory_space<vmem>> -> memref<64xi32, #tpu.memory_space<vmem>>
        %dma_wait3A_329 = arith.constant 0 : i32
        %dma_wait3A_330 = arith.constant 0 : i32
        %dma_wait3A_331 = tpu.memref_slice %arg10[%dma_wait3A_329, %dma_wait3A_330] : memref<10112x128xf32, #tpu.memory_space<vmem_shared>> -> memref<10112x128xf32, #tpu.memory_space<vmem_shared>>
        tpu.wait_indirect_dma semaphore(%arg16 : memref<!tpu.dma_semaphore, #tpu.memory_space<semaphore_mem>>) src(%dma_wait3A_325 : memref<64x128xf32, #tpu.memory_space<vmem>>) dst(%dma_wait3A_331 : memref<10112x128xf32, #tpu.memory_space<vmem_shared>>)
        %add3A_332 = arith.constant 4 : i32
        %add3A_333 = arith.addi %mul3A_228, %add3A_332 : i32
        %add3A_334 = arith.constant 1 : i32
        %add3A_335 = arith.addi %add3A_333, %add3A_334 : i32
        %lt3A_336 = arith.constant 64 : i32
        %lt3A_337 = arith.cmpi slt, %add3A_335, %lt3A_336 : i32
        %convert_element_type3A_338 = arith.extui %lt3A_337 : i1 to i32
        %cond3A_339 = arith.constant 0 : i32
        %cond3A_340 = arith.cmpi ne, %convert_element_type3A_338, %cond3A_339 : i32
        scf.if %cond3A_340 {
          %add3A_379 = arith.constant 4 : i32
          %add3A_380 = arith.addi %mul3A_228, %add3A_379 : i32
          %add3A_381 = arith.constant 1 : i32
          %add3A_382 = arith.addi %add3A_380, %add3A_381 : i32
          %mul3A_383 = arith.constant 64 : i32
          %mul3A_384 = arith.muli %add3A_382, %mul3A_383 : i32
          %dma_start3A_385 = arith.constant 64 : i32
          %dma_start3A_386 = arith.constant 0 : i32
          %dma_start3A_387 = tpu.memref_slice %arg9[%dma_start3A_385, %dma_start3A_386] : memref<256x128xf32, #tpu.memory_space<vmem>> -> memref<64x128xf32, #tpu.memory_space<vmem>>
          %dma_start3A_388 = tpu.memref_slice %arg7[%mul3A_384] : memref<4096xi32, #tpu.memory_space<vmem>> -> memref<64xi32, #tpu.memory_space<vmem>>
          %dma_start3A_389 = arith.constant 0 : i32
          %dma_start3A_390 = arith.constant 0 : i32
          %dma_start3A_391 = tpu.memref_slice %arg2[%dma_start3A_389, %dma_start3A_390] : memref<10112x128xf32, #tpu.memory_space<hbm>> -> memref<10112x128xf32, #tpu.memory_space<hbm>>
          tpu.enqueue_indirect_dma source(%dma_start3A_391 : memref<10112x128xf32, #tpu.memory_space<hbm>>) target(%dma_start3A_387 : memref<64x128xf32, #tpu.memory_space<vmem>>) offsets(%dma_start3A_388 : memref<64xi32, #tpu.memory_space<vmem>>) semaphore(%arg12 : memref<!tpu.dma_semaphore, #tpu.memory_space<semaphore_mem>>)
        } else {
        }
        %dma_wait3A_341 = arith.constant 0 : i32
        %dma_wait3A_342 = arith.constant 128 : i32
        %dma_wait3A_343 = arith.constant 0 : i32
        %dma_wait3A_344 = tpu.memref_slice %arg9[%dma_wait3A_342, %dma_wait3A_343] : memref<256x128xf32, #tpu.memory_space<vmem>> -> memref<64x128xf32, #tpu.memory_space<vmem>>
        %dma_wait3A_345 = arith.constant 0 : i32
        %dma_wait3A_346 = tpu.memref_slice %arg8[%dma_wait3A_341, %dma_wait3A_345] : memref<64x64xi32, #tpu.memory_space<vmem>> -> memref<1x64xi32, #tpu.memory_space<vmem>>
        %dma_wait3A_347 = tpu.memref_squeeze %dma_wait3A_346 : memref<1x64xi32, #tpu.memory_space<vmem>> -> memref<64xi32, #tpu.memory_space<vmem>>
        %dma_wait3A_348 = arith.constant 0 : i32
        %dma_wait3A_349 = arith.constant 0 : i32
        %dma_wait3A_350 = tpu.memref_slice %arg10[%dma_wait3A_348, %dma_wait3A_349] : memref<10112x128xf32, #tpu.memory_space<vmem_shared>> -> memref<10112x128xf32, #tpu.memory_space<vmem_shared>>
        tpu.wait_indirect_dma semaphore(%arg17 : memref<!tpu.dma_semaphore, #tpu.memory_space<semaphore_mem>>) src(%dma_wait3A_344 : memref<64x128xf32, #tpu.memory_space<vmem>>) dst(%dma_wait3A_350 : memref<10112x128xf32, #tpu.memory_space<vmem_shared>>)
        %add3A_351 = arith.constant 4 : i32
        %add3A_352 = arith.addi %mul3A_228, %add3A_351 : i32
        %add3A_353 = arith.constant 2 : i32
        %add3A_354 = arith.addi %add3A_352, %add3A_353 : i32
        %lt3A_355 = arith.constant 64 : i32
        %lt3A_356 = arith.cmpi slt, %add3A_354, %lt3A_355 : i32
        %convert_element_type3A_357 = arith.extui %lt3A_356 : i1 to i32
        %cond3A_358 = arith.constant 0 : i32
        %cond3A_359 = arith.cmpi ne, %convert_element_type3A_357, %cond3A_358 : i32
        scf.if %cond3A_359 {
          %add3A_379 = arith.constant 4 : i32
          %add3A_380 = arith.addi %mul3A_228, %add3A_379 : i32
          %add3A_381 = arith.constant 2 : i32
          %add3A_382 = arith.addi %add3A_380, %add3A_381 : i32
          %mul3A_383 = arith.constant 64 : i32
          %mul3A_384 = arith.muli %add3A_382, %mul3A_383 : i32
          %dma_start3A_385 = arith.constant 128 : i32
          %dma_start3A_386 = arith.constant 0 : i32
          %dma_start3A_387 = tpu.memref_slice %arg9[%dma_start3A_385, %dma_start3A_386] : memref<256x128xf32, #tpu.memory_space<vmem>> -> memref<64x128xf32, #tpu.memory_space<vmem>>
          %dma_start3A_388 = tpu.memref_slice %arg7[%mul3A_384] : memref<4096xi32, #tpu.memory_space<vmem>> -> memref<64xi32, #tpu.memory_space<vmem>>
          %dma_start3A_389 = arith.constant 0 : i32
          %dma_start3A_390 = arith.constant 0 : i32
          %dma_start3A_391 = tpu.memref_slice %arg2[%dma_start3A_389, %dma_start3A_390] : memref<10112x128xf32, #tpu.memory_space<hbm>> -> memref<10112x128xf32, #tpu.memory_space<hbm>>
          tpu.enqueue_indirect_dma source(%dma_start3A_391 : memref<10112x128xf32, #tpu.memory_space<hbm>>) target(%dma_start3A_387 : memref<64x128xf32, #tpu.memory_space<vmem>>) offsets(%dma_start3A_388 : memref<64xi32, #tpu.memory_space<vmem>>) semaphore(%arg13 : memref<!tpu.dma_semaphore, #tpu.memory_space<semaphore_mem>>)
        } else {
        }
        %dma_wait3A_360 = arith.constant 0 : i32
        %dma_wait3A_361 = arith.constant 192 : i32
        %dma_wait3A_362 = arith.constant 0 : i32
        %dma_wait3A_363 = tpu.memref_slice %arg9[%dma_wait3A_361, %dma_wait3A_362] : memref<256x128xf32, #tpu.memory_space<vmem>> -> memref<64x128xf32, #tpu.memory_space<vmem>>
        %dma_wait3A_364 = arith.constant 0 : i32
        %dma_wait3A_365 = tpu.memref_slice %arg8[%dma_wait3A_360, %dma_wait3A_364] : memref<64x64xi32, #tpu.memory_space<vmem>> -> memref<1x64xi32, #tpu.memory_space<vmem>>
        %dma_wait3A_366 = tpu.memref_squeeze %dma_wait3A_365 : memref<1x64xi32, #tpu.memory_space<vmem>> -> memref<64xi32, #tpu.memory_space<vmem>>
        %dma_wait3A_367 = arith.constant 0 : i32
        %dma_wait3A_368 = arith.constant 0 : i32
        %dma_wait3A_369 = tpu.memref_slice %arg10[%dma_wait3A_367, %dma_wait3A_368] : memref<10112x128xf32, #tpu.memory_space<vmem_shared>> -> memref<10112x128xf32, #tpu.memory_space<vmem_shared>>
        tpu.wait_indirect_dma semaphore(%arg18 : memref<!tpu.dma_semaphore, #tpu.memory_space<semaphore_mem>>) src(%dma_wait3A_363 : memref<64x128xf32, #tpu.memory_space<vmem>>) dst(%dma_wait3A_369 : memref<10112x128xf32, #tpu.memory_space<vmem_shared>>)
        %add3A_370 = arith.constant 4 : i32
        %add3A_371 = arith.addi %mul3A_228, %add3A_370 : i32
        %add3A_372 = arith.constant 3 : i32
        %add3A_373 = arith.addi %add3A_371, %add3A_372 : i32
        %lt3A_374 = arith.constant 64 : i32
        %lt3A_375 = arith.cmpi slt, %add3A_373, %lt3A_374 : i32
        %convert_element_type3A_376 = arith.extui %lt3A_375 : i1 to i32
        %cond3A_377 = arith.constant 0 : i32
        %cond3A_378 = arith.cmpi ne, %convert_element_type3A_376, %cond3A_377 : i32
        scf.if %cond3A_378 {
          %add3A_379 = arith.constant 4 : i32
          %add3A_380 = arith.addi %mul3A_228, %add3A_379 : i32
          %add3A_381 = arith.constant 3 : i32
          %add3A_382 = arith.addi %add3A_380, %add3A_381 : i32
          %mul3A_383 = arith.constant 64 : i32
          %mul3A_384 = arith.muli %add3A_382, %mul3A_383 : i32
          %dma_start3A_385 = arith.constant 192 : i32
          %dma_start3A_386 = arith.constant 0 : i32
          %dma_start3A_387 = tpu.memref_slice %arg9[%dma_start3A_385, %dma_start3A_386] : memref<256x128xf32, #tpu.memory_space<vmem>> -> memref<64x128xf32, #tpu.memory_space<vmem>>
          %dma_start3A_388 = tpu.memref_slice %arg7[%mul3A_384] : memref<4096xi32, #tpu.memory_space<vmem>> -> memref<64xi32, #tpu.memory_space<vmem>>
          %dma_start3A_389 = arith.constant 0 : i32
          %dma_start3A_390 = arith.constant 0 : i32
          %dma_start3A_391 = tpu.memref_slice %arg2[%dma_start3A_389, %dma_start3A_390] : memref<10112x128xf32, #tpu.memory_space<hbm>> -> memref<10112x128xf32, #tpu.memory_space<hbm>>
          tpu.enqueue_indirect_dma source(%dma_start3A_391 : memref<10112x128xf32, #tpu.memory_space<hbm>>) target(%dma_start3A_387 : memref<64x128xf32, #tpu.memory_space<vmem>>) offsets(%dma_start3A_388 : memref<64xi32, #tpu.memory_space<vmem>>) semaphore(%arg14 : memref<!tpu.dma_semaphore, #tpu.memory_space<semaphore_mem>>)
        } else {
        }
      }
      %scan3A_137 = arith.constant 16 : i32
      %mul3A_138 = arith.constant 320 : i32
      %mul3A_139 = arith.muli %arg1, %mul3A_138 : i32
      %add3A_140 = arith.constant 192 : i32
      %add3A_141 = arith.addi %mul3A_139, %add3A_140 : i32
      %mul3A_142 = arith.constant 64 : i32
      %mul3A_143 = arith.muli %add3A_141, %mul3A_142 : i32
      "tpu.region"() ({
        %run_scoped3A = tpu.sem_alloc : memref<!tpu.dma_semaphore, #tpu.memory_space<semaphore_mem>>
        %dma_start3A_226 = arith.constant 0 : i32
        %dma_start3A_227 = tpu.memref_slice %arg7[%dma_start3A_226] : memref<4096xi32, #tpu.memory_space<vmem>> -> memref<4096xi32, #tpu.memory_space<vmem>>
        %dma_start3A_228 = tpu.memref_slice %arg3[%mul3A_143] : memref<327680xi32, #tpu.memory_space<hbm>> -> memref<4096xi32, #tpu.memory_space<hbm>>
        %dma_start3A_229 = arith.constant 0 : i32
        %dma_start3A_230 = tpu.memref_slice %arg7[%dma_start3A_229] : memref<4096xi32, #tpu.memory_space<vmem>> -> memref<4096xi32, #tpu.memory_space<vmem>>
        %dma_start3A_231 = tpu.memref_slice %arg3[%mul3A_143] : memref<327680xi32, #tpu.memory_space<hbm>> -> memref<4096xi32, #tpu.memory_space<hbm>>
        tpu.enqueue_dma source(%dma_start3A_231 : memref<4096xi32, #tpu.memory_space<hbm>>) target(%dma_start3A_230 : memref<4096xi32, #tpu.memory_space<vmem>>) target_semaphore(%run_scoped3A : memref<!tpu.dma_semaphore, #tpu.memory_space<semaphore_mem>>)
        %dma_wait3A = arith.constant 0 : i32
        %dma_wait3A_232 = tpu.memref_slice %arg7[%dma_wait3A] : memref<4096xi32, #tpu.memory_space<vmem>> -> memref<4096xi32, #tpu.memory_space<vmem>>
        %dma_wait3A_233 = tpu.memref_slice %arg3[%mul3A_143] : memref<327680xi32, #tpu.memory_space<hbm>> -> memref<4096xi32, #tpu.memory_space<hbm>>
        %dma_wait3A_234 = arith.constant 0 : i32
        %dma_wait3A_235 = tpu.memref_slice %arg7[%dma_wait3A_234] : memref<4096xi32, #tpu.memory_space<vmem>> -> memref<4096xi32, #tpu.memory_space<vmem>>
        %dma_wait3A_236 = tpu.memref_slice %arg3[%mul3A_143] : memref<327680xi32, #tpu.memory_space<hbm>> -> memref<4096xi32, #tpu.memory_space<hbm>>
        tpu.wait_dma2 semaphore(%run_scoped3A : memref<!tpu.dma_semaphore, #tpu.memory_space<semaphore_mem>>) src(%dma_wait3A_236 : memref<4096xi32, #tpu.memory_space<hbm>>) dst(%dma_wait3A_235 : memref<4096xi32, #tpu.memory_space<vmem>>)
        tpu.yield
      }) : () -> ()
      "tpu.region"() ({
        %run_scoped3A = tpu.sem_alloc : memref<!tpu.dma_semaphore, #tpu.memory_space<semaphore_mem>>
        %dma_start3A_226 = arith.constant 0 : i32
        %dma_start3A_227 = arith.constant 0 : i32
        %dma_start3A_228 = tpu.memref_slice %arg8[%dma_start3A_226, %dma_start3A_227] : memref<64x64xi32, #tpu.memory_space<vmem>> -> memref<64x64xi32, #tpu.memory_space<vmem>>
        %dma_start3A_229 = arith.constant 0 : i32
        %dma_start3A_230 = tpu.memref_slice %arg4[%add3A_141, %dma_start3A_229] : memref<5120x64xi32, #tpu.memory_space<hbm>> -> memref<64x64xi32, #tpu.memory_space<hbm>>
        %dma_start3A_231 = arith.constant 0 : i32
        %dma_start3A_232 = arith.constant 0 : i32
        %dma_start3A_233 = tpu.memref_slice %arg8[%dma_start3A_231, %dma_start3A_232] : memref<64x64xi32, #tpu.memory_space<vmem>> -> memref<64x64xi32, #tpu.memory_space<vmem>>
        %dma_start3A_234 = arith.constant 0 : i32
        %dma_start3A_235 = tpu.memref_slice %arg4[%add3A_141, %dma_start3A_234] : memref<5120x64xi32, #tpu.memory_space<hbm>> -> memref<64x64xi32, #tpu.memory_space<hbm>>
        tpu.enqueue_dma source(%dma_start3A_235 : memref<64x64xi32, #tpu.memory_space<hbm>>) target(%dma_start3A_233 : memref<64x64xi32, #tpu.memory_space<vmem>>) target_semaphore(%run_scoped3A : memref<!tpu.dma_semaphore, #tpu.memory_space<semaphore_mem>>)
        %dma_wait3A = arith.constant 0 : i32
        %dma_wait3A_236 = arith.constant 0 : i32
        %dma_wait3A_237 = tpu.memref_slice %arg8[%dma_wait3A, %dma_wait3A_236] : memref<64x64xi32, #tpu.memory_space<vmem>> -> memref<64x64xi32, #tpu.memory_space<vmem>>
        %dma_wait3A_238 = arith.constant 0 : i32
        %dma_wait3A_239 = tpu.memref_slice %arg4[%add3A_141, %dma_wait3A_238] : memref<5120x64xi32, #tpu.memory_space<hbm>> -> memref<64x64xi32, #tpu.memory_space<hbm>>
        %dma_wait3A_240 = arith.constant 0 : i32
        %dma_wait3A_241 = arith.constant 0 : i32
        %dma_wait3A_242 = tpu.memref_slice %arg8[%dma_wait3A_240, %dma_wait3A_241] : memref<64x64xi32, #tpu.memory_space<vmem>> -> memref<64x64xi32, #tpu.memory_space<vmem>>
        %dma_wait3A_243 = arith.constant 0 : i32
        %dma_wait3A_244 = tpu.memref_slice %arg4[%add3A_141, %dma_wait3A_243] : memref<5120x64xi32, #tpu.memory_space<hbm>> -> memref<64x64xi32, #tpu.memory_space<hbm>>
        tpu.wait_dma2 semaphore(%run_scoped3A : memref<!tpu.dma_semaphore, #tpu.memory_space<semaphore_mem>>) src(%dma_wait3A_244 : memref<64x64xi32, #tpu.memory_space<hbm>>) dst(%dma_wait3A_242 : memref<64x64xi32, #tpu.memory_space<vmem>>)
        tpu.yield
      }) : () -> ()
      %dma_start3A_144 = arith.constant 0 : i32
      %dma_start3A_145 = arith.constant 0 : i32
      %dma_start3A_146 = tpu.memref_slice %arg9[%dma_start3A_144, %dma_start3A_145] : memref<256x128xf32, #tpu.memory_space<vmem>> -> memref<64x128xf32, #tpu.memory_space<vmem>>
      %dma_start3A_147 = arith.constant 0 : i32
      %dma_start3A_148 = tpu.memref_slice %arg7[%dma_start3A_147] : memref<4096xi32, #tpu.memory_space<vmem>> -> memref<64xi32, #tpu.memory_space<vmem>>
      %dma_start3A_149 = arith.constant 0 : i32
      %dma_start3A_150 = arith.constant 0 : i32
      %dma_start3A_151 = tpu.memref_slice %arg2[%dma_start3A_149, %dma_start3A_150] : memref<10112x128xf32, #tpu.memory_space<hbm>> -> memref<10112x128xf32, #tpu.memory_space<hbm>>
      tpu.enqueue_indirect_dma source(%dma_start3A_151 : memref<10112x128xf32, #tpu.memory_space<hbm>>) target(%dma_start3A_146 : memref<64x128xf32, #tpu.memory_space<vmem>>) offsets(%dma_start3A_148 : memref<64xi32, #tpu.memory_space<vmem>>) semaphore(%arg11 : memref<!tpu.dma_semaphore, #tpu.memory_space<semaphore_mem>>)
      %dma_start3A_152 = arith.constant 64 : i32
      %dma_start3A_153 = arith.constant 0 : i32
      %dma_start3A_154 = tpu.memref_slice %arg9[%dma_start3A_152, %dma_start3A_153] : memref<256x128xf32, #tpu.memory_space<vmem>> -> memref<64x128xf32, #tpu.memory_space<vmem>>
      %dma_start3A_155 = arith.constant 64 : i32
      %dma_start3A_156 = tpu.memref_slice %arg7[%dma_start3A_155] : memref<4096xi32, #tpu.memory_space<vmem>> -> memref<64xi32, #tpu.memory_space<vmem>>
      %dma_start3A_157 = arith.constant 0 : i32
      %dma_start3A_158 = arith.constant 0 : i32
      %dma_start3A_159 = tpu.memref_slice %arg2[%dma_start3A_157, %dma_start3A_158] : memref<10112x128xf32, #tpu.memory_space<hbm>> -> memref<10112x128xf32, #tpu.memory_space<hbm>>
      tpu.enqueue_indirect_dma source(%dma_start3A_159 : memref<10112x128xf32, #tpu.memory_space<hbm>>) target(%dma_start3A_154 : memref<64x128xf32, #tpu.memory_space<vmem>>) offsets(%dma_start3A_156 : memref<64xi32, #tpu.memory_space<vmem>>) semaphore(%arg12 : memref<!tpu.dma_semaphore, #tpu.memory_space<semaphore_mem>>)
      %dma_start3A_160 = arith.constant 128 : i32
      %dma_start3A_161 = arith.constant 0 : i32
      %dma_start3A_162 = tpu.memref_slice %arg9[%dma_start3A_160, %dma_start3A_161] : memref<256x128xf32, #tpu.memory_space<vmem>> -> memref<64x128xf32, #tpu.memory_space<vmem>>
      %dma_start3A_163 = arith.constant 128 : i32
      %dma_start3A_164 = tpu.memref_slice %arg7[%dma_start3A_163] : memref<4096xi32, #tpu.memory_space<vmem>> -> memref<64xi32, #tpu.memory_space<vmem>>
      %dma_start3A_165 = arith.constant 0 : i32
      %dma_start3A_166 = arith.constant 0 : i32
      %dma_start3A_167 = tpu.memref_slice %arg2[%dma_start3A_165, %dma_start3A_166] : memref<10112x128xf32, #tpu.memory_space<hbm>> -> memref<10112x128xf32, #tpu.memory_space<hbm>>
      tpu.enqueue_indirect_dma source(%dma_start3A_167 : memref<10112x128xf32, #tpu.memory_space<hbm>>) target(%dma_start3A_162 : memref<64x128xf32, #tpu.memory_space<vmem>>) offsets(%dma_start3A_164 : memref<64xi32, #tpu.memory_space<vmem>>) semaphore(%arg13 : memref<!tpu.dma_semaphore, #tpu.memory_space<semaphore_mem>>)
      %dma_start3A_168 = arith.constant 192 : i32
      %dma_start3A_169 = arith.constant 0 : i32
      %dma_start3A_170 = tpu.memref_slice %arg9[%dma_start3A_168, %dma_start3A_169] : memref<256x128xf32, #tpu.memory_space<vmem>> -> memref<64x128xf32, #tpu.memory_space<vmem>>
      %dma_start3A_171 = arith.constant 192 : i32
      %dma_start3A_172 = tpu.memref_slice %arg7[%dma_start3A_171] : memref<4096xi32, #tpu.memory_space<vmem>> -> memref<64xi32, #tpu.memory_space<vmem>>
      %dma_start3A_173 = arith.constant 0 : i32
      %dma_start3A_174 = arith.constant 0 : i32
      %dma_start3A_175 = tpu.memref_slice %arg2[%dma_start3A_173, %dma_start3A_174] : memref<10112x128xf32, #tpu.memory_space<hbm>> -> memref<10112x128xf32, #tpu.memory_space<hbm>>
      tpu.enqueue_indirect_dma source(%dma_start3A_175 : memref<10112x128xf32, #tpu.memory_space<hbm>>) target(%dma_start3A_170 : memref<64x128xf32, #tpu.memory_space<vmem>>) offsets(%dma_start3A_172 : memref<64xi32, #tpu.memory_space<vmem>>) semaphore(%arg14 : memref<!tpu.dma_semaphore, #tpu.memory_space<semaphore_mem>>)
      %scan3A_176 = arith.constant 0 : i32
      %scan3A_177 = arith.constant 0 : i32
      %scan3A_178 = arith.constant 16 : i32
      %scan3A_179 = arith.addi %scan3A_177, %scan3A_178 : i32
      %scan3A_180 = arith.constant 1 : i32
      scf.for %scan3A_226 = %scan3A_177 to %scan3A_179 step %scan3A_180  : i32 {
        %mul3A_227 = arith.constant 4 : i32
        %mul3A_228 = arith.muli %mul3A_227, %scan3A_226 : i32
        %dma_wait3A = arith.constant 0 : i32
        %dma_wait3A_229 = arith.constant 0 : i32
        %dma_wait3A_230 = tpu.memref_slice %arg9[%dma_wait3A, %dma_wait3A_229] : memref<256x128xf32, #tpu.memory_space<vmem>> -> memref<64x128xf32, #tpu.memory_space<vmem>>
        %dma_wait3A_231 = arith.constant 0 : i32
        %dma_wait3A_232 = tpu.memref_slice %arg7[%dma_wait3A_231] : memref<4096xi32, #tpu.memory_space<vmem>> -> memref<64xi32, #tpu.memory_space<vmem>>
        %dma_wait3A_233 = arith.constant 0 : i32
        %dma_wait3A_234 = arith.constant 0 : i32
        %dma_wait3A_235 = tpu.memref_slice %arg2[%dma_wait3A_233, %dma_wait3A_234] : memref<10112x128xf32, #tpu.memory_space<hbm>> -> memref<10112x128xf32, #tpu.memory_space<hbm>>
        tpu.wait_indirect_dma semaphore(%arg11 : memref<!tpu.dma_semaphore, #tpu.memory_space<semaphore_mem>>) src(%dma_wait3A_235 : memref<10112x128xf32, #tpu.memory_space<hbm>>) dst(%dma_wait3A_230 : memref<64x128xf32, #tpu.memory_space<vmem>>)
        %add3A_236 = arith.constant 0 : i32
        %add3A_237 = arith.addi %mul3A_228, %add3A_236 : i32
        %dma_start3A_238 = arith.constant 0 : i32
        %dma_start3A_239 = arith.constant 0 : i32
        %dma_start3A_240 = tpu.memref_slice %arg9[%dma_start3A_238, %dma_start3A_239] : memref<256x128xf32, #tpu.memory_space<vmem>> -> memref<64x128xf32, #tpu.memory_space<vmem>>
        %dma_start3A_241 = arith.constant 0 : i32
        %dma_start3A_242 = tpu.memref_slice %arg8[%add3A_237, %dma_start3A_241] : memref<64x64xi32, #tpu.memory_space<vmem>> -> memref<1x64xi32, #tpu.memory_space<vmem>>
        %dma_start3A_243 = tpu.memref_squeeze %dma_start3A_242 : memref<1x64xi32, #tpu.memory_space<vmem>> -> memref<64xi32, #tpu.memory_space<vmem>>
        %dma_start3A_244 = arith.constant 0 : i32
        %dma_start3A_245 = arith.constant 0 : i32
        %dma_start3A_246 = tpu.memref_slice %arg10[%dma_start3A_244, %dma_start3A_245] : memref<10112x128xf32, #tpu.memory_space<vmem_shared>> -> memref<10112x128xf32, #tpu.memory_space<vmem_shared>>
        tpu.enqueue_indirect_dma source(%dma_start3A_240 : memref<64x128xf32, #tpu.memory_space<vmem>>) target(%dma_start3A_246 : memref<10112x128xf32, #tpu.memory_space<vmem_shared>>) offsets(%dma_start3A_243 : memref<64xi32, #tpu.memory_space<vmem>>) semaphore(%arg15 : memref<!tpu.dma_semaphore, #tpu.memory_space<semaphore_mem>>) {add = true}
        %dma_wait3A_247 = arith.constant 64 : i32
        %dma_wait3A_248 = arith.constant 0 : i32
        %dma_wait3A_249 = tpu.memref_slice %arg9[%dma_wait3A_247, %dma_wait3A_248] : memref<256x128xf32, #tpu.memory_space<vmem>> -> memref<64x128xf32, #tpu.memory_space<vmem>>
        %dma_wait3A_250 = arith.constant 0 : i32
        %dma_wait3A_251 = tpu.memref_slice %arg7[%dma_wait3A_250] : memref<4096xi32, #tpu.memory_space<vmem>> -> memref<64xi32, #tpu.memory_space<vmem>>
        %dma_wait3A_252 = arith.constant 0 : i32
        %dma_wait3A_253 = arith.constant 0 : i32
        %dma_wait3A_254 = tpu.memref_slice %arg2[%dma_wait3A_252, %dma_wait3A_253] : memref<10112x128xf32, #tpu.memory_space<hbm>> -> memref<10112x128xf32, #tpu.memory_space<hbm>>
        tpu.wait_indirect_dma semaphore(%arg12 : memref<!tpu.dma_semaphore, #tpu.memory_space<semaphore_mem>>) src(%dma_wait3A_254 : memref<10112x128xf32, #tpu.memory_space<hbm>>) dst(%dma_wait3A_249 : memref<64x128xf32, #tpu.memory_space<vmem>>)
        %add3A_255 = arith.constant 1 : i32
        %add3A_256 = arith.addi %mul3A_228, %add3A_255 : i32
        %dma_start3A_257 = arith.constant 64 : i32
        %dma_start3A_258 = arith.constant 0 : i32
        %dma_start3A_259 = tpu.memref_slice %arg9[%dma_start3A_257, %dma_start3A_258] : memref<256x128xf32, #tpu.memory_space<vmem>> -> memref<64x128xf32, #tpu.memory_space<vmem>>
        %dma_start3A_260 = arith.constant 0 : i32
        %dma_start3A_261 = tpu.memref_slice %arg8[%add3A_256, %dma_start3A_260] : memref<64x64xi32, #tpu.memory_space<vmem>> -> memref<1x64xi32, #tpu.memory_space<vmem>>
        %dma_start3A_262 = tpu.memref_squeeze %dma_start3A_261 : memref<1x64xi32, #tpu.memory_space<vmem>> -> memref<64xi32, #tpu.memory_space<vmem>>
        %dma_start3A_263 = arith.constant 0 : i32
        %dma_start3A_264 = arith.constant 0 : i32
        %dma_start3A_265 = tpu.memref_slice %arg10[%dma_start3A_263, %dma_start3A_264] : memref<10112x128xf32, #tpu.memory_space<vmem_shared>> -> memref<10112x128xf32, #tpu.memory_space<vmem_shared>>
        tpu.enqueue_indirect_dma source(%dma_start3A_259 : memref<64x128xf32, #tpu.memory_space<vmem>>) target(%dma_start3A_265 : memref<10112x128xf32, #tpu.memory_space<vmem_shared>>) offsets(%dma_start3A_262 : memref<64xi32, #tpu.memory_space<vmem>>) semaphore(%arg16 : memref<!tpu.dma_semaphore, #tpu.memory_space<semaphore_mem>>) {add = true}
        %dma_wait3A_266 = arith.constant 128 : i32
        %dma_wait3A_267 = arith.constant 0 : i32
        %dma_wait3A_268 = tpu.memref_slice %arg9[%dma_wait3A_266, %dma_wait3A_267] : memref<256x128xf32, #tpu.memory_space<vmem>> -> memref<64x128xf32, #tpu.memory_space<vmem>>
        %dma_wait3A_269 = arith.constant 0 : i32
        %dma_wait3A_270 = tpu.memref_slice %arg7[%dma_wait3A_269] : memref<4096xi32, #tpu.memory_space<vmem>> -> memref<64xi32, #tpu.memory_space<vmem>>
        %dma_wait3A_271 = arith.constant 0 : i32
        %dma_wait3A_272 = arith.constant 0 : i32
        %dma_wait3A_273 = tpu.memref_slice %arg2[%dma_wait3A_271, %dma_wait3A_272] : memref<10112x128xf32, #tpu.memory_space<hbm>> -> memref<10112x128xf32, #tpu.memory_space<hbm>>
        tpu.wait_indirect_dma semaphore(%arg13 : memref<!tpu.dma_semaphore, #tpu.memory_space<semaphore_mem>>) src(%dma_wait3A_273 : memref<10112x128xf32, #tpu.memory_space<hbm>>) dst(%dma_wait3A_268 : memref<64x128xf32, #tpu.memory_space<vmem>>)
        %add3A_274 = arith.constant 2 : i32
        %add3A_275 = arith.addi %mul3A_228, %add3A_274 : i32
        %dma_start3A_276 = arith.constant 128 : i32
        %dma_start3A_277 = arith.constant 0 : i32
        %dma_start3A_278 = tpu.memref_slice %arg9[%dma_start3A_276, %dma_start3A_277] : memref<256x128xf32, #tpu.memory_space<vmem>> -> memref<64x128xf32, #tpu.memory_space<vmem>>
        %dma_start3A_279 = arith.constant 0 : i32
        %dma_start3A_280 = tpu.memref_slice %arg8[%add3A_275, %dma_start3A_279] : memref<64x64xi32, #tpu.memory_space<vmem>> -> memref<1x64xi32, #tpu.memory_space<vmem>>
        %dma_start3A_281 = tpu.memref_squeeze %dma_start3A_280 : memref<1x64xi32, #tpu.memory_space<vmem>> -> memref<64xi32, #tpu.memory_space<vmem>>
        %dma_start3A_282 = arith.constant 0 : i32
        %dma_start3A_283 = arith.constant 0 : i32
        %dma_start3A_284 = tpu.memref_slice %arg10[%dma_start3A_282, %dma_start3A_283] : memref<10112x128xf32, #tpu.memory_space<vmem_shared>> -> memref<10112x128xf32, #tpu.memory_space<vmem_shared>>
        tpu.enqueue_indirect_dma source(%dma_start3A_278 : memref<64x128xf32, #tpu.memory_space<vmem>>) target(%dma_start3A_284 : memref<10112x128xf32, #tpu.memory_space<vmem_shared>>) offsets(%dma_start3A_281 : memref<64xi32, #tpu.memory_space<vmem>>) semaphore(%arg17 : memref<!tpu.dma_semaphore, #tpu.memory_space<semaphore_mem>>) {add = true}
        %dma_wait3A_285 = arith.constant 192 : i32
        %dma_wait3A_286 = arith.constant 0 : i32
        %dma_wait3A_287 = tpu.memref_slice %arg9[%dma_wait3A_285, %dma_wait3A_286] : memref<256x128xf32, #tpu.memory_space<vmem>> -> memref<64x128xf32, #tpu.memory_space<vmem>>
        %dma_wait3A_288 = arith.constant 0 : i32
        %dma_wait3A_289 = tpu.memref_slice %arg7[%dma_wait3A_288] : memref<4096xi32, #tpu.memory_space<vmem>> -> memref<64xi32, #tpu.memory_space<vmem>>
        %dma_wait3A_290 = arith.constant 0 : i32
        %dma_wait3A_291 = arith.constant 0 : i32
        %dma_wait3A_292 = tpu.memref_slice %arg2[%dma_wait3A_290, %dma_wait3A_291] : memref<10112x128xf32, #tpu.memory_space<hbm>> -> memref<10112x128xf32, #tpu.memory_space<hbm>>
        tpu.wait_indirect_dma semaphore(%arg14 : memref<!tpu.dma_semaphore, #tpu.memory_space<semaphore_mem>>) src(%dma_wait3A_292 : memref<10112x128xf32, #tpu.memory_space<hbm>>) dst(%dma_wait3A_287 : memref<64x128xf32, #tpu.memory_space<vmem>>)
        %add3A_293 = arith.constant 3 : i32
        %add3A_294 = arith.addi %mul3A_228, %add3A_293 : i32
        %dma_start3A_295 = arith.constant 192 : i32
        %dma_start3A_296 = arith.constant 0 : i32
        %dma_start3A_297 = tpu.memref_slice %arg9[%dma_start3A_295, %dma_start3A_296] : memref<256x128xf32, #tpu.memory_space<vmem>> -> memref<64x128xf32, #tpu.memory_space<vmem>>
        %dma_start3A_298 = arith.constant 0 : i32
        %dma_start3A_299 = tpu.memref_slice %arg8[%add3A_294, %dma_start3A_298] : memref<64x64xi32, #tpu.memory_space<vmem>> -> memref<1x64xi32, #tpu.memory_space<vmem>>
        %dma_start3A_300 = tpu.memref_squeeze %dma_start3A_299 : memref<1x64xi32, #tpu.memory_space<vmem>> -> memref<64xi32, #tpu.memory_space<vmem>>
        %dma_start3A_301 = arith.constant 0 : i32
        %dma_start3A_302 = arith.constant 0 : i32
        %dma_start3A_303 = tpu.memref_slice %arg10[%dma_start3A_301, %dma_start3A_302] : memref<10112x128xf32, #tpu.memory_space<vmem_shared>> -> memref<10112x128xf32, #tpu.memory_space<vmem_shared>>
        tpu.enqueue_indirect_dma source(%dma_start3A_297 : memref<64x128xf32, #tpu.memory_space<vmem>>) target(%dma_start3A_303 : memref<10112x128xf32, #tpu.memory_space<vmem_shared>>) offsets(%dma_start3A_300 : memref<64xi32, #tpu.memory_space<vmem>>) semaphore(%arg18 : memref<!tpu.dma_semaphore, #tpu.memory_space<semaphore_mem>>) {add = true}
        %dma_wait3A_304 = arith.constant 0 : i32
        %dma_wait3A_305 = arith.constant 0 : i32
        %dma_wait3A_306 = arith.constant 0 : i32
        %dma_wait3A_307 = tpu.memref_slice %arg9[%dma_wait3A_305, %dma_wait3A_306] : memref<256x128xf32, #tpu.memory_space<vmem>> -> memref<64x128xf32, #tpu.memory_space<vmem>>
        %dma_wait3A_308 = arith.constant 0 : i32
        %dma_wait3A_309 = tpu.memref_slice %arg8[%dma_wait3A_304, %dma_wait3A_308] : memref<64x64xi32, #tpu.memory_space<vmem>> -> memref<1x64xi32, #tpu.memory_space<vmem>>
        %dma_wait3A_310 = tpu.memref_squeeze %dma_wait3A_309 : memref<1x64xi32, #tpu.memory_space<vmem>> -> memref<64xi32, #tpu.memory_space<vmem>>
        %dma_wait3A_311 = arith.constant 0 : i32
        %dma_wait3A_312 = arith.constant 0 : i32
        %dma_wait3A_313 = tpu.memref_slice %arg10[%dma_wait3A_311, %dma_wait3A_312] : memref<10112x128xf32, #tpu.memory_space<vmem_shared>> -> memref<10112x128xf32, #tpu.memory_space<vmem_shared>>
        tpu.wait_indirect_dma semaphore(%arg15 : memref<!tpu.dma_semaphore, #tpu.memory_space<semaphore_mem>>) src(%dma_wait3A_307 : memref<64x128xf32, #tpu.memory_space<vmem>>) dst(%dma_wait3A_313 : memref<10112x128xf32, #tpu.memory_space<vmem_shared>>)
        %add3A_314 = arith.constant 4 : i32
        %add3A_315 = arith.addi %mul3A_228, %add3A_314 : i32
        %add3A_316 = arith.constant 0 : i32
        %add3A_317 = arith.addi %add3A_315, %add3A_316 : i32
        %lt3A = arith.constant 64 : i32
        %lt3A_318 = arith.cmpi slt, %add3A_317, %lt3A : i32
        %convert_element_type3A_319 = arith.extui %lt3A_318 : i1 to i32
        %cond3A_320 = arith.constant 0 : i32
        %cond3A_321 = arith.cmpi ne, %convert_element_type3A_319, %cond3A_320 : i32
        scf.if %cond3A_321 {
          %add3A_379 = arith.constant 4 : i32
          %add3A_380 = arith.addi %mul3A_228, %add3A_379 : i32
          %add3A_381 = arith.constant 0 : i32
          %add3A_382 = arith.addi %add3A_380, %add3A_381 : i32
          %mul3A_383 = arith.constant 64 : i32
          %mul3A_384 = arith.muli %add3A_382, %mul3A_383 : i32
          %dma_start3A_385 = arith.constant 0 : i32
          %dma_start3A_386 = arith.constant 0 : i32
          %dma_start3A_387 = tpu.memref_slice %arg9[%dma_start3A_385, %dma_start3A_386] : memref<256x128xf32, #tpu.memory_space<vmem>> -> memref<64x128xf32, #tpu.memory_space<vmem>>
          %dma_start3A_388 = tpu.memref_slice %arg7[%mul3A_384] : memref<4096xi32, #tpu.memory_space<vmem>> -> memref<64xi32, #tpu.memory_space<vmem>>
          %dma_start3A_389 = arith.constant 0 : i32
          %dma_start3A_390 = arith.constant 0 : i32
          %dma_start3A_391 = tpu.memref_slice %arg2[%dma_start3A_389, %dma_start3A_390] : memref<10112x128xf32, #tpu.memory_space<hbm>> -> memref<10112x128xf32, #tpu.memory_space<hbm>>
          tpu.enqueue_indirect_dma source(%dma_start3A_391 : memref<10112x128xf32, #tpu.memory_space<hbm>>) target(%dma_start3A_387 : memref<64x128xf32, #tpu.memory_space<vmem>>) offsets(%dma_start3A_388 : memref<64xi32, #tpu.memory_space<vmem>>) semaphore(%arg11 : memref<!tpu.dma_semaphore, #tpu.memory_space<semaphore_mem>>)
        } else {
        }
        %dma_wait3A_322 = arith.constant 0 : i32
        %dma_wait3A_323 = arith.constant 64 : i32
        %dma_wait3A_324 = arith.constant 0 : i32
        %dma_wait3A_325 = tpu.memref_slice %arg9[%dma_wait3A_323, %dma_wait3A_324] : memref<256x128xf32, #tpu.memory_space<vmem>> -> memref<64x128xf32, #tpu.memory_space<vmem>>
        %dma_wait3A_326 = arith.constant 0 : i32
        %dma_wait3A_327 = tpu.memref_slice %arg8[%dma_wait3A_322, %dma_wait3A_326] : memref<64x64xi32, #tpu.memory_space<vmem>> -> memref<1x64xi32, #tpu.memory_space<vmem>>
        %dma_wait3A_328 = tpu.memref_squeeze %dma_wait3A_327 : memref<1x64xi32, #tpu.memory_space<vmem>> -> memref<64xi32, #tpu.memory_space<vmem>>
        %dma_wait3A_329 = arith.constant 0 : i32
        %dma_wait3A_330 = arith.constant 0 : i32
        %dma_wait3A_331 = tpu.memref_slice %arg10[%dma_wait3A_329, %dma_wait3A_330] : memref<10112x128xf32, #tpu.memory_space<vmem_shared>> -> memref<10112x128xf32, #tpu.memory_space<vmem_shared>>
        tpu.wait_indirect_dma semaphore(%arg16 : memref<!tpu.dma_semaphore, #tpu.memory_space<semaphore_mem>>) src(%dma_wait3A_325 : memref<64x128xf32, #tpu.memory_space<vmem>>) dst(%dma_wait3A_331 : memref<10112x128xf32, #tpu.memory_space<vmem_shared>>)
        %add3A_332 = arith.constant 4 : i32
        %add3A_333 = arith.addi %mul3A_228, %add3A_332 : i32
        %add3A_334 = arith.constant 1 : i32
        %add3A_335 = arith.addi %add3A_333, %add3A_334 : i32
        %lt3A_336 = arith.constant 64 : i32
        %lt3A_337 = arith.cmpi slt, %add3A_335, %lt3A_336 : i32
        %convert_element_type3A_338 = arith.extui %lt3A_337 : i1 to i32
        %cond3A_339 = arith.constant 0 : i32
        %cond3A_340 = arith.cmpi ne, %convert_element_type3A_338, %cond3A_339 : i32
        scf.if %cond3A_340 {
          %add3A_379 = arith.constant 4 : i32
          %add3A_380 = arith.addi %mul3A_228, %add3A_379 : i32
          %add3A_381 = arith.constant 1 : i32
          %add3A_382 = arith.addi %add3A_380, %add3A_381 : i32
          %mul3A_383 = arith.constant 64 : i32
          %mul3A_384 = arith.muli %add3A_382, %mul3A_383 : i32
          %dma_start3A_385 = arith.constant 64 : i32
          %dma_start3A_386 = arith.constant 0 : i32
          %dma_start3A_387 = tpu.memref_slice %arg9[%dma_start3A_385, %dma_start3A_386] : memref<256x128xf32, #tpu.memory_space<vmem>> -> memref<64x128xf32, #tpu.memory_space<vmem>>
          %dma_start3A_388 = tpu.memref_slice %arg7[%mul3A_384] : memref<4096xi32, #tpu.memory_space<vmem>> -> memref<64xi32, #tpu.memory_space<vmem>>
          %dma_start3A_389 = arith.constant 0 : i32
          %dma_start3A_390 = arith.constant 0 : i32
          %dma_start3A_391 = tpu.memref_slice %arg2[%dma_start3A_389, %dma_start3A_390] : memref<10112x128xf32, #tpu.memory_space<hbm>> -> memref<10112x128xf32, #tpu.memory_space<hbm>>
          tpu.enqueue_indirect_dma source(%dma_start3A_391 : memref<10112x128xf32, #tpu.memory_space<hbm>>) target(%dma_start3A_387 : memref<64x128xf32, #tpu.memory_space<vmem>>) offsets(%dma_start3A_388 : memref<64xi32, #tpu.memory_space<vmem>>) semaphore(%arg12 : memref<!tpu.dma_semaphore, #tpu.memory_space<semaphore_mem>>)
        } else {
        }
        %dma_wait3A_341 = arith.constant 0 : i32
        %dma_wait3A_342 = arith.constant 128 : i32
        %dma_wait3A_343 = arith.constant 0 : i32
        %dma_wait3A_344 = tpu.memref_slice %arg9[%dma_wait3A_342, %dma_wait3A_343] : memref<256x128xf32, #tpu.memory_space<vmem>> -> memref<64x128xf32, #tpu.memory_space<vmem>>
        %dma_wait3A_345 = arith.constant 0 : i32
        %dma_wait3A_346 = tpu.memref_slice %arg8[%dma_wait3A_341, %dma_wait3A_345] : memref<64x64xi32, #tpu.memory_space<vmem>> -> memref<1x64xi32, #tpu.memory_space<vmem>>
        %dma_wait3A_347 = tpu.memref_squeeze %dma_wait3A_346 : memref<1x64xi32, #tpu.memory_space<vmem>> -> memref<64xi32, #tpu.memory_space<vmem>>
        %dma_wait3A_348 = arith.constant 0 : i32
        %dma_wait3A_349 = arith.constant 0 : i32
        %dma_wait3A_350 = tpu.memref_slice %arg10[%dma_wait3A_348, %dma_wait3A_349] : memref<10112x128xf32, #tpu.memory_space<vmem_shared>> -> memref<10112x128xf32, #tpu.memory_space<vmem_shared>>
        tpu.wait_indirect_dma semaphore(%arg17 : memref<!tpu.dma_semaphore, #tpu.memory_space<semaphore_mem>>) src(%dma_wait3A_344 : memref<64x128xf32, #tpu.memory_space<vmem>>) dst(%dma_wait3A_350 : memref<10112x128xf32, #tpu.memory_space<vmem_shared>>)
        %add3A_351 = arith.constant 4 : i32
        %add3A_352 = arith.addi %mul3A_228, %add3A_351 : i32
        %add3A_353 = arith.constant 2 : i32
        %add3A_354 = arith.addi %add3A_352, %add3A_353 : i32
        %lt3A_355 = arith.constant 64 : i32
        %lt3A_356 = arith.cmpi slt, %add3A_354, %lt3A_355 : i32
        %convert_element_type3A_357 = arith.extui %lt3A_356 : i1 to i32
        %cond3A_358 = arith.constant 0 : i32
        %cond3A_359 = arith.cmpi ne, %convert_element_type3A_357, %cond3A_358 : i32
        scf.if %cond3A_359 {
          %add3A_379 = arith.constant 4 : i32
          %add3A_380 = arith.addi %mul3A_228, %add3A_379 : i32
          %add3A_381 = arith.constant 2 : i32
          %add3A_382 = arith.addi %add3A_380, %add3A_381 : i32
          %mul3A_383 = arith.constant 64 : i32
          %mul3A_384 = arith.muli %add3A_382, %mul3A_383 : i32
          %dma_start3A_385 = arith.constant 128 : i32
          %dma_start3A_386 = arith.constant 0 : i32
          %dma_start3A_387 = tpu.memref_slice %arg9[%dma_start3A_385, %dma_start3A_386] : memref<256x128xf32, #tpu.memory_space<vmem>> -> memref<64x128xf32, #tpu.memory_space<vmem>>
          %dma_start3A_388 = tpu.memref_slice %arg7[%mul3A_384] : memref<4096xi32, #tpu.memory_space<vmem>> -> memref<64xi32, #tpu.memory_space<vmem>>
          %dma_start3A_389 = arith.constant 0 : i32
          %dma_start3A_390 = arith.constant 0 : i32
          %dma_start3A_391 = tpu.memref_slice %arg2[%dma_start3A_389, %dma_start3A_390] : memref<10112x128xf32, #tpu.memory_space<hbm>> -> memref<10112x128xf32, #tpu.memory_space<hbm>>
          tpu.enqueue_indirect_dma source(%dma_start3A_391 : memref<10112x128xf32, #tpu.memory_space<hbm>>) target(%dma_start3A_387 : memref<64x128xf32, #tpu.memory_space<vmem>>) offsets(%dma_start3A_388 : memref<64xi32, #tpu.memory_space<vmem>>) semaphore(%arg13 : memref<!tpu.dma_semaphore, #tpu.memory_space<semaphore_mem>>)
        } else {
        }
        %dma_wait3A_360 = arith.constant 0 : i32
        %dma_wait3A_361 = arith.constant 192 : i32
        %dma_wait3A_362 = arith.constant 0 : i32
        %dma_wait3A_363 = tpu.memref_slice %arg9[%dma_wait3A_361, %dma_wait3A_362] : memref<256x128xf32, #tpu.memory_space<vmem>> -> memref<64x128xf32, #tpu.memory_space<vmem>>
        %dma_wait3A_364 = arith.constant 0 : i32
        %dma_wait3A_365 = tpu.memref_slice %arg8[%dma_wait3A_360, %dma_wait3A_364] : memref<64x64xi32, #tpu.memory_space<vmem>> -> memref<1x64xi32, #tpu.memory_space<vmem>>
        %dma_wait3A_366 = tpu.memref_squeeze %dma_wait3A_365 : memref<1x64xi32, #tpu.memory_space<vmem>> -> memref<64xi32, #tpu.memory_space<vmem>>
        %dma_wait3A_367 = arith.constant 0 : i32
        %dma_wait3A_368 = arith.constant 0 : i32
        %dma_wait3A_369 = tpu.memref_slice %arg10[%dma_wait3A_367, %dma_wait3A_368] : memref<10112x128xf32, #tpu.memory_space<vmem_shared>> -> memref<10112x128xf32, #tpu.memory_space<vmem_shared>>
        tpu.wait_indirect_dma semaphore(%arg18 : memref<!tpu.dma_semaphore, #tpu.memory_space<semaphore_mem>>) src(%dma_wait3A_363 : memref<64x128xf32, #tpu.memory_space<vmem>>) dst(%dma_wait3A_369 : memref<10112x128xf32, #tpu.memory_space<vmem_shared>>)
        %add3A_370 = arith.constant 4 : i32
        %add3A_371 = arith.addi %mul3A_228, %add3A_370 : i32
        %add3A_372 = arith.constant 3 : i32
        %add3A_373 = arith.addi %add3A_371, %add3A_372 : i32
        %lt3A_374 = arith.constant 64 : i32
        %lt3A_375 = arith.cmpi slt, %add3A_373, %lt3A_374 : i32
        %convert_element_type3A_376 = arith.extui %lt3A_375 : i1 to i32
        %cond3A_377 = arith.constant 0 : i32
        %cond3A_378 = arith.cmpi ne, %convert_element_type3A_376, %cond3A_377 : i32
        scf.if %cond3A_378 {
          %add3A_379 = arith.constant 4 : i32
          %add3A_380 = arith.addi %mul3A_228, %add3A_379 : i32
          %add3A_381 = arith.constant 3 : i32
          %add3A_382 = arith.addi %add3A_380, %add3A_381 : i32
          %mul3A_383 = arith.constant 64 : i32
          %mul3A_384 = arith.muli %add3A_382, %mul3A_383 : i32
          %dma_start3A_385 = arith.constant 192 : i32
          %dma_start3A_386 = arith.constant 0 : i32
          %dma_start3A_387 = tpu.memref_slice %arg9[%dma_start3A_385, %dma_start3A_386] : memref<256x128xf32, #tpu.memory_space<vmem>> -> memref<64x128xf32, #tpu.memory_space<vmem>>
          %dma_start3A_388 = tpu.memref_slice %arg7[%mul3A_384] : memref<4096xi32, #tpu.memory_space<vmem>> -> memref<64xi32, #tpu.memory_space<vmem>>
          %dma_start3A_389 = arith.constant 0 : i32
          %dma_start3A_390 = arith.constant 0 : i32
          %dma_start3A_391 = tpu.memref_slice %arg2[%dma_start3A_389, %dma_start3A_390] : memref<10112x128xf32, #tpu.memory_space<hbm>> -> memref<10112x128xf32, #tpu.memory_space<hbm>>
          tpu.enqueue_indirect_dma source(%dma_start3A_391 : memref<10112x128xf32, #tpu.memory_space<hbm>>) target(%dma_start3A_387 : memref<64x128xf32, #tpu.memory_space<vmem>>) offsets(%dma_start3A_388 : memref<64xi32, #tpu.memory_space<vmem>>) semaphore(%arg14 : memref<!tpu.dma_semaphore, #tpu.memory_space<semaphore_mem>>)
        } else {
        }
      }
      %scan3A_181 = arith.constant 16 : i32
      %mul3A_182 = arith.constant 320 : i32
      %mul3A_183 = arith.muli %arg1, %mul3A_182 : i32
      %add3A_184 = arith.constant 256 : i32
      %add3A_185 = arith.addi %mul3A_183, %add3A_184 : i32
      %mul3A_186 = arith.constant 64 : i32
      %mul3A_187 = arith.muli %add3A_185, %mul3A_186 : i32
      "tpu.region"() ({
        %run_scoped3A = tpu.sem_alloc : memref<!tpu.dma_semaphore, #tpu.memory_space<semaphore_mem>>
        %dma_start3A_226 = arith.constant 0 : i32
        %dma_start3A_227 = tpu.memref_slice %arg7[%dma_start3A_226] : memref<4096xi32, #tpu.memory_space<vmem>> -> memref<4096xi32, #tpu.memory_space<vmem>>
        %dma_start3A_228 = tpu.memref_slice %arg3[%mul3A_187] : memref<327680xi32, #tpu.memory_space<hbm>> -> memref<4096xi32, #tpu.memory_space<hbm>>
        %dma_start3A_229 = arith.constant 0 : i32
        %dma_start3A_230 = tpu.memref_slice %arg7[%dma_start3A_229] : memref<4096xi32, #tpu.memory_space<vmem>> -> memref<4096xi32, #tpu.memory_space<vmem>>
        %dma_start3A_231 = tpu.memref_slice %arg3[%mul3A_187] : memref<327680xi32, #tpu.memory_space<hbm>> -> memref<4096xi32, #tpu.memory_space<hbm>>
        tpu.enqueue_dma source(%dma_start3A_231 : memref<4096xi32, #tpu.memory_space<hbm>>) target(%dma_start3A_230 : memref<4096xi32, #tpu.memory_space<vmem>>) target_semaphore(%run_scoped3A : memref<!tpu.dma_semaphore, #tpu.memory_space<semaphore_mem>>)
        %dma_wait3A = arith.constant 0 : i32
        %dma_wait3A_232 = tpu.memref_slice %arg7[%dma_wait3A] : memref<4096xi32, #tpu.memory_space<vmem>> -> memref<4096xi32, #tpu.memory_space<vmem>>
        %dma_wait3A_233 = tpu.memref_slice %arg3[%mul3A_187] : memref<327680xi32, #tpu.memory_space<hbm>> -> memref<4096xi32, #tpu.memory_space<hbm>>
        %dma_wait3A_234 = arith.constant 0 : i32
        %dma_wait3A_235 = tpu.memref_slice %arg7[%dma_wait3A_234] : memref<4096xi32, #tpu.memory_space<vmem>> -> memref<4096xi32, #tpu.memory_space<vmem>>
        %dma_wait3A_236 = tpu.memref_slice %arg3[%mul3A_187] : memref<327680xi32, #tpu.memory_space<hbm>> -> memref<4096xi32, #tpu.memory_space<hbm>>
        tpu.wait_dma2 semaphore(%run_scoped3A : memref<!tpu.dma_semaphore, #tpu.memory_space<semaphore_mem>>) src(%dma_wait3A_236 : memref<4096xi32, #tpu.memory_space<hbm>>) dst(%dma_wait3A_235 : memref<4096xi32, #tpu.memory_space<vmem>>)
        tpu.yield
      }) : () -> ()
      "tpu.region"() ({
        %run_scoped3A = tpu.sem_alloc : memref<!tpu.dma_semaphore, #tpu.memory_space<semaphore_mem>>
        %dma_start3A_226 = arith.constant 0 : i32
        %dma_start3A_227 = arith.constant 0 : i32
        %dma_start3A_228 = tpu.memref_slice %arg8[%dma_start3A_226, %dma_start3A_227] : memref<64x64xi32, #tpu.memory_space<vmem>> -> memref<64x64xi32, #tpu.memory_space<vmem>>
        %dma_start3A_229 = arith.constant 0 : i32
        %dma_start3A_230 = tpu.memref_slice %arg4[%add3A_185, %dma_start3A_229] : memref<5120x64xi32, #tpu.memory_space<hbm>> -> memref<64x64xi32, #tpu.memory_space<hbm>>
        %dma_start3A_231 = arith.constant 0 : i32
        %dma_start3A_232 = arith.constant 0 : i32
        %dma_start3A_233 = tpu.memref_slice %arg8[%dma_start3A_231, %dma_start3A_232] : memref<64x64xi32, #tpu.memory_space<vmem>> -> memref<64x64xi32, #tpu.memory_space<vmem>>
        %dma_start3A_234 = arith.constant 0 : i32
        %dma_start3A_235 = tpu.memref_slice %arg4[%add3A_185, %dma_start3A_234] : memref<5120x64xi32, #tpu.memory_space<hbm>> -> memref<64x64xi32, #tpu.memory_space<hbm>>
        tpu.enqueue_dma source(%dma_start3A_235 : memref<64x64xi32, #tpu.memory_space<hbm>>) target(%dma_start3A_233 : memref<64x64xi32, #tpu.memory_space<vmem>>) target_semaphore(%run_scoped3A : memref<!tpu.dma_semaphore, #tpu.memory_space<semaphore_mem>>)
        %dma_wait3A = arith.constant 0 : i32
        %dma_wait3A_236 = arith.constant 0 : i32
        %dma_wait3A_237 = tpu.memref_slice %arg8[%dma_wait3A, %dma_wait3A_236] : memref<64x64xi32, #tpu.memory_space<vmem>> -> memref<64x64xi32, #tpu.memory_space<vmem>>
        %dma_wait3A_238 = arith.constant 0 : i32
        %dma_wait3A_239 = tpu.memref_slice %arg4[%add3A_185, %dma_wait3A_238] : memref<5120x64xi32, #tpu.memory_space<hbm>> -> memref<64x64xi32, #tpu.memory_space<hbm>>
        %dma_wait3A_240 = arith.constant 0 : i32
        %dma_wait3A_241 = arith.constant 0 : i32
        %dma_wait3A_242 = tpu.memref_slice %arg8[%dma_wait3A_240, %dma_wait3A_241] : memref<64x64xi32, #tpu.memory_space<vmem>> -> memref<64x64xi32, #tpu.memory_space<vmem>>
        %dma_wait3A_243 = arith.constant 0 : i32
        %dma_wait3A_244 = tpu.memref_slice %arg4[%add3A_185, %dma_wait3A_243] : memref<5120x64xi32, #tpu.memory_space<hbm>> -> memref<64x64xi32, #tpu.memory_space<hbm>>
        tpu.wait_dma2 semaphore(%run_scoped3A : memref<!tpu.dma_semaphore, #tpu.memory_space<semaphore_mem>>) src(%dma_wait3A_244 : memref<64x64xi32, #tpu.memory_space<hbm>>) dst(%dma_wait3A_242 : memref<64x64xi32, #tpu.memory_space<vmem>>)
        tpu.yield
      }) : () -> ()
      %dma_start3A_188 = arith.constant 0 : i32
      %dma_start3A_189 = arith.constant 0 : i32
      %dma_start3A_190 = tpu.memref_slice %arg9[%dma_start3A_188, %dma_start3A_189] : memref<256x128xf32, #tpu.memory_space<vmem>> -> memref<64x128xf32, #tpu.memory_space<vmem>>
      %dma_start3A_191 = arith.constant 0 : i32
      %dma_start3A_192 = tpu.memref_slice %arg7[%dma_start3A_191] : memref<4096xi32, #tpu.memory_space<vmem>> -> memref<64xi32, #tpu.memory_space<vmem>>
      %dma_start3A_193 = arith.constant 0 : i32
      %dma_start3A_194 = arith.constant 0 : i32
      %dma_start3A_195 = tpu.memref_slice %arg2[%dma_start3A_193, %dma_start3A_194] : memref<10112x128xf32, #tpu.memory_space<hbm>> -> memref<10112x128xf32, #tpu.memory_space<hbm>>
      tpu.enqueue_indirect_dma source(%dma_start3A_195 : memref<10112x128xf32, #tpu.memory_space<hbm>>) target(%dma_start3A_190 : memref<64x128xf32, #tpu.memory_space<vmem>>) offsets(%dma_start3A_192 : memref<64xi32, #tpu.memory_space<vmem>>) semaphore(%arg11 : memref<!tpu.dma_semaphore, #tpu.memory_space<semaphore_mem>>)
      %dma_start3A_196 = arith.constant 64 : i32
      %dma_start3A_197 = arith.constant 0 : i32
      %dma_start3A_198 = tpu.memref_slice %arg9[%dma_start3A_196, %dma_start3A_197] : memref<256x128xf32, #tpu.memory_space<vmem>> -> memref<64x128xf32, #tpu.memory_space<vmem>>
      %dma_start3A_199 = arith.constant 64 : i32
      %dma_start3A_200 = tpu.memref_slice %arg7[%dma_start3A_199] : memref<4096xi32, #tpu.memory_space<vmem>> -> memref<64xi32, #tpu.memory_space<vmem>>
      %dma_start3A_201 = arith.constant 0 : i32
      %dma_start3A_202 = arith.constant 0 : i32
      %dma_start3A_203 = tpu.memref_slice %arg2[%dma_start3A_201, %dma_start3A_202] : memref<10112x128xf32, #tpu.memory_space<hbm>> -> memref<10112x128xf32, #tpu.memory_space<hbm>>
      tpu.enqueue_indirect_dma source(%dma_start3A_203 : memref<10112x128xf32, #tpu.memory_space<hbm>>) target(%dma_start3A_198 : memref<64x128xf32, #tpu.memory_space<vmem>>) offsets(%dma_start3A_200 : memref<64xi32, #tpu.memory_space<vmem>>) semaphore(%arg12 : memref<!tpu.dma_semaphore, #tpu.memory_space<semaphore_mem>>)
      %dma_start3A_204 = arith.constant 128 : i32
      %dma_start3A_205 = arith.constant 0 : i32
      %dma_start3A_206 = tpu.memref_slice %arg9[%dma_start3A_204, %dma_start3A_205] : memref<256x128xf32, #tpu.memory_space<vmem>> -> memref<64x128xf32, #tpu.memory_space<vmem>>
      %dma_start3A_207 = arith.constant 128 : i32
      %dma_start3A_208 = tpu.memref_slice %arg7[%dma_start3A_207] : memref<4096xi32, #tpu.memory_space<vmem>> -> memref<64xi32, #tpu.memory_space<vmem>>
      %dma_start3A_209 = arith.constant 0 : i32
      %dma_start3A_210 = arith.constant 0 : i32
      %dma_start3A_211 = tpu.memref_slice %arg2[%dma_start3A_209, %dma_start3A_210] : memref<10112x128xf32, #tpu.memory_space<hbm>> -> memref<10112x128xf32, #tpu.memory_space<hbm>>
      tpu.enqueue_indirect_dma source(%dma_start3A_211 : memref<10112x128xf32, #tpu.memory_space<hbm>>) target(%dma_start3A_206 : memref<64x128xf32, #tpu.memory_space<vmem>>) offsets(%dma_start3A_208 : memref<64xi32, #tpu.memory_space<vmem>>) semaphore(%arg13 : memref<!tpu.dma_semaphore, #tpu.memory_space<semaphore_mem>>)
      %dma_start3A_212 = arith.constant 192 : i32
      %dma_start3A_213 = arith.constant 0 : i32
      %dma_start3A_214 = tpu.memref_slice %arg9[%dma_start3A_212, %dma_start3A_213] : memref<256x128xf32, #tpu.memory_space<vmem>> -> memref<64x128xf32, #tpu.memory_space<vmem>>
      %dma_start3A_215 = arith.constant 192 : i32
      %dma_start3A_216 = tpu.memref_slice %arg7[%dma_start3A_215] : memref<4096xi32, #tpu.memory_space<vmem>> -> memref<64xi32, #tpu.memory_space<vmem>>
      %dma_start3A_217 = arith.constant 0 : i32
      %dma_start3A_218 = arith.constant 0 : i32
      %dma_start3A_219 = tpu.memref_slice %arg2[%dma_start3A_217, %dma_start3A_218] : memref<10112x128xf32, #tpu.memory_space<hbm>> -> memref<10112x128xf32, #tpu.memory_space<hbm>>
      tpu.enqueue_indirect_dma source(%dma_start3A_219 : memref<10112x128xf32, #tpu.memory_space<hbm>>) target(%dma_start3A_214 : memref<64x128xf32, #tpu.memory_space<vmem>>) offsets(%dma_start3A_216 : memref<64xi32, #tpu.memory_space<vmem>>) semaphore(%arg14 : memref<!tpu.dma_semaphore, #tpu.memory_space<semaphore_mem>>)
      %scan3A_220 = arith.constant 0 : i32
      %scan3A_221 = arith.constant 0 : i32
      %scan3A_222 = arith.constant 16 : i32
      %scan3A_223 = arith.addi %scan3A_221, %scan3A_222 : i32
      %scan3A_224 = arith.constant 1 : i32
      scf.for %scan3A_226 = %scan3A_221 to %scan3A_223 step %scan3A_224  : i32 {
        %mul3A_227 = arith.constant 4 : i32
        %mul3A_228 = arith.muli %mul3A_227, %scan3A_226 : i32
        %dma_wait3A = arith.constant 0 : i32
        %dma_wait3A_229 = arith.constant 0 : i32
        %dma_wait3A_230 = tpu.memref_slice %arg9[%dma_wait3A, %dma_wait3A_229] : memref<256x128xf32, #tpu.memory_space<vmem>> -> memref<64x128xf32, #tpu.memory_space<vmem>>
        %dma_wait3A_231 = arith.constant 0 : i32
        %dma_wait3A_232 = tpu.memref_slice %arg7[%dma_wait3A_231] : memref<4096xi32, #tpu.memory_space<vmem>> -> memref<64xi32, #tpu.memory_space<vmem>>
        %dma_wait3A_233 = arith.constant 0 : i32
        %dma_wait3A_234 = arith.constant 0 : i32
        %dma_wait3A_235 = tpu.memref_slice %arg2[%dma_wait3A_233, %dma_wait3A_234] : memref<10112x128xf32, #tpu.memory_space<hbm>> -> memref<10112x128xf32, #tpu.memory_space<hbm>>
        tpu.wait_indirect_dma semaphore(%arg11 : memref<!tpu.dma_semaphore, #tpu.memory_space<semaphore_mem>>) src(%dma_wait3A_235 : memref<10112x128xf32, #tpu.memory_space<hbm>>) dst(%dma_wait3A_230 : memref<64x128xf32, #tpu.memory_space<vmem>>)
        %add3A_236 = arith.constant 0 : i32
        %add3A_237 = arith.addi %mul3A_228, %add3A_236 : i32
        %dma_start3A_238 = arith.constant 0 : i32
        %dma_start3A_239 = arith.constant 0 : i32
        %dma_start3A_240 = tpu.memref_slice %arg9[%dma_start3A_238, %dma_start3A_239] : memref<256x128xf32, #tpu.memory_space<vmem>> -> memref<64x128xf32, #tpu.memory_space<vmem>>
        %dma_start3A_241 = arith.constant 0 : i32
        %dma_start3A_242 = tpu.memref_slice %arg8[%add3A_237, %dma_start3A_241] : memref<64x64xi32, #tpu.memory_space<vmem>> -> memref<1x64xi32, #tpu.memory_space<vmem>>
        %dma_start3A_243 = tpu.memref_squeeze %dma_start3A_242 : memref<1x64xi32, #tpu.memory_space<vmem>> -> memref<64xi32, #tpu.memory_space<vmem>>
        %dma_start3A_244 = arith.constant 0 : i32
        %dma_start3A_245 = arith.constant 0 : i32
        %dma_start3A_246 = tpu.memref_slice %arg10[%dma_start3A_244, %dma_start3A_245] : memref<10112x128xf32, #tpu.memory_space<vmem_shared>> -> memref<10112x128xf32, #tpu.memory_space<vmem_shared>>
        tpu.enqueue_indirect_dma source(%dma_start3A_240 : memref<64x128xf32, #tpu.memory_space<vmem>>) target(%dma_start3A_246 : memref<10112x128xf32, #tpu.memory_space<vmem_shared>>) offsets(%dma_start3A_243 : memref<64xi32, #tpu.memory_space<vmem>>) semaphore(%arg15 : memref<!tpu.dma_semaphore, #tpu.memory_space<semaphore_mem>>) {add = true}
        %dma_wait3A_247 = arith.constant 64 : i32
        %dma_wait3A_248 = arith.constant 0 : i32
        %dma_wait3A_249 = tpu.memref_slice %arg9[%dma_wait3A_247, %dma_wait3A_248] : memref<256x128xf32, #tpu.memory_space<vmem>> -> memref<64x128xf32, #tpu.memory_space<vmem>>
        %dma_wait3A_250 = arith.constant 0 : i32
        %dma_wait3A_251 = tpu.memref_slice %arg7[%dma_wait3A_250] : memref<4096xi32, #tpu.memory_space<vmem>> -> memref<64xi32, #tpu.memory_space<vmem>>
        %dma_wait3A_252 = arith.constant 0 : i32
        %dma_wait3A_253 = arith.constant 0 : i32
        %dma_wait3A_254 = tpu.memref_slice %arg2[%dma_wait3A_252, %dma_wait3A_253] : memref<10112x128xf32, #tpu.memory_space<hbm>> -> memref<10112x128xf32, #tpu.memory_space<hbm>>
        tpu.wait_indirect_dma semaphore(%arg12 : memref<!tpu.dma_semaphore, #tpu.memory_space<semaphore_mem>>) src(%dma_wait3A_254 : memref<10112x128xf32, #tpu.memory_space<hbm>>) dst(%dma_wait3A_249 : memref<64x128xf32, #tpu.memory_space<vmem>>)
        %add3A_255 = arith.constant 1 : i32
        %add3A_256 = arith.addi %mul3A_228, %add3A_255 : i32
        %dma_start3A_257 = arith.constant 64 : i32
        %dma_start3A_258 = arith.constant 0 : i32
        %dma_start3A_259 = tpu.memref_slice %arg9[%dma_start3A_257, %dma_start3A_258] : memref<256x128xf32, #tpu.memory_space<vmem>> -> memref<64x128xf32, #tpu.memory_space<vmem>>
        %dma_start3A_260 = arith.constant 0 : i32
        %dma_start3A_261 = tpu.memref_slice %arg8[%add3A_256, %dma_start3A_260] : memref<64x64xi32, #tpu.memory_space<vmem>> -> memref<1x64xi32, #tpu.memory_space<vmem>>
        %dma_start3A_262 = tpu.memref_squeeze %dma_start3A_261 : memref<1x64xi32, #tpu.memory_space<vmem>> -> memref<64xi32, #tpu.memory_space<vmem>>
        %dma_start3A_263 = arith.constant 0 : i32
        %dma_start3A_264 = arith.constant 0 : i32
        %dma_start3A_265 = tpu.memref_slice %arg10[%dma_start3A_263, %dma_start3A_264] : memref<10112x128xf32, #tpu.memory_space<vmem_shared>> -> memref<10112x128xf32, #tpu.memory_space<vmem_shared>>
        tpu.enqueue_indirect_dma source(%dma_start3A_259 : memref<64x128xf32, #tpu.memory_space<vmem>>) target(%dma_start3A_265 : memref<10112x128xf32, #tpu.memory_space<vmem_shared>>) offsets(%dma_start3A_262 : memref<64xi32, #tpu.memory_space<vmem>>) semaphore(%arg16 : memref<!tpu.dma_semaphore, #tpu.memory_space<semaphore_mem>>) {add = true}
        %dma_wait3A_266 = arith.constant 128 : i32
        %dma_wait3A_267 = arith.constant 0 : i32
        %dma_wait3A_268 = tpu.memref_slice %arg9[%dma_wait3A_266, %dma_wait3A_267] : memref<256x128xf32, #tpu.memory_space<vmem>> -> memref<64x128xf32, #tpu.memory_space<vmem>>
        %dma_wait3A_269 = arith.constant 0 : i32
        %dma_wait3A_270 = tpu.memref_slice %arg7[%dma_wait3A_269] : memref<4096xi32, #tpu.memory_space<vmem>> -> memref<64xi32, #tpu.memory_space<vmem>>
        %dma_wait3A_271 = arith.constant 0 : i32
        %dma_wait3A_272 = arith.constant 0 : i32
        %dma_wait3A_273 = tpu.memref_slice %arg2[%dma_wait3A_271, %dma_wait3A_272] : memref<10112x128xf32, #tpu.memory_space<hbm>> -> memref<10112x128xf32, #tpu.memory_space<hbm>>
        tpu.wait_indirect_dma semaphore(%arg13 : memref<!tpu.dma_semaphore, #tpu.memory_space<semaphore_mem>>) src(%dma_wait3A_273 : memref<10112x128xf32, #tpu.memory_space<hbm>>) dst(%dma_wait3A_268 : memref<64x128xf32, #tpu.memory_space<vmem>>)
        %add3A_274 = arith.constant 2 : i32
        %add3A_275 = arith.addi %mul3A_228, %add3A_274 : i32
        %dma_start3A_276 = arith.constant 128 : i32
        %dma_start3A_277 = arith.constant 0 : i32
        %dma_start3A_278 = tpu.memref_slice %arg9[%dma_start3A_276, %dma_start3A_277] : memref<256x128xf32, #tpu.memory_space<vmem>> -> memref<64x128xf32, #tpu.memory_space<vmem>>
        %dma_start3A_279 = arith.constant 0 : i32
        %dma_start3A_280 = tpu.memref_slice %arg8[%add3A_275, %dma_start3A_279] : memref<64x64xi32, #tpu.memory_space<vmem>> -> memref<1x64xi32, #tpu.memory_space<vmem>>
        %dma_start3A_281 = tpu.memref_squeeze %dma_start3A_280 : memref<1x64xi32, #tpu.memory_space<vmem>> -> memref<64xi32, #tpu.memory_space<vmem>>
        %dma_start3A_282 = arith.constant 0 : i32
        %dma_start3A_283 = arith.constant 0 : i32
        %dma_start3A_284 = tpu.memref_slice %arg10[%dma_start3A_282, %dma_start3A_283] : memref<10112x128xf32, #tpu.memory_space<vmem_shared>> -> memref<10112x128xf32, #tpu.memory_space<vmem_shared>>
        tpu.enqueue_indirect_dma source(%dma_start3A_278 : memref<64x128xf32, #tpu.memory_space<vmem>>) target(%dma_start3A_284 : memref<10112x128xf32, #tpu.memory_space<vmem_shared>>) offsets(%dma_start3A_281 : memref<64xi32, #tpu.memory_space<vmem>>) semaphore(%arg17 : memref<!tpu.dma_semaphore, #tpu.memory_space<semaphore_mem>>) {add = true}
        %dma_wait3A_285 = arith.constant 192 : i32
        %dma_wait3A_286 = arith.constant 0 : i32
        %dma_wait3A_287 = tpu.memref_slice %arg9[%dma_wait3A_285, %dma_wait3A_286] : memref<256x128xf32, #tpu.memory_space<vmem>> -> memref<64x128xf32, #tpu.memory_space<vmem>>
        %dma_wait3A_288 = arith.constant 0 : i32
        %dma_wait3A_289 = tpu.memref_slice %arg7[%dma_wait3A_288] : memref<4096xi32, #tpu.memory_space<vmem>> -> memref<64xi32, #tpu.memory_space<vmem>>
        %dma_wait3A_290 = arith.constant 0 : i32
        %dma_wait3A_291 = arith.constant 0 : i32
        %dma_wait3A_292 = tpu.memref_slice %arg2[%dma_wait3A_290, %dma_wait3A_291] : memref<10112x128xf32, #tpu.memory_space<hbm>> -> memref<10112x128xf32, #tpu.memory_space<hbm>>
        tpu.wait_indirect_dma semaphore(%arg14 : memref<!tpu.dma_semaphore, #tpu.memory_space<semaphore_mem>>) src(%dma_wait3A_292 : memref<10112x128xf32, #tpu.memory_space<hbm>>) dst(%dma_wait3A_287 : memref<64x128xf32, #tpu.memory_space<vmem>>)
        %add3A_293 = arith.constant 3 : i32
        %add3A_294 = arith.addi %mul3A_228, %add3A_293 : i32
        %dma_start3A_295 = arith.constant 192 : i32
        %dma_start3A_296 = arith.constant 0 : i32
        %dma_start3A_297 = tpu.memref_slice %arg9[%dma_start3A_295, %dma_start3A_296] : memref<256x128xf32, #tpu.memory_space<vmem>> -> memref<64x128xf32, #tpu.memory_space<vmem>>
        %dma_start3A_298 = arith.constant 0 : i32
        %dma_start3A_299 = tpu.memref_slice %arg8[%add3A_294, %dma_start3A_298] : memref<64x64xi32, #tpu.memory_space<vmem>> -> memref<1x64xi32, #tpu.memory_space<vmem>>
        %dma_start3A_300 = tpu.memref_squeeze %dma_start3A_299 : memref<1x64xi32, #tpu.memory_space<vmem>> -> memref<64xi32, #tpu.memory_space<vmem>>
        %dma_start3A_301 = arith.constant 0 : i32
        %dma_start3A_302 = arith.constant 0 : i32
        %dma_start3A_303 = tpu.memref_slice %arg10[%dma_start3A_301, %dma_start3A_302] : memref<10112x128xf32, #tpu.memory_space<vmem_shared>> -> memref<10112x128xf32, #tpu.memory_space<vmem_shared>>
        tpu.enqueue_indirect_dma source(%dma_start3A_297 : memref<64x128xf32, #tpu.memory_space<vmem>>) target(%dma_start3A_303 : memref<10112x128xf32, #tpu.memory_space<vmem_shared>>) offsets(%dma_start3A_300 : memref<64xi32, #tpu.memory_space<vmem>>) semaphore(%arg18 : memref<!tpu.dma_semaphore, #tpu.memory_space<semaphore_mem>>) {add = true}
        %dma_wait3A_304 = arith.constant 0 : i32
        %dma_wait3A_305 = arith.constant 0 : i32
        %dma_wait3A_306 = arith.constant 0 : i32
        %dma_wait3A_307 = tpu.memref_slice %arg9[%dma_wait3A_305, %dma_wait3A_306] : memref<256x128xf32, #tpu.memory_space<vmem>> -> memref<64x128xf32, #tpu.memory_space<vmem>>
        %dma_wait3A_308 = arith.constant 0 : i32
        %dma_wait3A_309 = tpu.memref_slice %arg8[%dma_wait3A_304, %dma_wait3A_308] : memref<64x64xi32, #tpu.memory_space<vmem>> -> memref<1x64xi32, #tpu.memory_space<vmem>>
        %dma_wait3A_310 = tpu.memref_squeeze %dma_wait3A_309 : memref<1x64xi32, #tpu.memory_space<vmem>> -> memref<64xi32, #tpu.memory_space<vmem>>
        %dma_wait3A_311 = arith.constant 0 : i32
        %dma_wait3A_312 = arith.constant 0 : i32
        %dma_wait3A_313 = tpu.memref_slice %arg10[%dma_wait3A_311, %dma_wait3A_312] : memref<10112x128xf32, #tpu.memory_space<vmem_shared>> -> memref<10112x128xf32, #tpu.memory_space<vmem_shared>>
        tpu.wait_indirect_dma semaphore(%arg15 : memref<!tpu.dma_semaphore, #tpu.memory_space<semaphore_mem>>) src(%dma_wait3A_307 : memref<64x128xf32, #tpu.memory_space<vmem>>) dst(%dma_wait3A_313 : memref<10112x128xf32, #tpu.memory_space<vmem_shared>>)
        %add3A_314 = arith.constant 4 : i32
        %add3A_315 = arith.addi %mul3A_228, %add3A_314 : i32
        %add3A_316 = arith.constant 0 : i32
        %add3A_317 = arith.addi %add3A_315, %add3A_316 : i32
        %lt3A = arith.constant 64 : i32
        %lt3A_318 = arith.cmpi slt, %add3A_317, %lt3A : i32
        %convert_element_type3A_319 = arith.extui %lt3A_318 : i1 to i32
        %cond3A_320 = arith.constant 0 : i32
        %cond3A_321 = arith.cmpi ne, %convert_element_type3A_319, %cond3A_320 : i32
        scf.if %cond3A_321 {
          %add3A_379 = arith.constant 4 : i32
          %add3A_380 = arith.addi %mul3A_228, %add3A_379 : i32
          %add3A_381 = arith.constant 0 : i32
          %add3A_382 = arith.addi %add3A_380, %add3A_381 : i32
          %mul3A_383 = arith.constant 64 : i32
          %mul3A_384 = arith.muli %add3A_382, %mul3A_383 : i32
          %dma_start3A_385 = arith.constant 0 : i32
          %dma_start3A_386 = arith.constant 0 : i32
          %dma_start3A_387 = tpu.memref_slice %arg9[%dma_start3A_385, %dma_start3A_386] : memref<256x128xf32, #tpu.memory_space<vmem>> -> memref<64x128xf32, #tpu.memory_space<vmem>>
          %dma_start3A_388 = tpu.memref_slice %arg7[%mul3A_384] : memref<4096xi32, #tpu.memory_space<vmem>> -> memref<64xi32, #tpu.memory_space<vmem>>
          %dma_start3A_389 = arith.constant 0 : i32
          %dma_start3A_390 = arith.constant 0 : i32
          %dma_start3A_391 = tpu.memref_slice %arg2[%dma_start3A_389, %dma_start3A_390] : memref<10112x128xf32, #tpu.memory_space<hbm>> -> memref<10112x128xf32, #tpu.memory_space<hbm>>
          tpu.enqueue_indirect_dma source(%dma_start3A_391 : memref<10112x128xf32, #tpu.memory_space<hbm>>) target(%dma_start3A_387 : memref<64x128xf32, #tpu.memory_space<vmem>>) offsets(%dma_start3A_388 : memref<64xi32, #tpu.memory_space<vmem>>) semaphore(%arg11 : memref<!tpu.dma_semaphore, #tpu.memory_space<semaphore_mem>>)
        } else {
        }
        %dma_wait3A_322 = arith.constant 0 : i32
        %dma_wait3A_323 = arith.constant 64 : i32
        %dma_wait3A_324 = arith.constant 0 : i32
        %dma_wait3A_325 = tpu.memref_slice %arg9[%dma_wait3A_323, %dma_wait3A_324] : memref<256x128xf32, #tpu.memory_space<vmem>> -> memref<64x128xf32, #tpu.memory_space<vmem>>
        %dma_wait3A_326 = arith.constant 0 : i32
        %dma_wait3A_327 = tpu.memref_slice %arg8[%dma_wait3A_322, %dma_wait3A_326] : memref<64x64xi32, #tpu.memory_space<vmem>> -> memref<1x64xi32, #tpu.memory_space<vmem>>
        %dma_wait3A_328 = tpu.memref_squeeze %dma_wait3A_327 : memref<1x64xi32, #tpu.memory_space<vmem>> -> memref<64xi32, #tpu.memory_space<vmem>>
        %dma_wait3A_329 = arith.constant 0 : i32
        %dma_wait3A_330 = arith.constant 0 : i32
        %dma_wait3A_331 = tpu.memref_slice %arg10[%dma_wait3A_329, %dma_wait3A_330] : memref<10112x128xf32, #tpu.memory_space<vmem_shared>> -> memref<10112x128xf32, #tpu.memory_space<vmem_shared>>
        tpu.wait_indirect_dma semaphore(%arg16 : memref<!tpu.dma_semaphore, #tpu.memory_space<semaphore_mem>>) src(%dma_wait3A_325 : memref<64x128xf32, #tpu.memory_space<vmem>>) dst(%dma_wait3A_331 : memref<10112x128xf32, #tpu.memory_space<vmem_shared>>)
        %add3A_332 = arith.constant 4 : i32
        %add3A_333 = arith.addi %mul3A_228, %add3A_332 : i32
        %add3A_334 = arith.constant 1 : i32
        %add3A_335 = arith.addi %add3A_333, %add3A_334 : i32
        %lt3A_336 = arith.constant 64 : i32
        %lt3A_337 = arith.cmpi slt, %add3A_335, %lt3A_336 : i32
        %convert_element_type3A_338 = arith.extui %lt3A_337 : i1 to i32
        %cond3A_339 = arith.constant 0 : i32
        %cond3A_340 = arith.cmpi ne, %convert_element_type3A_338, %cond3A_339 : i32
        scf.if %cond3A_340 {
          %add3A_379 = arith.constant 4 : i32
          %add3A_380 = arith.addi %mul3A_228, %add3A_379 : i32
          %add3A_381 = arith.constant 1 : i32
          %add3A_382 = arith.addi %add3A_380, %add3A_381 : i32
          %mul3A_383 = arith.constant 64 : i32
          %mul3A_384 = arith.muli %add3A_382, %mul3A_383 : i32
          %dma_start3A_385 = arith.constant 64 : i32
          %dma_start3A_386 = arith.constant 0 : i32
          %dma_start3A_387 = tpu.memref_slice %arg9[%dma_start3A_385, %dma_start3A_386] : memref<256x128xf32, #tpu.memory_space<vmem>> -> memref<64x128xf32, #tpu.memory_space<vmem>>
          %dma_start3A_388 = tpu.memref_slice %arg7[%mul3A_384] : memref<4096xi32, #tpu.memory_space<vmem>> -> memref<64xi32, #tpu.memory_space<vmem>>
          %dma_start3A_389 = arith.constant 0 : i32
          %dma_start3A_390 = arith.constant 0 : i32
          %dma_start3A_391 = tpu.memref_slice %arg2[%dma_start3A_389, %dma_start3A_390] : memref<10112x128xf32, #tpu.memory_space<hbm>> -> memref<10112x128xf32, #tpu.memory_space<hbm>>
          tpu.enqueue_indirect_dma source(%dma_start3A_391 : memref<10112x128xf32, #tpu.memory_space<hbm>>) target(%dma_start3A_387 : memref<64x128xf32, #tpu.memory_space<vmem>>) offsets(%dma_start3A_388 : memref<64xi32, #tpu.memory_space<vmem>>) semaphore(%arg12 : memref<!tpu.dma_semaphore, #tpu.memory_space<semaphore_mem>>)
        } else {
        }
        %dma_wait3A_341 = arith.constant 0 : i32
        %dma_wait3A_342 = arith.constant 128 : i32
        %dma_wait3A_343 = arith.constant 0 : i32
        %dma_wait3A_344 = tpu.memref_slice %arg9[%dma_wait3A_342, %dma_wait3A_343] : memref<256x128xf32, #tpu.memory_space<vmem>> -> memref<64x128xf32, #tpu.memory_space<vmem>>
        %dma_wait3A_345 = arith.constant 0 : i32
        %dma_wait3A_346 = tpu.memref_slice %arg8[%dma_wait3A_341, %dma_wait3A_345] : memref<64x64xi32, #tpu.memory_space<vmem>> -> memref<1x64xi32, #tpu.memory_space<vmem>>
        %dma_wait3A_347 = tpu.memref_squeeze %dma_wait3A_346 : memref<1x64xi32, #tpu.memory_space<vmem>> -> memref<64xi32, #tpu.memory_space<vmem>>
        %dma_wait3A_348 = arith.constant 0 : i32
        %dma_wait3A_349 = arith.constant 0 : i32
        %dma_wait3A_350 = tpu.memref_slice %arg10[%dma_wait3A_348, %dma_wait3A_349] : memref<10112x128xf32, #tpu.memory_space<vmem_shared>> -> memref<10112x128xf32, #tpu.memory_space<vmem_shared>>
        tpu.wait_indirect_dma semaphore(%arg17 : memref<!tpu.dma_semaphore, #tpu.memory_space<semaphore_mem>>) src(%dma_wait3A_344 : memref<64x128xf32, #tpu.memory_space<vmem>>) dst(%dma_wait3A_350 : memref<10112x128xf32, #tpu.memory_space<vmem_shared>>)
        %add3A_351 = arith.constant 4 : i32
        %add3A_352 = arith.addi %mul3A_228, %add3A_351 : i32
        %add3A_353 = arith.constant 2 : i32
        %add3A_354 = arith.addi %add3A_352, %add3A_353 : i32
        %lt3A_355 = arith.constant 64 : i32
        %lt3A_356 = arith.cmpi slt, %add3A_354, %lt3A_355 : i32
        %convert_element_type3A_357 = arith.extui %lt3A_356 : i1 to i32
        %cond3A_358 = arith.constant 0 : i32
        %cond3A_359 = arith.cmpi ne, %convert_element_type3A_357, %cond3A_358 : i32
        scf.if %cond3A_359 {
          %add3A_379 = arith.constant 4 : i32
          %add3A_380 = arith.addi %mul3A_228, %add3A_379 : i32
          %add3A_381 = arith.constant 2 : i32
          %add3A_382 = arith.addi %add3A_380, %add3A_381 : i32
          %mul3A_383 = arith.constant 64 : i32
          %mul3A_384 = arith.muli %add3A_382, %mul3A_383 : i32
          %dma_start3A_385 = arith.constant 128 : i32
          %dma_start3A_386 = arith.constant 0 : i32
          %dma_start3A_387 = tpu.memref_slice %arg9[%dma_start3A_385, %dma_start3A_386] : memref<256x128xf32, #tpu.memory_space<vmem>> -> memref<64x128xf32, #tpu.memory_space<vmem>>
          %dma_start3A_388 = tpu.memref_slice %arg7[%mul3A_384] : memref<4096xi32, #tpu.memory_space<vmem>> -> memref<64xi32, #tpu.memory_space<vmem>>
          %dma_start3A_389 = arith.constant 0 : i32
          %dma_start3A_390 = arith.constant 0 : i32
          %dma_start3A_391 = tpu.memref_slice %arg2[%dma_start3A_389, %dma_start3A_390] : memref<10112x128xf32, #tpu.memory_space<hbm>> -> memref<10112x128xf32, #tpu.memory_space<hbm>>
          tpu.enqueue_indirect_dma source(%dma_start3A_391 : memref<10112x128xf32, #tpu.memory_space<hbm>>) target(%dma_start3A_387 : memref<64x128xf32, #tpu.memory_space<vmem>>) offsets(%dma_start3A_388 : memref<64xi32, #tpu.memory_space<vmem>>) semaphore(%arg13 : memref<!tpu.dma_semaphore, #tpu.memory_space<semaphore_mem>>)
        } else {
        }
        %dma_wait3A_360 = arith.constant 0 : i32
        %dma_wait3A_361 = arith.constant 192 : i32
        %dma_wait3A_362 = arith.constant 0 : i32
        %dma_wait3A_363 = tpu.memref_slice %arg9[%dma_wait3A_361, %dma_wait3A_362] : memref<256x128xf32, #tpu.memory_space<vmem>> -> memref<64x128xf32, #tpu.memory_space<vmem>>
        %dma_wait3A_364 = arith.constant 0 : i32
        %dma_wait3A_365 = tpu.memref_slice %arg8[%dma_wait3A_360, %dma_wait3A_364] : memref<64x64xi32, #tpu.memory_space<vmem>> -> memref<1x64xi32, #tpu.memory_space<vmem>>
        %dma_wait3A_366 = tpu.memref_squeeze %dma_wait3A_365 : memref<1x64xi32, #tpu.memory_space<vmem>> -> memref<64xi32, #tpu.memory_space<vmem>>
        %dma_wait3A_367 = arith.constant 0 : i32
        %dma_wait3A_368 = arith.constant 0 : i32
        %dma_wait3A_369 = tpu.memref_slice %arg10[%dma_wait3A_367, %dma_wait3A_368] : memref<10112x128xf32, #tpu.memory_space<vmem_shared>> -> memref<10112x128xf32, #tpu.memory_space<vmem_shared>>
        tpu.wait_indirect_dma semaphore(%arg18 : memref<!tpu.dma_semaphore, #tpu.memory_space<semaphore_mem>>) src(%dma_wait3A_363 : memref<64x128xf32, #tpu.memory_space<vmem>>) dst(%dma_wait3A_369 : memref<10112x128xf32, #tpu.memory_space<vmem_shared>>)
        %add3A_370 = arith.constant 4 : i32
        %add3A_371 = arith.addi %mul3A_228, %add3A_370 : i32
        %add3A_372 = arith.constant 3 : i32
        %add3A_373 = arith.addi %add3A_371, %add3A_372 : i32
        %lt3A_374 = arith.constant 64 : i32
        %lt3A_375 = arith.cmpi slt, %add3A_373, %lt3A_374 : i32
        %convert_element_type3A_376 = arith.extui %lt3A_375 : i1 to i32
        %cond3A_377 = arith.constant 0 : i32
        %cond3A_378 = arith.cmpi ne, %convert_element_type3A_376, %cond3A_377 : i32
        scf.if %cond3A_378 {
          %add3A_379 = arith.constant 4 : i32
          %add3A_380 = arith.addi %mul3A_228, %add3A_379 : i32
          %add3A_381 = arith.constant 3 : i32
          %add3A_382 = arith.addi %add3A_380, %add3A_381 : i32
          %mul3A_383 = arith.constant 64 : i32
          %mul3A_384 = arith.muli %add3A_382, %mul3A_383 : i32
          %dma_start3A_385 = arith.constant 192 : i32
          %dma_start3A_386 = arith.constant 0 : i32
          %dma_start3A_387 = tpu.memref_slice %arg9[%dma_start3A_385, %dma_start3A_386] : memref<256x128xf32, #tpu.memory_space<vmem>> -> memref<64x128xf32, #tpu.memory_space<vmem>>
          %dma_start3A_388 = tpu.memref_slice %arg7[%mul3A_384] : memref<4096xi32, #tpu.memory_space<vmem>> -> memref<64xi32, #tpu.memory_space<vmem>>
          %dma_start3A_389 = arith.constant 0 : i32
          %dma_start3A_390 = arith.constant 0 : i32
          %dma_start3A_391 = tpu.memref_slice %arg2[%dma_start3A_389, %dma_start3A_390] : memref<10112x128xf32, #tpu.memory_space<hbm>> -> memref<10112x128xf32, #tpu.memory_space<hbm>>
          tpu.enqueue_indirect_dma source(%dma_start3A_391 : memref<10112x128xf32, #tpu.memory_space<hbm>>) target(%dma_start3A_387 : memref<64x128xf32, #tpu.memory_space<vmem>>) offsets(%dma_start3A_388 : memref<64xi32, #tpu.memory_space<vmem>>) semaphore(%arg14 : memref<!tpu.dma_semaphore, #tpu.memory_space<semaphore_mem>>)
        } else {
        }
      }
      %scan3A_225 = arith.constant 16 : i32
    } else {
    }
    %eq3A_3 = arith.constant 1 : i32
    %eq3A_4 = arith.cmpi eq, %arg0, %eq3A_3 : i32
    %convert_element_type3A_5 = arith.extui %eq3A_4 : i1 to i32
    %cond3A_6 = arith.constant 0 : i32
    %cond3A_7 = arith.cmpi ne, %convert_element_type3A_5, %cond3A_6 : i32
    scf.if %cond3A_7 {
    } else {
    }
    %barrier3A_8 = arith.constant 0 : index
    tpu.barrier barrier_id(%barrier3A_8)
    "tpu.region"() ({
      %run_scoped3A = tpu.sem_alloc : memref<!tpu.dma_semaphore, #tpu.memory_space<semaphore_mem>>
      %dma_start3A = arith.constant 0 : i32
      %dma_start3A_9 = tpu.memref_slice %arg6[%arg0, %mul3A_0, %dma_start3A] : memref<2x10112x128xf32, #tpu.memory_space<hbm>> -> memref<1x632x128xf32, #tpu.memory_space<hbm>>
      %dma_start3A_10 = tpu.memref_squeeze %dma_start3A_9 : memref<1x632x128xf32, #tpu.memory_space<hbm>> -> memref<632x128xf32, #tpu.memory_space<hbm>>
      %dma_start3A_11 = arith.constant 0 : i32
      %dma_start3A_12 = tpu.memref_slice %arg10[%mul3A_0, %dma_start3A_11] : memref<10112x128xf32, #tpu.memory_space<vmem_shared>> -> memref<632x128xf32, #tpu.memory_space<vmem_shared>>
      tpu.enqueue_dma source(%dma_start3A_12 : memref<632x128xf32, #tpu.memory_space<vmem_shared>>) target(%dma_start3A_10 : memref<632x128xf32, #tpu.memory_space<hbm>>) target_semaphore(%run_scoped3A : memref<!tpu.dma_semaphore, #tpu.memory_space<semaphore_mem>>)
      %dma_wait3A = arith.constant 0 : i32
      %dma_wait3A_13 = tpu.memref_slice %arg6[%arg0, %mul3A_0, %dma_wait3A] : memref<2x10112x128xf32, #tpu.memory_space<hbm>> -> memref<1x632x128xf32, #tpu.memory_space<hbm>>
      %dma_wait3A_14 = tpu.memref_squeeze %dma_wait3A_13 : memref<1x632x128xf32, #tpu.memory_space<hbm>> -> memref<632x128xf32, #tpu.memory_space<hbm>>
      %dma_wait3A_15 = arith.constant 0 : i32
      %dma_wait3A_16 = tpu.memref_slice %arg10[%mul3A_0, %dma_wait3A_15] : memref<10112x128xf32, #tpu.memory_space<vmem_shared>> -> memref<632x128xf32, #tpu.memory_space<vmem_shared>>
      tpu.wait_dma2 semaphore(%run_scoped3A : memref<!tpu.dma_semaphore, #tpu.memory_space<semaphore_mem>>) src(%dma_wait3A_16 : memref<632x128xf32, #tpu.memory_space<vmem_shared>>) dst(%dma_wait3A_14 : memref<632x128xf32, #tpu.memory_space<hbm>>)
      tpu.yield
    }) : () -> ()
    return
  }
}

#map = affine_map<(d0, d1) -> (0, 0)>
#map1 = affine_map<(d0, d1) -> (0)>
#map2 = affine_map<(d0, d1) -> (0, 0, 0)>
module attributes {stable_mosaic.version = 14 : i64} {
  func.func @_scatter_body(%arg0: i32, %arg1: i32, %arg2: memref<10112x128xf32, #tpu.memory_space<hbm>>, %arg3: memref<327680xi32, #tpu.memory_space<hbm>>, %arg4: memref<5120x64xi32, #tpu.memory_space<hbm>>, %arg5: memref<10112x128xf32, #tpu.memory_space<hbm>>, %arg6: memref<2x10112x128xf32, #tpu.memory_space<hbm>>, %arg7: memref<4096xi32, #tpu.memory_space<vmem>>, %arg8: memref<64x64xi32, #tpu.memory_space<vmem>>, %arg9: memref<256x128xf32, #tpu.memory_space<vmem>>, %arg10: memref<10112x128xf32, #tpu.memory_space<vmem_shared>>, %arg11: memref<!tpu.dma_semaphore, #tpu.memory_space<semaphore_mem>>, %arg12: memref<!tpu.dma_semaphore, #tpu.memory_space<semaphore_mem>>, %arg13: memref<!tpu.dma_semaphore, #tpu.memory_space<semaphore_mem>>, %arg14: memref<!tpu.dma_semaphore, #tpu.memory_space<semaphore_mem>>, %arg15: memref<!tpu.dma_semaphore, #tpu.memory_space<semaphore_mem>>, %arg16: memref<!tpu.dma_semaphore, #tpu.memory_space<semaphore_mem>>, %arg17: memref<!tpu.dma_semaphore, #tpu.memory_space<semaphore_mem>>, %arg18: memref<!tpu.dma_semaphore, #tpu.memory_space<semaphore_mem>>) attributes {dimension_semantics = [#tpu.dimension_semantics<core_parallel>, #tpu.dimension_semantics<subcore_parallel>], iteration_bounds = array<i64: 2, 16>, scalar_prefetch = 0 : i64, scratch_operands = 12 : i64, tpu.core_type = #tpu.core_type<sc_vector_subcore>, window_params = [{transform_indices = #map}, {transform_indices = #map1}, {transform_indices = #map}, {transform_indices = #map}, {transform_indices = #map2}]} {
    %mul3A = arith.constant 632 : i32
    %mul3A_0 = arith.muli %arg1, %mul3A : i32
    "tpu.region"() ({
      %run_scoped3A = tpu.sem_alloc : memref<!tpu.dma_semaphore, #tpu.memory_space<semaphore_mem>>
      %dma_start3A = arith.constant 0 : i32
      %dma_start3A_9 = tpu.memref_slice %arg10[%mul3A_0, %dma_start3A] : memref<10112x128xf32, #tpu.memory_space<vmem_shared>> -> memref<632x128xf32, #tpu.memory_space<vmem_shared>>
      %dma_start3A_10 = arith.constant 0 : i32
      %dma_start3A_11 = tpu.memref_slice %arg5[%mul3A_0, %dma_start3A_10] : memref<10112x128xf32, #tpu.memory_space<hbm>> -> memref<632x128xf32, #tpu.memory_space<hbm>>
      tpu.enqueue_dma source(%dma_start3A_11 : memref<632x128xf32, #tpu.memory_space<hbm>>) target(%dma_start3A_9 : memref<632x128xf32, #tpu.memory_space<vmem_shared>>) target_semaphore(%run_scoped3A : memref<!tpu.dma_semaphore, #tpu.memory_space<semaphore_mem>>)
      %dma_wait3A = arith.constant 0 : i32
      %dma_wait3A_12 = tpu.memref_slice %arg10[%mul3A_0, %dma_wait3A] : memref<10112x128xf32, #tpu.memory_space<vmem_shared>> -> memref<632x128xf32, #tpu.memory_space<vmem_shared>>
      %dma_wait3A_13 = arith.constant 0 : i32
      %dma_wait3A_14 = tpu.memref_slice %arg5[%mul3A_0, %dma_wait3A_13] : memref<10112x128xf32, #tpu.memory_space<hbm>> -> memref<632x128xf32, #tpu.memory_space<hbm>>
      tpu.wait_dma2 semaphore(%run_scoped3A : memref<!tpu.dma_semaphore, #tpu.memory_space<semaphore_mem>>) src(%dma_wait3A_14 : memref<632x128xf32, #tpu.memory_space<hbm>>) dst(%dma_wait3A_12 : memref<632x128xf32, #tpu.memory_space<vmem_shared>>)
      tpu.yield
    }) : () -> ()
    %barrier3A = arith.constant 0 : index
    tpu.barrier barrier_id(%barrier3A)
    %eq3A = arith.constant 0 : i32
    %eq3A_1 = arith.cmpi eq, %arg0, %eq3A : i32
    %convert_element_type3A = arith.extui %eq3A_1 : i1 to i32
    %cond3A = arith.constant 0 : i32
    %cond3A_2 = arith.cmpi ne, %convert_element_type3A, %cond3A : i32
    scf.if %cond3A_2 {
      %mul3A_9 = arith.constant 320 : i32
      %mul3A_10 = arith.muli %arg1, %mul3A_9 : i32
      %add3A = arith.constant 0 : i32
      %add3A_11 = arith.addi %mul3A_10, %add3A : i32
      %mul3A_12 = arith.constant 64 : i32
      %mul3A_13 = arith.muli %add3A_11, %mul3A_12 : i32
      "tpu.region"() ({
        %run_scoped3A = tpu.sem_alloc : memref<!tpu.dma_semaphore, #tpu.memory_space<semaphore_mem>>
        %dma_start3A_226 = arith.constant 0 : i32
        %dma_start3A_227 = tpu.memref_slice %arg7[%dma_start3A_226] : memref<4096xi32, #tpu.memory_space<vmem>> -> memref<4096xi32, #tpu.memory_space<vmem>>
        %dma_start3A_228 = tpu.memref_slice %arg3[%mul3A_13] : memref<327680xi32, #tpu.memory_space<hbm>> -> memref<4096xi32, #tpu.memory_space<hbm>>
        %dma_start3A_229 = arith.constant 0 : i32
        %dma_start3A_230 = tpu.memref_slice %arg7[%dma_start3A_229] : memref<4096xi32, #tpu.memory_space<vmem>> -> memref<4096xi32, #tpu.memory_space<vmem>>
        %dma_start3A_231 = tpu.memref_slice %arg3[%mul3A_13] : memref<327680xi32, #tpu.memory_space<hbm>> -> memref<4096xi32, #tpu.memory_space<hbm>>
        tpu.enqueue_dma source(%dma_start3A_231 : memref<4096xi32, #tpu.memory_space<hbm>>) target(%dma_start3A_230 : memref<4096xi32, #tpu.memory_space<vmem>>) target_semaphore(%run_scoped3A : memref<!tpu.dma_semaphore, #tpu.memory_space<semaphore_mem>>)
        %dma_wait3A = arith.constant 0 : i32
        %dma_wait3A_232 = tpu.memref_slice %arg7[%dma_wait3A] : memref<4096xi32, #tpu.memory_space<vmem>> -> memref<4096xi32, #tpu.memory_space<vmem>>
        %dma_wait3A_233 = tpu.memref_slice %arg3[%mul3A_13] : memref<327680xi32, #tpu.memory_space<hbm>> -> memref<4096xi32, #tpu.memory_space<hbm>>
        %dma_wait3A_234 = arith.constant 0 : i32
        %dma_wait3A_235 = tpu.memref_slice %arg7[%dma_wait3A_234] : memref<4096xi32, #tpu.memory_space<vmem>> -> memref<4096xi32, #tpu.memory_space<vmem>>
        %dma_wait3A_236 = tpu.memref_slice %arg3[%mul3A_13] : memref<327680xi32, #tpu.memory_space<hbm>> -> memref<4096xi32, #tpu.memory_space<hbm>>
        tpu.wait_dma2 semaphore(%run_scoped3A : memref<!tpu.dma_semaphore, #tpu.memory_space<semaphore_mem>>) src(%dma_wait3A_236 : memref<4096xi32, #tpu.memory_space<hbm>>) dst(%dma_wait3A_235 : memref<4096xi32, #tpu.memory_space<vmem>>)
        tpu.yield
      }) : () -> ()
      "tpu.region"() ({
        %run_scoped3A = tpu.sem_alloc : memref<!tpu.dma_semaphore, #tpu.memory_space<semaphore_mem>>
        %dma_start3A_226 = arith.constant 0 : i32
        %dma_start3A_227 = arith.constant 0 : i32
        %dma_start3A_228 = tpu.memref_slice %arg8[%dma_start3A_226, %dma_start3A_227] : memref<64x64xi32, #tpu.memory_space<vmem>> -> memref<64x64xi32, #tpu.memory_space<vmem>>
        %dma_start3A_229 = arith.constant 0 : i32
        %dma_start3A_230 = tpu.memref_slice %arg4[%add3A_11, %dma_start3A_229] : memref<5120x64xi32, #tpu.memory_space<hbm>> -> memref<64x64xi32, #tpu.memory_space<hbm>>
        %dma_start3A_231 = arith.constant 0 : i32
        %dma_start3A_232 = arith.constant 0 : i32
        %dma_start3A_233 = tpu.memref_slice %arg8[%dma_start3A_231, %dma_start3A_232] : memref<64x64xi32, #tpu.memory_space<vmem>> -> memref<64x64xi32, #tpu.memory_space<vmem>>
        %dma_start3A_234 = arith.constant 0 : i32
        %dma_start3A_235 = tpu.memref_slice %arg4[%add3A_11, %dma_start3A_234] : memref<5120x64xi32, #tpu.memory_space<hbm>> -> memref<64x64xi32, #tpu.memory_space<hbm>>
        tpu.enqueue_dma source(%dma_start3A_235 : memref<64x64xi32, #tpu.memory_space<hbm>>) target(%dma_start3A_233 : memref<64x64xi32, #tpu.memory_space<vmem>>) target_semaphore(%run_scoped3A : memref<!tpu.dma_semaphore, #tpu.memory_space<semaphore_mem>>)
        %dma_wait3A = arith.constant 0 : i32
        %dma_wait3A_236 = arith.constant 0 : i32
        %dma_wait3A_237 = tpu.memref_slice %arg8[%dma_wait3A, %dma_wait3A_236] : memref<64x64xi32, #tpu.memory_space<vmem>> -> memref<64x64xi32, #tpu.memory_space<vmem>>
        %dma_wait3A_238 = arith.constant 0 : i32
        %dma_wait3A_239 = tpu.memref_slice %arg4[%add3A_11, %dma_wait3A_238] : memref<5120x64xi32, #tpu.memory_space<hbm>> -> memref<64x64xi32, #tpu.memory_space<hbm>>
        %dma_wait3A_240 = arith.constant 0 : i32
        %dma_wait3A_241 = arith.constant 0 : i32
        %dma_wait3A_242 = tpu.memref_slice %arg8[%dma_wait3A_240, %dma_wait3A_241] : memref<64x64xi32, #tpu.memory_space<vmem>> -> memref<64x64xi32, #tpu.memory_space<vmem>>
        %dma_wait3A_243 = arith.constant 0 : i32
        %dma_wait3A_244 = tpu.memref_slice %arg4[%add3A_11, %dma_wait3A_243] : memref<5120x64xi32, #tpu.memory_space<hbm>> -> memref<64x64xi32, #tpu.memory_space<hbm>>
        tpu.wait_dma2 semaphore(%run_scoped3A : memref<!tpu.dma_semaphore, #tpu.memory_space<semaphore_mem>>) src(%dma_wait3A_244 : memref<64x64xi32, #tpu.memory_space<hbm>>) dst(%dma_wait3A_242 : memref<64x64xi32, #tpu.memory_space<vmem>>)
        tpu.yield
      }) : () -> ()
      %dma_start3A = arith.constant 0 : i32
      %dma_start3A_14 = arith.constant 0 : i32
      %dma_start3A_15 = tpu.memref_slice %arg9[%dma_start3A, %dma_start3A_14] : memref<256x128xf32, #tpu.memory_space<vmem>> -> memref<64x128xf32, #tpu.memory_space<vmem>>
      %dma_start3A_16 = arith.constant 0 : i32
      %dma_start3A_17 = tpu.memref_slice %arg7[%dma_start3A_16] : memref<4096xi32, #tpu.memory_space<vmem>> -> memref<64xi32, #tpu.memory_space<vmem>>
      %dma_start3A_18 = arith.constant 0 : i32
      %dma_start3A_19 = arith.constant 0 : i32
      %dma_start3A_20 = tpu.memref_slice %arg2[%dma_start3A_18, %dma_start3A_19] : memref<10112x128xf32, #tpu.memory_space<hbm>> -> memref<10112x128xf32, #tpu.memory_space<hbm>>
      tpu.enqueue_indirect_dma source(%dma_start3A_20 : memref<10112x128xf32, #tpu.memory_space<hbm>>) target(%dma_start3A_15 : memref<64x128xf32, #tpu.memory_space<vmem>>) offsets(%dma_start3A_17 : memref<64xi32, #tpu.memory_space<vmem>>) semaphore(%arg11 : memref<!tpu.dma_semaphore, #tpu.memory_space<semaphore_mem>>)
      %dma_start3A_21 = arith.constant 64 : i32
      %dma_start3A_22 = arith.constant 0 : i32
      %dma_start3A_23 = tpu.memref_slice %arg9[%dma_start3A_21, %dma_start3A_22] : memref<256x128xf32, #tpu.memory_space<vmem>> -> memref<64x128xf32, #tpu.memory_space<vmem>>
      %dma_start3A_24 = arith.constant 64 : i32
      %dma_start3A_25 = tpu.memref_slice %arg7[%dma_start3A_24] : memref<4096xi32, #tpu.memory_space<vmem>> -> memref<64xi32, #tpu.memory_space<vmem>>
      %dma_start3A_26 = arith.constant 0 : i32
      %dma_start3A_27 = arith.constant 0 : i32
      %dma_start3A_28 = tpu.memref_slice %arg2[%dma_start3A_26, %dma_start3A_27] : memref<10112x128xf32, #tpu.memory_space<hbm>> -> memref<10112x128xf32, #tpu.memory_space<hbm>>
      tpu.enqueue_indirect_dma source(%dma_start3A_28 : memref<10112x128xf32, #tpu.memory_space<hbm>>) target(%dma_start3A_23 : memref<64x128xf32, #tpu.memory_space<vmem>>) offsets(%dma_start3A_25 : memref<64xi32, #tpu.memory_space<vmem>>) semaphore(%arg12 : memref<!tpu.dma_semaphore, #tpu.memory_space<semaphore_mem>>)
      %dma_start3A_29 = arith.constant 128 : i32
      %dma_start3A_30 = arith.constant 0 : i32
      %dma_start3A_31 = tpu.memref_slice %arg9[%dma_start3A_29, %dma_start3A_30] : memref<256x128xf32, #tpu.memory_space<vmem>> -> memref<64x128xf32, #tpu.memory_space<vmem>>
      %dma_start3A_32 = arith.constant 128 : i32
      %dma_start3A_33 = tpu.memref_slice %arg7[%dma_start3A_32] : memref<4096xi32, #tpu.memory_space<vmem>> -> memref<64xi32, #tpu.memory_space<vmem>>
      %dma_start3A_34 = arith.constant 0 : i32
      %dma_start3A_35 = arith.constant 0 : i32
      %dma_start3A_36 = tpu.memref_slice %arg2[%dma_start3A_34, %dma_start3A_35] : memref<10112x128xf32, #tpu.memory_space<hbm>> -> memref<10112x128xf32, #tpu.memory_space<hbm>>
      tpu.enqueue_indirect_dma source(%dma_start3A_36 : memref<10112x128xf32, #tpu.memory_space<hbm>>) target(%dma_start3A_31 : memref<64x128xf32, #tpu.memory_space<vmem>>) offsets(%dma_start3A_33 : memref<64xi32, #tpu.memory_space<vmem>>) semaphore(%arg13 : memref<!tpu.dma_semaphore, #tpu.memory_space<semaphore_mem>>)
      %dma_start3A_37 = arith.constant 192 : i32
      %dma_start3A_38 = arith.constant 0 : i32
      %dma_start3A_39 = tpu.memref_slice %arg9[%dma_start3A_37, %dma_start3A_38] : memref<256x128xf32, #tpu.memory_space<vmem>> -> memref<64x128xf32, #tpu.memory_space<vmem>>
      %dma_start3A_40 = arith.constant 192 : i32
      %dma_start3A_41 = tpu.memref_slice %arg7[%dma_start3A_40] : memref<4096xi32, #tpu.memory_space<vmem>> -> memref<64xi32, #tpu.memory_space<vmem>>
      %dma_start3A_42 = arith.constant 0 : i32
      %dma_start3A_43 = arith.constant 0 : i32
      %dma_start3A_44 = tpu.memref_slice %arg2[%dma_start3A_42, %dma_start3A_43] : memref<10112x128xf32, #tpu.memory_space<hbm>> -> memref<10112x128xf32, #tpu.memory_space<hbm>>
      tpu.enqueue_indirect_dma source(%dma_start3A_44 : memref<10112x128xf32, #tpu.memory_space<hbm>>) target(%dma_start3A_39 : memref<64x128xf32, #tpu.memory_space<vmem>>) offsets(%dma_start3A_41 : memref<64xi32, #tpu.memory_space<vmem>>) semaphore(%arg14 : memref<!tpu.dma_semaphore, #tpu.memory_space<semaphore_mem>>)
      %scan3A = arith.constant 0 : i32
      %scan3A_45 = arith.constant 0 : i32
      %scan3A_46 = arith.constant 16 : i32
      %scan3A_47 = arith.addi %scan3A_45, %scan3A_46 : i32
      %scan3A_48 = arith.constant 1 : i32
      scf.for %scan3A_226 = %scan3A_45 to %scan3A_47 step %scan3A_48  : i32 {
        %mul3A_227 = arith.constant 4 : i32
        %mul3A_228 = arith.muli %mul3A_227, %scan3A_226 : i32
        %dma_wait3A = arith.constant 0 : i32
        %dma_wait3A_229 = arith.constant 0 : i32
        %dma_wait3A_230 = tpu.memref_slice %arg9[%dma_wait3A, %dma_wait3A_229] : memref<256x128xf32, #tpu.memory_space<vmem>> -> memref<64x128xf32, #tpu.memory_space<vmem>>
        %dma_wait3A_231 = arith.constant 0 : i32
        %dma_wait3A_232 = tpu.memref_slice %arg7[%dma_wait3A_231] : memref<4096xi32, #tpu.memory_space<vmem>> -> memref<64xi32, #tpu.memory_space<vmem>>
        %dma_wait3A_233 = arith.constant 0 : i32
        %dma_wait3A_234 = arith.constant 0 : i32
        %dma_wait3A_235 = tpu.memref_slice %arg2[%dma_wait3A_233, %dma_wait3A_234] : memref<10112x128xf32, #tpu.memory_space<hbm>> -> memref<10112x128xf32, #tpu.memory_space<hbm>>
        tpu.wait_indirect_dma semaphore(%arg11 : memref<!tpu.dma_semaphore, #tpu.memory_space<semaphore_mem>>) src(%dma_wait3A_235 : memref<10112x128xf32, #tpu.memory_space<hbm>>) dst(%dma_wait3A_230 : memref<64x128xf32, #tpu.memory_space<vmem>>)
        %add3A_236 = arith.constant 0 : i32
        %add3A_237 = arith.addi %mul3A_228, %add3A_236 : i32
        %dma_start3A_238 = arith.constant 0 : i32
        %dma_start3A_239 = arith.constant 0 : i32
        %dma_start3A_240 = tpu.memref_slice %arg9[%dma_start3A_238, %dma_start3A_239] : memref<256x128xf32, #tpu.memory_space<vmem>> -> memref<64x128xf32, #tpu.memory_space<vmem>>
        %dma_start3A_241 = arith.constant 0 : i32
        %dma_start3A_242 = tpu.memref_slice %arg8[%add3A_237, %dma_start3A_241] : memref<64x64xi32, #tpu.memory_space<vmem>> -> memref<1x64xi32, #tpu.memory_space<vmem>>
        %dma_start3A_243 = tpu.memref_squeeze %dma_start3A_242 : memref<1x64xi32, #tpu.memory_space<vmem>> -> memref<64xi32, #tpu.memory_space<vmem>>
        %dma_start3A_244 = arith.constant 0 : i32
        %dma_start3A_245 = arith.constant 0 : i32
        %dma_start3A_246 = tpu.memref_slice %arg10[%dma_start3A_244, %dma_start3A_245] : memref<10112x128xf32, #tpu.memory_space<vmem_shared>> -> memref<10112x128xf32, #tpu.memory_space<vmem_shared>>
        tpu.enqueue_indirect_dma source(%dma_start3A_240 : memref<64x128xf32, #tpu.memory_space<vmem>>) target(%dma_start3A_246 : memref<10112x128xf32, #tpu.memory_space<vmem_shared>>) offsets(%dma_start3A_243 : memref<64xi32, #tpu.memory_space<vmem>>) semaphore(%arg15 : memref<!tpu.dma_semaphore, #tpu.memory_space<semaphore_mem>>) {add = true}
        %dma_wait3A_247 = arith.constant 64 : i32
        %dma_wait3A_248 = arith.constant 0 : i32
        %dma_wait3A_249 = tpu.memref_slice %arg9[%dma_wait3A_247, %dma_wait3A_248] : memref<256x128xf32, #tpu.memory_space<vmem>> -> memref<64x128xf32, #tpu.memory_space<vmem>>
        %dma_wait3A_250 = arith.constant 0 : i32
        %dma_wait3A_251 = tpu.memref_slice %arg7[%dma_wait3A_250] : memref<4096xi32, #tpu.memory_space<vmem>> -> memref<64xi32, #tpu.memory_space<vmem>>
        %dma_wait3A_252 = arith.constant 0 : i32
        %dma_wait3A_253 = arith.constant 0 : i32
        %dma_wait3A_254 = tpu.memref_slice %arg2[%dma_wait3A_252, %dma_wait3A_253] : memref<10112x128xf32, #tpu.memory_space<hbm>> -> memref<10112x128xf32, #tpu.memory_space<hbm>>
        tpu.wait_indirect_dma semaphore(%arg12 : memref<!tpu.dma_semaphore, #tpu.memory_space<semaphore_mem>>) src(%dma_wait3A_254 : memref<10112x128xf32, #tpu.memory_space<hbm>>) dst(%dma_wait3A_249 : memref<64x128xf32, #tpu.memory_space<vmem>>)
        %add3A_255 = arith.constant 1 : i32
        %add3A_256 = arith.addi %mul3A_228, %add3A_255 : i32
        %dma_start3A_257 = arith.constant 64 : i32
        %dma_start3A_258 = arith.constant 0 : i32
        %dma_start3A_259 = tpu.memref_slice %arg9[%dma_start3A_257, %dma_start3A_258] : memref<256x128xf32, #tpu.memory_space<vmem>> -> memref<64x128xf32, #tpu.memory_space<vmem>>
        %dma_start3A_260 = arith.constant 0 : i32
        %dma_start3A_261 = tpu.memref_slice %arg8[%add3A_256, %dma_start3A_260] : memref<64x64xi32, #tpu.memory_space<vmem>> -> memref<1x64xi32, #tpu.memory_space<vmem>>
        %dma_start3A_262 = tpu.memref_squeeze %dma_start3A_261 : memref<1x64xi32, #tpu.memory_space<vmem>> -> memref<64xi32, #tpu.memory_space<vmem>>
        %dma_start3A_263 = arith.constant 0 : i32
        %dma_start3A_264 = arith.constant 0 : i32
        %dma_start3A_265 = tpu.memref_slice %arg10[%dma_start3A_263, %dma_start3A_264] : memref<10112x128xf32, #tpu.memory_space<vmem_shared>> -> memref<10112x128xf32, #tpu.memory_space<vmem_shared>>
        tpu.enqueue_indirect_dma source(%dma_start3A_259 : memref<64x128xf32, #tpu.memory_space<vmem>>) target(%dma_start3A_265 : memref<10112x128xf32, #tpu.memory_space<vmem_shared>>) offsets(%dma_start3A_262 : memref<64xi32, #tpu.memory_space<vmem>>) semaphore(%arg16 : memref<!tpu.dma_semaphore, #tpu.memory_space<semaphore_mem>>) {add = true}
        %dma_wait3A_266 = arith.constant 128 : i32
        %dma_wait3A_267 = arith.constant 0 : i32
        %dma_wait3A_268 = tpu.memref_slice %arg9[%dma_wait3A_266, %dma_wait3A_267] : memref<256x128xf32, #tpu.memory_space<vmem>> -> memref<64x128xf32, #tpu.memory_space<vmem>>
        %dma_wait3A_269 = arith.constant 0 : i32
        %dma_wait3A_270 = tpu.memref_slice %arg7[%dma_wait3A_269] : memref<4096xi32, #tpu.memory_space<vmem>> -> memref<64xi32, #tpu.memory_space<vmem>>
        %dma_wait3A_271 = arith.constant 0 : i32
        %dma_wait3A_272 = arith.constant 0 : i32
        %dma_wait3A_273 = tpu.memref_slice %arg2[%dma_wait3A_271, %dma_wait3A_272] : memref<10112x128xf32, #tpu.memory_space<hbm>> -> memref<10112x128xf32, #tpu.memory_space<hbm>>
        tpu.wait_indirect_dma semaphore(%arg13 : memref<!tpu.dma_semaphore, #tpu.memory_space<semaphore_mem>>) src(%dma_wait3A_273 : memref<10112x128xf32, #tpu.memory_space<hbm>>) dst(%dma_wait3A_268 : memref<64x128xf32, #tpu.memory_space<vmem>>)
        %add3A_274 = arith.constant 2 : i32
        %add3A_275 = arith.addi %mul3A_228, %add3A_274 : i32
        %dma_start3A_276 = arith.constant 128 : i32
        %dma_start3A_277 = arith.constant 0 : i32
        %dma_start3A_278 = tpu.memref_slice %arg9[%dma_start3A_276, %dma_start3A_277] : memref<256x128xf32, #tpu.memory_space<vmem>> -> memref<64x128xf32, #tpu.memory_space<vmem>>
        %dma_start3A_279 = arith.constant 0 : i32
        %dma_start3A_280 = tpu.memref_slice %arg8[%add3A_275, %dma_start3A_279] : memref<64x64xi32, #tpu.memory_space<vmem>> -> memref<1x64xi32, #tpu.memory_space<vmem>>
        %dma_start3A_281 = tpu.memref_squeeze %dma_start3A_280 : memref<1x64xi32, #tpu.memory_space<vmem>> -> memref<64xi32, #tpu.memory_space<vmem>>
        %dma_start3A_282 = arith.constant 0 : i32
        %dma_start3A_283 = arith.constant 0 : i32
        %dma_start3A_284 = tpu.memref_slice %arg10[%dma_start3A_282, %dma_start3A_283] : memref<10112x128xf32, #tpu.memory_space<vmem_shared>> -> memref<10112x128xf32, #tpu.memory_space<vmem_shared>>
        tpu.enqueue_indirect_dma source(%dma_start3A_278 : memref<64x128xf32, #tpu.memory_space<vmem>>) target(%dma_start3A_284 : memref<10112x128xf32, #tpu.memory_space<vmem_shared>>) offsets(%dma_start3A_281 : memref<64xi32, #tpu.memory_space<vmem>>) semaphore(%arg17 : memref<!tpu.dma_semaphore, #tpu.memory_space<semaphore_mem>>) {add = true}
        %dma_wait3A_285 = arith.constant 192 : i32
        %dma_wait3A_286 = arith.constant 0 : i32
        %dma_wait3A_287 = tpu.memref_slice %arg9[%dma_wait3A_285, %dma_wait3A_286] : memref<256x128xf32, #tpu.memory_space<vmem>> -> memref<64x128xf32, #tpu.memory_space<vmem>>
        %dma_wait3A_288 = arith.constant 0 : i32
        %dma_wait3A_289 = tpu.memref_slice %arg7[%dma_wait3A_288] : memref<4096xi32, #tpu.memory_space<vmem>> -> memref<64xi32, #tpu.memory_space<vmem>>
        %dma_wait3A_290 = arith.constant 0 : i32
        %dma_wait3A_291 = arith.constant 0 : i32
        %dma_wait3A_292 = tpu.memref_slice %arg2[%dma_wait3A_290, %dma_wait3A_291] : memref<10112x128xf32, #tpu.memory_space<hbm>> -> memref<10112x128xf32, #tpu.memory_space<hbm>>
        tpu.wait_indirect_dma semaphore(%arg14 : memref<!tpu.dma_semaphore, #tpu.memory_space<semaphore_mem>>) src(%dma_wait3A_292 : memref<10112x128xf32, #tpu.memory_space<hbm>>) dst(%dma_wait3A_287 : memref<64x128xf32, #tpu.memory_space<vmem>>)
        %add3A_293 = arith.constant 3 : i32
        %add3A_294 = arith.addi %mul3A_228, %add3A_293 : i32
        %dma_start3A_295 = arith.constant 192 : i32
        %dma_start3A_296 = arith.constant 0 : i32
        %dma_start3A_297 = tpu.memref_slice %arg9[%dma_start3A_295, %dma_start3A_296] : memref<256x128xf32, #tpu.memory_space<vmem>> -> memref<64x128xf32, #tpu.memory_space<vmem>>
        %dma_start3A_298 = arith.constant 0 : i32
        %dma_start3A_299 = tpu.memref_slice %arg8[%add3A_294, %dma_start3A_298] : memref<64x64xi32, #tpu.memory_space<vmem>> -> memref<1x64xi32, #tpu.memory_space<vmem>>
        %dma_start3A_300 = tpu.memref_squeeze %dma_start3A_299 : memref<1x64xi32, #tpu.memory_space<vmem>> -> memref<64xi32, #tpu.memory_space<vmem>>
        %dma_start3A_301 = arith.constant 0 : i32
        %dma_start3A_302 = arith.constant 0 : i32
        %dma_start3A_303 = tpu.memref_slice %arg10[%dma_start3A_301, %dma_start3A_302] : memref<10112x128xf32, #tpu.memory_space<vmem_shared>> -> memref<10112x128xf32, #tpu.memory_space<vmem_shared>>
        tpu.enqueue_indirect_dma source(%dma_start3A_297 : memref<64x128xf32, #tpu.memory_space<vmem>>) target(%dma_start3A_303 : memref<10112x128xf32, #tpu.memory_space<vmem_shared>>) offsets(%dma_start3A_300 : memref<64xi32, #tpu.memory_space<vmem>>) semaphore(%arg18 : memref<!tpu.dma_semaphore, #tpu.memory_space<semaphore_mem>>) {add = true}
        %dma_wait3A_304 = arith.constant 0 : i32
        %dma_wait3A_305 = arith.constant 0 : i32
        %dma_wait3A_306 = arith.constant 0 : i32
        %dma_wait3A_307 = tpu.memref_slice %arg9[%dma_wait3A_305, %dma_wait3A_306] : memref<256x128xf32, #tpu.memory_space<vmem>> -> memref<64x128xf32, #tpu.memory_space<vmem>>
        %dma_wait3A_308 = arith.constant 0 : i32
        %dma_wait3A_309 = tpu.memref_slice %arg8[%dma_wait3A_304, %dma_wait3A_308] : memref<64x64xi32, #tpu.memory_space<vmem>> -> memref<1x64xi32, #tpu.memory_space<vmem>>
        %dma_wait3A_310 = tpu.memref_squeeze %dma_wait3A_309 : memref<1x64xi32, #tpu.memory_space<vmem>> -> memref<64xi32, #tpu.memory_space<vmem>>
        %dma_wait3A_311 = arith.constant 0 : i32
        %dma_wait3A_312 = arith.constant 0 : i32
        %dma_wait3A_313 = tpu.memref_slice %arg10[%dma_wait3A_311, %dma_wait3A_312] : memref<10112x128xf32, #tpu.memory_space<vmem_shared>> -> memref<10112x128xf32, #tpu.memory_space<vmem_shared>>
        tpu.wait_indirect_dma semaphore(%arg15 : memref<!tpu.dma_semaphore, #tpu.memory_space<semaphore_mem>>) src(%dma_wait3A_307 : memref<64x128xf32, #tpu.memory_space<vmem>>) dst(%dma_wait3A_313 : memref<10112x128xf32, #tpu.memory_space<vmem_shared>>)
        %add3A_314 = arith.constant 4 : i32
        %add3A_315 = arith.addi %mul3A_228, %add3A_314 : i32
        %add3A_316 = arith.constant 0 : i32
        %add3A_317 = arith.addi %add3A_315, %add3A_316 : i32
        %lt3A = arith.constant 64 : i32
        %lt3A_318 = arith.cmpi slt, %add3A_317, %lt3A : i32
        %convert_element_type3A_319 = arith.extui %lt3A_318 : i1 to i32
        %cond3A_320 = arith.constant 0 : i32
        %cond3A_321 = arith.cmpi ne, %convert_element_type3A_319, %cond3A_320 : i32
        scf.if %cond3A_321 {
          %add3A_379 = arith.constant 4 : i32
          %add3A_380 = arith.addi %mul3A_228, %add3A_379 : i32
          %add3A_381 = arith.constant 0 : i32
          %add3A_382 = arith.addi %add3A_380, %add3A_381 : i32
          %mul3A_383 = arith.constant 64 : i32
          %mul3A_384 = arith.muli %add3A_382, %mul3A_383 : i32
          %dma_start3A_385 = arith.constant 0 : i32
          %dma_start3A_386 = arith.constant 0 : i32
          %dma_start3A_387 = tpu.memref_slice %arg9[%dma_start3A_385, %dma_start3A_386] : memref<256x128xf32, #tpu.memory_space<vmem>> -> memref<64x128xf32, #tpu.memory_space<vmem>>
          %dma_start3A_388 = tpu.memref_slice %arg7[%mul3A_384] : memref<4096xi32, #tpu.memory_space<vmem>> -> memref<64xi32, #tpu.memory_space<vmem>>
          %dma_start3A_389 = arith.constant 0 : i32
          %dma_start3A_390 = arith.constant 0 : i32
          %dma_start3A_391 = tpu.memref_slice %arg2[%dma_start3A_389, %dma_start3A_390] : memref<10112x128xf32, #tpu.memory_space<hbm>> -> memref<10112x128xf32, #tpu.memory_space<hbm>>
          tpu.enqueue_indirect_dma source(%dma_start3A_391 : memref<10112x128xf32, #tpu.memory_space<hbm>>) target(%dma_start3A_387 : memref<64x128xf32, #tpu.memory_space<vmem>>) offsets(%dma_start3A_388 : memref<64xi32, #tpu.memory_space<vmem>>) semaphore(%arg11 : memref<!tpu.dma_semaphore, #tpu.memory_space<semaphore_mem>>)
        } else {
        }
        %dma_wait3A_322 = arith.constant 0 : i32
        %dma_wait3A_323 = arith.constant 64 : i32
        %dma_wait3A_324 = arith.constant 0 : i32
        %dma_wait3A_325 = tpu.memref_slice %arg9[%dma_wait3A_323, %dma_wait3A_324] : memref<256x128xf32, #tpu.memory_space<vmem>> -> memref<64x128xf32, #tpu.memory_space<vmem>>
        %dma_wait3A_326 = arith.constant 0 : i32
        %dma_wait3A_327 = tpu.memref_slice %arg8[%dma_wait3A_322, %dma_wait3A_326] : memref<64x64xi32, #tpu.memory_space<vmem>> -> memref<1x64xi32, #tpu.memory_space<vmem>>
        %dma_wait3A_328 = tpu.memref_squeeze %dma_wait3A_327 : memref<1x64xi32, #tpu.memory_space<vmem>> -> memref<64xi32, #tpu.memory_space<vmem>>
        %dma_wait3A_329 = arith.constant 0 : i32
        %dma_wait3A_330 = arith.constant 0 : i32
        %dma_wait3A_331 = tpu.memref_slice %arg10[%dma_wait3A_329, %dma_wait3A_330] : memref<10112x128xf32, #tpu.memory_space<vmem_shared>> -> memref<10112x128xf32, #tpu.memory_space<vmem_shared>>
        tpu.wait_indirect_dma semaphore(%arg16 : memref<!tpu.dma_semaphore, #tpu.memory_space<semaphore_mem>>) src(%dma_wait3A_325 : memref<64x128xf32, #tpu.memory_space<vmem>>) dst(%dma_wait3A_331 : memref<10112x128xf32, #tpu.memory_space<vmem_shared>>)
        %add3A_332 = arith.constant 4 : i32
        %add3A_333 = arith.addi %mul3A_228, %add3A_332 : i32
        %add3A_334 = arith.constant 1 : i32
        %add3A_335 = arith.addi %add3A_333, %add3A_334 : i32
        %lt3A_336 = arith.constant 64 : i32
        %lt3A_337 = arith.cmpi slt, %add3A_335, %lt3A_336 : i32
        %convert_element_type3A_338 = arith.extui %lt3A_337 : i1 to i32
        %cond3A_339 = arith.constant 0 : i32
        %cond3A_340 = arith.cmpi ne, %convert_element_type3A_338, %cond3A_339 : i32
        scf.if %cond3A_340 {
          %add3A_379 = arith.constant 4 : i32
          %add3A_380 = arith.addi %mul3A_228, %add3A_379 : i32
          %add3A_381 = arith.constant 1 : i32
          %add3A_382 = arith.addi %add3A_380, %add3A_381 : i32
          %mul3A_383 = arith.constant 64 : i32
          %mul3A_384 = arith.muli %add3A_382, %mul3A_383 : i32
          %dma_start3A_385 = arith.constant 64 : i32
          %dma_start3A_386 = arith.constant 0 : i32
          %dma_start3A_387 = tpu.memref_slice %arg9[%dma_start3A_385, %dma_start3A_386] : memref<256x128xf32, #tpu.memory_space<vmem>> -> memref<64x128xf32, #tpu.memory_space<vmem>>
          %dma_start3A_388 = tpu.memref_slice %arg7[%mul3A_384] : memref<4096xi32, #tpu.memory_space<vmem>> -> memref<64xi32, #tpu.memory_space<vmem>>
          %dma_start3A_389 = arith.constant 0 : i32
          %dma_start3A_390 = arith.constant 0 : i32
          %dma_start3A_391 = tpu.memref_slice %arg2[%dma_start3A_389, %dma_start3A_390] : memref<10112x128xf32, #tpu.memory_space<hbm>> -> memref<10112x128xf32, #tpu.memory_space<hbm>>
          tpu.enqueue_indirect_dma source(%dma_start3A_391 : memref<10112x128xf32, #tpu.memory_space<hbm>>) target(%dma_start3A_387 : memref<64x128xf32, #tpu.memory_space<vmem>>) offsets(%dma_start3A_388 : memref<64xi32, #tpu.memory_space<vmem>>) semaphore(%arg12 : memref<!tpu.dma_semaphore, #tpu.memory_space<semaphore_mem>>)
        } else {
        }
        %dma_wait3A_341 = arith.constant 0 : i32
        %dma_wait3A_342 = arith.constant 128 : i32
        %dma_wait3A_343 = arith.constant 0 : i32
        %dma_wait3A_344 = tpu.memref_slice %arg9[%dma_wait3A_342, %dma_wait3A_343] : memref<256x128xf32, #tpu.memory_space<vmem>> -> memref<64x128xf32, #tpu.memory_space<vmem>>
        %dma_wait3A_345 = arith.constant 0 : i32
        %dma_wait3A_346 = tpu.memref_slice %arg8[%dma_wait3A_341, %dma_wait3A_345] : memref<64x64xi32, #tpu.memory_space<vmem>> -> memref<1x64xi32, #tpu.memory_space<vmem>>
        %dma_wait3A_347 = tpu.memref_squeeze %dma_wait3A_346 : memref<1x64xi32, #tpu.memory_space<vmem>> -> memref<64xi32, #tpu.memory_space<vmem>>
        %dma_wait3A_348 = arith.constant 0 : i32
        %dma_wait3A_349 = arith.constant 0 : i32
        %dma_wait3A_350 = tpu.memref_slice %arg10[%dma_wait3A_348, %dma_wait3A_349] : memref<10112x128xf32, #tpu.memory_space<vmem_shared>> -> memref<10112x128xf32, #tpu.memory_space<vmem_shared>>
        tpu.wait_indirect_dma semaphore(%arg17 : memref<!tpu.dma_semaphore, #tpu.memory_space<semaphore_mem>>) src(%dma_wait3A_344 : memref<64x128xf32, #tpu.memory_space<vmem>>) dst(%dma_wait3A_350 : memref<10112x128xf32, #tpu.memory_space<vmem_shared>>)
        %add3A_351 = arith.constant 4 : i32
        %add3A_352 = arith.addi %mul3A_228, %add3A_351 : i32
        %add3A_353 = arith.constant 2 : i32
        %add3A_354 = arith.addi %add3A_352, %add3A_353 : i32
        %lt3A_355 = arith.constant 64 : i32
        %lt3A_356 = arith.cmpi slt, %add3A_354, %lt3A_355 : i32
        %convert_element_type3A_357 = arith.extui %lt3A_356 : i1 to i32
        %cond3A_358 = arith.constant 0 : i32
        %cond3A_359 = arith.cmpi ne, %convert_element_type3A_357, %cond3A_358 : i32
        scf.if %cond3A_359 {
          %add3A_379 = arith.constant 4 : i32
          %add3A_380 = arith.addi %mul3A_228, %add3A_379 : i32
          %add3A_381 = arith.constant 2 : i32
          %add3A_382 = arith.addi %add3A_380, %add3A_381 : i32
          %mul3A_383 = arith.constant 64 : i32
          %mul3A_384 = arith.muli %add3A_382, %mul3A_383 : i32
          %dma_start3A_385 = arith.constant 128 : i32
          %dma_start3A_386 = arith.constant 0 : i32
          %dma_start3A_387 = tpu.memref_slice %arg9[%dma_start3A_385, %dma_start3A_386] : memref<256x128xf32, #tpu.memory_space<vmem>> -> memref<64x128xf32, #tpu.memory_space<vmem>>
          %dma_start3A_388 = tpu.memref_slice %arg7[%mul3A_384] : memref<4096xi32, #tpu.memory_space<vmem>> -> memref<64xi32, #tpu.memory_space<vmem>>
          %dma_start3A_389 = arith.constant 0 : i32
          %dma_start3A_390 = arith.constant 0 : i32
          %dma_start3A_391 = tpu.memref_slice %arg2[%dma_start3A_389, %dma_start3A_390] : memref<10112x128xf32, #tpu.memory_space<hbm>> -> memref<10112x128xf32, #tpu.memory_space<hbm>>
          tpu.enqueue_indirect_dma source(%dma_start3A_391 : memref<10112x128xf32, #tpu.memory_space<hbm>>) target(%dma_start3A_387 : memref<64x128xf32, #tpu.memory_space<vmem>>) offsets(%dma_start3A_388 : memref<64xi32, #tpu.memory_space<vmem>>) semaphore(%arg13 : memref<!tpu.dma_semaphore, #tpu.memory_space<semaphore_mem>>)
        } else {
        }
        %dma_wait3A_360 = arith.constant 0 : i32
        %dma_wait3A_361 = arith.constant 192 : i32
        %dma_wait3A_362 = arith.constant 0 : i32
        %dma_wait3A_363 = tpu.memref_slice %arg9[%dma_wait3A_361, %dma_wait3A_362] : memref<256x128xf32, #tpu.memory_space<vmem>> -> memref<64x128xf32, #tpu.memory_space<vmem>>
        %dma_wait3A_364 = arith.constant 0 : i32
        %dma_wait3A_365 = tpu.memref_slice %arg8[%dma_wait3A_360, %dma_wait3A_364] : memref<64x64xi32, #tpu.memory_space<vmem>> -> memref<1x64xi32, #tpu.memory_space<vmem>>
        %dma_wait3A_366 = tpu.memref_squeeze %dma_wait3A_365 : memref<1x64xi32, #tpu.memory_space<vmem>> -> memref<64xi32, #tpu.memory_space<vmem>>
        %dma_wait3A_367 = arith.constant 0 : i32
        %dma_wait3A_368 = arith.constant 0 : i32
        %dma_wait3A_369 = tpu.memref_slice %arg10[%dma_wait3A_367, %dma_wait3A_368] : memref<10112x128xf32, #tpu.memory_space<vmem_shared>> -> memref<10112x128xf32, #tpu.memory_space<vmem_shared>>
        tpu.wait_indirect_dma semaphore(%arg18 : memref<!tpu.dma_semaphore, #tpu.memory_space<semaphore_mem>>) src(%dma_wait3A_363 : memref<64x128xf32, #tpu.memory_space<vmem>>) dst(%dma_wait3A_369 : memref<10112x128xf32, #tpu.memory_space<vmem_shared>>)
        %add3A_370 = arith.constant 4 : i32
        %add3A_371 = arith.addi %mul3A_228, %add3A_370 : i32
        %add3A_372 = arith.constant 3 : i32
        %add3A_373 = arith.addi %add3A_371, %add3A_372 : i32
        %lt3A_374 = arith.constant 64 : i32
        %lt3A_375 = arith.cmpi slt, %add3A_373, %lt3A_374 : i32
        %convert_element_type3A_376 = arith.extui %lt3A_375 : i1 to i32
        %cond3A_377 = arith.constant 0 : i32
        %cond3A_378 = arith.cmpi ne, %convert_element_type3A_376, %cond3A_377 : i32
        scf.if %cond3A_378 {
          %add3A_379 = arith.constant 4 : i32
          %add3A_380 = arith.addi %mul3A_228, %add3A_379 : i32
          %add3A_381 = arith.constant 3 : i32
          %add3A_382 = arith.addi %add3A_380, %add3A_381 : i32
          %mul3A_383 = arith.constant 64 : i32
          %mul3A_384 = arith.muli %add3A_382, %mul3A_383 : i32
          %dma_start3A_385 = arith.constant 192 : i32
          %dma_start3A_386 = arith.constant 0 : i32
          %dma_start3A_387 = tpu.memref_slice %arg9[%dma_start3A_385, %dma_start3A_386] : memref<256x128xf32, #tpu.memory_space<vmem>> -> memref<64x128xf32, #tpu.memory_space<vmem>>
          %dma_start3A_388 = tpu.memref_slice %arg7[%mul3A_384] : memref<4096xi32, #tpu.memory_space<vmem>> -> memref<64xi32, #tpu.memory_space<vmem>>
          %dma_start3A_389 = arith.constant 0 : i32
          %dma_start3A_390 = arith.constant 0 : i32
          %dma_start3A_391 = tpu.memref_slice %arg2[%dma_start3A_389, %dma_start3A_390] : memref<10112x128xf32, #tpu.memory_space<hbm>> -> memref<10112x128xf32, #tpu.memory_space<hbm>>
          tpu.enqueue_indirect_dma source(%dma_start3A_391 : memref<10112x128xf32, #tpu.memory_space<hbm>>) target(%dma_start3A_387 : memref<64x128xf32, #tpu.memory_space<vmem>>) offsets(%dma_start3A_388 : memref<64xi32, #tpu.memory_space<vmem>>) semaphore(%arg14 : memref<!tpu.dma_semaphore, #tpu.memory_space<semaphore_mem>>)
        } else {
        }
      }
      %scan3A_49 = arith.constant 16 : i32
      %mul3A_50 = arith.constant 320 : i32
      %mul3A_51 = arith.muli %arg1, %mul3A_50 : i32
      %add3A_52 = arith.constant 64 : i32
      %add3A_53 = arith.addi %mul3A_51, %add3A_52 : i32
      %mul3A_54 = arith.constant 64 : i32
      %mul3A_55 = arith.muli %add3A_53, %mul3A_54 : i32
      "tpu.region"() ({
        %run_scoped3A = tpu.sem_alloc : memref<!tpu.dma_semaphore, #tpu.memory_space<semaphore_mem>>
        %dma_start3A_226 = arith.constant 0 : i32
        %dma_start3A_227 = tpu.memref_slice %arg7[%dma_start3A_226] : memref<4096xi32, #tpu.memory_space<vmem>> -> memref<4096xi32, #tpu.memory_space<vmem>>
        %dma_start3A_228 = tpu.memref_slice %arg3[%mul3A_55] : memref<327680xi32, #tpu.memory_space<hbm>> -> memref<4096xi32, #tpu.memory_space<hbm>>
        %dma_start3A_229 = arith.constant 0 : i32
        %dma_start3A_230 = tpu.memref_slice %arg7[%dma_start3A_229] : memref<4096xi32, #tpu.memory_space<vmem>> -> memref<4096xi32, #tpu.memory_space<vmem>>
        %dma_start3A_231 = tpu.memref_slice %arg3[%mul3A_55] : memref<327680xi32, #tpu.memory_space<hbm>> -> memref<4096xi32, #tpu.memory_space<hbm>>
        tpu.enqueue_dma source(%dma_start3A_231 : memref<4096xi32, #tpu.memory_space<hbm>>) target(%dma_start3A_230 : memref<4096xi32, #tpu.memory_space<vmem>>) target_semaphore(%run_scoped3A : memref<!tpu.dma_semaphore, #tpu.memory_space<semaphore_mem>>)
        %dma_wait3A = arith.constant 0 : i32
        %dma_wait3A_232 = tpu.memref_slice %arg7[%dma_wait3A] : memref<4096xi32, #tpu.memory_space<vmem>> -> memref<4096xi32, #tpu.memory_space<vmem>>
        %dma_wait3A_233 = tpu.memref_slice %arg3[%mul3A_55] : memref<327680xi32, #tpu.memory_space<hbm>> -> memref<4096xi32, #tpu.memory_space<hbm>>
        %dma_wait3A_234 = arith.constant 0 : i32
        %dma_wait3A_235 = tpu.memref_slice %arg7[%dma_wait3A_234] : memref<4096xi32, #tpu.memory_space<vmem>> -> memref<4096xi32, #tpu.memory_space<vmem>>
        %dma_wait3A_236 = tpu.memref_slice %arg3[%mul3A_55] : memref<327680xi32, #tpu.memory_space<hbm>> -> memref<4096xi32, #tpu.memory_space<hbm>>
        tpu.wait_dma2 semaphore(%run_scoped3A : memref<!tpu.dma_semaphore, #tpu.memory_space<semaphore_mem>>) src(%dma_wait3A_236 : memref<4096xi32, #tpu.memory_space<hbm>>) dst(%dma_wait3A_235 : memref<4096xi32, #tpu.memory_space<vmem>>)
        tpu.yield
      }) : () -> ()
      "tpu.region"() ({
        %run_scoped3A = tpu.sem_alloc : memref<!tpu.dma_semaphore, #tpu.memory_space<semaphore_mem>>
        %dma_start3A_226 = arith.constant 0 : i32
        %dma_start3A_227 = arith.constant 0 : i32
        %dma_start3A_228 = tpu.memref_slice %arg8[%dma_start3A_226, %dma_start3A_227] : memref<64x64xi32, #tpu.memory_space<vmem>> -> memref<64x64xi32, #tpu.memory_space<vmem>>
        %dma_start3A_229 = arith.constant 0 : i32
        %dma_start3A_230 = tpu.memref_slice %arg4[%add3A_53, %dma_start3A_229] : memref<5120x64xi32, #tpu.memory_space<hbm>> -> memref<64x64xi32, #tpu.memory_space<hbm>>
        %dma_start3A_231 = arith.constant 0 : i32
        %dma_start3A_232 = arith.constant 0 : i32
        %dma_start3A_233 = tpu.memref_slice %arg8[%dma_start3A_231, %dma_start3A_232] : memref<64x64xi32, #tpu.memory_space<vmem>> -> memref<64x64xi32, #tpu.memory_space<vmem>>
        %dma_start3A_234 = arith.constant 0 : i32
        %dma_start3A_235 = tpu.memref_slice %arg4[%add3A_53, %dma_start3A_234] : memref<5120x64xi32, #tpu.memory_space<hbm>> -> memref<64x64xi32, #tpu.memory_space<hbm>>
        tpu.enqueue_dma source(%dma_start3A_235 : memref<64x64xi32, #tpu.memory_space<hbm>>) target(%dma_start3A_233 : memref<64x64xi32, #tpu.memory_space<vmem>>) target_semaphore(%run_scoped3A : memref<!tpu.dma_semaphore, #tpu.memory_space<semaphore_mem>>)
        %dma_wait3A = arith.constant 0 : i32
        %dma_wait3A_236 = arith.constant 0 : i32
        %dma_wait3A_237 = tpu.memref_slice %arg8[%dma_wait3A, %dma_wait3A_236] : memref<64x64xi32, #tpu.memory_space<vmem>> -> memref<64x64xi32, #tpu.memory_space<vmem>>
        %dma_wait3A_238 = arith.constant 0 : i32
        %dma_wait3A_239 = tpu.memref_slice %arg4[%add3A_53, %dma_wait3A_238] : memref<5120x64xi32, #tpu.memory_space<hbm>> -> memref<64x64xi32, #tpu.memory_space<hbm>>
        %dma_wait3A_240 = arith.constant 0 : i32
        %dma_wait3A_241 = arith.constant 0 : i32
        %dma_wait3A_242 = tpu.memref_slice %arg8[%dma_wait3A_240, %dma_wait3A_241] : memref<64x64xi32, #tpu.memory_space<vmem>> -> memref<64x64xi32, #tpu.memory_space<vmem>>
        %dma_wait3A_243 = arith.constant 0 : i32
        %dma_wait3A_244 = tpu.memref_slice %arg4[%add3A_53, %dma_wait3A_243] : memref<5120x64xi32, #tpu.memory_space<hbm>> -> memref<64x64xi32, #tpu.memory_space<hbm>>
        tpu.wait_dma2 semaphore(%run_scoped3A : memref<!tpu.dma_semaphore, #tpu.memory_space<semaphore_mem>>) src(%dma_wait3A_244 : memref<64x64xi32, #tpu.memory_space<hbm>>) dst(%dma_wait3A_242 : memref<64x64xi32, #tpu.memory_space<vmem>>)
        tpu.yield
      }) : () -> ()
      %dma_start3A_56 = arith.constant 0 : i32
      %dma_start3A_57 = arith.constant 0 : i32
      %dma_start3A_58 = tpu.memref_slice %arg9[%dma_start3A_56, %dma_start3A_57] : memref<256x128xf32, #tpu.memory_space<vmem>> -> memref<64x128xf32, #tpu.memory_space<vmem>>
      %dma_start3A_59 = arith.constant 0 : i32
      %dma_start3A_60 = tpu.memref_slice %arg7[%dma_start3A_59] : memref<4096xi32, #tpu.memory_space<vmem>> -> memref<64xi32, #tpu.memory_space<vmem>>
      %dma_start3A_61 = arith.constant 0 : i32
      %dma_start3A_62 = arith.constant 0 : i32
      %dma_start3A_63 = tpu.memref_slice %arg2[%dma_start3A_61, %dma_start3A_62] : memref<10112x128xf32, #tpu.memory_space<hbm>> -> memref<10112x128xf32, #tpu.memory_space<hbm>>
      tpu.enqueue_indirect_dma source(%dma_start3A_63 : memref<10112x128xf32, #tpu.memory_space<hbm>>) target(%dma_start3A_58 : memref<64x128xf32, #tpu.memory_space<vmem>>) offsets(%dma_start3A_60 : memref<64xi32, #tpu.memory_space<vmem>>) semaphore(%arg11 : memref<!tpu.dma_semaphore, #tpu.memory_space<semaphore_mem>>)
      %dma_start3A_64 = arith.constant 64 : i32
      %dma_start3A_65 = arith.constant 0 : i32
      %dma_start3A_66 = tpu.memref_slice %arg9[%dma_start3A_64, %dma_start3A_65] : memref<256x128xf32, #tpu.memory_space<vmem>> -> memref<64x128xf32, #tpu.memory_space<vmem>>
      %dma_start3A_67 = arith.constant 64 : i32
      %dma_start3A_68 = tpu.memref_slice %arg7[%dma_start3A_67] : memref<4096xi32, #tpu.memory_space<vmem>> -> memref<64xi32, #tpu.memory_space<vmem>>
      %dma_start3A_69 = arith.constant 0 : i32
      %dma_start3A_70 = arith.constant 0 : i32
      %dma_start3A_71 = tpu.memref_slice %arg2[%dma_start3A_69, %dma_start3A_70] : memref<10112x128xf32, #tpu.memory_space<hbm>> -> memref<10112x128xf32, #tpu.memory_space<hbm>>
      tpu.enqueue_indirect_dma source(%dma_start3A_71 : memref<10112x128xf32, #tpu.memory_space<hbm>>) target(%dma_start3A_66 : memref<64x128xf32, #tpu.memory_space<vmem>>) offsets(%dma_start3A_68 : memref<64xi32, #tpu.memory_space<vmem>>) semaphore(%arg12 : memref<!tpu.dma_semaphore, #tpu.memory_space<semaphore_mem>>)
      %dma_start3A_72 = arith.constant 128 : i32
      %dma_start3A_73 = arith.constant 0 : i32
      %dma_start3A_74 = tpu.memref_slice %arg9[%dma_start3A_72, %dma_start3A_73] : memref<256x128xf32, #tpu.memory_space<vmem>> -> memref<64x128xf32, #tpu.memory_space<vmem>>
      %dma_start3A_75 = arith.constant 128 : i32
      %dma_start3A_76 = tpu.memref_slice %arg7[%dma_start3A_75] : memref<4096xi32, #tpu.memory_space<vmem>> -> memref<64xi32, #tpu.memory_space<vmem>>
      %dma_start3A_77 = arith.constant 0 : i32
      %dma_start3A_78 = arith.constant 0 : i32
      %dma_start3A_79 = tpu.memref_slice %arg2[%dma_start3A_77, %dma_start3A_78] : memref<10112x128xf32, #tpu.memory_space<hbm>> -> memref<10112x128xf32, #tpu.memory_space<hbm>>
      tpu.enqueue_indirect_dma source(%dma_start3A_79 : memref<10112x128xf32, #tpu.memory_space<hbm>>) target(%dma_start3A_74 : memref<64x128xf32, #tpu.memory_space<vmem>>) offsets(%dma_start3A_76 : memref<64xi32, #tpu.memory_space<vmem>>) semaphore(%arg13 : memref<!tpu.dma_semaphore, #tpu.memory_space<semaphore_mem>>)
      %dma_start3A_80 = arith.constant 192 : i32
      %dma_start3A_81 = arith.constant 0 : i32
      %dma_start3A_82 = tpu.memref_slice %arg9[%dma_start3A_80, %dma_start3A_81] : memref<256x128xf32, #tpu.memory_space<vmem>> -> memref<64x128xf32, #tpu.memory_space<vmem>>
      %dma_start3A_83 = arith.constant 192 : i32
      %dma_start3A_84 = tpu.memref_slice %arg7[%dma_start3A_83] : memref<4096xi32, #tpu.memory_space<vmem>> -> memref<64xi32, #tpu.memory_space<vmem>>
      %dma_start3A_85 = arith.constant 0 : i32
      %dma_start3A_86 = arith.constant 0 : i32
      %dma_start3A_87 = tpu.memref_slice %arg2[%dma_start3A_85, %dma_start3A_86] : memref<10112x128xf32, #tpu.memory_space<hbm>> -> memref<10112x128xf32, #tpu.memory_space<hbm>>
      tpu.enqueue_indirect_dma source(%dma_start3A_87 : memref<10112x128xf32, #tpu.memory_space<hbm>>) target(%dma_start3A_82 : memref<64x128xf32, #tpu.memory_space<vmem>>) offsets(%dma_start3A_84 : memref<64xi32, #tpu.memory_space<vmem>>) semaphore(%arg14 : memref<!tpu.dma_semaphore, #tpu.memory_space<semaphore_mem>>)
      %scan3A_88 = arith.constant 0 : i32
      %scan3A_89 = arith.constant 0 : i32
      %scan3A_90 = arith.constant 16 : i32
      %scan3A_91 = arith.addi %scan3A_89, %scan3A_90 : i32
      %scan3A_92 = arith.constant 1 : i32
      scf.for %scan3A_226 = %scan3A_89 to %scan3A_91 step %scan3A_92  : i32 {
        %mul3A_227 = arith.constant 4 : i32
        %mul3A_228 = arith.muli %mul3A_227, %scan3A_226 : i32
        %dma_wait3A = arith.constant 0 : i32
        %dma_wait3A_229 = arith.constant 0 : i32
        %dma_wait3A_230 = tpu.memref_slice %arg9[%dma_wait3A, %dma_wait3A_229] : memref<256x128xf32, #tpu.memory_space<vmem>> -> memref<64x128xf32, #tpu.memory_space<vmem>>
        %dma_wait3A_231 = arith.constant 0 : i32
        %dma_wait3A_232 = tpu.memref_slice %arg7[%dma_wait3A_231] : memref<4096xi32, #tpu.memory_space<vmem>> -> memref<64xi32, #tpu.memory_space<vmem>>
        %dma_wait3A_233 = arith.constant 0 : i32
        %dma_wait3A_234 = arith.constant 0 : i32
        %dma_wait3A_235 = tpu.memref_slice %arg2[%dma_wait3A_233, %dma_wait3A_234] : memref<10112x128xf32, #tpu.memory_space<hbm>> -> memref<10112x128xf32, #tpu.memory_space<hbm>>
        tpu.wait_indirect_dma semaphore(%arg11 : memref<!tpu.dma_semaphore, #tpu.memory_space<semaphore_mem>>) src(%dma_wait3A_235 : memref<10112x128xf32, #tpu.memory_space<hbm>>) dst(%dma_wait3A_230 : memref<64x128xf32, #tpu.memory_space<vmem>>)
        %add3A_236 = arith.constant 0 : i32
        %add3A_237 = arith.addi %mul3A_228, %add3A_236 : i32
        %dma_start3A_238 = arith.constant 0 : i32
        %dma_start3A_239 = arith.constant 0 : i32
        %dma_start3A_240 = tpu.memref_slice %arg9[%dma_start3A_238, %dma_start3A_239] : memref<256x128xf32, #tpu.memory_space<vmem>> -> memref<64x128xf32, #tpu.memory_space<vmem>>
        %dma_start3A_241 = arith.constant 0 : i32
        %dma_start3A_242 = tpu.memref_slice %arg8[%add3A_237, %dma_start3A_241] : memref<64x64xi32, #tpu.memory_space<vmem>> -> memref<1x64xi32, #tpu.memory_space<vmem>>
        %dma_start3A_243 = tpu.memref_squeeze %dma_start3A_242 : memref<1x64xi32, #tpu.memory_space<vmem>> -> memref<64xi32, #tpu.memory_space<vmem>>
        %dma_start3A_244 = arith.constant 0 : i32
        %dma_start3A_245 = arith.constant 0 : i32
        %dma_start3A_246 = tpu.memref_slice %arg10[%dma_start3A_244, %dma_start3A_245] : memref<10112x128xf32, #tpu.memory_space<vmem_shared>> -> memref<10112x128xf32, #tpu.memory_space<vmem_shared>>
        tpu.enqueue_indirect_dma source(%dma_start3A_240 : memref<64x128xf32, #tpu.memory_space<vmem>>) target(%dma_start3A_246 : memref<10112x128xf32, #tpu.memory_space<vmem_shared>>) offsets(%dma_start3A_243 : memref<64xi32, #tpu.memory_space<vmem>>) semaphore(%arg15 : memref<!tpu.dma_semaphore, #tpu.memory_space<semaphore_mem>>) {add = true}
        %dma_wait3A_247 = arith.constant 64 : i32
        %dma_wait3A_248 = arith.constant 0 : i32
        %dma_wait3A_249 = tpu.memref_slice %arg9[%dma_wait3A_247, %dma_wait3A_248] : memref<256x128xf32, #tpu.memory_space<vmem>> -> memref<64x128xf32, #tpu.memory_space<vmem>>
        %dma_wait3A_250 = arith.constant 0 : i32
        %dma_wait3A_251 = tpu.memref_slice %arg7[%dma_wait3A_250] : memref<4096xi32, #tpu.memory_space<vmem>> -> memref<64xi32, #tpu.memory_space<vmem>>
        %dma_wait3A_252 = arith.constant 0 : i32
        %dma_wait3A_253 = arith.constant 0 : i32
        %dma_wait3A_254 = tpu.memref_slice %arg2[%dma_wait3A_252, %dma_wait3A_253] : memref<10112x128xf32, #tpu.memory_space<hbm>> -> memref<10112x128xf32, #tpu.memory_space<hbm>>
        tpu.wait_indirect_dma semaphore(%arg12 : memref<!tpu.dma_semaphore, #tpu.memory_space<semaphore_mem>>) src(%dma_wait3A_254 : memref<10112x128xf32, #tpu.memory_space<hbm>>) dst(%dma_wait3A_249 : memref<64x128xf32, #tpu.memory_space<vmem>>)
        %add3A_255 = arith.constant 1 : i32
        %add3A_256 = arith.addi %mul3A_228, %add3A_255 : i32
        %dma_start3A_257 = arith.constant 64 : i32
        %dma_start3A_258 = arith.constant 0 : i32
        %dma_start3A_259 = tpu.memref_slice %arg9[%dma_start3A_257, %dma_start3A_258] : memref<256x128xf32, #tpu.memory_space<vmem>> -> memref<64x128xf32, #tpu.memory_space<vmem>>
        %dma_start3A_260 = arith.constant 0 : i32
        %dma_start3A_261 = tpu.memref_slice %arg8[%add3A_256, %dma_start3A_260] : memref<64x64xi32, #tpu.memory_space<vmem>> -> memref<1x64xi32, #tpu.memory_space<vmem>>
        %dma_start3A_262 = tpu.memref_squeeze %dma_start3A_261 : memref<1x64xi32, #tpu.memory_space<vmem>> -> memref<64xi32, #tpu.memory_space<vmem>>
        %dma_start3A_263 = arith.constant 0 : i32
        %dma_start3A_264 = arith.constant 0 : i32
        %dma_start3A_265 = tpu.memref_slice %arg10[%dma_start3A_263, %dma_start3A_264] : memref<10112x128xf32, #tpu.memory_space<vmem_shared>> -> memref<10112x128xf32, #tpu.memory_space<vmem_shared>>
        tpu.enqueue_indirect_dma source(%dma_start3A_259 : memref<64x128xf32, #tpu.memory_space<vmem>>) target(%dma_start3A_265 : memref<10112x128xf32, #tpu.memory_space<vmem_shared>>) offsets(%dma_start3A_262 : memref<64xi32, #tpu.memory_space<vmem>>) semaphore(%arg16 : memref<!tpu.dma_semaphore, #tpu.memory_space<semaphore_mem>>) {add = true}
        %dma_wait3A_266 = arith.constant 128 : i32
        %dma_wait3A_267 = arith.constant 0 : i32
        %dma_wait3A_268 = tpu.memref_slice %arg9[%dma_wait3A_266, %dma_wait3A_267] : memref<256x128xf32, #tpu.memory_space<vmem>> -> memref<64x128xf32, #tpu.memory_space<vmem>>
        %dma_wait3A_269 = arith.constant 0 : i32
        %dma_wait3A_270 = tpu.memref_slice %arg7[%dma_wait3A_269] : memref<4096xi32, #tpu.memory_space<vmem>> -> memref<64xi32, #tpu.memory_space<vmem>>
        %dma_wait3A_271 = arith.constant 0 : i32
        %dma_wait3A_272 = arith.constant 0 : i32
        %dma_wait3A_273 = tpu.memref_slice %arg2[%dma_wait3A_271, %dma_wait3A_272] : memref<10112x128xf32, #tpu.memory_space<hbm>> -> memref<10112x128xf32, #tpu.memory_space<hbm>>
        tpu.wait_indirect_dma semaphore(%arg13 : memref<!tpu.dma_semaphore, #tpu.memory_space<semaphore_mem>>) src(%dma_wait3A_273 : memref<10112x128xf32, #tpu.memory_space<hbm>>) dst(%dma_wait3A_268 : memref<64x128xf32, #tpu.memory_space<vmem>>)
        %add3A_274 = arith.constant 2 : i32
        %add3A_275 = arith.addi %mul3A_228, %add3A_274 : i32
        %dma_start3A_276 = arith.constant 128 : i32
        %dma_start3A_277 = arith.constant 0 : i32
        %dma_start3A_278 = tpu.memref_slice %arg9[%dma_start3A_276, %dma_start3A_277] : memref<256x128xf32, #tpu.memory_space<vmem>> -> memref<64x128xf32, #tpu.memory_space<vmem>>
        %dma_start3A_279 = arith.constant 0 : i32
        %dma_start3A_280 = tpu.memref_slice %arg8[%add3A_275, %dma_start3A_279] : memref<64x64xi32, #tpu.memory_space<vmem>> -> memref<1x64xi32, #tpu.memory_space<vmem>>
        %dma_start3A_281 = tpu.memref_squeeze %dma_start3A_280 : memref<1x64xi32, #tpu.memory_space<vmem>> -> memref<64xi32, #tpu.memory_space<vmem>>
        %dma_start3A_282 = arith.constant 0 : i32
        %dma_start3A_283 = arith.constant 0 : i32
        %dma_start3A_284 = tpu.memref_slice %arg10[%dma_start3A_282, %dma_start3A_283] : memref<10112x128xf32, #tpu.memory_space<vmem_shared>> -> memref<10112x128xf32, #tpu.memory_space<vmem_shared>>
        tpu.enqueue_indirect_dma source(%dma_start3A_278 : memref<64x128xf32, #tpu.memory_space<vmem>>) target(%dma_start3A_284 : memref<10112x128xf32, #tpu.memory_space<vmem_shared>>) offsets(%dma_start3A_281 : memref<64xi32, #tpu.memory_space<vmem>>) semaphore(%arg17 : memref<!tpu.dma_semaphore, #tpu.memory_space<semaphore_mem>>) {add = true}
        %dma_wait3A_285 = arith.constant 192 : i32
        %dma_wait3A_286 = arith.constant 0 : i32
        %dma_wait3A_287 = tpu.memref_slice %arg9[%dma_wait3A_285, %dma_wait3A_286] : memref<256x128xf32, #tpu.memory_space<vmem>> -> memref<64x128xf32, #tpu.memory_space<vmem>>
        %dma_wait3A_288 = arith.constant 0 : i32
        %dma_wait3A_289 = tpu.memref_slice %arg7[%dma_wait3A_288] : memref<4096xi32, #tpu.memory_space<vmem>> -> memref<64xi32, #tpu.memory_space<vmem>>
        %dma_wait3A_290 = arith.constant 0 : i32
        %dma_wait3A_291 = arith.constant 0 : i32
        %dma_wait3A_292 = tpu.memref_slice %arg2[%dma_wait3A_290, %dma_wait3A_291] : memref<10112x128xf32, #tpu.memory_space<hbm>> -> memref<10112x128xf32, #tpu.memory_space<hbm>>
        tpu.wait_indirect_dma semaphore(%arg14 : memref<!tpu.dma_semaphore, #tpu.memory_space<semaphore_mem>>) src(%dma_wait3A_292 : memref<10112x128xf32, #tpu.memory_space<hbm>>) dst(%dma_wait3A_287 : memref<64x128xf32, #tpu.memory_space<vmem>>)
        %add3A_293 = arith.constant 3 : i32
        %add3A_294 = arith.addi %mul3A_228, %add3A_293 : i32
        %dma_start3A_295 = arith.constant 192 : i32
        %dma_start3A_296 = arith.constant 0 : i32
        %dma_start3A_297 = tpu.memref_slice %arg9[%dma_start3A_295, %dma_start3A_296] : memref<256x128xf32, #tpu.memory_space<vmem>> -> memref<64x128xf32, #tpu.memory_space<vmem>>
        %dma_start3A_298 = arith.constant 0 : i32
        %dma_start3A_299 = tpu.memref_slice %arg8[%add3A_294, %dma_start3A_298] : memref<64x64xi32, #tpu.memory_space<vmem>> -> memref<1x64xi32, #tpu.memory_space<vmem>>
        %dma_start3A_300 = tpu.memref_squeeze %dma_start3A_299 : memref<1x64xi32, #tpu.memory_space<vmem>> -> memref<64xi32, #tpu.memory_space<vmem>>
        %dma_start3A_301 = arith.constant 0 : i32
        %dma_start3A_302 = arith.constant 0 : i32
        %dma_start3A_303 = tpu.memref_slice %arg10[%dma_start3A_301, %dma_start3A_302] : memref<10112x128xf32, #tpu.memory_space<vmem_shared>> -> memref<10112x128xf32, #tpu.memory_space<vmem_shared>>
        tpu.enqueue_indirect_dma source(%dma_start3A_297 : memref<64x128xf32, #tpu.memory_space<vmem>>) target(%dma_start3A_303 : memref<10112x128xf32, #tpu.memory_space<vmem_shared>>) offsets(%dma_start3A_300 : memref<64xi32, #tpu.memory_space<vmem>>) semaphore(%arg18 : memref<!tpu.dma_semaphore, #tpu.memory_space<semaphore_mem>>) {add = true}
        %dma_wait3A_304 = arith.constant 0 : i32
        %dma_wait3A_305 = arith.constant 0 : i32
        %dma_wait3A_306 = arith.constant 0 : i32
        %dma_wait3A_307 = tpu.memref_slice %arg9[%dma_wait3A_305, %dma_wait3A_306] : memref<256x128xf32, #tpu.memory_space<vmem>> -> memref<64x128xf32, #tpu.memory_space<vmem>>
        %dma_wait3A_308 = arith.constant 0 : i32
        %dma_wait3A_309 = tpu.memref_slice %arg8[%dma_wait3A_304, %dma_wait3A_308] : memref<64x64xi32, #tpu.memory_space<vmem>> -> memref<1x64xi32, #tpu.memory_space<vmem>>
        %dma_wait3A_310 = tpu.memref_squeeze %dma_wait3A_309 : memref<1x64xi32, #tpu.memory_space<vmem>> -> memref<64xi32, #tpu.memory_space<vmem>>
        %dma_wait3A_311 = arith.constant 0 : i32
        %dma_wait3A_312 = arith.constant 0 : i32
        %dma_wait3A_313 = tpu.memref_slice %arg10[%dma_wait3A_311, %dma_wait3A_312] : memref<10112x128xf32, #tpu.memory_space<vmem_shared>> -> memref<10112x128xf32, #tpu.memory_space<vmem_shared>>
        tpu.wait_indirect_dma semaphore(%arg15 : memref<!tpu.dma_semaphore, #tpu.memory_space<semaphore_mem>>) src(%dma_wait3A_307 : memref<64x128xf32, #tpu.memory_space<vmem>>) dst(%dma_wait3A_313 : memref<10112x128xf32, #tpu.memory_space<vmem_shared>>)
        %add3A_314 = arith.constant 4 : i32
        %add3A_315 = arith.addi %mul3A_228, %add3A_314 : i32
        %add3A_316 = arith.constant 0 : i32
        %add3A_317 = arith.addi %add3A_315, %add3A_316 : i32
        %lt3A = arith.constant 64 : i32
        %lt3A_318 = arith.cmpi slt, %add3A_317, %lt3A : i32
        %convert_element_type3A_319 = arith.extui %lt3A_318 : i1 to i32
        %cond3A_320 = arith.constant 0 : i32
        %cond3A_321 = arith.cmpi ne, %convert_element_type3A_319, %cond3A_320 : i32
        scf.if %cond3A_321 {
          %add3A_379 = arith.constant 4 : i32
          %add3A_380 = arith.addi %mul3A_228, %add3A_379 : i32
          %add3A_381 = arith.constant 0 : i32
          %add3A_382 = arith.addi %add3A_380, %add3A_381 : i32
          %mul3A_383 = arith.constant 64 : i32
          %mul3A_384 = arith.muli %add3A_382, %mul3A_383 : i32
          %dma_start3A_385 = arith.constant 0 : i32
          %dma_start3A_386 = arith.constant 0 : i32
          %dma_start3A_387 = tpu.memref_slice %arg9[%dma_start3A_385, %dma_start3A_386] : memref<256x128xf32, #tpu.memory_space<vmem>> -> memref<64x128xf32, #tpu.memory_space<vmem>>
          %dma_start3A_388 = tpu.memref_slice %arg7[%mul3A_384] : memref<4096xi32, #tpu.memory_space<vmem>> -> memref<64xi32, #tpu.memory_space<vmem>>
          %dma_start3A_389 = arith.constant 0 : i32
          %dma_start3A_390 = arith.constant 0 : i32
          %dma_start3A_391 = tpu.memref_slice %arg2[%dma_start3A_389, %dma_start3A_390] : memref<10112x128xf32, #tpu.memory_space<hbm>> -> memref<10112x128xf32, #tpu.memory_space<hbm>>
          tpu.enqueue_indirect_dma source(%dma_start3A_391 : memref<10112x128xf32, #tpu.memory_space<hbm>>) target(%dma_start3A_387 : memref<64x128xf32, #tpu.memory_space<vmem>>) offsets(%dma_start3A_388 : memref<64xi32, #tpu.memory_space<vmem>>) semaphore(%arg11 : memref<!tpu.dma_semaphore, #tpu.memory_space<semaphore_mem>>)
        } else {
        }
        %dma_wait3A_322 = arith.constant 0 : i32
        %dma_wait3A_323 = arith.constant 64 : i32
        %dma_wait3A_324 = arith.constant 0 : i32
        %dma_wait3A_325 = tpu.memref_slice %arg9[%dma_wait3A_323, %dma_wait3A_324] : memref<256x128xf32, #tpu.memory_space<vmem>> -> memref<64x128xf32, #tpu.memory_space<vmem>>
        %dma_wait3A_326 = arith.constant 0 : i32
        %dma_wait3A_327 = tpu.memref_slice %arg8[%dma_wait3A_322, %dma_wait3A_326] : memref<64x64xi32, #tpu.memory_space<vmem>> -> memref<1x64xi32, #tpu.memory_space<vmem>>
        %dma_wait3A_328 = tpu.memref_squeeze %dma_wait3A_327 : memref<1x64xi32, #tpu.memory_space<vmem>> -> memref<64xi32, #tpu.memory_space<vmem>>
        %dma_wait3A_329 = arith.constant 0 : i32
        %dma_wait3A_330 = arith.constant 0 : i32
        %dma_wait3A_331 = tpu.memref_slice %arg10[%dma_wait3A_329, %dma_wait3A_330] : memref<10112x128xf32, #tpu.memory_space<vmem_shared>> -> memref<10112x128xf32, #tpu.memory_space<vmem_shared>>
        tpu.wait_indirect_dma semaphore(%arg16 : memref<!tpu.dma_semaphore, #tpu.memory_space<semaphore_mem>>) src(%dma_wait3A_325 : memref<64x128xf32, #tpu.memory_space<vmem>>) dst(%dma_wait3A_331 : memref<10112x128xf32, #tpu.memory_space<vmem_shared>>)
        %add3A_332 = arith.constant 4 : i32
        %add3A_333 = arith.addi %mul3A_228, %add3A_332 : i32
        %add3A_334 = arith.constant 1 : i32
        %add3A_335 = arith.addi %add3A_333, %add3A_334 : i32
        %lt3A_336 = arith.constant 64 : i32
        %lt3A_337 = arith.cmpi slt, %add3A_335, %lt3A_336 : i32
        %convert_element_type3A_338 = arith.extui %lt3A_337 : i1 to i32
        %cond3A_339 = arith.constant 0 : i32
        %cond3A_340 = arith.cmpi ne, %convert_element_type3A_338, %cond3A_339 : i32
        scf.if %cond3A_340 {
          %add3A_379 = arith.constant 4 : i32
          %add3A_380 = arith.addi %mul3A_228, %add3A_379 : i32
          %add3A_381 = arith.constant 1 : i32
          %add3A_382 = arith.addi %add3A_380, %add3A_381 : i32
          %mul3A_383 = arith.constant 64 : i32
          %mul3A_384 = arith.muli %add3A_382, %mul3A_383 : i32
          %dma_start3A_385 = arith.constant 64 : i32
          %dma_start3A_386 = arith.constant 0 : i32
          %dma_start3A_387 = tpu.memref_slice %arg9[%dma_start3A_385, %dma_start3A_386] : memref<256x128xf32, #tpu.memory_space<vmem>> -> memref<64x128xf32, #tpu.memory_space<vmem>>
          %dma_start3A_388 = tpu.memref_slice %arg7[%mul3A_384] : memref<4096xi32, #tpu.memory_space<vmem>> -> memref<64xi32, #tpu.memory_space<vmem>>
          %dma_start3A_389 = arith.constant 0 : i32
          %dma_start3A_390 = arith.constant 0 : i32
          %dma_start3A_391 = tpu.memref_slice %arg2[%dma_start3A_389, %dma_start3A_390] : memref<10112x128xf32, #tpu.memory_space<hbm>> -> memref<10112x128xf32, #tpu.memory_space<hbm>>
          tpu.enqueue_indirect_dma source(%dma_start3A_391 : memref<10112x128xf32, #tpu.memory_space<hbm>>) target(%dma_start3A_387 : memref<64x128xf32, #tpu.memory_space<vmem>>) offsets(%dma_start3A_388 : memref<64xi32, #tpu.memory_space<vmem>>) semaphore(%arg12 : memref<!tpu.dma_semaphore, #tpu.memory_space<semaphore_mem>>)
        } else {
        }
        %dma_wait3A_341 = arith.constant 0 : i32
        %dma_wait3A_342 = arith.constant 128 : i32
        %dma_wait3A_343 = arith.constant 0 : i32
        %dma_wait3A_344 = tpu.memref_slice %arg9[%dma_wait3A_342, %dma_wait3A_343] : memref<256x128xf32, #tpu.memory_space<vmem>> -> memref<64x128xf32, #tpu.memory_space<vmem>>
        %dma_wait3A_345 = arith.constant 0 : i32
        %dma_wait3A_346 = tpu.memref_slice %arg8[%dma_wait3A_341, %dma_wait3A_345] : memref<64x64xi32, #tpu.memory_space<vmem>> -> memref<1x64xi32, #tpu.memory_space<vmem>>
        %dma_wait3A_347 = tpu.memref_squeeze %dma_wait3A_346 : memref<1x64xi32, #tpu.memory_space<vmem>> -> memref<64xi32, #tpu.memory_space<vmem>>
        %dma_wait3A_348 = arith.constant 0 : i32
        %dma_wait3A_349 = arith.constant 0 : i32
        %dma_wait3A_350 = tpu.memref_slice %arg10[%dma_wait3A_348, %dma_wait3A_349] : memref<10112x128xf32, #tpu.memory_space<vmem_shared>> -> memref<10112x128xf32, #tpu.memory_space<vmem_shared>>
        tpu.wait_indirect_dma semaphore(%arg17 : memref<!tpu.dma_semaphore, #tpu.memory_space<semaphore_mem>>) src(%dma_wait3A_344 : memref<64x128xf32, #tpu.memory_space<vmem>>) dst(%dma_wait3A_350 : memref<10112x128xf32, #tpu.memory_space<vmem_shared>>)
        %add3A_351 = arith.constant 4 : i32
        %add3A_352 = arith.addi %mul3A_228, %add3A_351 : i32
        %add3A_353 = arith.constant 2 : i32
        %add3A_354 = arith.addi %add3A_352, %add3A_353 : i32
        %lt3A_355 = arith.constant 64 : i32
        %lt3A_356 = arith.cmpi slt, %add3A_354, %lt3A_355 : i32
        %convert_element_type3A_357 = arith.extui %lt3A_356 : i1 to i32
        %cond3A_358 = arith.constant 0 : i32
        %cond3A_359 = arith.cmpi ne, %convert_element_type3A_357, %cond3A_358 : i32
        scf.if %cond3A_359 {
          %add3A_379 = arith.constant 4 : i32
          %add3A_380 = arith.addi %mul3A_228, %add3A_379 : i32
          %add3A_381 = arith.constant 2 : i32
          %add3A_382 = arith.addi %add3A_380, %add3A_381 : i32
          %mul3A_383 = arith.constant 64 : i32
          %mul3A_384 = arith.muli %add3A_382, %mul3A_383 : i32
          %dma_start3A_385 = arith.constant 128 : i32
          %dma_start3A_386 = arith.constant 0 : i32
          %dma_start3A_387 = tpu.memref_slice %arg9[%dma_start3A_385, %dma_start3A_386] : memref<256x128xf32, #tpu.memory_space<vmem>> -> memref<64x128xf32, #tpu.memory_space<vmem>>
          %dma_start3A_388 = tpu.memref_slice %arg7[%mul3A_384] : memref<4096xi32, #tpu.memory_space<vmem>> -> memref<64xi32, #tpu.memory_space<vmem>>
          %dma_start3A_389 = arith.constant 0 : i32
          %dma_start3A_390 = arith.constant 0 : i32
          %dma_start3A_391 = tpu.memref_slice %arg2[%dma_start3A_389, %dma_start3A_390] : memref<10112x128xf32, #tpu.memory_space<hbm>> -> memref<10112x128xf32, #tpu.memory_space<hbm>>
          tpu.enqueue_indirect_dma source(%dma_start3A_391 : memref<10112x128xf32, #tpu.memory_space<hbm>>) target(%dma_start3A_387 : memref<64x128xf32, #tpu.memory_space<vmem>>) offsets(%dma_start3A_388 : memref<64xi32, #tpu.memory_space<vmem>>) semaphore(%arg13 : memref<!tpu.dma_semaphore, #tpu.memory_space<semaphore_mem>>)
        } else {
        }
        %dma_wait3A_360 = arith.constant 0 : i32
        %dma_wait3A_361 = arith.constant 192 : i32
        %dma_wait3A_362 = arith.constant 0 : i32
        %dma_wait3A_363 = tpu.memref_slice %arg9[%dma_wait3A_361, %dma_wait3A_362] : memref<256x128xf32, #tpu.memory_space<vmem>> -> memref<64x128xf32, #tpu.memory_space<vmem>>
        %dma_wait3A_364 = arith.constant 0 : i32
        %dma_wait3A_365 = tpu.memref_slice %arg8[%dma_wait3A_360, %dma_wait3A_364] : memref<64x64xi32, #tpu.memory_space<vmem>> -> memref<1x64xi32, #tpu.memory_space<vmem>>
        %dma_wait3A_366 = tpu.memref_squeeze %dma_wait3A_365 : memref<1x64xi32, #tpu.memory_space<vmem>> -> memref<64xi32, #tpu.memory_space<vmem>>
        %dma_wait3A_367 = arith.constant 0 : i32
        %dma_wait3A_368 = arith.constant 0 : i32
        %dma_wait3A_369 = tpu.memref_slice %arg10[%dma_wait3A_367, %dma_wait3A_368] : memref<10112x128xf32, #tpu.memory_space<vmem_shared>> -> memref<10112x128xf32, #tpu.memory_space<vmem_shared>>
        tpu.wait_indirect_dma semaphore(%arg18 : memref<!tpu.dma_semaphore, #tpu.memory_space<semaphore_mem>>) src(%dma_wait3A_363 : memref<64x128xf32, #tpu.memory_space<vmem>>) dst(%dma_wait3A_369 : memref<10112x128xf32, #tpu.memory_space<vmem_shared>>)
        %add3A_370 = arith.constant 4 : i32
        %add3A_371 = arith.addi %mul3A_228, %add3A_370 : i32
        %add3A_372 = arith.constant 3 : i32
        %add3A_373 = arith.addi %add3A_371, %add3A_372 : i32
        %lt3A_374 = arith.constant 64 : i32
        %lt3A_375 = arith.cmpi slt, %add3A_373, %lt3A_374 : i32
        %convert_element_type3A_376 = arith.extui %lt3A_375 : i1 to i32
        %cond3A_377 = arith.constant 0 : i32
        %cond3A_378 = arith.cmpi ne, %convert_element_type3A_376, %cond3A_377 : i32
        scf.if %cond3A_378 {
          %add3A_379 = arith.constant 4 : i32
          %add3A_380 = arith.addi %mul3A_228, %add3A_379 : i32
          %add3A_381 = arith.constant 3 : i32
          %add3A_382 = arith.addi %add3A_380, %add3A_381 : i32
          %mul3A_383 = arith.constant 64 : i32
          %mul3A_384 = arith.muli %add3A_382, %mul3A_383 : i32
          %dma_start3A_385 = arith.constant 192 : i32
          %dma_start3A_386 = arith.constant 0 : i32
          %dma_start3A_387 = tpu.memref_slice %arg9[%dma_start3A_385, %dma_start3A_386] : memref<256x128xf32, #tpu.memory_space<vmem>> -> memref<64x128xf32, #tpu.memory_space<vmem>>
          %dma_start3A_388 = tpu.memref_slice %arg7[%mul3A_384] : memref<4096xi32, #tpu.memory_space<vmem>> -> memref<64xi32, #tpu.memory_space<vmem>>
          %dma_start3A_389 = arith.constant 0 : i32
          %dma_start3A_390 = arith.constant 0 : i32
          %dma_start3A_391 = tpu.memref_slice %arg2[%dma_start3A_389, %dma_start3A_390] : memref<10112x128xf32, #tpu.memory_space<hbm>> -> memref<10112x128xf32, #tpu.memory_space<hbm>>
          tpu.enqueue_indirect_dma source(%dma_start3A_391 : memref<10112x128xf32, #tpu.memory_space<hbm>>) target(%dma_start3A_387 : memref<64x128xf32, #tpu.memory_space<vmem>>) offsets(%dma_start3A_388 : memref<64xi32, #tpu.memory_space<vmem>>) semaphore(%arg14 : memref<!tpu.dma_semaphore, #tpu.memory_space<semaphore_mem>>)
        } else {
        }
      }
      %scan3A_93 = arith.constant 16 : i32
      %mul3A_94 = arith.constant 320 : i32
      %mul3A_95 = arith.muli %arg1, %mul3A_94 : i32
      %add3A_96 = arith.constant 128 : i32
      %add3A_97 = arith.addi %mul3A_95, %add3A_96 : i32
      %mul3A_98 = arith.constant 64 : i32
      %mul3A_99 = arith.muli %add3A_97, %mul3A_98 : i32
      "tpu.region"() ({
        %run_scoped3A = tpu.sem_alloc : memref<!tpu.dma_semaphore, #tpu.memory_space<semaphore_mem>>
        %dma_start3A_226 = arith.constant 0 : i32
        %dma_start3A_227 = tpu.memref_slice %arg7[%dma_start3A_226] : memref<4096xi32, #tpu.memory_space<vmem>> -> memref<4096xi32, #tpu.memory_space<vmem>>
        %dma_start3A_228 = tpu.memref_slice %arg3[%mul3A_99] : memref<327680xi32, #tpu.memory_space<hbm>> -> memref<4096xi32, #tpu.memory_space<hbm>>
        %dma_start3A_229 = arith.constant 0 : i32
        %dma_start3A_230 = tpu.memref_slice %arg7[%dma_start3A_229] : memref<4096xi32, #tpu.memory_space<vmem>> -> memref<4096xi32, #tpu.memory_space<vmem>>
        %dma_start3A_231 = tpu.memref_slice %arg3[%mul3A_99] : memref<327680xi32, #tpu.memory_space<hbm>> -> memref<4096xi32, #tpu.memory_space<hbm>>
        tpu.enqueue_dma source(%dma_start3A_231 : memref<4096xi32, #tpu.memory_space<hbm>>) target(%dma_start3A_230 : memref<4096xi32, #tpu.memory_space<vmem>>) target_semaphore(%run_scoped3A : memref<!tpu.dma_semaphore, #tpu.memory_space<semaphore_mem>>)
        %dma_wait3A = arith.constant 0 : i32
        %dma_wait3A_232 = tpu.memref_slice %arg7[%dma_wait3A] : memref<4096xi32, #tpu.memory_space<vmem>> -> memref<4096xi32, #tpu.memory_space<vmem>>
        %dma_wait3A_233 = tpu.memref_slice %arg3[%mul3A_99] : memref<327680xi32, #tpu.memory_space<hbm>> -> memref<4096xi32, #tpu.memory_space<hbm>>
        %dma_wait3A_234 = arith.constant 0 : i32
        %dma_wait3A_235 = tpu.memref_slice %arg7[%dma_wait3A_234] : memref<4096xi32, #tpu.memory_space<vmem>> -> memref<4096xi32, #tpu.memory_space<vmem>>
        %dma_wait3A_236 = tpu.memref_slice %arg3[%mul3A_99] : memref<327680xi32, #tpu.memory_space<hbm>> -> memref<4096xi32, #tpu.memory_space<hbm>>
        tpu.wait_dma2 semaphore(%run_scoped3A : memref<!tpu.dma_semaphore, #tpu.memory_space<semaphore_mem>>) src(%dma_wait3A_236 : memref<4096xi32, #tpu.memory_space<hbm>>) dst(%dma_wait3A_235 : memref<4096xi32, #tpu.memory_space<vmem>>)
        tpu.yield
      }) : () -> ()
      "tpu.region"() ({
        %run_scoped3A = tpu.sem_alloc : memref<!tpu.dma_semaphore, #tpu.memory_space<semaphore_mem>>
        %dma_start3A_226 = arith.constant 0 : i32
        %dma_start3A_227 = arith.constant 0 : i32
        %dma_start3A_228 = tpu.memref_slice %arg8[%dma_start3A_226, %dma_start3A_227] : memref<64x64xi32, #tpu.memory_space<vmem>> -> memref<64x64xi32, #tpu.memory_space<vmem>>
        %dma_start3A_229 = arith.constant 0 : i32
        %dma_start3A_230 = tpu.memref_slice %arg4[%add3A_97, %dma_start3A_229] : memref<5120x64xi32, #tpu.memory_space<hbm>> -> memref<64x64xi32, #tpu.memory_space<hbm>>
        %dma_start3A_231 = arith.constant 0 : i32
        %dma_start3A_232 = arith.constant 0 : i32
        %dma_start3A_233 = tpu.memref_slice %arg8[%dma_start3A_231, %dma_start3A_232] : memref<64x64xi32, #tpu.memory_space<vmem>> -> memref<64x64xi32, #tpu.memory_space<vmem>>
        %dma_start3A_234 = arith.constant 0 : i32
        %dma_start3A_235 = tpu.memref_slice %arg4[%add3A_97, %dma_start3A_234] : memref<5120x64xi32, #tpu.memory_space<hbm>> -> memref<64x64xi32, #tpu.memory_space<hbm>>
        tpu.enqueue_dma source(%dma_start3A_235 : memref<64x64xi32, #tpu.memory_space<hbm>>) target(%dma_start3A_233 : memref<64x64xi32, #tpu.memory_space<vmem>>) target_semaphore(%run_scoped3A : memref<!tpu.dma_semaphore, #tpu.memory_space<semaphore_mem>>)
        %dma_wait3A = arith.constant 0 : i32
        %dma_wait3A_236 = arith.constant 0 : i32
        %dma_wait3A_237 = tpu.memref_slice %arg8[%dma_wait3A, %dma_wait3A_236] : memref<64x64xi32, #tpu.memory_space<vmem>> -> memref<64x64xi32, #tpu.memory_space<vmem>>
        %dma_wait3A_238 = arith.constant 0 : i32
        %dma_wait3A_239 = tpu.memref_slice %arg4[%add3A_97, %dma_wait3A_238] : memref<5120x64xi32, #tpu.memory_space<hbm>> -> memref<64x64xi32, #tpu.memory_space<hbm>>
        %dma_wait3A_240 = arith.constant 0 : i32
        %dma_wait3A_241 = arith.constant 0 : i32
        %dma_wait3A_242 = tpu.memref_slice %arg8[%dma_wait3A_240, %dma_wait3A_241] : memref<64x64xi32, #tpu.memory_space<vmem>> -> memref<64x64xi32, #tpu.memory_space<vmem>>
        %dma_wait3A_243 = arith.constant 0 : i32
        %dma_wait3A_244 = tpu.memref_slice %arg4[%add3A_97, %dma_wait3A_243] : memref<5120x64xi32, #tpu.memory_space<hbm>> -> memref<64x64xi32, #tpu.memory_space<hbm>>
        tpu.wait_dma2 semaphore(%run_scoped3A : memref<!tpu.dma_semaphore, #tpu.memory_space<semaphore_mem>>) src(%dma_wait3A_244 : memref<64x64xi32, #tpu.memory_space<hbm>>) dst(%dma_wait3A_242 : memref<64x64xi32, #tpu.memory_space<vmem>>)
        tpu.yield
      }) : () -> ()
      %dma_start3A_100 = arith.constant 0 : i32
      %dma_start3A_101 = arith.constant 0 : i32
      %dma_start3A_102 = tpu.memref_slice %arg9[%dma_start3A_100, %dma_start3A_101] : memref<256x128xf32, #tpu.memory_space<vmem>> -> memref<64x128xf32, #tpu.memory_space<vmem>>
      %dma_start3A_103 = arith.constant 0 : i32
      %dma_start3A_104 = tpu.memref_slice %arg7[%dma_start3A_103] : memref<4096xi32, #tpu.memory_space<vmem>> -> memref<64xi32, #tpu.memory_space<vmem>>
      %dma_start3A_105 = arith.constant 0 : i32
      %dma_start3A_106 = arith.constant 0 : i32
      %dma_start3A_107 = tpu.memref_slice %arg2[%dma_start3A_105, %dma_start3A_106] : memref<10112x128xf32, #tpu.memory_space<hbm>> -> memref<10112x128xf32, #tpu.memory_space<hbm>>
      tpu.enqueue_indirect_dma source(%dma_start3A_107 : memref<10112x128xf32, #tpu.memory_space<hbm>>) target(%dma_start3A_102 : memref<64x128xf32, #tpu.memory_space<vmem>>) offsets(%dma_start3A_104 : memref<64xi32, #tpu.memory_space<vmem>>) semaphore(%arg11 : memref<!tpu.dma_semaphore, #tpu.memory_space<semaphore_mem>>)
      %dma_start3A_108 = arith.constant 64 : i32
      %dma_start3A_109 = arith.constant 0 : i32
      %dma_start3A_110 = tpu.memref_slice %arg9[%dma_start3A_108, %dma_start3A_109] : memref<256x128xf32, #tpu.memory_space<vmem>> -> memref<64x128xf32, #tpu.memory_space<vmem>>
      %dma_start3A_111 = arith.constant 64 : i32
      %dma_start3A_112 = tpu.memref_slice %arg7[%dma_start3A_111] : memref<4096xi32, #tpu.memory_space<vmem>> -> memref<64xi32, #tpu.memory_space<vmem>>
      %dma_start3A_113 = arith.constant 0 : i32
      %dma_start3A_114 = arith.constant 0 : i32
      %dma_start3A_115 = tpu.memref_slice %arg2[%dma_start3A_113, %dma_start3A_114] : memref<10112x128xf32, #tpu.memory_space<hbm>> -> memref<10112x128xf32, #tpu.memory_space<hbm>>
      tpu.enqueue_indirect_dma source(%dma_start3A_115 : memref<10112x128xf32, #tpu.memory_space<hbm>>) target(%dma_start3A_110 : memref<64x128xf32, #tpu.memory_space<vmem>>) offsets(%dma_start3A_112 : memref<64xi32, #tpu.memory_space<vmem>>) semaphore(%arg12 : memref<!tpu.dma_semaphore, #tpu.memory_space<semaphore_mem>>)
      %dma_start3A_116 = arith.constant 128 : i32
      %dma_start3A_117 = arith.constant 0 : i32
      %dma_start3A_118 = tpu.memref_slice %arg9[%dma_start3A_116, %dma_start3A_117] : memref<256x128xf32, #tpu.memory_space<vmem>> -> memref<64x128xf32, #tpu.memory_space<vmem>>
      %dma_start3A_119 = arith.constant 128 : i32
      %dma_start3A_120 = tpu.memref_slice %arg7[%dma_start3A_119] : memref<4096xi32, #tpu.memory_space<vmem>> -> memref<64xi32, #tpu.memory_space<vmem>>
      %dma_start3A_121 = arith.constant 0 : i32
      %dma_start3A_122 = arith.constant 0 : i32
      %dma_start3A_123 = tpu.memref_slice %arg2[%dma_start3A_121, %dma_start3A_122] : memref<10112x128xf32, #tpu.memory_space<hbm>> -> memref<10112x128xf32, #tpu.memory_space<hbm>>
      tpu.enqueue_indirect_dma source(%dma_start3A_123 : memref<10112x128xf32, #tpu.memory_space<hbm>>) target(%dma_start3A_118 : memref<64x128xf32, #tpu.memory_space<vmem>>) offsets(%dma_start3A_120 : memref<64xi32, #tpu.memory_space<vmem>>) semaphore(%arg13 : memref<!tpu.dma_semaphore, #tpu.memory_space<semaphore_mem>>)
      %dma_start3A_124 = arith.constant 192 : i32
      %dma_start3A_125 = arith.constant 0 : i32
      %dma_start3A_126 = tpu.memref_slice %arg9[%dma_start3A_124, %dma_start3A_125] : memref<256x128xf32, #tpu.memory_space<vmem>> -> memref<64x128xf32, #tpu.memory_space<vmem>>
      %dma_start3A_127 = arith.constant 192 : i32
      %dma_start3A_128 = tpu.memref_slice %arg7[%dma_start3A_127] : memref<4096xi32, #tpu.memory_space<vmem>> -> memref<64xi32, #tpu.memory_space<vmem>>
      %dma_start3A_129 = arith.constant 0 : i32
      %dma_start3A_130 = arith.constant 0 : i32
      %dma_start3A_131 = tpu.memref_slice %arg2[%dma_start3A_129, %dma_start3A_130] : memref<10112x128xf32, #tpu.memory_space<hbm>> -> memref<10112x128xf32, #tpu.memory_space<hbm>>
      tpu.enqueue_indirect_dma source(%dma_start3A_131 : memref<10112x128xf32, #tpu.memory_space<hbm>>) target(%dma_start3A_126 : memref<64x128xf32, #tpu.memory_space<vmem>>) offsets(%dma_start3A_128 : memref<64xi32, #tpu.memory_space<vmem>>) semaphore(%arg14 : memref<!tpu.dma_semaphore, #tpu.memory_space<semaphore_mem>>)
      %scan3A_132 = arith.constant 0 : i32
      %scan3A_133 = arith.constant 0 : i32
      %scan3A_134 = arith.constant 16 : i32
      %scan3A_135 = arith.addi %scan3A_133, %scan3A_134 : i32
      %scan3A_136 = arith.constant 1 : i32
      scf.for %scan3A_226 = %scan3A_133 to %scan3A_135 step %scan3A_136  : i32 {
        %mul3A_227 = arith.constant 4 : i32
        %mul3A_228 = arith.muli %mul3A_227, %scan3A_226 : i32
        %dma_wait3A = arith.constant 0 : i32
        %dma_wait3A_229 = arith.constant 0 : i32
        %dma_wait3A_230 = tpu.memref_slice %arg9[%dma_wait3A, %dma_wait3A_229] : memref<256x128xf32, #tpu.memory_space<vmem>> -> memref<64x128xf32, #tpu.memory_space<vmem>>
        %dma_wait3A_231 = arith.constant 0 : i32
        %dma_wait3A_232 = tpu.memref_slice %arg7[%dma_wait3A_231] : memref<4096xi32, #tpu.memory_space<vmem>> -> memref<64xi32, #tpu.memory_space<vmem>>
        %dma_wait3A_233 = arith.constant 0 : i32
        %dma_wait3A_234 = arith.constant 0 : i32
        %dma_wait3A_235 = tpu.memref_slice %arg2[%dma_wait3A_233, %dma_wait3A_234] : memref<10112x128xf32, #tpu.memory_space<hbm>> -> memref<10112x128xf32, #tpu.memory_space<hbm>>
        tpu.wait_indirect_dma semaphore(%arg11 : memref<!tpu.dma_semaphore, #tpu.memory_space<semaphore_mem>>) src(%dma_wait3A_235 : memref<10112x128xf32, #tpu.memory_space<hbm>>) dst(%dma_wait3A_230 : memref<64x128xf32, #tpu.memory_space<vmem>>)
        %add3A_236 = arith.constant 0 : i32
        %add3A_237 = arith.addi %mul3A_228, %add3A_236 : i32
        %dma_start3A_238 = arith.constant 0 : i32
        %dma_start3A_239 = arith.constant 0 : i32
        %dma_start3A_240 = tpu.memref_slice %arg9[%dma_start3A_238, %dma_start3A_239] : memref<256x128xf32, #tpu.memory_space<vmem>> -> memref<64x128xf32, #tpu.memory_space<vmem>>
        %dma_start3A_241 = arith.constant 0 : i32
        %dma_start3A_242 = tpu.memref_slice %arg8[%add3A_237, %dma_start3A_241] : memref<64x64xi32, #tpu.memory_space<vmem>> -> memref<1x64xi32, #tpu.memory_space<vmem>>
        %dma_start3A_243 = tpu.memref_squeeze %dma_start3A_242 : memref<1x64xi32, #tpu.memory_space<vmem>> -> memref<64xi32, #tpu.memory_space<vmem>>
        %dma_start3A_244 = arith.constant 0 : i32
        %dma_start3A_245 = arith.constant 0 : i32
        %dma_start3A_246 = tpu.memref_slice %arg10[%dma_start3A_244, %dma_start3A_245] : memref<10112x128xf32, #tpu.memory_space<vmem_shared>> -> memref<10112x128xf32, #tpu.memory_space<vmem_shared>>
        tpu.enqueue_indirect_dma source(%dma_start3A_240 : memref<64x128xf32, #tpu.memory_space<vmem>>) target(%dma_start3A_246 : memref<10112x128xf32, #tpu.memory_space<vmem_shared>>) offsets(%dma_start3A_243 : memref<64xi32, #tpu.memory_space<vmem>>) semaphore(%arg15 : memref<!tpu.dma_semaphore, #tpu.memory_space<semaphore_mem>>) {add = true}
        %dma_wait3A_247 = arith.constant 64 : i32
        %dma_wait3A_248 = arith.constant 0 : i32
        %dma_wait3A_249 = tpu.memref_slice %arg9[%dma_wait3A_247, %dma_wait3A_248] : memref<256x128xf32, #tpu.memory_space<vmem>> -> memref<64x128xf32, #tpu.memory_space<vmem>>
        %dma_wait3A_250 = arith.constant 0 : i32
        %dma_wait3A_251 = tpu.memref_slice %arg7[%dma_wait3A_250] : memref<4096xi32, #tpu.memory_space<vmem>> -> memref<64xi32, #tpu.memory_space<vmem>>
        %dma_wait3A_252 = arith.constant 0 : i32
        %dma_wait3A_253 = arith.constant 0 : i32
        %dma_wait3A_254 = tpu.memref_slice %arg2[%dma_wait3A_252, %dma_wait3A_253] : memref<10112x128xf32, #tpu.memory_space<hbm>> -> memref<10112x128xf32, #tpu.memory_space<hbm>>
        tpu.wait_indirect_dma semaphore(%arg12 : memref<!tpu.dma_semaphore, #tpu.memory_space<semaphore_mem>>) src(%dma_wait3A_254 : memref<10112x128xf32, #tpu.memory_space<hbm>>) dst(%dma_wait3A_249 : memref<64x128xf32, #tpu.memory_space<vmem>>)
        %add3A_255 = arith.constant 1 : i32
        %add3A_256 = arith.addi %mul3A_228, %add3A_255 : i32
        %dma_start3A_257 = arith.constant 64 : i32
        %dma_start3A_258 = arith.constant 0 : i32
        %dma_start3A_259 = tpu.memref_slice %arg9[%dma_start3A_257, %dma_start3A_258] : memref<256x128xf32, #tpu.memory_space<vmem>> -> memref<64x128xf32, #tpu.memory_space<vmem>>
        %dma_start3A_260 = arith.constant 0 : i32
        %dma_start3A_261 = tpu.memref_slice %arg8[%add3A_256, %dma_start3A_260] : memref<64x64xi32, #tpu.memory_space<vmem>> -> memref<1x64xi32, #tpu.memory_space<vmem>>
        %dma_start3A_262 = tpu.memref_squeeze %dma_start3A_261 : memref<1x64xi32, #tpu.memory_space<vmem>> -> memref<64xi32, #tpu.memory_space<vmem>>
        %dma_start3A_263 = arith.constant 0 : i32
        %dma_start3A_264 = arith.constant 0 : i32
        %dma_start3A_265 = tpu.memref_slice %arg10[%dma_start3A_263, %dma_start3A_264] : memref<10112x128xf32, #tpu.memory_space<vmem_shared>> -> memref<10112x128xf32, #tpu.memory_space<vmem_shared>>
        tpu.enqueue_indirect_dma source(%dma_start3A_259 : memref<64x128xf32, #tpu.memory_space<vmem>>) target(%dma_start3A_265 : memref<10112x128xf32, #tpu.memory_space<vmem_shared>>) offsets(%dma_start3A_262 : memref<64xi32, #tpu.memory_space<vmem>>) semaphore(%arg16 : memref<!tpu.dma_semaphore, #tpu.memory_space<semaphore_mem>>) {add = true}
        %dma_wait3A_266 = arith.constant 128 : i32
        %dma_wait3A_267 = arith.constant 0 : i32
        %dma_wait3A_268 = tpu.memref_slice %arg9[%dma_wait3A_266, %dma_wait3A_267] : memref<256x128xf32, #tpu.memory_space<vmem>> -> memref<64x128xf32, #tpu.memory_space<vmem>>
        %dma_wait3A_269 = arith.constant 0 : i32
        %dma_wait3A_270 = tpu.memref_slice %arg7[%dma_wait3A_269] : memref<4096xi32, #tpu.memory_space<vmem>> -> memref<64xi32, #tpu.memory_space<vmem>>
        %dma_wait3A_271 = arith.constant 0 : i32
        %dma_wait3A_272 = arith.constant 0 : i32
        %dma_wait3A_273 = tpu.memref_slice %arg2[%dma_wait3A_271, %dma_wait3A_272] : memref<10112x128xf32, #tpu.memory_space<hbm>> -> memref<10112x128xf32, #tpu.memory_space<hbm>>
        tpu.wait_indirect_dma semaphore(%arg13 : memref<!tpu.dma_semaphore, #tpu.memory_space<semaphore_mem>>) src(%dma_wait3A_273 : memref<10112x128xf32, #tpu.memory_space<hbm>>) dst(%dma_wait3A_268 : memref<64x128xf32, #tpu.memory_space<vmem>>)
        %add3A_274 = arith.constant 2 : i32
        %add3A_275 = arith.addi %mul3A_228, %add3A_274 : i32
        %dma_start3A_276 = arith.constant 128 : i32
        %dma_start3A_277 = arith.constant 0 : i32
        %dma_start3A_278 = tpu.memref_slice %arg9[%dma_start3A_276, %dma_start3A_277] : memref<256x128xf32, #tpu.memory_space<vmem>> -> memref<64x128xf32, #tpu.memory_space<vmem>>
        %dma_start3A_279 = arith.constant 0 : i32
        %dma_start3A_280 = tpu.memref_slice %arg8[%add3A_275, %dma_start3A_279] : memref<64x64xi32, #tpu.memory_space<vmem>> -> memref<1x64xi32, #tpu.memory_space<vmem>>
        %dma_start3A_281 = tpu.memref_squeeze %dma_start3A_280 : memref<1x64xi32, #tpu.memory_space<vmem>> -> memref<64xi32, #tpu.memory_space<vmem>>
        %dma_start3A_282 = arith.constant 0 : i32
        %dma_start3A_283 = arith.constant 0 : i32
        %dma_start3A_284 = tpu.memref_slice %arg10[%dma_start3A_282, %dma_start3A_283] : memref<10112x128xf32, #tpu.memory_space<vmem_shared>> -> memref<10112x128xf32, #tpu.memory_space<vmem_shared>>
        tpu.enqueue_indirect_dma source(%dma_start3A_278 : memref<64x128xf32, #tpu.memory_space<vmem>>) target(%dma_start3A_284 : memref<10112x128xf32, #tpu.memory_space<vmem_shared>>) offsets(%dma_start3A_281 : memref<64xi32, #tpu.memory_space<vmem>>) semaphore(%arg17 : memref<!tpu.dma_semaphore, #tpu.memory_space<semaphore_mem>>) {add = true}
        %dma_wait3A_285 = arith.constant 192 : i32
        %dma_wait3A_286 = arith.constant 0 : i32
        %dma_wait3A_287 = tpu.memref_slice %arg9[%dma_wait3A_285, %dma_wait3A_286] : memref<256x128xf32, #tpu.memory_space<vmem>> -> memref<64x128xf32, #tpu.memory_space<vmem>>
        %dma_wait3A_288 = arith.constant 0 : i32
        %dma_wait3A_289 = tpu.memref_slice %arg7[%dma_wait3A_288] : memref<4096xi32, #tpu.memory_space<vmem>> -> memref<64xi32, #tpu.memory_space<vmem>>
        %dma_wait3A_290 = arith.constant 0 : i32
        %dma_wait3A_291 = arith.constant 0 : i32
        %dma_wait3A_292 = tpu.memref_slice %arg2[%dma_wait3A_290, %dma_wait3A_291] : memref<10112x128xf32, #tpu.memory_space<hbm>> -> memref<10112x128xf32, #tpu.memory_space<hbm>>
        tpu.wait_indirect_dma semaphore(%arg14 : memref<!tpu.dma_semaphore, #tpu.memory_space<semaphore_mem>>) src(%dma_wait3A_292 : memref<10112x128xf32, #tpu.memory_space<hbm>>) dst(%dma_wait3A_287 : memref<64x128xf32, #tpu.memory_space<vmem>>)
        %add3A_293 = arith.constant 3 : i32
        %add3A_294 = arith.addi %mul3A_228, %add3A_293 : i32
        %dma_start3A_295 = arith.constant 192 : i32
        %dma_start3A_296 = arith.constant 0 : i32
        %dma_start3A_297 = tpu.memref_slice %arg9[%dma_start3A_295, %dma_start3A_296] : memref<256x128xf32, #tpu.memory_space<vmem>> -> memref<64x128xf32, #tpu.memory_space<vmem>>
        %dma_start3A_298 = arith.constant 0 : i32
        %dma_start3A_299 = tpu.memref_slice %arg8[%add3A_294, %dma_start3A_298] : memref<64x64xi32, #tpu.memory_space<vmem>> -> memref<1x64xi32, #tpu.memory_space<vmem>>
        %dma_start3A_300 = tpu.memref_squeeze %dma_start3A_299 : memref<1x64xi32, #tpu.memory_space<vmem>> -> memref<64xi32, #tpu.memory_space<vmem>>
        %dma_start3A_301 = arith.constant 0 : i32
        %dma_start3A_302 = arith.constant 0 : i32
        %dma_start3A_303 = tpu.memref_slice %arg10[%dma_start3A_301, %dma_start3A_302] : memref<10112x128xf32, #tpu.memory_space<vmem_shared>> -> memref<10112x128xf32, #tpu.memory_space<vmem_shared>>
        tpu.enqueue_indirect_dma source(%dma_start3A_297 : memref<64x128xf32, #tpu.memory_space<vmem>>) target(%dma_start3A_303 : memref<10112x128xf32, #tpu.memory_space<vmem_shared>>) offsets(%dma_start3A_300 : memref<64xi32, #tpu.memory_space<vmem>>) semaphore(%arg18 : memref<!tpu.dma_semaphore, #tpu.memory_space<semaphore_mem>>) {add = true}
        %dma_wait3A_304 = arith.constant 0 : i32
        %dma_wait3A_305 = arith.constant 0 : i32
        %dma_wait3A_306 = arith.constant 0 : i32
        %dma_wait3A_307 = tpu.memref_slice %arg9[%dma_wait3A_305, %dma_wait3A_306] : memref<256x128xf32, #tpu.memory_space<vmem>> -> memref<64x128xf32, #tpu.memory_space<vmem>>
        %dma_wait3A_308 = arith.constant 0 : i32
        %dma_wait3A_309 = tpu.memref_slice %arg8[%dma_wait3A_304, %dma_wait3A_308] : memref<64x64xi32, #tpu.memory_space<vmem>> -> memref<1x64xi32, #tpu.memory_space<vmem>>
        %dma_wait3A_310 = tpu.memref_squeeze %dma_wait3A_309 : memref<1x64xi32, #tpu.memory_space<vmem>> -> memref<64xi32, #tpu.memory_space<vmem>>
        %dma_wait3A_311 = arith.constant 0 : i32
        %dma_wait3A_312 = arith.constant 0 : i32
        %dma_wait3A_313 = tpu.memref_slice %arg10[%dma_wait3A_311, %dma_wait3A_312] : memref<10112x128xf32, #tpu.memory_space<vmem_shared>> -> memref<10112x128xf32, #tpu.memory_space<vmem_shared>>
        tpu.wait_indirect_dma semaphore(%arg15 : memref<!tpu.dma_semaphore, #tpu.memory_space<semaphore_mem>>) src(%dma_wait3A_307 : memref<64x128xf32, #tpu.memory_space<vmem>>) dst(%dma_wait3A_313 : memref<10112x128xf32, #tpu.memory_space<vmem_shared>>)
        %add3A_314 = arith.constant 4 : i32
        %add3A_315 = arith.addi %mul3A_228, %add3A_314 : i32
        %add3A_316 = arith.constant 0 : i32
        %add3A_317 = arith.addi %add3A_315, %add3A_316 : i32
        %lt3A = arith.constant 64 : i32
        %lt3A_318 = arith.cmpi slt, %add3A_317, %lt3A : i32
        %convert_element_type3A_319 = arith.extui %lt3A_318 : i1 to i32
        %cond3A_320 = arith.constant 0 : i32
        %cond3A_321 = arith.cmpi ne, %convert_element_type3A_319, %cond3A_320 : i32
        scf.if %cond3A_321 {
          %add3A_379 = arith.constant 4 : i32
          %add3A_380 = arith.addi %mul3A_228, %add3A_379 : i32
          %add3A_381 = arith.constant 0 : i32
          %add3A_382 = arith.addi %add3A_380, %add3A_381 : i32
          %mul3A_383 = arith.constant 64 : i32
          %mul3A_384 = arith.muli %add3A_382, %mul3A_383 : i32
          %dma_start3A_385 = arith.constant 0 : i32
          %dma_start3A_386 = arith.constant 0 : i32
          %dma_start3A_387 = tpu.memref_slice %arg9[%dma_start3A_385, %dma_start3A_386] : memref<256x128xf32, #tpu.memory_space<vmem>> -> memref<64x128xf32, #tpu.memory_space<vmem>>
          %dma_start3A_388 = tpu.memref_slice %arg7[%mul3A_384] : memref<4096xi32, #tpu.memory_space<vmem>> -> memref<64xi32, #tpu.memory_space<vmem>>
          %dma_start3A_389 = arith.constant 0 : i32
          %dma_start3A_390 = arith.constant 0 : i32
          %dma_start3A_391 = tpu.memref_slice %arg2[%dma_start3A_389, %dma_start3A_390] : memref<10112x128xf32, #tpu.memory_space<hbm>> -> memref<10112x128xf32, #tpu.memory_space<hbm>>
          tpu.enqueue_indirect_dma source(%dma_start3A_391 : memref<10112x128xf32, #tpu.memory_space<hbm>>) target(%dma_start3A_387 : memref<64x128xf32, #tpu.memory_space<vmem>>) offsets(%dma_start3A_388 : memref<64xi32, #tpu.memory_space<vmem>>) semaphore(%arg11 : memref<!tpu.dma_semaphore, #tpu.memory_space<semaphore_mem>>)
        } else {
        }
        %dma_wait3A_322 = arith.constant 0 : i32
        %dma_wait3A_323 = arith.constant 64 : i32
        %dma_wait3A_324 = arith.constant 0 : i32
        %dma_wait3A_325 = tpu.memref_slice %arg9[%dma_wait3A_323, %dma_wait3A_324] : memref<256x128xf32, #tpu.memory_space<vmem>> -> memref<64x128xf32, #tpu.memory_space<vmem>>
        %dma_wait3A_326 = arith.constant 0 : i32
        %dma_wait3A_327 = tpu.memref_slice %arg8[%dma_wait3A_322, %dma_wait3A_326] : memref<64x64xi32, #tpu.memory_space<vmem>> -> memref<1x64xi32, #tpu.memory_space<vmem>>
        %dma_wait3A_328 = tpu.memref_squeeze %dma_wait3A_327 : memref<1x64xi32, #tpu.memory_space<vmem>> -> memref<64xi32, #tpu.memory_space<vmem>>
        %dma_wait3A_329 = arith.constant 0 : i32
        %dma_wait3A_330 = arith.constant 0 : i32
        %dma_wait3A_331 = tpu.memref_slice %arg10[%dma_wait3A_329, %dma_wait3A_330] : memref<10112x128xf32, #tpu.memory_space<vmem_shared>> -> memref<10112x128xf32, #tpu.memory_space<vmem_shared>>
        tpu.wait_indirect_dma semaphore(%arg16 : memref<!tpu.dma_semaphore, #tpu.memory_space<semaphore_mem>>) src(%dma_wait3A_325 : memref<64x128xf32, #tpu.memory_space<vmem>>) dst(%dma_wait3A_331 : memref<10112x128xf32, #tpu.memory_space<vmem_shared>>)
        %add3A_332 = arith.constant 4 : i32
        %add3A_333 = arith.addi %mul3A_228, %add3A_332 : i32
        %add3A_334 = arith.constant 1 : i32
        %add3A_335 = arith.addi %add3A_333, %add3A_334 : i32
        %lt3A_336 = arith.constant 64 : i32
        %lt3A_337 = arith.cmpi slt, %add3A_335, %lt3A_336 : i32
        %convert_element_type3A_338 = arith.extui %lt3A_337 : i1 to i32
        %cond3A_339 = arith.constant 0 : i32
        %cond3A_340 = arith.cmpi ne, %convert_element_type3A_338, %cond3A_339 : i32
        scf.if %cond3A_340 {
          %add3A_379 = arith.constant 4 : i32
          %add3A_380 = arith.addi %mul3A_228, %add3A_379 : i32
          %add3A_381 = arith.constant 1 : i32
          %add3A_382 = arith.addi %add3A_380, %add3A_381 : i32
          %mul3A_383 = arith.constant 64 : i32
          %mul3A_384 = arith.muli %add3A_382, %mul3A_383 : i32
          %dma_start3A_385 = arith.constant 64 : i32
          %dma_start3A_386 = arith.constant 0 : i32
          %dma_start3A_387 = tpu.memref_slice %arg9[%dma_start3A_385, %dma_start3A_386] : memref<256x128xf32, #tpu.memory_space<vmem>> -> memref<64x128xf32, #tpu.memory_space<vmem>>
          %dma_start3A_388 = tpu.memref_slice %arg7[%mul3A_384] : memref<4096xi32, #tpu.memory_space<vmem>> -> memref<64xi32, #tpu.memory_space<vmem>>
          %dma_start3A_389 = arith.constant 0 : i32
          %dma_start3A_390 = arith.constant 0 : i32
          %dma_start3A_391 = tpu.memref_slice %arg2[%dma_start3A_389, %dma_start3A_390] : memref<10112x128xf32, #tpu.memory_space<hbm>> -> memref<10112x128xf32, #tpu.memory_space<hbm>>
          tpu.enqueue_indirect_dma source(%dma_start3A_391 : memref<10112x128xf32, #tpu.memory_space<hbm>>) target(%dma_start3A_387 : memref<64x128xf32, #tpu.memory_space<vmem>>) offsets(%dma_start3A_388 : memref<64xi32, #tpu.memory_space<vmem>>) semaphore(%arg12 : memref<!tpu.dma_semaphore, #tpu.memory_space<semaphore_mem>>)
        } else {
        }
        %dma_wait3A_341 = arith.constant 0 : i32
        %dma_wait3A_342 = arith.constant 128 : i32
        %dma_wait3A_343 = arith.constant 0 : i32
        %dma_wait3A_344 = tpu.memref_slice %arg9[%dma_wait3A_342, %dma_wait3A_343] : memref<256x128xf32, #tpu.memory_space<vmem>> -> memref<64x128xf32, #tpu.memory_space<vmem>>
        %dma_wait3A_345 = arith.constant 0 : i32
        %dma_wait3A_346 = tpu.memref_slice %arg8[%dma_wait3A_341, %dma_wait3A_345] : memref<64x64xi32, #tpu.memory_space<vmem>> -> memref<1x64xi32, #tpu.memory_space<vmem>>
        %dma_wait3A_347 = tpu.memref_squeeze %dma_wait3A_346 : memref<1x64xi32, #tpu.memory_space<vmem>> -> memref<64xi32, #tpu.memory_space<vmem>>
        %dma_wait3A_348 = arith.constant 0 : i32
        %dma_wait3A_349 = arith.constant 0 : i32
        %dma_wait3A_350 = tpu.memref_slice %arg10[%dma_wait3A_348, %dma_wait3A_349] : memref<10112x128xf32, #tpu.memory_space<vmem_shared>> -> memref<10112x128xf32, #tpu.memory_space<vmem_shared>>
        tpu.wait_indirect_dma semaphore(%arg17 : memref<!tpu.dma_semaphore, #tpu.memory_space<semaphore_mem>>) src(%dma_wait3A_344 : memref<64x128xf32, #tpu.memory_space<vmem>>) dst(%dma_wait3A_350 : memref<10112x128xf32, #tpu.memory_space<vmem_shared>>)
        %add3A_351 = arith.constant 4 : i32
        %add3A_352 = arith.addi %mul3A_228, %add3A_351 : i32
        %add3A_353 = arith.constant 2 : i32
        %add3A_354 = arith.addi %add3A_352, %add3A_353 : i32
        %lt3A_355 = arith.constant 64 : i32
        %lt3A_356 = arith.cmpi slt, %add3A_354, %lt3A_355 : i32
        %convert_element_type3A_357 = arith.extui %lt3A_356 : i1 to i32
        %cond3A_358 = arith.constant 0 : i32
        %cond3A_359 = arith.cmpi ne, %convert_element_type3A_357, %cond3A_358 : i32
        scf.if %cond3A_359 {
          %add3A_379 = arith.constant 4 : i32
          %add3A_380 = arith.addi %mul3A_228, %add3A_379 : i32
          %add3A_381 = arith.constant 2 : i32
          %add3A_382 = arith.addi %add3A_380, %add3A_381 : i32
          %mul3A_383 = arith.constant 64 : i32
          %mul3A_384 = arith.muli %add3A_382, %mul3A_383 : i32
          %dma_start3A_385 = arith.constant 128 : i32
          %dma_start3A_386 = arith.constant 0 : i32
          %dma_start3A_387 = tpu.memref_slice %arg9[%dma_start3A_385, %dma_start3A_386] : memref<256x128xf32, #tpu.memory_space<vmem>> -> memref<64x128xf32, #tpu.memory_space<vmem>>
          %dma_start3A_388 = tpu.memref_slice %arg7[%mul3A_384] : memref<4096xi32, #tpu.memory_space<vmem>> -> memref<64xi32, #tpu.memory_space<vmem>>
          %dma_start3A_389 = arith.constant 0 : i32
          %dma_start3A_390 = arith.constant 0 : i32
          %dma_start3A_391 = tpu.memref_slice %arg2[%dma_start3A_389, %dma_start3A_390] : memref<10112x128xf32, #tpu.memory_space<hbm>> -> memref<10112x128xf32, #tpu.memory_space<hbm>>
          tpu.enqueue_indirect_dma source(%dma_start3A_391 : memref<10112x128xf32, #tpu.memory_space<hbm>>) target(%dma_start3A_387 : memref<64x128xf32, #tpu.memory_space<vmem>>) offsets(%dma_start3A_388 : memref<64xi32, #tpu.memory_space<vmem>>) semaphore(%arg13 : memref<!tpu.dma_semaphore, #tpu.memory_space<semaphore_mem>>)
        } else {
        }
        %dma_wait3A_360 = arith.constant 0 : i32
        %dma_wait3A_361 = arith.constant 192 : i32
        %dma_wait3A_362 = arith.constant 0 : i32
        %dma_wait3A_363 = tpu.memref_slice %arg9[%dma_wait3A_361, %dma_wait3A_362] : memref<256x128xf32, #tpu.memory_space<vmem>> -> memref<64x128xf32, #tpu.memory_space<vmem>>
        %dma_wait3A_364 = arith.constant 0 : i32
        %dma_wait3A_365 = tpu.memref_slice %arg8[%dma_wait3A_360, %dma_wait3A_364] : memref<64x64xi32, #tpu.memory_space<vmem>> -> memref<1x64xi32, #tpu.memory_space<vmem>>
        %dma_wait3A_366 = tpu.memref_squeeze %dma_wait3A_365 : memref<1x64xi32, #tpu.memory_space<vmem>> -> memref<64xi32, #tpu.memory_space<vmem>>
        %dma_wait3A_367 = arith.constant 0 : i32
        %dma_wait3A_368 = arith.constant 0 : i32
        %dma_wait3A_369 = tpu.memref_slice %arg10[%dma_wait3A_367, %dma_wait3A_368] : memref<10112x128xf32, #tpu.memory_space<vmem_shared>> -> memref<10112x128xf32, #tpu.memory_space<vmem_shared>>
        tpu.wait_indirect_dma semaphore(%arg18 : memref<!tpu.dma_semaphore, #tpu.memory_space<semaphore_mem>>) src(%dma_wait3A_363 : memref<64x128xf32, #tpu.memory_space<vmem>>) dst(%dma_wait3A_369 : memref<10112x128xf32, #tpu.memory_space<vmem_shared>>)
        %add3A_370 = arith.constant 4 : i32
        %add3A_371 = arith.addi %mul3A_228, %add3A_370 : i32
        %add3A_372 = arith.constant 3 : i32
        %add3A_373 = arith.addi %add3A_371, %add3A_372 : i32
        %lt3A_374 = arith.constant 64 : i32
        %lt3A_375 = arith.cmpi slt, %add3A_373, %lt3A_374 : i32
        %convert_element_type3A_376 = arith.extui %lt3A_375 : i1 to i32
        %cond3A_377 = arith.constant 0 : i32
        %cond3A_378 = arith.cmpi ne, %convert_element_type3A_376, %cond3A_377 : i32
        scf.if %cond3A_378 {
          %add3A_379 = arith.constant 4 : i32
          %add3A_380 = arith.addi %mul3A_228, %add3A_379 : i32
          %add3A_381 = arith.constant 3 : i32
          %add3A_382 = arith.addi %add3A_380, %add3A_381 : i32
          %mul3A_383 = arith.constant 64 : i32
          %mul3A_384 = arith.muli %add3A_382, %mul3A_383 : i32
          %dma_start3A_385 = arith.constant 192 : i32
          %dma_start3A_386 = arith.constant 0 : i32
          %dma_start3A_387 = tpu.memref_slice %arg9[%dma_start3A_385, %dma_start3A_386] : memref<256x128xf32, #tpu.memory_space<vmem>> -> memref<64x128xf32, #tpu.memory_space<vmem>>
          %dma_start3A_388 = tpu.memref_slice %arg7[%mul3A_384] : memref<4096xi32, #tpu.memory_space<vmem>> -> memref<64xi32, #tpu.memory_space<vmem>>
          %dma_start3A_389 = arith.constant 0 : i32
          %dma_start3A_390 = arith.constant 0 : i32
          %dma_start3A_391 = tpu.memref_slice %arg2[%dma_start3A_389, %dma_start3A_390] : memref<10112x128xf32, #tpu.memory_space<hbm>> -> memref<10112x128xf32, #tpu.memory_space<hbm>>
          tpu.enqueue_indirect_dma source(%dma_start3A_391 : memref<10112x128xf32, #tpu.memory_space<hbm>>) target(%dma_start3A_387 : memref<64x128xf32, #tpu.memory_space<vmem>>) offsets(%dma_start3A_388 : memref<64xi32, #tpu.memory_space<vmem>>) semaphore(%arg14 : memref<!tpu.dma_semaphore, #tpu.memory_space<semaphore_mem>>)
        } else {
        }
      }
      %scan3A_137 = arith.constant 16 : i32
      %mul3A_138 = arith.constant 320 : i32
      %mul3A_139 = arith.muli %arg1, %mul3A_138 : i32
      %add3A_140 = arith.constant 192 : i32
      %add3A_141 = arith.addi %mul3A_139, %add3A_140 : i32
      %mul3A_142 = arith.constant 64 : i32
      %mul3A_143 = arith.muli %add3A_141, %mul3A_142 : i32
      "tpu.region"() ({
        %run_scoped3A = tpu.sem_alloc : memref<!tpu.dma_semaphore, #tpu.memory_space<semaphore_mem>>
        %dma_start3A_226 = arith.constant 0 : i32
        %dma_start3A_227 = tpu.memref_slice %arg7[%dma_start3A_226] : memref<4096xi32, #tpu.memory_space<vmem>> -> memref<4096xi32, #tpu.memory_space<vmem>>
        %dma_start3A_228 = tpu.memref_slice %arg3[%mul3A_143] : memref<327680xi32, #tpu.memory_space<hbm>> -> memref<4096xi32, #tpu.memory_space<hbm>>
        %dma_start3A_229 = arith.constant 0 : i32
        %dma_start3A_230 = tpu.memref_slice %arg7[%dma_start3A_229] : memref<4096xi32, #tpu.memory_space<vmem>> -> memref<4096xi32, #tpu.memory_space<vmem>>
        %dma_start3A_231 = tpu.memref_slice %arg3[%mul3A_143] : memref<327680xi32, #tpu.memory_space<hbm>> -> memref<4096xi32, #tpu.memory_space<hbm>>
        tpu.enqueue_dma source(%dma_start3A_231 : memref<4096xi32, #tpu.memory_space<hbm>>) target(%dma_start3A_230 : memref<4096xi32, #tpu.memory_space<vmem>>) target_semaphore(%run_scoped3A : memref<!tpu.dma_semaphore, #tpu.memory_space<semaphore_mem>>)
        %dma_wait3A = arith.constant 0 : i32
        %dma_wait3A_232 = tpu.memref_slice %arg7[%dma_wait3A] : memref<4096xi32, #tpu.memory_space<vmem>> -> memref<4096xi32, #tpu.memory_space<vmem>>
        %dma_wait3A_233 = tpu.memref_slice %arg3[%mul3A_143] : memref<327680xi32, #tpu.memory_space<hbm>> -> memref<4096xi32, #tpu.memory_space<hbm>>
        %dma_wait3A_234 = arith.constant 0 : i32
        %dma_wait3A_235 = tpu.memref_slice %arg7[%dma_wait3A_234] : memref<4096xi32, #tpu.memory_space<vmem>> -> memref<4096xi32, #tpu.memory_space<vmem>>
        %dma_wait3A_236 = tpu.memref_slice %arg3[%mul3A_143] : memref<327680xi32, #tpu.memory_space<hbm>> -> memref<4096xi32, #tpu.memory_space<hbm>>
        tpu.wait_dma2 semaphore(%run_scoped3A : memref<!tpu.dma_semaphore, #tpu.memory_space<semaphore_mem>>) src(%dma_wait3A_236 : memref<4096xi32, #tpu.memory_space<hbm>>) dst(%dma_wait3A_235 : memref<4096xi32, #tpu.memory_space<vmem>>)
        tpu.yield
      }) : () -> ()
      "tpu.region"() ({
        %run_scoped3A = tpu.sem_alloc : memref<!tpu.dma_semaphore, #tpu.memory_space<semaphore_mem>>
        %dma_start3A_226 = arith.constant 0 : i32
        %dma_start3A_227 = arith.constant 0 : i32
        %dma_start3A_228 = tpu.memref_slice %arg8[%dma_start3A_226, %dma_start3A_227] : memref<64x64xi32, #tpu.memory_space<vmem>> -> memref<64x64xi32, #tpu.memory_space<vmem>>
        %dma_start3A_229 = arith.constant 0 : i32
        %dma_start3A_230 = tpu.memref_slice %arg4[%add3A_141, %dma_start3A_229] : memref<5120x64xi32, #tpu.memory_space<hbm>> -> memref<64x64xi32, #tpu.memory_space<hbm>>
        %dma_start3A_231 = arith.constant 0 : i32
        %dma_start3A_232 = arith.constant 0 : i32
        %dma_start3A_233 = tpu.memref_slice %arg8[%dma_start3A_231, %dma_start3A_232] : memref<64x64xi32, #tpu.memory_space<vmem>> -> memref<64x64xi32, #tpu.memory_space<vmem>>
        %dma_start3A_234 = arith.constant 0 : i32
        %dma_start3A_235 = tpu.memref_slice %arg4[%add3A_141, %dma_start3A_234] : memref<5120x64xi32, #tpu.memory_space<hbm>> -> memref<64x64xi32, #tpu.memory_space<hbm>>
        tpu.enqueue_dma source(%dma_start3A_235 : memref<64x64xi32, #tpu.memory_space<hbm>>) target(%dma_start3A_233 : memref<64x64xi32, #tpu.memory_space<vmem>>) target_semaphore(%run_scoped3A : memref<!tpu.dma_semaphore, #tpu.memory_space<semaphore_mem>>)
        %dma_wait3A = arith.constant 0 : i32
        %dma_wait3A_236 = arith.constant 0 : i32
        %dma_wait3A_237 = tpu.memref_slice %arg8[%dma_wait3A, %dma_wait3A_236] : memref<64x64xi32, #tpu.memory_space<vmem>> -> memref<64x64xi32, #tpu.memory_space<vmem>>
        %dma_wait3A_238 = arith.constant 0 : i32
        %dma_wait3A_239 = tpu.memref_slice %arg4[%add3A_141, %dma_wait3A_238] : memref<5120x64xi32, #tpu.memory_space<hbm>> -> memref<64x64xi32, #tpu.memory_space<hbm>>
        %dma_wait3A_240 = arith.constant 0 : i32
        %dma_wait3A_241 = arith.constant 0 : i32
        %dma_wait3A_242 = tpu.memref_slice %arg8[%dma_wait3A_240, %dma_wait3A_241] : memref<64x64xi32, #tpu.memory_space<vmem>> -> memref<64x64xi32, #tpu.memory_space<vmem>>
        %dma_wait3A_243 = arith.constant 0 : i32
        %dma_wait3A_244 = tpu.memref_slice %arg4[%add3A_141, %dma_wait3A_243] : memref<5120x64xi32, #tpu.memory_space<hbm>> -> memref<64x64xi32, #tpu.memory_space<hbm>>
        tpu.wait_dma2 semaphore(%run_scoped3A : memref<!tpu.dma_semaphore, #tpu.memory_space<semaphore_mem>>) src(%dma_wait3A_244 : memref<64x64xi32, #tpu.memory_space<hbm>>) dst(%dma_wait3A_242 : memref<64x64xi32, #tpu.memory_space<vmem>>)
        tpu.yield
      }) : () -> ()
      %dma_start3A_144 = arith.constant 0 : i32
      %dma_start3A_145 = arith.constant 0 : i32
      %dma_start3A_146 = tpu.memref_slice %arg9[%dma_start3A_144, %dma_start3A_145] : memref<256x128xf32, #tpu.memory_space<vmem>> -> memref<64x128xf32, #tpu.memory_space<vmem>>
      %dma_start3A_147 = arith.constant 0 : i32
      %dma_start3A_148 = tpu.memref_slice %arg7[%dma_start3A_147] : memref<4096xi32, #tpu.memory_space<vmem>> -> memref<64xi32, #tpu.memory_space<vmem>>
      %dma_start3A_149 = arith.constant 0 : i32
      %dma_start3A_150 = arith.constant 0 : i32
      %dma_start3A_151 = tpu.memref_slice %arg2[%dma_start3A_149, %dma_start3A_150] : memref<10112x128xf32, #tpu.memory_space<hbm>> -> memref<10112x128xf32, #tpu.memory_space<hbm>>
      tpu.enqueue_indirect_dma source(%dma_start3A_151 : memref<10112x128xf32, #tpu.memory_space<hbm>>) target(%dma_start3A_146 : memref<64x128xf32, #tpu.memory_space<vmem>>) offsets(%dma_start3A_148 : memref<64xi32, #tpu.memory_space<vmem>>) semaphore(%arg11 : memref<!tpu.dma_semaphore, #tpu.memory_space<semaphore_mem>>)
      %dma_start3A_152 = arith.constant 64 : i32
      %dma_start3A_153 = arith.constant 0 : i32
      %dma_start3A_154 = tpu.memref_slice %arg9[%dma_start3A_152, %dma_start3A_153] : memref<256x128xf32, #tpu.memory_space<vmem>> -> memref<64x128xf32, #tpu.memory_space<vmem>>
      %dma_start3A_155 = arith.constant 64 : i32
      %dma_start3A_156 = tpu.memref_slice %arg7[%dma_start3A_155] : memref<4096xi32, #tpu.memory_space<vmem>> -> memref<64xi32, #tpu.memory_space<vmem>>
      %dma_start3A_157 = arith.constant 0 : i32
      %dma_start3A_158 = arith.constant 0 : i32
      %dma_start3A_159 = tpu.memref_slice %arg2[%dma_start3A_157, %dma_start3A_158] : memref<10112x128xf32, #tpu.memory_space<hbm>> -> memref<10112x128xf32, #tpu.memory_space<hbm>>
      tpu.enqueue_indirect_dma source(%dma_start3A_159 : memref<10112x128xf32, #tpu.memory_space<hbm>>) target(%dma_start3A_154 : memref<64x128xf32, #tpu.memory_space<vmem>>) offsets(%dma_start3A_156 : memref<64xi32, #tpu.memory_space<vmem>>) semaphore(%arg12 : memref<!tpu.dma_semaphore, #tpu.memory_space<semaphore_mem>>)
      %dma_start3A_160 = arith.constant 128 : i32
      %dma_start3A_161 = arith.constant 0 : i32
      %dma_start3A_162 = tpu.memref_slice %arg9[%dma_start3A_160, %dma_start3A_161] : memref<256x128xf32, #tpu.memory_space<vmem>> -> memref<64x128xf32, #tpu.memory_space<vmem>>
      %dma_start3A_163 = arith.constant 128 : i32
      %dma_start3A_164 = tpu.memref_slice %arg7[%dma_start3A_163] : memref<4096xi32, #tpu.memory_space<vmem>> -> memref<64xi32, #tpu.memory_space<vmem>>
      %dma_start3A_165 = arith.constant 0 : i32
      %dma_start3A_166 = arith.constant 0 : i32
      %dma_start3A_167 = tpu.memref_slice %arg2[%dma_start3A_165, %dma_start3A_166] : memref<10112x128xf32, #tpu.memory_space<hbm>> -> memref<10112x128xf32, #tpu.memory_space<hbm>>
      tpu.enqueue_indirect_dma source(%dma_start3A_167 : memref<10112x128xf32, #tpu.memory_space<hbm>>) target(%dma_start3A_162 : memref<64x128xf32, #tpu.memory_space<vmem>>) offsets(%dma_start3A_164 : memref<64xi32, #tpu.memory_space<vmem>>) semaphore(%arg13 : memref<!tpu.dma_semaphore, #tpu.memory_space<semaphore_mem>>)
      %dma_start3A_168 = arith.constant 192 : i32
      %dma_start3A_169 = arith.constant 0 : i32
      %dma_start3A_170 = tpu.memref_slice %arg9[%dma_start3A_168, %dma_start3A_169] : memref<256x128xf32, #tpu.memory_space<vmem>> -> memref<64x128xf32, #tpu.memory_space<vmem>>
      %dma_start3A_171 = arith.constant 192 : i32
      %dma_start3A_172 = tpu.memref_slice %arg7[%dma_start3A_171] : memref<4096xi32, #tpu.memory_space<vmem>> -> memref<64xi32, #tpu.memory_space<vmem>>
      %dma_start3A_173 = arith.constant 0 : i32
      %dma_start3A_174 = arith.constant 0 : i32
      %dma_start3A_175 = tpu.memref_slice %arg2[%dma_start3A_173, %dma_start3A_174] : memref<10112x128xf32, #tpu.memory_space<hbm>> -> memref<10112x128xf32, #tpu.memory_space<hbm>>
      tpu.enqueue_indirect_dma source(%dma_start3A_175 : memref<10112x128xf32, #tpu.memory_space<hbm>>) target(%dma_start3A_170 : memref<64x128xf32, #tpu.memory_space<vmem>>) offsets(%dma_start3A_172 : memref<64xi32, #tpu.memory_space<vmem>>) semaphore(%arg14 : memref<!tpu.dma_semaphore, #tpu.memory_space<semaphore_mem>>)
      %scan3A_176 = arith.constant 0 : i32
      %scan3A_177 = arith.constant 0 : i32
      %scan3A_178 = arith.constant 16 : i32
      %scan3A_179 = arith.addi %scan3A_177, %scan3A_178 : i32
      %scan3A_180 = arith.constant 1 : i32
      scf.for %scan3A_226 = %scan3A_177 to %scan3A_179 step %scan3A_180  : i32 {
        %mul3A_227 = arith.constant 4 : i32
        %mul3A_228 = arith.muli %mul3A_227, %scan3A_226 : i32
        %dma_wait3A = arith.constant 0 : i32
        %dma_wait3A_229 = arith.constant 0 : i32
        %dma_wait3A_230 = tpu.memref_slice %arg9[%dma_wait3A, %dma_wait3A_229] : memref<256x128xf32, #tpu.memory_space<vmem>> -> memref<64x128xf32, #tpu.memory_space<vmem>>
        %dma_wait3A_231 = arith.constant 0 : i32
        %dma_wait3A_232 = tpu.memref_slice %arg7[%dma_wait3A_231] : memref<4096xi32, #tpu.memory_space<vmem>> -> memref<64xi32, #tpu.memory_space<vmem>>
        %dma_wait3A_233 = arith.constant 0 : i32
        %dma_wait3A_234 = arith.constant 0 : i32
        %dma_wait3A_235 = tpu.memref_slice %arg2[%dma_wait3A_233, %dma_wait3A_234] : memref<10112x128xf32, #tpu.memory_space<hbm>> -> memref<10112x128xf32, #tpu.memory_space<hbm>>
        tpu.wait_indirect_dma semaphore(%arg11 : memref<!tpu.dma_semaphore, #tpu.memory_space<semaphore_mem>>) src(%dma_wait3A_235 : memref<10112x128xf32, #tpu.memory_space<hbm>>) dst(%dma_wait3A_230 : memref<64x128xf32, #tpu.memory_space<vmem>>)
        %add3A_236 = arith.constant 0 : i32
        %add3A_237 = arith.addi %mul3A_228, %add3A_236 : i32
        %dma_start3A_238 = arith.constant 0 : i32
        %dma_start3A_239 = arith.constant 0 : i32
        %dma_start3A_240 = tpu.memref_slice %arg9[%dma_start3A_238, %dma_start3A_239] : memref<256x128xf32, #tpu.memory_space<vmem>> -> memref<64x128xf32, #tpu.memory_space<vmem>>
        %dma_start3A_241 = arith.constant 0 : i32
        %dma_start3A_242 = tpu.memref_slice %arg8[%add3A_237, %dma_start3A_241] : memref<64x64xi32, #tpu.memory_space<vmem>> -> memref<1x64xi32, #tpu.memory_space<vmem>>
        %dma_start3A_243 = tpu.memref_squeeze %dma_start3A_242 : memref<1x64xi32, #tpu.memory_space<vmem>> -> memref<64xi32, #tpu.memory_space<vmem>>
        %dma_start3A_244 = arith.constant 0 : i32
        %dma_start3A_245 = arith.constant 0 : i32
        %dma_start3A_246 = tpu.memref_slice %arg10[%dma_start3A_244, %dma_start3A_245] : memref<10112x128xf32, #tpu.memory_space<vmem_shared>> -> memref<10112x128xf32, #tpu.memory_space<vmem_shared>>
        tpu.enqueue_indirect_dma source(%dma_start3A_240 : memref<64x128xf32, #tpu.memory_space<vmem>>) target(%dma_start3A_246 : memref<10112x128xf32, #tpu.memory_space<vmem_shared>>) offsets(%dma_start3A_243 : memref<64xi32, #tpu.memory_space<vmem>>) semaphore(%arg15 : memref<!tpu.dma_semaphore, #tpu.memory_space<semaphore_mem>>) {add = true}
        %dma_wait3A_247 = arith.constant 64 : i32
        %dma_wait3A_248 = arith.constant 0 : i32
        %dma_wait3A_249 = tpu.memref_slice %arg9[%dma_wait3A_247, %dma_wait3A_248] : memref<256x128xf32, #tpu.memory_space<vmem>> -> memref<64x128xf32, #tpu.memory_space<vmem>>
        %dma_wait3A_250 = arith.constant 0 : i32
        %dma_wait3A_251 = tpu.memref_slice %arg7[%dma_wait3A_250] : memref<4096xi32, #tpu.memory_space<vmem>> -> memref<64xi32, #tpu.memory_space<vmem>>
        %dma_wait3A_252 = arith.constant 0 : i32
        %dma_wait3A_253 = arith.constant 0 : i32
        %dma_wait3A_254 = tpu.memref_slice %arg2[%dma_wait3A_252, %dma_wait3A_253] : memref<10112x128xf32, #tpu.memory_space<hbm>> -> memref<10112x128xf32, #tpu.memory_space<hbm>>
        tpu.wait_indirect_dma semaphore(%arg12 : memref<!tpu.dma_semaphore, #tpu.memory_space<semaphore_mem>>) src(%dma_wait3A_254 : memref<10112x128xf32, #tpu.memory_space<hbm>>) dst(%dma_wait3A_249 : memref<64x128xf32, #tpu.memory_space<vmem>>)
        %add3A_255 = arith.constant 1 : i32
        %add3A_256 = arith.addi %mul3A_228, %add3A_255 : i32
        %dma_start3A_257 = arith.constant 64 : i32
        %dma_start3A_258 = arith.constant 0 : i32
        %dma_start3A_259 = tpu.memref_slice %arg9[%dma_start3A_257, %dma_start3A_258] : memref<256x128xf32, #tpu.memory_space<vmem>> -> memref<64x128xf32, #tpu.memory_space<vmem>>
        %dma_start3A_260 = arith.constant 0 : i32
        %dma_start3A_261 = tpu.memref_slice %arg8[%add3A_256, %dma_start3A_260] : memref<64x64xi32, #tpu.memory_space<vmem>> -> memref<1x64xi32, #tpu.memory_space<vmem>>
        %dma_start3A_262 = tpu.memref_squeeze %dma_start3A_261 : memref<1x64xi32, #tpu.memory_space<vmem>> -> memref<64xi32, #tpu.memory_space<vmem>>
        %dma_start3A_263 = arith.constant 0 : i32
        %dma_start3A_264 = arith.constant 0 : i32
        %dma_start3A_265 = tpu.memref_slice %arg10[%dma_start3A_263, %dma_start3A_264] : memref<10112x128xf32, #tpu.memory_space<vmem_shared>> -> memref<10112x128xf32, #tpu.memory_space<vmem_shared>>
        tpu.enqueue_indirect_dma source(%dma_start3A_259 : memref<64x128xf32, #tpu.memory_space<vmem>>) target(%dma_start3A_265 : memref<10112x128xf32, #tpu.memory_space<vmem_shared>>) offsets(%dma_start3A_262 : memref<64xi32, #tpu.memory_space<vmem>>) semaphore(%arg16 : memref<!tpu.dma_semaphore, #tpu.memory_space<semaphore_mem>>) {add = true}
        %dma_wait3A_266 = arith.constant 128 : i32
        %dma_wait3A_267 = arith.constant 0 : i32
        %dma_wait3A_268 = tpu.memref_slice %arg9[%dma_wait3A_266, %dma_wait3A_267] : memref<256x128xf32, #tpu.memory_space<vmem>> -> memref<64x128xf32, #tpu.memory_space<vmem>>
        %dma_wait3A_269 = arith.constant 0 : i32
        %dma_wait3A_270 = tpu.memref_slice %arg7[%dma_wait3A_269] : memref<4096xi32, #tpu.memory_space<vmem>> -> memref<64xi32, #tpu.memory_space<vmem>>
        %dma_wait3A_271 = arith.constant 0 : i32
        %dma_wait3A_272 = arith.constant 0 : i32
        %dma_wait3A_273 = tpu.memref_slice %arg2[%dma_wait3A_271, %dma_wait3A_272] : memref<10112x128xf32, #tpu.memory_space<hbm>> -> memref<10112x128xf32, #tpu.memory_space<hbm>>
        tpu.wait_indirect_dma semaphore(%arg13 : memref<!tpu.dma_semaphore, #tpu.memory_space<semaphore_mem>>) src(%dma_wait3A_273 : memref<10112x128xf32, #tpu.memory_space<hbm>>) dst(%dma_wait3A_268 : memref<64x128xf32, #tpu.memory_space<vmem>>)
        %add3A_274 = arith.constant 2 : i32
        %add3A_275 = arith.addi %mul3A_228, %add3A_274 : i32
        %dma_start3A_276 = arith.constant 128 : i32
        %dma_start3A_277 = arith.constant 0 : i32
        %dma_start3A_278 = tpu.memref_slice %arg9[%dma_start3A_276, %dma_start3A_277] : memref<256x128xf32, #tpu.memory_space<vmem>> -> memref<64x128xf32, #tpu.memory_space<vmem>>
        %dma_start3A_279 = arith.constant 0 : i32
        %dma_start3A_280 = tpu.memref_slice %arg8[%add3A_275, %dma_start3A_279] : memref<64x64xi32, #tpu.memory_space<vmem>> -> memref<1x64xi32, #tpu.memory_space<vmem>>
        %dma_start3A_281 = tpu.memref_squeeze %dma_start3A_280 : memref<1x64xi32, #tpu.memory_space<vmem>> -> memref<64xi32, #tpu.memory_space<vmem>>
        %dma_start3A_282 = arith.constant 0 : i32
        %dma_start3A_283 = arith.constant 0 : i32
        %dma_start3A_284 = tpu.memref_slice %arg10[%dma_start3A_282, %dma_start3A_283] : memref<10112x128xf32, #tpu.memory_space<vmem_shared>> -> memref<10112x128xf32, #tpu.memory_space<vmem_shared>>
        tpu.enqueue_indirect_dma source(%dma_start3A_278 : memref<64x128xf32, #tpu.memory_space<vmem>>) target(%dma_start3A_284 : memref<10112x128xf32, #tpu.memory_space<vmem_shared>>) offsets(%dma_start3A_281 : memref<64xi32, #tpu.memory_space<vmem>>) semaphore(%arg17 : memref<!tpu.dma_semaphore, #tpu.memory_space<semaphore_mem>>) {add = true}
        %dma_wait3A_285 = arith.constant 192 : i32
        %dma_wait3A_286 = arith.constant 0 : i32
        %dma_wait3A_287 = tpu.memref_slice %arg9[%dma_wait3A_285, %dma_wait3A_286] : memref<256x128xf32, #tpu.memory_space<vmem>> -> memref<64x128xf32, #tpu.memory_space<vmem>>
        %dma_wait3A_288 = arith.constant 0 : i32
        %dma_wait3A_289 = tpu.memref_slice %arg7[%dma_wait3A_288] : memref<4096xi32, #tpu.memory_space<vmem>> -> memref<64xi32, #tpu.memory_space<vmem>>
        %dma_wait3A_290 = arith.constant 0 : i32
        %dma_wait3A_291 = arith.constant 0 : i32
        %dma_wait3A_292 = tpu.memref_slice %arg2[%dma_wait3A_290, %dma_wait3A_291] : memref<10112x128xf32, #tpu.memory_space<hbm>> -> memref<10112x128xf32, #tpu.memory_space<hbm>>
        tpu.wait_indirect_dma semaphore(%arg14 : memref<!tpu.dma_semaphore, #tpu.memory_space<semaphore_mem>>) src(%dma_wait3A_292 : memref<10112x128xf32, #tpu.memory_space<hbm>>) dst(%dma_wait3A_287 : memref<64x128xf32, #tpu.memory_space<vmem>>)
        %add3A_293 = arith.constant 3 : i32
        %add3A_294 = arith.addi %mul3A_228, %add3A_293 : i32
        %dma_start3A_295 = arith.constant 192 : i32
        %dma_start3A_296 = arith.constant 0 : i32
        %dma_start3A_297 = tpu.memref_slice %arg9[%dma_start3A_295, %dma_start3A_296] : memref<256x128xf32, #tpu.memory_space<vmem>> -> memref<64x128xf32, #tpu.memory_space<vmem>>
        %dma_start3A_298 = arith.constant 0 : i32
        %dma_start3A_299 = tpu.memref_slice %arg8[%add3A_294, %dma_start3A_298] : memref<64x64xi32, #tpu.memory_space<vmem>> -> memref<1x64xi32, #tpu.memory_space<vmem>>
        %dma_start3A_300 = tpu.memref_squeeze %dma_start3A_299 : memref<1x64xi32, #tpu.memory_space<vmem>> -> memref<64xi32, #tpu.memory_space<vmem>>
        %dma_start3A_301 = arith.constant 0 : i32
        %dma_start3A_302 = arith.constant 0 : i32
        %dma_start3A_303 = tpu.memref_slice %arg10[%dma_start3A_301, %dma_start3A_302] : memref<10112x128xf32, #tpu.memory_space<vmem_shared>> -> memref<10112x128xf32, #tpu.memory_space<vmem_shared>>
        tpu.enqueue_indirect_dma source(%dma_start3A_297 : memref<64x128xf32, #tpu.memory_space<vmem>>) target(%dma_start3A_303 : memref<10112x128xf32, #tpu.memory_space<vmem_shared>>) offsets(%dma_start3A_300 : memref<64xi32, #tpu.memory_space<vmem>>) semaphore(%arg18 : memref<!tpu.dma_semaphore, #tpu.memory_space<semaphore_mem>>) {add = true}
        %dma_wait3A_304 = arith.constant 0 : i32
        %dma_wait3A_305 = arith.constant 0 : i32
        %dma_wait3A_306 = arith.constant 0 : i32
        %dma_wait3A_307 = tpu.memref_slice %arg9[%dma_wait3A_305, %dma_wait3A_306] : memref<256x128xf32, #tpu.memory_space<vmem>> -> memref<64x128xf32, #tpu.memory_space<vmem>>
        %dma_wait3A_308 = arith.constant 0 : i32
        %dma_wait3A_309 = tpu.memref_slice %arg8[%dma_wait3A_304, %dma_wait3A_308] : memref<64x64xi32, #tpu.memory_space<vmem>> -> memref<1x64xi32, #tpu.memory_space<vmem>>
        %dma_wait3A_310 = tpu.memref_squeeze %dma_wait3A_309 : memref<1x64xi32, #tpu.memory_space<vmem>> -> memref<64xi32, #tpu.memory_space<vmem>>
        %dma_wait3A_311 = arith.constant 0 : i32
        %dma_wait3A_312 = arith.constant 0 : i32
        %dma_wait3A_313 = tpu.memref_slice %arg10[%dma_wait3A_311, %dma_wait3A_312] : memref<10112x128xf32, #tpu.memory_space<vmem_shared>> -> memref<10112x128xf32, #tpu.memory_space<vmem_shared>>
        tpu.wait_indirect_dma semaphore(%arg15 : memref<!tpu.dma_semaphore, #tpu.memory_space<semaphore_mem>>) src(%dma_wait3A_307 : memref<64x128xf32, #tpu.memory_space<vmem>>) dst(%dma_wait3A_313 : memref<10112x128xf32, #tpu.memory_space<vmem_shared>>)
        %add3A_314 = arith.constant 4 : i32
        %add3A_315 = arith.addi %mul3A_228, %add3A_314 : i32
        %add3A_316 = arith.constant 0 : i32
        %add3A_317 = arith.addi %add3A_315, %add3A_316 : i32
        %lt3A = arith.constant 64 : i32
        %lt3A_318 = arith.cmpi slt, %add3A_317, %lt3A : i32
        %convert_element_type3A_319 = arith.extui %lt3A_318 : i1 to i32
        %cond3A_320 = arith.constant 0 : i32
        %cond3A_321 = arith.cmpi ne, %convert_element_type3A_319, %cond3A_320 : i32
        scf.if %cond3A_321 {
          %add3A_379 = arith.constant 4 : i32
          %add3A_380 = arith.addi %mul3A_228, %add3A_379 : i32
          %add3A_381 = arith.constant 0 : i32
          %add3A_382 = arith.addi %add3A_380, %add3A_381 : i32
          %mul3A_383 = arith.constant 64 : i32
          %mul3A_384 = arith.muli %add3A_382, %mul3A_383 : i32
          %dma_start3A_385 = arith.constant 0 : i32
          %dma_start3A_386 = arith.constant 0 : i32
          %dma_start3A_387 = tpu.memref_slice %arg9[%dma_start3A_385, %dma_start3A_386] : memref<256x128xf32, #tpu.memory_space<vmem>> -> memref<64x128xf32, #tpu.memory_space<vmem>>
          %dma_start3A_388 = tpu.memref_slice %arg7[%mul3A_384] : memref<4096xi32, #tpu.memory_space<vmem>> -> memref<64xi32, #tpu.memory_space<vmem>>
          %dma_start3A_389 = arith.constant 0 : i32
          %dma_start3A_390 = arith.constant 0 : i32
          %dma_start3A_391 = tpu.memref_slice %arg2[%dma_start3A_389, %dma_start3A_390] : memref<10112x128xf32, #tpu.memory_space<hbm>> -> memref<10112x128xf32, #tpu.memory_space<hbm>>
          tpu.enqueue_indirect_dma source(%dma_start3A_391 : memref<10112x128xf32, #tpu.memory_space<hbm>>) target(%dma_start3A_387 : memref<64x128xf32, #tpu.memory_space<vmem>>) offsets(%dma_start3A_388 : memref<64xi32, #tpu.memory_space<vmem>>) semaphore(%arg11 : memref<!tpu.dma_semaphore, #tpu.memory_space<semaphore_mem>>)
        } else {
        }
        %dma_wait3A_322 = arith.constant 0 : i32
        %dma_wait3A_323 = arith.constant 64 : i32
        %dma_wait3A_324 = arith.constant 0 : i32
        %dma_wait3A_325 = tpu.memref_slice %arg9[%dma_wait3A_323, %dma_wait3A_324] : memref<256x128xf32, #tpu.memory_space<vmem>> -> memref<64x128xf32, #tpu.memory_space<vmem>>
        %dma_wait3A_326 = arith.constant 0 : i32
        %dma_wait3A_327 = tpu.memref_slice %arg8[%dma_wait3A_322, %dma_wait3A_326] : memref<64x64xi32, #tpu.memory_space<vmem>> -> memref<1x64xi32, #tpu.memory_space<vmem>>
        %dma_wait3A_328 = tpu.memref_squeeze %dma_wait3A_327 : memref<1x64xi32, #tpu.memory_space<vmem>> -> memref<64xi32, #tpu.memory_space<vmem>>
        %dma_wait3A_329 = arith.constant 0 : i32
        %dma_wait3A_330 = arith.constant 0 : i32
        %dma_wait3A_331 = tpu.memref_slice %arg10[%dma_wait3A_329, %dma_wait3A_330] : memref<10112x128xf32, #tpu.memory_space<vmem_shared>> -> memref<10112x128xf32, #tpu.memory_space<vmem_shared>>
        tpu.wait_indirect_dma semaphore(%arg16 : memref<!tpu.dma_semaphore, #tpu.memory_space<semaphore_mem>>) src(%dma_wait3A_325 : memref<64x128xf32, #tpu.memory_space<vmem>>) dst(%dma_wait3A_331 : memref<10112x128xf32, #tpu.memory_space<vmem_shared>>)
        %add3A_332 = arith.constant 4 : i32
        %add3A_333 = arith.addi %mul3A_228, %add3A_332 : i32
        %add3A_334 = arith.constant 1 : i32
        %add3A_335 = arith.addi %add3A_333, %add3A_334 : i32
        %lt3A_336 = arith.constant 64 : i32
        %lt3A_337 = arith.cmpi slt, %add3A_335, %lt3A_336 : i32
        %convert_element_type3A_338 = arith.extui %lt3A_337 : i1 to i32
        %cond3A_339 = arith.constant 0 : i32
        %cond3A_340 = arith.cmpi ne, %convert_element_type3A_338, %cond3A_339 : i32
        scf.if %cond3A_340 {
          %add3A_379 = arith.constant 4 : i32
          %add3A_380 = arith.addi %mul3A_228, %add3A_379 : i32
          %add3A_381 = arith.constant 1 : i32
          %add3A_382 = arith.addi %add3A_380, %add3A_381 : i32
          %mul3A_383 = arith.constant 64 : i32
          %mul3A_384 = arith.muli %add3A_382, %mul3A_383 : i32
          %dma_start3A_385 = arith.constant 64 : i32
          %dma_start3A_386 = arith.constant 0 : i32
          %dma_start3A_387 = tpu.memref_slice %arg9[%dma_start3A_385, %dma_start3A_386] : memref<256x128xf32, #tpu.memory_space<vmem>> -> memref<64x128xf32, #tpu.memory_space<vmem>>
          %dma_start3A_388 = tpu.memref_slice %arg7[%mul3A_384] : memref<4096xi32, #tpu.memory_space<vmem>> -> memref<64xi32, #tpu.memory_space<vmem>>
          %dma_start3A_389 = arith.constant 0 : i32
          %dma_start3A_390 = arith.constant 0 : i32
          %dma_start3A_391 = tpu.memref_slice %arg2[%dma_start3A_389, %dma_start3A_390] : memref<10112x128xf32, #tpu.memory_space<hbm>> -> memref<10112x128xf32, #tpu.memory_space<hbm>>
          tpu.enqueue_indirect_dma source(%dma_start3A_391 : memref<10112x128xf32, #tpu.memory_space<hbm>>) target(%dma_start3A_387 : memref<64x128xf32, #tpu.memory_space<vmem>>) offsets(%dma_start3A_388 : memref<64xi32, #tpu.memory_space<vmem>>) semaphore(%arg12 : memref<!tpu.dma_semaphore, #tpu.memory_space<semaphore_mem>>)
        } else {
        }
        %dma_wait3A_341 = arith.constant 0 : i32
        %dma_wait3A_342 = arith.constant 128 : i32
        %dma_wait3A_343 = arith.constant 0 : i32
        %dma_wait3A_344 = tpu.memref_slice %arg9[%dma_wait3A_342, %dma_wait3A_343] : memref<256x128xf32, #tpu.memory_space<vmem>> -> memref<64x128xf32, #tpu.memory_space<vmem>>
        %dma_wait3A_345 = arith.constant 0 : i32
        %dma_wait3A_346 = tpu.memref_slice %arg8[%dma_wait3A_341, %dma_wait3A_345] : memref<64x64xi32, #tpu.memory_space<vmem>> -> memref<1x64xi32, #tpu.memory_space<vmem>>
        %dma_wait3A_347 = tpu.memref_squeeze %dma_wait3A_346 : memref<1x64xi32, #tpu.memory_space<vmem>> -> memref<64xi32, #tpu.memory_space<vmem>>
        %dma_wait3A_348 = arith.constant 0 : i32
        %dma_wait3A_349 = arith.constant 0 : i32
        %dma_wait3A_350 = tpu.memref_slice %arg10[%dma_wait3A_348, %dma_wait3A_349] : memref<10112x128xf32, #tpu.memory_space<vmem_shared>> -> memref<10112x128xf32, #tpu.memory_space<vmem_shared>>
        tpu.wait_indirect_dma semaphore(%arg17 : memref<!tpu.dma_semaphore, #tpu.memory_space<semaphore_mem>>) src(%dma_wait3A_344 : memref<64x128xf32, #tpu.memory_space<vmem>>) dst(%dma_wait3A_350 : memref<10112x128xf32, #tpu.memory_space<vmem_shared>>)
        %add3A_351 = arith.constant 4 : i32
        %add3A_352 = arith.addi %mul3A_228, %add3A_351 : i32
        %add3A_353 = arith.constant 2 : i32
        %add3A_354 = arith.addi %add3A_352, %add3A_353 : i32
        %lt3A_355 = arith.constant 64 : i32
        %lt3A_356 = arith.cmpi slt, %add3A_354, %lt3A_355 : i32
        %convert_element_type3A_357 = arith.extui %lt3A_356 : i1 to i32
        %cond3A_358 = arith.constant 0 : i32
        %cond3A_359 = arith.cmpi ne, %convert_element_type3A_357, %cond3A_358 : i32
        scf.if %cond3A_359 {
          %add3A_379 = arith.constant 4 : i32
          %add3A_380 = arith.addi %mul3A_228, %add3A_379 : i32
          %add3A_381 = arith.constant 2 : i32
          %add3A_382 = arith.addi %add3A_380, %add3A_381 : i32
          %mul3A_383 = arith.constant 64 : i32
          %mul3A_384 = arith.muli %add3A_382, %mul3A_383 : i32
          %dma_start3A_385 = arith.constant 128 : i32
          %dma_start3A_386 = arith.constant 0 : i32
          %dma_start3A_387 = tpu.memref_slice %arg9[%dma_start3A_385, %dma_start3A_386] : memref<256x128xf32, #tpu.memory_space<vmem>> -> memref<64x128xf32, #tpu.memory_space<vmem>>
          %dma_start3A_388 = tpu.memref_slice %arg7[%mul3A_384] : memref<4096xi32, #tpu.memory_space<vmem>> -> memref<64xi32, #tpu.memory_space<vmem>>
          %dma_start3A_389 = arith.constant 0 : i32
          %dma_start3A_390 = arith.constant 0 : i32
          %dma_start3A_391 = tpu.memref_slice %arg2[%dma_start3A_389, %dma_start3A_390] : memref<10112x128xf32, #tpu.memory_space<hbm>> -> memref<10112x128xf32, #tpu.memory_space<hbm>>
          tpu.enqueue_indirect_dma source(%dma_start3A_391 : memref<10112x128xf32, #tpu.memory_space<hbm>>) target(%dma_start3A_387 : memref<64x128xf32, #tpu.memory_space<vmem>>) offsets(%dma_start3A_388 : memref<64xi32, #tpu.memory_space<vmem>>) semaphore(%arg13 : memref<!tpu.dma_semaphore, #tpu.memory_space<semaphore_mem>>)
        } else {
        }
        %dma_wait3A_360 = arith.constant 0 : i32
        %dma_wait3A_361 = arith.constant 192 : i32
        %dma_wait3A_362 = arith.constant 0 : i32
        %dma_wait3A_363 = tpu.memref_slice %arg9[%dma_wait3A_361, %dma_wait3A_362] : memref<256x128xf32, #tpu.memory_space<vmem>> -> memref<64x128xf32, #tpu.memory_space<vmem>>
        %dma_wait3A_364 = arith.constant 0 : i32
        %dma_wait3A_365 = tpu.memref_slice %arg8[%dma_wait3A_360, %dma_wait3A_364] : memref<64x64xi32, #tpu.memory_space<vmem>> -> memref<1x64xi32, #tpu.memory_space<vmem>>
        %dma_wait3A_366 = tpu.memref_squeeze %dma_wait3A_365 : memref<1x64xi32, #tpu.memory_space<vmem>> -> memref<64xi32, #tpu.memory_space<vmem>>
        %dma_wait3A_367 = arith.constant 0 : i32
        %dma_wait3A_368 = arith.constant 0 : i32
        %dma_wait3A_369 = tpu.memref_slice %arg10[%dma_wait3A_367, %dma_wait3A_368] : memref<10112x128xf32, #tpu.memory_space<vmem_shared>> -> memref<10112x128xf32, #tpu.memory_space<vmem_shared>>
        tpu.wait_indirect_dma semaphore(%arg18 : memref<!tpu.dma_semaphore, #tpu.memory_space<semaphore_mem>>) src(%dma_wait3A_363 : memref<64x128xf32, #tpu.memory_space<vmem>>) dst(%dma_wait3A_369 : memref<10112x128xf32, #tpu.memory_space<vmem_shared>>)
        %add3A_370 = arith.constant 4 : i32
        %add3A_371 = arith.addi %mul3A_228, %add3A_370 : i32
        %add3A_372 = arith.constant 3 : i32
        %add3A_373 = arith.addi %add3A_371, %add3A_372 : i32
        %lt3A_374 = arith.constant 64 : i32
        %lt3A_375 = arith.cmpi slt, %add3A_373, %lt3A_374 : i32
        %convert_element_type3A_376 = arith.extui %lt3A_375 : i1 to i32
        %cond3A_377 = arith.constant 0 : i32
        %cond3A_378 = arith.cmpi ne, %convert_element_type3A_376, %cond3A_377 : i32
        scf.if %cond3A_378 {
          %add3A_379 = arith.constant 4 : i32
          %add3A_380 = arith.addi %mul3A_228, %add3A_379 : i32
          %add3A_381 = arith.constant 3 : i32
          %add3A_382 = arith.addi %add3A_380, %add3A_381 : i32
          %mul3A_383 = arith.constant 64 : i32
          %mul3A_384 = arith.muli %add3A_382, %mul3A_383 : i32
          %dma_start3A_385 = arith.constant 192 : i32
          %dma_start3A_386 = arith.constant 0 : i32
          %dma_start3A_387 = tpu.memref_slice %arg9[%dma_start3A_385, %dma_start3A_386] : memref<256x128xf32, #tpu.memory_space<vmem>> -> memref<64x128xf32, #tpu.memory_space<vmem>>
          %dma_start3A_388 = tpu.memref_slice %arg7[%mul3A_384] : memref<4096xi32, #tpu.memory_space<vmem>> -> memref<64xi32, #tpu.memory_space<vmem>>
          %dma_start3A_389 = arith.constant 0 : i32
          %dma_start3A_390 = arith.constant 0 : i32
          %dma_start3A_391 = tpu.memref_slice %arg2[%dma_start3A_389, %dma_start3A_390] : memref<10112x128xf32, #tpu.memory_space<hbm>> -> memref<10112x128xf32, #tpu.memory_space<hbm>>
          tpu.enqueue_indirect_dma source(%dma_start3A_391 : memref<10112x128xf32, #tpu.memory_space<hbm>>) target(%dma_start3A_387 : memref<64x128xf32, #tpu.memory_space<vmem>>) offsets(%dma_start3A_388 : memref<64xi32, #tpu.memory_space<vmem>>) semaphore(%arg14 : memref<!tpu.dma_semaphore, #tpu.memory_space<semaphore_mem>>)
        } else {
        }
      }
      %scan3A_181 = arith.constant 16 : i32
      %mul3A_182 = arith.constant 320 : i32
      %mul3A_183 = arith.muli %arg1, %mul3A_182 : i32
      %add3A_184 = arith.constant 256 : i32
      %add3A_185 = arith.addi %mul3A_183, %add3A_184 : i32
      %mul3A_186 = arith.constant 64 : i32
      %mul3A_187 = arith.muli %add3A_185, %mul3A_186 : i32
      "tpu.region"() ({
        %run_scoped3A = tpu.sem_alloc : memref<!tpu.dma_semaphore, #tpu.memory_space<semaphore_mem>>
        %dma_start3A_226 = arith.constant 0 : i32
        %dma_start3A_227 = tpu.memref_slice %arg7[%dma_start3A_226] : memref<4096xi32, #tpu.memory_space<vmem>> -> memref<4096xi32, #tpu.memory_space<vmem>>
        %dma_start3A_228 = tpu.memref_slice %arg3[%mul3A_187] : memref<327680xi32, #tpu.memory_space<hbm>> -> memref<4096xi32, #tpu.memory_space<hbm>>
        %dma_start3A_229 = arith.constant 0 : i32
        %dma_start3A_230 = tpu.memref_slice %arg7[%dma_start3A_229] : memref<4096xi32, #tpu.memory_space<vmem>> -> memref<4096xi32, #tpu.memory_space<vmem>>
        %dma_start3A_231 = tpu.memref_slice %arg3[%mul3A_187] : memref<327680xi32, #tpu.memory_space<hbm>> -> memref<4096xi32, #tpu.memory_space<hbm>>
        tpu.enqueue_dma source(%dma_start3A_231 : memref<4096xi32, #tpu.memory_space<hbm>>) target(%dma_start3A_230 : memref<4096xi32, #tpu.memory_space<vmem>>) target_semaphore(%run_scoped3A : memref<!tpu.dma_semaphore, #tpu.memory_space<semaphore_mem>>)
        %dma_wait3A = arith.constant 0 : i32
        %dma_wait3A_232 = tpu.memref_slice %arg7[%dma_wait3A] : memref<4096xi32, #tpu.memory_space<vmem>> -> memref<4096xi32, #tpu.memory_space<vmem>>
        %dma_wait3A_233 = tpu.memref_slice %arg3[%mul3A_187] : memref<327680xi32, #tpu.memory_space<hbm>> -> memref<4096xi32, #tpu.memory_space<hbm>>
        %dma_wait3A_234 = arith.constant 0 : i32
        %dma_wait3A_235 = tpu.memref_slice %arg7[%dma_wait3A_234] : memref<4096xi32, #tpu.memory_space<vmem>> -> memref<4096xi32, #tpu.memory_space<vmem>>
        %dma_wait3A_236 = tpu.memref_slice %arg3[%mul3A_187] : memref<327680xi32, #tpu.memory_space<hbm>> -> memref<4096xi32, #tpu.memory_space<hbm>>
        tpu.wait_dma2 semaphore(%run_scoped3A : memref<!tpu.dma_semaphore, #tpu.memory_space<semaphore_mem>>) src(%dma_wait3A_236 : memref<4096xi32, #tpu.memory_space<hbm>>) dst(%dma_wait3A_235 : memref<4096xi32, #tpu.memory_space<vmem>>)
        tpu.yield
      }) : () -> ()
      "tpu.region"() ({
        %run_scoped3A = tpu.sem_alloc : memref<!tpu.dma_semaphore, #tpu.memory_space<semaphore_mem>>
        %dma_start3A_226 = arith.constant 0 : i32
        %dma_start3A_227 = arith.constant 0 : i32
        %dma_start3A_228 = tpu.memref_slice %arg8[%dma_start3A_226, %dma_start3A_227] : memref<64x64xi32, #tpu.memory_space<vmem>> -> memref<64x64xi32, #tpu.memory_space<vmem>>
        %dma_start3A_229 = arith.constant 0 : i32
        %dma_start3A_230 = tpu.memref_slice %arg4[%add3A_185, %dma_start3A_229] : memref<5120x64xi32, #tpu.memory_space<hbm>> -> memref<64x64xi32, #tpu.memory_space<hbm>>
        %dma_start3A_231 = arith.constant 0 : i32
        %dma_start3A_232 = arith.constant 0 : i32
        %dma_start3A_233 = tpu.memref_slice %arg8[%dma_start3A_231, %dma_start3A_232] : memref<64x64xi32, #tpu.memory_space<vmem>> -> memref<64x64xi32, #tpu.memory_space<vmem>>
        %dma_start3A_234 = arith.constant 0 : i32
        %dma_start3A_235 = tpu.memref_slice %arg4[%add3A_185, %dma_start3A_234] : memref<5120x64xi32, #tpu.memory_space<hbm>> -> memref<64x64xi32, #tpu.memory_space<hbm>>
        tpu.enqueue_dma source(%dma_start3A_235 : memref<64x64xi32, #tpu.memory_space<hbm>>) target(%dma_start3A_233 : memref<64x64xi32, #tpu.memory_space<vmem>>) target_semaphore(%run_scoped3A : memref<!tpu.dma_semaphore, #tpu.memory_space<semaphore_mem>>)
        %dma_wait3A = arith.constant 0 : i32
        %dma_wait3A_236 = arith.constant 0 : i32
        %dma_wait3A_237 = tpu.memref_slice %arg8[%dma_wait3A, %dma_wait3A_236] : memref<64x64xi32, #tpu.memory_space<vmem>> -> memref<64x64xi32, #tpu.memory_space<vmem>>
        %dma_wait3A_238 = arith.constant 0 : i32
        %dma_wait3A_239 = tpu.memref_slice %arg4[%add3A_185, %dma_wait3A_238] : memref<5120x64xi32, #tpu.memory_space<hbm>> -> memref<64x64xi32, #tpu.memory_space<hbm>>
        %dma_wait3A_240 = arith.constant 0 : i32
        %dma_wait3A_241 = arith.constant 0 : i32
        %dma_wait3A_242 = tpu.memref_slice %arg8[%dma_wait3A_240, %dma_wait3A_241] : memref<64x64xi32, #tpu.memory_space<vmem>> -> memref<64x64xi32, #tpu.memory_space<vmem>>
        %dma_wait3A_243 = arith.constant 0 : i32
        %dma_wait3A_244 = tpu.memref_slice %arg4[%add3A_185, %dma_wait3A_243] : memref<5120x64xi32, #tpu.memory_space<hbm>> -> memref<64x64xi32, #tpu.memory_space<hbm>>
        tpu.wait_dma2 semaphore(%run_scoped3A : memref<!tpu.dma_semaphore, #tpu.memory_space<semaphore_mem>>) src(%dma_wait3A_244 : memref<64x64xi32, #tpu.memory_space<hbm>>) dst(%dma_wait3A_242 : memref<64x64xi32, #tpu.memory_space<vmem>>)
        tpu.yield
      }) : () -> ()
      %dma_start3A_188 = arith.constant 0 : i32
      %dma_start3A_189 = arith.constant 0 : i32
      %dma_start3A_190 = tpu.memref_slice %arg9[%dma_start3A_188, %dma_start3A_189] : memref<256x128xf32, #tpu.memory_space<vmem>> -> memref<64x128xf32, #tpu.memory_space<vmem>>
      %dma_start3A_191 = arith.constant 0 : i32
      %dma_start3A_192 = tpu.memref_slice %arg7[%dma_start3A_191] : memref<4096xi32, #tpu.memory_space<vmem>> -> memref<64xi32, #tpu.memory_space<vmem>>
      %dma_start3A_193 = arith.constant 0 : i32
      %dma_start3A_194 = arith.constant 0 : i32
      %dma_start3A_195 = tpu.memref_slice %arg2[%dma_start3A_193, %dma_start3A_194] : memref<10112x128xf32, #tpu.memory_space<hbm>> -> memref<10112x128xf32, #tpu.memory_space<hbm>>
      tpu.enqueue_indirect_dma source(%dma_start3A_195 : memref<10112x128xf32, #tpu.memory_space<hbm>>) target(%dma_start3A_190 : memref<64x128xf32, #tpu.memory_space<vmem>>) offsets(%dma_start3A_192 : memref<64xi32, #tpu.memory_space<vmem>>) semaphore(%arg11 : memref<!tpu.dma_semaphore, #tpu.memory_space<semaphore_mem>>)
      %dma_start3A_196 = arith.constant 64 : i32
      %dma_start3A_197 = arith.constant 0 : i32
      %dma_start3A_198 = tpu.memref_slice %arg9[%dma_start3A_196, %dma_start3A_197] : memref<256x128xf32, #tpu.memory_space<vmem>> -> memref<64x128xf32, #tpu.memory_space<vmem>>
      %dma_start3A_199 = arith.constant 64 : i32
      %dma_start3A_200 = tpu.memref_slice %arg7[%dma_start3A_199] : memref<4096xi32, #tpu.memory_space<vmem>> -> memref<64xi32, #tpu.memory_space<vmem>>
      %dma_start3A_201 = arith.constant 0 : i32
      %dma_start3A_202 = arith.constant 0 : i32
      %dma_start3A_203 = tpu.memref_slice %arg2[%dma_start3A_201, %dma_start3A_202] : memref<10112x128xf32, #tpu.memory_space<hbm>> -> memref<10112x128xf32, #tpu.memory_space<hbm>>
      tpu.enqueue_indirect_dma source(%dma_start3A_203 : memref<10112x128xf32, #tpu.memory_space<hbm>>) target(%dma_start3A_198 : memref<64x128xf32, #tpu.memory_space<vmem>>) offsets(%dma_start3A_200 : memref<64xi32, #tpu.memory_space<vmem>>) semaphore(%arg12 : memref<!tpu.dma_semaphore, #tpu.memory_space<semaphore_mem>>)
      %dma_start3A_204 = arith.constant 128 : i32
      %dma_start3A_205 = arith.constant 0 : i32
      %dma_start3A_206 = tpu.memref_slice %arg9[%dma_start3A_204, %dma_start3A_205] : memref<256x128xf32, #tpu.memory_space<vmem>> -> memref<64x128xf32, #tpu.memory_space<vmem>>
      %dma_start3A_207 = arith.constant 128 : i32
      %dma_start3A_208 = tpu.memref_slice %arg7[%dma_start3A_207] : memref<4096xi32, #tpu.memory_space<vmem>> -> memref<64xi32, #tpu.memory_space<vmem>>
      %dma_start3A_209 = arith.constant 0 : i32
      %dma_start3A_210 = arith.constant 0 : i32
      %dma_start3A_211 = tpu.memref_slice %arg2[%dma_start3A_209, %dma_start3A_210] : memref<10112x128xf32, #tpu.memory_space<hbm>> -> memref<10112x128xf32, #tpu.memory_space<hbm>>
      tpu.enqueue_indirect_dma source(%dma_start3A_211 : memref<10112x128xf32, #tpu.memory_space<hbm>>) target(%dma_start3A_206 : memref<64x128xf32, #tpu.memory_space<vmem>>) offsets(%dma_start3A_208 : memref<64xi32, #tpu.memory_space<vmem>>) semaphore(%arg13 : memref<!tpu.dma_semaphore, #tpu.memory_space<semaphore_mem>>)
      %dma_start3A_212 = arith.constant 192 : i32
      %dma_start3A_213 = arith.constant 0 : i32
      %dma_start3A_214 = tpu.memref_slice %arg9[%dma_start3A_212, %dma_start3A_213] : memref<256x128xf32, #tpu.memory_space<vmem>> -> memref<64x128xf32, #tpu.memory_space<vmem>>
      %dma_start3A_215 = arith.constant 192 : i32
      %dma_start3A_216 = tpu.memref_slice %arg7[%dma_start3A_215] : memref<4096xi32, #tpu.memory_space<vmem>> -> memref<64xi32, #tpu.memory_space<vmem>>
      %dma_start3A_217 = arith.constant 0 : i32
      %dma_start3A_218 = arith.constant 0 : i32
      %dma_start3A_219 = tpu.memref_slice %arg2[%dma_start3A_217, %dma_start3A_218] : memref<10112x128xf32, #tpu.memory_space<hbm>> -> memref<10112x128xf32, #tpu.memory_space<hbm>>
      tpu.enqueue_indirect_dma source(%dma_start3A_219 : memref<10112x128xf32, #tpu.memory_space<hbm>>) target(%dma_start3A_214 : memref<64x128xf32, #tpu.memory_space<vmem>>) offsets(%dma_start3A_216 : memref<64xi32, #tpu.memory_space<vmem>>) semaphore(%arg14 : memref<!tpu.dma_semaphore, #tpu.memory_space<semaphore_mem>>)
      %scan3A_220 = arith.constant 0 : i32
      %scan3A_221 = arith.constant 0 : i32
      %scan3A_222 = arith.constant 16 : i32
      %scan3A_223 = arith.addi %scan3A_221, %scan3A_222 : i32
      %scan3A_224 = arith.constant 1 : i32
      scf.for %scan3A_226 = %scan3A_221 to %scan3A_223 step %scan3A_224  : i32 {
        %mul3A_227 = arith.constant 4 : i32
        %mul3A_228 = arith.muli %mul3A_227, %scan3A_226 : i32
        %dma_wait3A = arith.constant 0 : i32
        %dma_wait3A_229 = arith.constant 0 : i32
        %dma_wait3A_230 = tpu.memref_slice %arg9[%dma_wait3A, %dma_wait3A_229] : memref<256x128xf32, #tpu.memory_space<vmem>> -> memref<64x128xf32, #tpu.memory_space<vmem>>
        %dma_wait3A_231 = arith.constant 0 : i32
        %dma_wait3A_232 = tpu.memref_slice %arg7[%dma_wait3A_231] : memref<4096xi32, #tpu.memory_space<vmem>> -> memref<64xi32, #tpu.memory_space<vmem>>
        %dma_wait3A_233 = arith.constant 0 : i32
        %dma_wait3A_234 = arith.constant 0 : i32
        %dma_wait3A_235 = tpu.memref_slice %arg2[%dma_wait3A_233, %dma_wait3A_234] : memref<10112x128xf32, #tpu.memory_space<hbm>> -> memref<10112x128xf32, #tpu.memory_space<hbm>>
        tpu.wait_indirect_dma semaphore(%arg11 : memref<!tpu.dma_semaphore, #tpu.memory_space<semaphore_mem>>) src(%dma_wait3A_235 : memref<10112x128xf32, #tpu.memory_space<hbm>>) dst(%dma_wait3A_230 : memref<64x128xf32, #tpu.memory_space<vmem>>)
        %add3A_236 = arith.constant 0 : i32
        %add3A_237 = arith.addi %mul3A_228, %add3A_236 : i32
        %dma_start3A_238 = arith.constant 0 : i32
        %dma_start3A_239 = arith.constant 0 : i32
        %dma_start3A_240 = tpu.memref_slice %arg9[%dma_start3A_238, %dma_start3A_239] : memref<256x128xf32, #tpu.memory_space<vmem>> -> memref<64x128xf32, #tpu.memory_space<vmem>>
        %dma_start3A_241 = arith.constant 0 : i32
        %dma_start3A_242 = tpu.memref_slice %arg8[%add3A_237, %dma_start3A_241] : memref<64x64xi32, #tpu.memory_space<vmem>> -> memref<1x64xi32, #tpu.memory_space<vmem>>
        %dma_start3A_243 = tpu.memref_squeeze %dma_start3A_242 : memref<1x64xi32, #tpu.memory_space<vmem>> -> memref<64xi32, #tpu.memory_space<vmem>>
        %dma_start3A_244 = arith.constant 0 : i32
        %dma_start3A_245 = arith.constant 0 : i32
        %dma_start3A_246 = tpu.memref_slice %arg10[%dma_start3A_244, %dma_start3A_245] : memref<10112x128xf32, #tpu.memory_space<vmem_shared>> -> memref<10112x128xf32, #tpu.memory_space<vmem_shared>>
        tpu.enqueue_indirect_dma source(%dma_start3A_240 : memref<64x128xf32, #tpu.memory_space<vmem>>) target(%dma_start3A_246 : memref<10112x128xf32, #tpu.memory_space<vmem_shared>>) offsets(%dma_start3A_243 : memref<64xi32, #tpu.memory_space<vmem>>) semaphore(%arg15 : memref<!tpu.dma_semaphore, #tpu.memory_space<semaphore_mem>>) {add = true}
        %dma_wait3A_247 = arith.constant 64 : i32
        %dma_wait3A_248 = arith.constant 0 : i32
        %dma_wait3A_249 = tpu.memref_slice %arg9[%dma_wait3A_247, %dma_wait3A_248] : memref<256x128xf32, #tpu.memory_space<vmem>> -> memref<64x128xf32, #tpu.memory_space<vmem>>
        %dma_wait3A_250 = arith.constant 0 : i32
        %dma_wait3A_251 = tpu.memref_slice %arg7[%dma_wait3A_250] : memref<4096xi32, #tpu.memory_space<vmem>> -> memref<64xi32, #tpu.memory_space<vmem>>
        %dma_wait3A_252 = arith.constant 0 : i32
        %dma_wait3A_253 = arith.constant 0 : i32
        %dma_wait3A_254 = tpu.memref_slice %arg2[%dma_wait3A_252, %dma_wait3A_253] : memref<10112x128xf32, #tpu.memory_space<hbm>> -> memref<10112x128xf32, #tpu.memory_space<hbm>>
        tpu.wait_indirect_dma semaphore(%arg12 : memref<!tpu.dma_semaphore, #tpu.memory_space<semaphore_mem>>) src(%dma_wait3A_254 : memref<10112x128xf32, #tpu.memory_space<hbm>>) dst(%dma_wait3A_249 : memref<64x128xf32, #tpu.memory_space<vmem>>)
        %add3A_255 = arith.constant 1 : i32
        %add3A_256 = arith.addi %mul3A_228, %add3A_255 : i32
        %dma_start3A_257 = arith.constant 64 : i32
        %dma_start3A_258 = arith.constant 0 : i32
        %dma_start3A_259 = tpu.memref_slice %arg9[%dma_start3A_257, %dma_start3A_258] : memref<256x128xf32, #tpu.memory_space<vmem>> -> memref<64x128xf32, #tpu.memory_space<vmem>>
        %dma_start3A_260 = arith.constant 0 : i32
        %dma_start3A_261 = tpu.memref_slice %arg8[%add3A_256, %dma_start3A_260] : memref<64x64xi32, #tpu.memory_space<vmem>> -> memref<1x64xi32, #tpu.memory_space<vmem>>
        %dma_start3A_262 = tpu.memref_squeeze %dma_start3A_261 : memref<1x64xi32, #tpu.memory_space<vmem>> -> memref<64xi32, #tpu.memory_space<vmem>>
        %dma_start3A_263 = arith.constant 0 : i32
        %dma_start3A_264 = arith.constant 0 : i32
        %dma_start3A_265 = tpu.memref_slice %arg10[%dma_start3A_263, %dma_start3A_264] : memref<10112x128xf32, #tpu.memory_space<vmem_shared>> -> memref<10112x128xf32, #tpu.memory_space<vmem_shared>>
        tpu.enqueue_indirect_dma source(%dma_start3A_259 : memref<64x128xf32, #tpu.memory_space<vmem>>) target(%dma_start3A_265 : memref<10112x128xf32, #tpu.memory_space<vmem_shared>>) offsets(%dma_start3A_262 : memref<64xi32, #tpu.memory_space<vmem>>) semaphore(%arg16 : memref<!tpu.dma_semaphore, #tpu.memory_space<semaphore_mem>>) {add = true}
        %dma_wait3A_266 = arith.constant 128 : i32
        %dma_wait3A_267 = arith.constant 0 : i32
        %dma_wait3A_268 = tpu.memref_slice %arg9[%dma_wait3A_266, %dma_wait3A_267] : memref<256x128xf32, #tpu.memory_space<vmem>> -> memref<64x128xf32, #tpu.memory_space<vmem>>
        %dma_wait3A_269 = arith.constant 0 : i32
        %dma_wait3A_270 = tpu.memref_slice %arg7[%dma_wait3A_269] : memref<4096xi32, #tpu.memory_space<vmem>> -> memref<64xi32, #tpu.memory_space<vmem>>
        %dma_wait3A_271 = arith.constant 0 : i32
        %dma_wait3A_272 = arith.constant 0 : i32
        %dma_wait3A_273 = tpu.memref_slice %arg2[%dma_wait3A_271, %dma_wait3A_272] : memref<10112x128xf32, #tpu.memory_space<hbm>> -> memref<10112x128xf32, #tpu.memory_space<hbm>>
        tpu.wait_indirect_dma semaphore(%arg13 : memref<!tpu.dma_semaphore, #tpu.memory_space<semaphore_mem>>) src(%dma_wait3A_273 : memref<10112x128xf32, #tpu.memory_space<hbm>>) dst(%dma_wait3A_268 : memref<64x128xf32, #tpu.memory_space<vmem>>)
        %add3A_274 = arith.constant 2 : i32
        %add3A_275 = arith.addi %mul3A_228, %add3A_274 : i32
        %dma_start3A_276 = arith.constant 128 : i32
        %dma_start3A_277 = arith.constant 0 : i32
        %dma_start3A_278 = tpu.memref_slice %arg9[%dma_start3A_276, %dma_start3A_277] : memref<256x128xf32, #tpu.memory_space<vmem>> -> memref<64x128xf32, #tpu.memory_space<vmem>>
        %dma_start3A_279 = arith.constant 0 : i32
        %dma_start3A_280 = tpu.memref_slice %arg8[%add3A_275, %dma_start3A_279] : memref<64x64xi32, #tpu.memory_space<vmem>> -> memref<1x64xi32, #tpu.memory_space<vmem>>
        %dma_start3A_281 = tpu.memref_squeeze %dma_start3A_280 : memref<1x64xi32, #tpu.memory_space<vmem>> -> memref<64xi32, #tpu.memory_space<vmem>>
        %dma_start3A_282 = arith.constant 0 : i32
        %dma_start3A_283 = arith.constant 0 : i32
        %dma_start3A_284 = tpu.memref_slice %arg10[%dma_start3A_282, %dma_start3A_283] : memref<10112x128xf32, #tpu.memory_space<vmem_shared>> -> memref<10112x128xf32, #tpu.memory_space<vmem_shared>>
        tpu.enqueue_indirect_dma source(%dma_start3A_278 : memref<64x128xf32, #tpu.memory_space<vmem>>) target(%dma_start3A_284 : memref<10112x128xf32, #tpu.memory_space<vmem_shared>>) offsets(%dma_start3A_281 : memref<64xi32, #tpu.memory_space<vmem>>) semaphore(%arg17 : memref<!tpu.dma_semaphore, #tpu.memory_space<semaphore_mem>>) {add = true}
        %dma_wait3A_285 = arith.constant 192 : i32
        %dma_wait3A_286 = arith.constant 0 : i32
        %dma_wait3A_287 = tpu.memref_slice %arg9[%dma_wait3A_285, %dma_wait3A_286] : memref<256x128xf32, #tpu.memory_space<vmem>> -> memref<64x128xf32, #tpu.memory_space<vmem>>
        %dma_wait3A_288 = arith.constant 0 : i32
        %dma_wait3A_289 = tpu.memref_slice %arg7[%dma_wait3A_288] : memref<4096xi32, #tpu.memory_space<vmem>> -> memref<64xi32, #tpu.memory_space<vmem>>
        %dma_wait3A_290 = arith.constant 0 : i32
        %dma_wait3A_291 = arith.constant 0 : i32
        %dma_wait3A_292 = tpu.memref_slice %arg2[%dma_wait3A_290, %dma_wait3A_291] : memref<10112x128xf32, #tpu.memory_space<hbm>> -> memref<10112x128xf32, #tpu.memory_space<hbm>>
        tpu.wait_indirect_dma semaphore(%arg14 : memref<!tpu.dma_semaphore, #tpu.memory_space<semaphore_mem>>) src(%dma_wait3A_292 : memref<10112x128xf32, #tpu.memory_space<hbm>>) dst(%dma_wait3A_287 : memref<64x128xf32, #tpu.memory_space<vmem>>)
        %add3A_293 = arith.constant 3 : i32
        %add3A_294 = arith.addi %mul3A_228, %add3A_293 : i32
        %dma_start3A_295 = arith.constant 192 : i32
        %dma_start3A_296 = arith.constant 0 : i32
        %dma_start3A_297 = tpu.memref_slice %arg9[%dma_start3A_295, %dma_start3A_296] : memref<256x128xf32, #tpu.memory_space<vmem>> -> memref<64x128xf32, #tpu.memory_space<vmem>>
        %dma_start3A_298 = arith.constant 0 : i32
        %dma_start3A_299 = tpu.memref_slice %arg8[%add3A_294, %dma_start3A_298] : memref<64x64xi32, #tpu.memory_space<vmem>> -> memref<1x64xi32, #tpu.memory_space<vmem>>
        %dma_start3A_300 = tpu.memref_squeeze %dma_start3A_299 : memref<1x64xi32, #tpu.memory_space<vmem>> -> memref<64xi32, #tpu.memory_space<vmem>>
        %dma_start3A_301 = arith.constant 0 : i32
        %dma_start3A_302 = arith.constant 0 : i32
        %dma_start3A_303 = tpu.memref_slice %arg10[%dma_start3A_301, %dma_start3A_302] : memref<10112x128xf32, #tpu.memory_space<vmem_shared>> -> memref<10112x128xf32, #tpu.memory_space<vmem_shared>>
        tpu.enqueue_indirect_dma source(%dma_start3A_297 : memref<64x128xf32, #tpu.memory_space<vmem>>) target(%dma_start3A_303 : memref<10112x128xf32, #tpu.memory_space<vmem_shared>>) offsets(%dma_start3A_300 : memref<64xi32, #tpu.memory_space<vmem>>) semaphore(%arg18 : memref<!tpu.dma_semaphore, #tpu.memory_space<semaphore_mem>>) {add = true}
        %dma_wait3A_304 = arith.constant 0 : i32
        %dma_wait3A_305 = arith.constant 0 : i32
        %dma_wait3A_306 = arith.constant 0 : i32
        %dma_wait3A_307 = tpu.memref_slice %arg9[%dma_wait3A_305, %dma_wait3A_306] : memref<256x128xf32, #tpu.memory_space<vmem>> -> memref<64x128xf32, #tpu.memory_space<vmem>>
        %dma_wait3A_308 = arith.constant 0 : i32
        %dma_wait3A_309 = tpu.memref_slice %arg8[%dma_wait3A_304, %dma_wait3A_308] : memref<64x64xi32, #tpu.memory_space<vmem>> -> memref<1x64xi32, #tpu.memory_space<vmem>>
        %dma_wait3A_310 = tpu.memref_squeeze %dma_wait3A_309 : memref<1x64xi32, #tpu.memory_space<vmem>> -> memref<64xi32, #tpu.memory_space<vmem>>
        %dma_wait3A_311 = arith.constant 0 : i32
        %dma_wait3A_312 = arith.constant 0 : i32
        %dma_wait3A_313 = tpu.memref_slice %arg10[%dma_wait3A_311, %dma_wait3A_312] : memref<10112x128xf32, #tpu.memory_space<vmem_shared>> -> memref<10112x128xf32, #tpu.memory_space<vmem_shared>>
        tpu.wait_indirect_dma semaphore(%arg15 : memref<!tpu.dma_semaphore, #tpu.memory_space<semaphore_mem>>) src(%dma_wait3A_307 : memref<64x128xf32, #tpu.memory_space<vmem>>) dst(%dma_wait3A_313 : memref<10112x128xf32, #tpu.memory_space<vmem_shared>>)
        %add3A_314 = arith.constant 4 : i32
        %add3A_315 = arith.addi %mul3A_228, %add3A_314 : i32
        %add3A_316 = arith.constant 0 : i32
        %add3A_317 = arith.addi %add3A_315, %add3A_316 : i32
        %lt3A = arith.constant 64 : i32
        %lt3A_318 = arith.cmpi slt, %add3A_317, %lt3A : i32
        %convert_element_type3A_319 = arith.extui %lt3A_318 : i1 to i32
        %cond3A_320 = arith.constant 0 : i32
        %cond3A_321 = arith.cmpi ne, %convert_element_type3A_319, %cond3A_320 : i32
        scf.if %cond3A_321 {
          %add3A_379 = arith.constant 4 : i32
          %add3A_380 = arith.addi %mul3A_228, %add3A_379 : i32
          %add3A_381 = arith.constant 0 : i32
          %add3A_382 = arith.addi %add3A_380, %add3A_381 : i32
          %mul3A_383 = arith.constant 64 : i32
          %mul3A_384 = arith.muli %add3A_382, %mul3A_383 : i32
          %dma_start3A_385 = arith.constant 0 : i32
          %dma_start3A_386 = arith.constant 0 : i32
          %dma_start3A_387 = tpu.memref_slice %arg9[%dma_start3A_385, %dma_start3A_386] : memref<256x128xf32, #tpu.memory_space<vmem>> -> memref<64x128xf32, #tpu.memory_space<vmem>>
          %dma_start3A_388 = tpu.memref_slice %arg7[%mul3A_384] : memref<4096xi32, #tpu.memory_space<vmem>> -> memref<64xi32, #tpu.memory_space<vmem>>
          %dma_start3A_389 = arith.constant 0 : i32
          %dma_start3A_390 = arith.constant 0 : i32
          %dma_start3A_391 = tpu.memref_slice %arg2[%dma_start3A_389, %dma_start3A_390] : memref<10112x128xf32, #tpu.memory_space<hbm>> -> memref<10112x128xf32, #tpu.memory_space<hbm>>
          tpu.enqueue_indirect_dma source(%dma_start3A_391 : memref<10112x128xf32, #tpu.memory_space<hbm>>) target(%dma_start3A_387 : memref<64x128xf32, #tpu.memory_space<vmem>>) offsets(%dma_start3A_388 : memref<64xi32, #tpu.memory_space<vmem>>) semaphore(%arg11 : memref<!tpu.dma_semaphore, #tpu.memory_space<semaphore_mem>>)
        } else {
        }
        %dma_wait3A_322 = arith.constant 0 : i32
        %dma_wait3A_323 = arith.constant 64 : i32
        %dma_wait3A_324 = arith.constant 0 : i32
        %dma_wait3A_325 = tpu.memref_slice %arg9[%dma_wait3A_323, %dma_wait3A_324] : memref<256x128xf32, #tpu.memory_space<vmem>> -> memref<64x128xf32, #tpu.memory_space<vmem>>
        %dma_wait3A_326 = arith.constant 0 : i32
        %dma_wait3A_327 = tpu.memref_slice %arg8[%dma_wait3A_322, %dma_wait3A_326] : memref<64x64xi32, #tpu.memory_space<vmem>> -> memref<1x64xi32, #tpu.memory_space<vmem>>
        %dma_wait3A_328 = tpu.memref_squeeze %dma_wait3A_327 : memref<1x64xi32, #tpu.memory_space<vmem>> -> memref<64xi32, #tpu.memory_space<vmem>>
        %dma_wait3A_329 = arith.constant 0 : i32
        %dma_wait3A_330 = arith.constant 0 : i32
        %dma_wait3A_331 = tpu.memref_slice %arg10[%dma_wait3A_329, %dma_wait3A_330] : memref<10112x128xf32, #tpu.memory_space<vmem_shared>> -> memref<10112x128xf32, #tpu.memory_space<vmem_shared>>
        tpu.wait_indirect_dma semaphore(%arg16 : memref<!tpu.dma_semaphore, #tpu.memory_space<semaphore_mem>>) src(%dma_wait3A_325 : memref<64x128xf32, #tpu.memory_space<vmem>>) dst(%dma_wait3A_331 : memref<10112x128xf32, #tpu.memory_space<vmem_shared>>)
        %add3A_332 = arith.constant 4 : i32
        %add3A_333 = arith.addi %mul3A_228, %add3A_332 : i32
        %add3A_334 = arith.constant 1 : i32
        %add3A_335 = arith.addi %add3A_333, %add3A_334 : i32
        %lt3A_336 = arith.constant 64 : i32
        %lt3A_337 = arith.cmpi slt, %add3A_335, %lt3A_336 : i32
        %convert_element_type3A_338 = arith.extui %lt3A_337 : i1 to i32
        %cond3A_339 = arith.constant 0 : i32
        %cond3A_340 = arith.cmpi ne, %convert_element_type3A_338, %cond3A_339 : i32
        scf.if %cond3A_340 {
          %add3A_379 = arith.constant 4 : i32
          %add3A_380 = arith.addi %mul3A_228, %add3A_379 : i32
          %add3A_381 = arith.constant 1 : i32
          %add3A_382 = arith.addi %add3A_380, %add3A_381 : i32
          %mul3A_383 = arith.constant 64 : i32
          %mul3A_384 = arith.muli %add3A_382, %mul3A_383 : i32
          %dma_start3A_385 = arith.constant 64 : i32
          %dma_start3A_386 = arith.constant 0 : i32
          %dma_start3A_387 = tpu.memref_slice %arg9[%dma_start3A_385, %dma_start3A_386] : memref<256x128xf32, #tpu.memory_space<vmem>> -> memref<64x128xf32, #tpu.memory_space<vmem>>
          %dma_start3A_388 = tpu.memref_slice %arg7[%mul3A_384] : memref<4096xi32, #tpu.memory_space<vmem>> -> memref<64xi32, #tpu.memory_space<vmem>>
          %dma_start3A_389 = arith.constant 0 : i32
          %dma_start3A_390 = arith.constant 0 : i32
          %dma_start3A_391 = tpu.memref_slice %arg2[%dma_start3A_389, %dma_start3A_390] : memref<10112x128xf32, #tpu.memory_space<hbm>> -> memref<10112x128xf32, #tpu.memory_space<hbm>>
          tpu.enqueue_indirect_dma source(%dma_start3A_391 : memref<10112x128xf32, #tpu.memory_space<hbm>>) target(%dma_start3A_387 : memref<64x128xf32, #tpu.memory_space<vmem>>) offsets(%dma_start3A_388 : memref<64xi32, #tpu.memory_space<vmem>>) semaphore(%arg12 : memref<!tpu.dma_semaphore, #tpu.memory_space<semaphore_mem>>)
        } else {
        }
        %dma_wait3A_341 = arith.constant 0 : i32
        %dma_wait3A_342 = arith.constant 128 : i32
        %dma_wait3A_343 = arith.constant 0 : i32
        %dma_wait3A_344 = tpu.memref_slice %arg9[%dma_wait3A_342, %dma_wait3A_343] : memref<256x128xf32, #tpu.memory_space<vmem>> -> memref<64x128xf32, #tpu.memory_space<vmem>>
        %dma_wait3A_345 = arith.constant 0 : i32
        %dma_wait3A_346 = tpu.memref_slice %arg8[%dma_wait3A_341, %dma_wait3A_345] : memref<64x64xi32, #tpu.memory_space<vmem>> -> memref<1x64xi32, #tpu.memory_space<vmem>>
        %dma_wait3A_347 = tpu.memref_squeeze %dma_wait3A_346 : memref<1x64xi32, #tpu.memory_space<vmem>> -> memref<64xi32, #tpu.memory_space<vmem>>
        %dma_wait3A_348 = arith.constant 0 : i32
        %dma_wait3A_349 = arith.constant 0 : i32
        %dma_wait3A_350 = tpu.memref_slice %arg10[%dma_wait3A_348, %dma_wait3A_349] : memref<10112x128xf32, #tpu.memory_space<vmem_shared>> -> memref<10112x128xf32, #tpu.memory_space<vmem_shared>>
        tpu.wait_indirect_dma semaphore(%arg17 : memref<!tpu.dma_semaphore, #tpu.memory_space<semaphore_mem>>) src(%dma_wait3A_344 : memref<64x128xf32, #tpu.memory_space<vmem>>) dst(%dma_wait3A_350 : memref<10112x128xf32, #tpu.memory_space<vmem_shared>>)
        %add3A_351 = arith.constant 4 : i32
        %add3A_352 = arith.addi %mul3A_228, %add3A_351 : i32
        %add3A_353 = arith.constant 2 : i32
        %add3A_354 = arith.addi %add3A_352, %add3A_353 : i32
        %lt3A_355 = arith.constant 64 : i32
        %lt3A_356 = arith.cmpi slt, %add3A_354, %lt3A_355 : i32
        %convert_element_type3A_357 = arith.extui %lt3A_356 : i1 to i32
        %cond3A_358 = arith.constant 0 : i32
        %cond3A_359 = arith.cmpi ne, %convert_element_type3A_357, %cond3A_358 : i32
        scf.if %cond3A_359 {
          %add3A_379 = arith.constant 4 : i32
          %add3A_380 = arith.addi %mul3A_228, %add3A_379 : i32
          %add3A_381 = arith.constant 2 : i32
          %add3A_382 = arith.addi %add3A_380, %add3A_381 : i32
          %mul3A_383 = arith.constant 64 : i32
          %mul3A_384 = arith.muli %add3A_382, %mul3A_383 : i32
          %dma_start3A_385 = arith.constant 128 : i32
          %dma_start3A_386 = arith.constant 0 : i32
          %dma_start3A_387 = tpu.memref_slice %arg9[%dma_start3A_385, %dma_start3A_386] : memref<256x128xf32, #tpu.memory_space<vmem>> -> memref<64x128xf32, #tpu.memory_space<vmem>>
          %dma_start3A_388 = tpu.memref_slice %arg7[%mul3A_384] : memref<4096xi32, #tpu.memory_space<vmem>> -> memref<64xi32, #tpu.memory_space<vmem>>
          %dma_start3A_389 = arith.constant 0 : i32
          %dma_start3A_390 = arith.constant 0 : i32
          %dma_start3A_391 = tpu.memref_slice %arg2[%dma_start3A_389, %dma_start3A_390] : memref<10112x128xf32, #tpu.memory_space<hbm>> -> memref<10112x128xf32, #tpu.memory_space<hbm>>
          tpu.enqueue_indirect_dma source(%dma_start3A_391 : memref<10112x128xf32, #tpu.memory_space<hbm>>) target(%dma_start3A_387 : memref<64x128xf32, #tpu.memory_space<vmem>>) offsets(%dma_start3A_388 : memref<64xi32, #tpu.memory_space<vmem>>) semaphore(%arg13 : memref<!tpu.dma_semaphore, #tpu.memory_space<semaphore_mem>>)
        } else {
        }
        %dma_wait3A_360 = arith.constant 0 : i32
        %dma_wait3A_361 = arith.constant 192 : i32
        %dma_wait3A_362 = arith.constant 0 : i32
        %dma_wait3A_363 = tpu.memref_slice %arg9[%dma_wait3A_361, %dma_wait3A_362] : memref<256x128xf32, #tpu.memory_space<vmem>> -> memref<64x128xf32, #tpu.memory_space<vmem>>
        %dma_wait3A_364 = arith.constant 0 : i32
        %dma_wait3A_365 = tpu.memref_slice %arg8[%dma_wait3A_360, %dma_wait3A_364] : memref<64x64xi32, #tpu.memory_space<vmem>> -> memref<1x64xi32, #tpu.memory_space<vmem>>
        %dma_wait3A_366 = tpu.memref_squeeze %dma_wait3A_365 : memref<1x64xi32, #tpu.memory_space<vmem>> -> memref<64xi32, #tpu.memory_space<vmem>>
        %dma_wait3A_367 = arith.constant 0 : i32
        %dma_wait3A_368 = arith.constant 0 : i32
        %dma_wait3A_369 = tpu.memref_slice %arg10[%dma_wait3A_367, %dma_wait3A_368] : memref<10112x128xf32, #tpu.memory_space<vmem_shared>> -> memref<10112x128xf32, #tpu.memory_space<vmem_shared>>
        tpu.wait_indirect_dma semaphore(%arg18 : memref<!tpu.dma_semaphore, #tpu.memory_space<semaphore_mem>>) src(%dma_wait3A_363 : memref<64x128xf32, #tpu.memory_space<vmem>>) dst(%dma_wait3A_369 : memref<10112x128xf32, #tpu.memory_space<vmem_shared>>)
        %add3A_370 = arith.constant 4 : i32
        %add3A_371 = arith.addi %mul3A_228, %add3A_370 : i32
        %add3A_372 = arith.constant 3 : i32
        %add3A_373 = arith.addi %add3A_371, %add3A_372 : i32
        %lt3A_374 = arith.constant 64 : i32
        %lt3A_375 = arith.cmpi slt, %add3A_373, %lt3A_374 : i32
        %convert_element_type3A_376 = arith.extui %lt3A_375 : i1 to i32
        %cond3A_377 = arith.constant 0 : i32
        %cond3A_378 = arith.cmpi ne, %convert_element_type3A_376, %cond3A_377 : i32
        scf.if %cond3A_378 {
          %add3A_379 = arith.constant 4 : i32
          %add3A_380 = arith.addi %mul3A_228, %add3A_379 : i32
          %add3A_381 = arith.constant 3 : i32
          %add3A_382 = arith.addi %add3A_380, %add3A_381 : i32
          %mul3A_383 = arith.constant 64 : i32
          %mul3A_384 = arith.muli %add3A_382, %mul3A_383 : i32
          %dma_start3A_385 = arith.constant 192 : i32
          %dma_start3A_386 = arith.constant 0 : i32
          %dma_start3A_387 = tpu.memref_slice %arg9[%dma_start3A_385, %dma_start3A_386] : memref<256x128xf32, #tpu.memory_space<vmem>> -> memref<64x128xf32, #tpu.memory_space<vmem>>
          %dma_start3A_388 = tpu.memref_slice %arg7[%mul3A_384] : memref<4096xi32, #tpu.memory_space<vmem>> -> memref<64xi32, #tpu.memory_space<vmem>>
          %dma_start3A_389 = arith.constant 0 : i32
          %dma_start3A_390 = arith.constant 0 : i32
          %dma_start3A_391 = tpu.memref_slice %arg2[%dma_start3A_389, %dma_start3A_390] : memref<10112x128xf32, #tpu.memory_space<hbm>> -> memref<10112x128xf32, #tpu.memory_space<hbm>>
          tpu.enqueue_indirect_dma source(%dma_start3A_391 : memref<10112x128xf32, #tpu.memory_space<hbm>>) target(%dma_start3A_387 : memref<64x128xf32, #tpu.memory_space<vmem>>) offsets(%dma_start3A_388 : memref<64xi32, #tpu.memory_space<vmem>>) semaphore(%arg14 : memref<!tpu.dma_semaphore, #tpu.memory_space<semaphore_mem>>)
        } else {
        }
      }
      %scan3A_225 = arith.constant 16 : i32
    } else {
    }
    %eq3A_3 = arith.constant 1 : i32
    %eq3A_4 = arith.cmpi eq, %arg0, %eq3A_3 : i32
    %convert_element_type3A_5 = arith.extui %eq3A_4 : i1 to i32
    %cond3A_6 = arith.constant 0 : i32
    %cond3A_7 = arith.cmpi ne, %convert_element_type3A_5, %cond3A_6 : i32
    scf.if %cond3A_7 {
    } else {
    }
    %barrier3A_8 = arith.constant 0 : index
    tpu.barrier barrier_id(%barrier3A_8)
    "tpu.region"() ({
      %run_scoped3A = tpu.sem_alloc : memref<!tpu.dma_semaphore, #tpu.memory_space<semaphore_mem>>
      %dma_start3A = arith.constant 0 : i32
      %dma_start3A_9 = tpu.memref_slice %arg6[%arg0, %mul3A_0, %dma_start3A] : memref<2x10112x128xf32, #tpu.memory_space<hbm>> -> memref<1x632x128xf32, #tpu.memory_space<hbm>>
      %dma_start3A_10 = tpu.memref_squeeze %dma_start3A_9 : memref<1x632x128xf32, #tpu.memory_space<hbm>> -> memref<632x128xf32, #tpu.memory_space<hbm>>
      %dma_start3A_11 = arith.constant 0 : i32
      %dma_start3A_12 = tpu.memref_slice %arg10[%mul3A_0, %dma_start3A_11] : memref<10112x128xf32, #tpu.memory_space<vmem_shared>> -> memref<632x128xf32, #tpu.memory_space<vmem_shared>>
      tpu.enqueue_dma source(%dma_start3A_12 : memref<632x128xf32, #tpu.memory_space<vmem_shared>>) target(%dma_start3A_10 : memref<632x128xf32, #tpu.memory_space<hbm>>) target_semaphore(%run_scoped3A : memref<!tpu.dma_semaphore, #tpu.memory_space<semaphore_mem>>)
      %dma_wait3A = arith.constant 0 : i32
      %dma_wait3A_13 = tpu.memref_slice %arg6[%arg0, %mul3A_0, %dma_wait3A] : memref<2x10112x128xf32, #tpu.memory_space<hbm>> -> memref<1x632x128xf32, #tpu.memory_space<hbm>>
      %dma_wait3A_14 = tpu.memref_squeeze %dma_wait3A_13 : memref<1x632x128xf32, #tpu.memory_space<hbm>> -> memref<632x128xf32, #tpu.memory_space<hbm>>
      %dma_wait3A_15 = arith.constant 0 : i32
      %dma_wait3A_16 = tpu.memref_slice %arg10[%mul3A_0, %dma_wait3A_15] : memref<10112x128xf32, #tpu.memory_space<vmem_shared>> -> memref<632x128xf32, #tpu.memory_space<vmem_shared>>
      tpu.wait_dma2 semaphore(%run_scoped3A : memref<!tpu.dma_semaphore, #tpu.memory_space<semaphore_mem>>) src(%dma_wait3A_16 : memref<632x128xf32, #tpu.memory_space<vmem_shared>>) dst(%dma_wait3A_14 : memref<632x128xf32, #tpu.memory_space<hbm>>)
      tpu.yield
    }) : () -> ()
    return
  }
}

module attributes {stable_mosaic.version = 14 : i64} {
  func.func @_k1_body(%arg0: i32, %arg1: memref<632x128xf32, #tpu.memory_space<vmem>>, %arg2: memref<128x128xf32, #tpu.memory_space<vmem>>, %arg3: memref<632x32xf32, #tpu.memory_space<vmem>>, %arg4: memref<632x128xf32, #tpu.memory_space<vmem>>) attributes {dimension_semantics = [#tpu.dimension_semantics<arbitrary>], iteration_bounds = array<i64: 16>, scalar_prefetch = 0 : i64, scratch_operands = 0 : i64, tpu.core_type = #tpu.core_type<tc>, window_params = [{transform_indices = @transform_0, window_bounds = array<i64: 632, 128>}, {pipeline_mode = #tpu.pipeline_mode<synchronous>, transform_indices = @transform_1, window_bounds = array<i64: 128, 128>}, {transform_indices = @transform_2, window_bounds = array<i64: 632, 32>}, {transform_indices = @transform_3, window_bounds = array<i64: 632, 128>}]} {
    %get3A = arith.constant 0 : index
    %get3A_0 = arith.constant 0 : index
    %get3A_1 = vector.load %arg1[%get3A, %get3A_0] : memref<632x128xf32, #tpu.memory_space<vmem>>, vector<632x128xf32>
    %get3A_2 = arith.constant 0 : index
    %get3A_3 = arith.constant 0 : index
    %get3A_4 = vector.load %arg2[%get3A_2, %get3A_3] : memref<128x128xf32, #tpu.memory_space<vmem>>, vector<128x128xf32>
    %dot_general3A = arith.constant dense<0.000000e+00> : vector<632x128xf32>
    %dot_general3A_5 = tpu.matmul %get3A_1, %get3A_4, %dot_general3A {dimension_numbers = #tpu.dot_dimension_numbers<[1], [0], [0], [1], [0, 0, 1, 1], [], []>, transpose_lhs_hint = false} : vector<632x128xf32>, vector<128x128xf32>, vector<632x128xf32> -> vector<632x128xf32>
    %get3A_6 = arith.constant 0 : index
    %get3A_7 = arith.constant 0 : index
    %get3A_8 = vector.load %arg3[%get3A_6, %get3A_7] : memref<632x32xf32, #tpu.memory_space<vmem>>, vector<632x32xf32>
    %reduce_sum3A = arith.constant dense<0.000000e+00> : vector<632xf32>
    %reduce_sum3A_9 = vector.multi_reduction <add>, %get3A_8, %reduce_sum3A [1] : vector<632x32xf32> to vector<632xf32>
    %add3A = arith.constant 1.000000e+00 : f32
    %add3A_10 = vector.broadcast %add3A : f32 to vector<632xf32>
    %add3A_11 = arith.addf %reduce_sum3A_9, %add3A_10 : vector<632xf32>
    %rsqrt3A = math.rsqrt %add3A_11 : vector<632xf32>
    %broadcast_in_dim3A = vector.shape_cast %rsqrt3A : vector<632xf32> to vector<632x1xf32>
    %mul3A = vector.broadcast %broadcast_in_dim3A : vector<632x1xf32> to vector<632x128xf32>
    %mul3A_12 = arith.mulf %dot_general3A_5, %mul3A : vector<632x128xf32>
    %swap3A = arith.constant 0 : index
    %swap3A_13 = arith.constant 0 : index
    %swap3A_14 = vector.load %arg4[%swap3A, %swap3A_13] : memref<632x128xf32, #tpu.memory_space<vmem>>, vector<632x128xf32>
    tpu.vector_store %arg4[%swap3A, %swap3A_13], %mul3A_12 {strides = array<i32>} : memref<632x128xf32, #tpu.memory_space<vmem>>, vector<632x128xf32>,
    return
  }
  func.func @transform_0(%arg0: i32) -> (i32, i32) {
    %c0_i32 = arith.constant 0 : i32
    %c0_i32_0 = arith.constant 0 : i32
    return %arg0, %c0_i32 : i32, i32
  }
  func.func @transform_1(%arg0: i32) -> (i32, i32) {
    %c0_i32 = arith.constant 0 : i32
    %c0_i32_0 = arith.constant 0 : i32
    %c0_i32_1 = arith.constant 0 : i32
    return %c0_i32, %c0_i32_0 : i32, i32
  }
  func.func @transform_2(%arg0: i32) -> (i32, i32) {
    %c0_i32 = arith.constant 0 : i32
    %c0_i32_0 = arith.constant 0 : i32
    return %arg0, %c0_i32 : i32, i32
  }
  func.func @transform_3(%arg0: i32) -> (i32, i32) {
    %c0_i32 = arith.constant 0 : i32
    %c0_i32_0 = arith.constant 0 : i32
    return %arg0, %c0_i32 : i32, i32
  }
}

module attributes {stable_mosaic.version = 14 : i64} {
  func.func @_kmid_body(%arg0: i32, %arg1: memref<2x632x128xf32, #tpu.memory_space<vmem>>, %arg2: memref<632x128xf32, #tpu.memory_space<vmem>>, %arg3: memref<632x32xf32, #tpu.memory_space<vmem>>, %arg4: memref<1x128xf32, #tpu.memory_space<vmem>>, %arg5: memref<128x128xf32, #tpu.memory_space<vmem>>, %arg6: memref<632x128xf32, #tpu.memory_space<vmem>>) attributes {dimension_semantics = [#tpu.dimension_semantics<arbitrary>], iteration_bounds = array<i64: 16>, scalar_prefetch = 0 : i64, scratch_operands = 0 : i64, tpu.core_type = #tpu.core_type<tc>, window_params = [{transform_indices = @transform_0, window_bounds = array<i64: 2, 632, 128>}, {transform_indices = @transform_1, window_bounds = array<i64: 632, 128>}, {transform_indices = @transform_2, window_bounds = array<i64: 632, 32>}, {pipeline_mode = #tpu.pipeline_mode<synchronous>, transform_indices = @transform_3, window_bounds = array<i64: 1, 128>}, {pipeline_mode = #tpu.pipeline_mode<synchronous>, transform_indices = @transform_4, window_bounds = array<i64: 128, 128>}, {transform_indices = @transform_5, window_bounds = array<i64: 632, 128>}]} {
    %get3A = arith.constant 0 : index
    %get3A_0 = arith.constant 0 : index
    %get3A_1 = vector.load %arg3[%get3A, %get3A_0] : memref<632x32xf32, #tpu.memory_space<vmem>>, vector<632x32xf32>
    %reduce_sum3A = arith.constant dense<0.000000e+00> : vector<632xf32>
    %reduce_sum3A_2 = vector.multi_reduction <add>, %get3A_1, %reduce_sum3A [1] : vector<632x32xf32> to vector<632xf32>
    %add3A = arith.constant 1.000000e+00 : f32
    %add3A_3 = vector.broadcast %add3A : f32 to vector<632xf32>
    %add3A_4 = arith.addf %reduce_sum3A_2, %add3A_3 : vector<632xf32>
    %rsqrt3A = math.rsqrt %add3A_4 : vector<632xf32>
    %broadcast_in_dim3A = vector.shape_cast %rsqrt3A : vector<632xf32> to vector<632x1xf32>
    %get3A_5 = arith.constant 0 : index
    %get3A_6 = arith.constant 0 : index
    %get3A_7 = arith.constant 0 : index
    %get3A_8 = vector.load %arg1[%get3A_5, %get3A_6, %get3A_7] : memref<2x632x128xf32, #tpu.memory_space<vmem>>, vector<1x632x128xf32>
    %get3A_9 = vector.shape_cast %get3A_8 : vector<1x632x128xf32> to vector<632x128xf32>
    %get3A_10 = arith.constant 1 : index
    %get3A_11 = arith.constant 0 : index
    %get3A_12 = arith.constant 0 : index
    %get3A_13 = vector.load %arg1[%get3A_10, %get3A_11, %get3A_12] : memref<2x632x128xf32, #tpu.memory_space<vmem>>, vector<1x632x128xf32>
    %get3A_14 = vector.shape_cast %get3A_13 : vector<1x632x128xf32> to vector<632x128xf32>
    %add3A_15 = arith.addf %get3A_9, %get3A_14 : vector<632x128xf32>
    %get3A_16 = arith.constant 0 : index
    %get3A_17 = arith.constant 0 : index
    %get3A_18 = vector.load %arg2[%get3A_16, %get3A_17] : memref<632x128xf32, #tpu.memory_space<vmem>>, vector<632x128xf32>
    %add3A_19 = arith.addf %add3A_15, %get3A_18 : vector<632x128xf32>
    %mul3A = vector.broadcast %broadcast_in_dim3A : vector<632x1xf32> to vector<632x128xf32>
    %mul3A_20 = arith.mulf %add3A_19, %mul3A : vector<632x128xf32>
    %get3A_21 = arith.constant 0 : index
    %get3A_22 = arith.constant 0 : index
    %get3A_23 = vector.load %arg4[%get3A_21, %get3A_22] : memref<1x128xf32, #tpu.memory_space<vmem>>, vector<1x128xf32>
    %add3A_24 = vector.broadcast %get3A_23 : vector<1x128xf32> to vector<632x128xf32>
    %add3A_25 = arith.addf %mul3A_20, %add3A_24 : vector<632x128xf32>
    %max3A = arith.constant 0.000000e+00 : f32
    %max3A_26 = vector.broadcast %max3A : f32 to vector<632x128xf32>
    %max3A_27 = arith.maximumf %add3A_25, %max3A_26 : vector<632x128xf32>
    %get3A_28 = arith.constant 0 : index
    %get3A_29 = arith.constant 0 : index
    %get3A_30 = vector.load %arg5[%get3A_28, %get3A_29] : memref<128x128xf32, #tpu.memory_space<vmem>>, vector<128x128xf32>
    %dot_general3A = arith.constant dense<0.000000e+00> : vector<632x128xf32>
    %dot_general3A_31 = tpu.matmul %max3A_27, %get3A_30, %dot_general3A {dimension_numbers = #tpu.dot_dimension_numbers<[1], [0], [0], [1], [0, 0, 1, 1], [], []>, transpose_lhs_hint = false} : vector<632x128xf32>, vector<128x128xf32>, vector<632x128xf32> -> vector<632x128xf32>
    %mul3A_32 = vector.broadcast %broadcast_in_dim3A : vector<632x1xf32> to vector<632x128xf32>
    %mul3A_33 = arith.mulf %dot_general3A_31, %mul3A_32 : vector<632x128xf32>
    %swap3A = arith.constant 0 : index
    %swap3A_34 = arith.constant 0 : index
    %swap3A_35 = vector.load %arg6[%swap3A, %swap3A_34] : memref<632x128xf32, #tpu.memory_space<vmem>>, vector<632x128xf32>
    tpu.vector_store %arg6[%swap3A, %swap3A_34], %mul3A_33 {strides = array<i32>} : memref<632x128xf32, #tpu.memory_space<vmem>>, vector<632x128xf32>,
    return
  }
  func.func @transform_0(%arg0: i32) -> (i32, i32, i32) {
    %c0_i32 = arith.constant 0 : i32
    %c0_i32_0 = arith.constant 0 : i32
    %c0_i32_1 = arith.constant 0 : i32
    return %c0_i32, %arg0, %c0_i32_0 : i32, i32, i32
  }
  func.func @transform_1(%arg0: i32) -> (i32, i32) {
    %c0_i32 = arith.constant 0 : i32
    %c0_i32_0 = arith.constant 0 : i32
    return %arg0, %c0_i32 : i32, i32
  }
  func.func @transform_2(%arg0: i32) -> (i32, i32) {
    %c0_i32 = arith.constant 0 : i32
    %c0_i32_0 = arith.constant 0 : i32
    return %arg0, %c0_i32 : i32, i32
  }
  func.func @transform_3(%arg0: i32) -> (i32, i32) {
    %c0_i32 = arith.constant 0 : i32
    %c0_i32_0 = arith.constant 0 : i32
    %c0_i32_1 = arith.constant 0 : i32
    return %c0_i32, %c0_i32_0 : i32, i32
  }
  func.func @transform_4(%arg0: i32) -> (i32, i32) {
    %c0_i32 = arith.constant 0 : i32
    %c0_i32_0 = arith.constant 0 : i32
    %c0_i32_1 = arith.constant 0 : i32
    return %c0_i32, %c0_i32_0 : i32, i32
  }
  func.func @transform_5(%arg0: i32) -> (i32, i32) {
    %c0_i32 = arith.constant 0 : i32
    %c0_i32_0 = arith.constant 0 : i32
    return %arg0, %c0_i32 : i32, i32
  }
}

module attributes {stable_mosaic.version = 14 : i64} {
  func.func @_kfin_body(%arg0: i32, %arg1: memref<2x632x128xf32, #tpu.memory_space<vmem>>, %arg2: memref<632x128xf32, #tpu.memory_space<vmem>>, %arg3: memref<632x32xf32, #tpu.memory_space<vmem>>, %arg4: memref<1x128xf32, #tpu.memory_space<vmem>>, %arg5: memref<1x1x632xi32, #tpu.memory_space<vmem>>, %arg6: memref<32x128xf32, #tpu.memory_space<vmem>>, %arg7: memref<1x32xf32, #tpu.memory_space<vmem>>, %arg8: memref<64x32xf32, #tpu.memory_space<vmem>>, %arg9: memref<64x128xf32, #tpu.memory_space<vmem>>, %arg10: memref<64x128xf32, #tpu.memory_space<vmem>>) attributes {dimension_semantics = [#tpu.dimension_semantics<arbitrary>], iteration_bounds = array<i64: 16>, scalar_prefetch = 0 : i64, scratch_operands = 2 : i64, tpu.core_type = #tpu.core_type<tc>, window_params = [{transform_indices = @transform_0, window_bounds = array<i64: 2, 632, 128>}, {transform_indices = @transform_1, window_bounds = array<i64: 632, 128>}, {transform_indices = @transform_2, window_bounds = array<i64: 632, 32>}, {pipeline_mode = #tpu.pipeline_mode<synchronous>, transform_indices = @transform_3, window_bounds = array<i64: 1, 128>}, {transform_indices = @transform_4, window_bounds = array<i64: 1, 1, 632>}, {pipeline_mode = #tpu.pipeline_mode<synchronous>, transform_indices = @transform_5, window_bounds = array<i64: 32, 128>}, {pipeline_mode = #tpu.pipeline_mode<synchronous>, transform_indices = @transform_6, window_bounds = array<i64: 1, 32>}, {pipeline_mode = #tpu.pipeline_mode<synchronous>, transform_indices = @transform_7, window_bounds = array<i64: 64, 32>}]} {
    %eq3A = arith.constant 0 : i32
    %eq3A_0 = arith.cmpi eq, %arg0, %eq3A : i32
    %convert_element_type3A = arith.extui %eq3A_0 : i1 to i32
    %cond3A = arith.constant 0 : i32
    %cond3A_1 = arith.cmpi ne, %convert_element_type3A, %cond3A : i32
    scf.if %cond3A_1 {
      %broadcast_in_dim3A_71 = arith.constant 0.000000e+00 : f32
      %broadcast_in_dim3A_72 = vector.broadcast %broadcast_in_dim3A_71 : f32 to vector<64x128xf32>
      %swap3A_73 = arith.constant 0 : index
      %swap3A_74 = arith.constant 0 : index
      %swap3A_75 = vector.load %arg9[%swap3A_73, %swap3A_74] : memref<64x128xf32, #tpu.memory_space<vmem>>, vector<64x128xf32>
      tpu.vector_store %arg9[%swap3A_73, %swap3A_74], %broadcast_in_dim3A_72 {strides = array<i32>} : memref<64x128xf32, #tpu.memory_space<vmem>>, vector<64x128xf32>,
      %broadcast_in_dim3A_76 = arith.constant 0.000000e+00 : f32
      %broadcast_in_dim3A_77 = vector.broadcast %broadcast_in_dim3A_76 : f32 to vector<64x128xf32>
      %swap3A_78 = arith.constant 0 : index
      %swap3A_79 = arith.constant 0 : index
      %swap3A_80 = vector.load %arg10[%swap3A_78, %swap3A_79] : memref<64x128xf32, #tpu.memory_space<vmem>>, vector<64x128xf32>
      tpu.vector_store %arg10[%swap3A_78, %swap3A_79], %broadcast_in_dim3A_77 {strides = array<i32>} : memref<64x128xf32, #tpu.memory_space<vmem>>, vector<64x128xf32>,
    } else {
    }
    %get3A = arith.constant 0 : index
    %get3A_2 = arith.constant 0 : index
    %get3A_3 = vector.load %arg3[%get3A, %get3A_2] : memref<632x32xf32, #tpu.memory_space<vmem>>, vector<632x32xf32>
    %reduce_sum3A = arith.constant dense<0.000000e+00> : vector<632xf32>
    %reduce_sum3A_4 = vector.multi_reduction <add>, %get3A_3, %reduce_sum3A [1] : vector<632x32xf32> to vector<632xf32>
    %add3A = arith.constant 1.000000e+00 : f32
    %add3A_5 = vector.broadcast %add3A : f32 to vector<632xf32>
    %add3A_6 = arith.addf %reduce_sum3A_4, %add3A_5 : vector<632xf32>
    %rsqrt3A = math.rsqrt %add3A_6 : vector<632xf32>
    %broadcast_in_dim3A = vector.shape_cast %rsqrt3A : vector<632xf32> to vector<632x1xf32>
    %get3A_7 = arith.constant 0 : index
    %get3A_8 = arith.constant 0 : index
    %get3A_9 = arith.constant 0 : index
    %get3A_10 = vector.load %arg1[%get3A_7, %get3A_8, %get3A_9] : memref<2x632x128xf32, #tpu.memory_space<vmem>>, vector<1x632x128xf32>
    %get3A_11 = vector.shape_cast %get3A_10 : vector<1x632x128xf32> to vector<632x128xf32>
    %get3A_12 = arith.constant 1 : index
    %get3A_13 = arith.constant 0 : index
    %get3A_14 = arith.constant 0 : index
    %get3A_15 = vector.load %arg1[%get3A_12, %get3A_13, %get3A_14] : memref<2x632x128xf32, #tpu.memory_space<vmem>>, vector<1x632x128xf32>
    %get3A_16 = vector.shape_cast %get3A_15 : vector<1x632x128xf32> to vector<632x128xf32>
    %add3A_17 = arith.addf %get3A_11, %get3A_16 : vector<632x128xf32>
    %get3A_18 = arith.constant 0 : index
    %get3A_19 = arith.constant 0 : index
    %get3A_20 = vector.load %arg2[%get3A_18, %get3A_19] : memref<632x128xf32, #tpu.memory_space<vmem>>, vector<632x128xf32>
    %add3A_21 = arith.addf %add3A_17, %get3A_20 : vector<632x128xf32>
    %mul3A = vector.broadcast %broadcast_in_dim3A : vector<632x1xf32> to vector<632x128xf32>
    %mul3A_22 = arith.mulf %add3A_21, %mul3A : vector<632x128xf32>
    %get3A_23 = arith.constant 0 : index
    %get3A_24 = arith.constant 0 : index
    %get3A_25 = vector.load %arg4[%get3A_23, %get3A_24] : memref<1x128xf32, #tpu.memory_space<vmem>>, vector<1x128xf32>
    %add3A_26 = vector.broadcast %get3A_25 : vector<1x128xf32> to vector<632x128xf32>
    %add3A_27 = arith.addf %mul3A_22, %add3A_26 : vector<632x128xf32>
    %max3A = arith.constant 0.000000e+00 : f32
    %max3A_28 = vector.broadcast %max3A : f32 to vector<632x128xf32>
    %max3A_29 = arith.maximumf %add3A_27, %max3A_28 : vector<632x128xf32>
    %mul3A_30 = arith.constant 632 : i32
    %mul3A_31 = arith.muli %arg0, %mul3A_30 : i32
    %iota3A = tpu.iota {dimensions = array<i32: 1>} : vector<1x632xi32>
    %add3A_32 = vector.broadcast %mul3A_31 : i32 to vector<1x632xi32>
    %add3A_33 = arith.addi %add3A_32, %iota3A : vector<1x632xi32>
    %iota3A_34 = tpu.iota {dimensions = array<i32: 0>} : vector<64x632xi32>
    %get3A_35 = arith.constant 0 : index
    %get3A_36 = arith.constant 0 : index
    %get3A_37 = arith.constant 0 : index
    %get3A_38 = vector.load %arg5[%get3A_35, %get3A_36, %get3A_37] : memref<1x1x632xi32, #tpu.memory_space<vmem>>, vector<1x1x632xi32>
    %get3A_39 = vector.shape_cast %get3A_38 : vector<1x1x632xi32> to vector<1x632xi32>
    %eq3A_40 = vector.broadcast %get3A_39 : vector<1x632xi32> to vector<64x632xi32>
    %eq3A_41 = arith.cmpi eq, %iota3A_34, %eq3A_40 : vector<64x632xi32>
    %lt3A = arith.constant 10000 : i32
    %lt3A_42 = vector.broadcast %lt3A : i32 to vector<1x632xi32>
    %lt3A_43 = arith.cmpi slt, %add3A_33, %lt3A_42 : vector<1x632xi32>
    %and3A = vector.broadcast %lt3A_43 : vector<1x632xi1> to vector<64x632xi1>
    %and3A_44 = arith.andi %eq3A_41, %and3A : vector<64x632xi1>
    %jit3A = arith.constant 1.000000e+00 : f32
    %jit3A_45 = arith.constant 0.000000e+00 : f32
    %broadcast_in_dim3A_46 = vector.broadcast %jit3A : f32 to vector<64x632xf32>
    %broadcast_in_dim3A_47 = vector.broadcast %jit3A_45 : f32 to vector<64x632xf32>
    %select_n3A = arith.select %and3A_44, %broadcast_in_dim3A_46, %broadcast_in_dim3A_47 : vector<64x632xi1>, vector<64x632xf32>
    %get3A_48 = arith.constant 0 : index
    %get3A_49 = arith.constant 0 : index
    %get3A_50 = vector.load %arg9[%get3A_48, %get3A_49] : memref<64x128xf32, #tpu.memory_space<vmem>>, vector<64x128xf32>
    %dot_general3A = arith.constant dense<0.000000e+00> : vector<64x128xf32>
    %dot_general3A_51 = tpu.matmul %select_n3A, %max3A_29, %dot_general3A {dimension_numbers = #tpu.dot_dimension_numbers<[1], [0], [0], [1], [0, 0, 1, 1], [], []>, transpose_lhs_hint = false} : vector<64x632xf32>, vector<632x128xf32>, vector<64x128xf32> -> vector<64x128xf32>
    %add3A_52 = arith.addf %get3A_50, %dot_general3A_51 : vector<64x128xf32>
    %swap3A = arith.constant 0 : index
    %swap3A_53 = arith.constant 0 : index
    %swap3A_54 = vector.load %arg9[%swap3A, %swap3A_53] : memref<64x128xf32, #tpu.memory_space<vmem>>, vector<64x128xf32>
    tpu.vector_store %arg9[%swap3A, %swap3A_53], %add3A_52 {strides = array<i32>} : memref<64x128xf32, #tpu.memory_space<vmem>>, vector<64x128xf32>,
    %get3A_55 = arith.constant 0 : index
    %get3A_56 = arith.constant 0 : index
    %get3A_57 = vector.load %arg10[%get3A_55, %get3A_56] : memref<64x128xf32, #tpu.memory_space<vmem>>, vector<64x128xf32>
    %reduce_sum3A_58 = arith.constant dense<0.000000e+00> : vector<64xf32>
    %reduce_sum3A_59 = vector.multi_reduction <add>, %select_n3A, %reduce_sum3A_58 [1] : vector<64x632xf32> to vector<64xf32>
    %broadcast_in_dim3A_60 = vector.shape_cast %reduce_sum3A_59 : vector<64xf32> to vector<64x1xf32>
    %add3A_61 = vector.broadcast %broadcast_in_dim3A_60 : vector<64x1xf32> to vector<64x128xf32>
    %add3A_62 = arith.addf %get3A_57, %add3A_61 : vector<64x128xf32>
    %swap3A_63 = arith.constant 0 : index
    %swap3A_64 = arith.constant 0 : index
    %swap3A_65 = vector.load %arg10[%swap3A_63, %swap3A_64] : memref<64x128xf32, #tpu.memory_space<vmem>>, vector<64x128xf32>
    tpu.vector_store %arg10[%swap3A_63, %swap3A_64], %add3A_62 {strides = array<i32>} : memref<64x128xf32, #tpu.memory_space<vmem>>, vector<64x128xf32>,
    %eq3A_66 = arith.constant 15 : i32
    %eq3A_67 = arith.cmpi eq, %arg0, %eq3A_66 : i32
    %convert_element_type3A_68 = arith.extui %eq3A_67 : i1 to i32
    %cond3A_69 = arith.constant 0 : i32
    %cond3A_70 = arith.cmpi ne, %convert_element_type3A_68, %cond3A_69 : i32
    scf.if %cond3A_70 {
      %get3A_71 = arith.constant 0 : index
      %get3A_72 = arith.constant 0 : index
      %get3A_73 = vector.load %arg9[%get3A_71, %get3A_72] : memref<64x128xf32, #tpu.memory_space<vmem>>, vector<64x128xf32>
      %get3A_74 = arith.constant 0 : index
      %get3A_75 = arith.constant 0 : index
      %get3A_76 = vector.load %arg10[%get3A_74, %get3A_75] : memref<64x128xf32, #tpu.memory_space<vmem>>, vector<64x128xf32>
      %max3A_77 = arith.constant 1.000000e+00 : f32
      %max3A_78 = vector.broadcast %max3A_77 : f32 to vector<64x128xf32>
      %max3A_79 = arith.maximumf %get3A_76, %max3A_78 : vector<64x128xf32>
      %div3A = arith.divf %get3A_73, %max3A_79 : vector<64x128xf32>
      %get3A_80 = arith.constant 0 : index
      %get3A_81 = arith.constant 0 : index
      %get3A_82 = vector.load %arg6[%get3A_80, %get3A_81] : memref<32x128xf32, #tpu.memory_space<vmem>>, vector<32x128xf32>
      %dot_general3A_83 = arith.constant dense<0.000000e+00> : vector<64x32xf32>
      %dot_general3A_84 = tpu.matmul %div3A, %get3A_82, %dot_general3A_83 {dimension_numbers = #tpu.dot_dimension_numbers<[1], [1], [0], [0], [0, 0, 1, 0], [], []>, transpose_lhs_hint = false} : vector<64x128xf32>, vector<32x128xf32>, vector<64x32xf32> -> vector<64x32xf32>
      %get3A_85 = arith.constant 0 : index
      %get3A_86 = arith.constant 0 : index
      %get3A_87 = vector.load %arg7[%get3A_85, %get3A_86] : memref<1x32xf32, #tpu.memory_space<vmem>>, vector<1x32xf32>
      %add3A_88 = vector.broadcast %get3A_87 : vector<1x32xf32> to vector<64x32xf32>
      %add3A_89 = arith.addf %dot_general3A_84, %add3A_88 : vector<64x32xf32>
      %swap3A_90 = arith.constant 0 : index
      %swap3A_91 = arith.constant 0 : index
      %swap3A_92 = vector.load %arg8[%swap3A_90, %swap3A_91] : memref<64x32xf32, #tpu.memory_space<vmem>>, vector<64x32xf32>
      tpu.vector_store %arg8[%swap3A_90, %swap3A_91], %add3A_89 {strides = array<i32>} : memref<64x32xf32, #tpu.memory_space<vmem>>, vector<64x32xf32>,
    } else {
    }
    return
  }
  func.func @transform_0(%arg0: i32) -> (i32, i32, i32) {
    %c0_i32 = arith.constant 0 : i32
    %c0_i32_0 = arith.constant 0 : i32
    %c0_i32_1 = arith.constant 0 : i32
    return %c0_i32, %arg0, %c0_i32_0 : i32, i32, i32
  }
  func.func @transform_1(%arg0: i32) -> (i32, i32) {
    %c0_i32 = arith.constant 0 : i32
    %c0_i32_0 = arith.constant 0 : i32
    return %arg0, %c0_i32 : i32, i32
  }
  func.func @transform_2(%arg0: i32) -> (i32, i32) {
    %c0_i32 = arith.constant 0 : i32
    %c0_i32_0 = arith.constant 0 : i32
    return %arg0, %c0_i32 : i32, i32
  }
  func.func @transform_3(%arg0: i32) -> (i32, i32) {
    %c0_i32 = arith.constant 0 : i32
    %c0_i32_0 = arith.constant 0 : i32
    %c0_i32_1 = arith.constant 0 : i32
    return %c0_i32, %c0_i32_0 : i32, i32
  }
  func.func @transform_4(%arg0: i32) -> (i32, i32, i32) {
    %c0_i32 = arith.constant 0 : i32
    %c0_i32_0 = arith.constant 0 : i32
    %c0_i32_1 = arith.constant 0 : i32
    return %arg0, %c0_i32, %c0_i32_0 : i32, i32, i32
  }
  func.func @transform_5(%arg0: i32) -> (i32, i32) {
    %c0_i32 = arith.constant 0 : i32
    %c0_i32_0 = arith.constant 0 : i32
    %c0_i32_1 = arith.constant 0 : i32
    return %c0_i32, %c0_i32_0 : i32, i32
  }
  func.func @transform_6(%arg0: i32) -> (i32, i32) {
    %c0_i32 = arith.constant 0 : i32
    %c0_i32_0 = arith.constant 0 : i32
    %c0_i32_1 = arith.constant 0 : i32
    return %c0_i32, %c0_i32_0 : i32, i32
  }
  func.func @transform_7(%arg0: i32) -> (i32, i32) {
    %c0_i32 = arith.constant 0 : i32
    %c0_i32_0 = arith.constant 0 : i32
    %c0_i32_1 = arith.constant 0 : i32
    return %c0_i32, %c0_i32_0 : i32, i32
  }
}

</mosaic_0001>

<sc_bundles>
// kernel: kernel.11.cloned.1.call-start
scs
__scs_entry_jumppad:
0x0: {  	(pc) =	sbr.rel $0x88, $3  }
0x1: {  	(tag) =	ssettag $0x0;
	lr =	simm.s32 $0x1  }
0x2: {  	[smem:$0x3F98] =	sst lr;
	_ =	strace $0xD0000000  }
0x3: {  	_ = 	snop  }
0x4: {  	_ = 	snop  }
0x5: {  	_ = 	snop  }
0x6: {  	_ = 	snop  }
0x7: {  	_ = 	snop  }
__scs_overlays_trampoline_lowered:
0x8: {  	[smem:$0x3FA7] =	sst s0  }
0x9: {  	[smem:$0x3FA8] =	sst s1  }
0xa: {  	[smem:$0x3FA9] =	sst s2  }
0xb: {  	[smem:$0x3FAA] =	sst s3  }
0xc: {  	[smem:$0x3FAB] =	sst s4  }
0xd: {  	[smem:$0x3FAC] =	sst s5  }
0xe: {  	[smem:$0x3FAD] =	sst s6  }
0xf: {  	[smem:$0x3FAE] =	sst s7  }
0x10: {  	[smem:$0x3FAF] =	sst s8  }
0x11: {  	[smem:$0x3FB0] =	sst s9;
	s0 =	simm.s32 @!p0 $0x0  }
0x12: {  	s1 =	sld [smem:$0x3F96];
	s0 =	simm.s32 @p0 $0x1  }
0x13: {  	[smem:$0x3FB1] =	sst s0;
	s0 =	simm.s32 @!p1 $0x0  }
0x14: {  	s2 =	sld [smem:$0x3F95];
	s0 =	simm.s32 @p1 $0x1  }
0x15: {  	[smem:$0x3FB2] =	sst s0;
	s0 =	simm.s32 @!p2 $0x0  }
0x16: {  	s3 =	sld [smem:$0x3FDB];
	s0 =	simm.s32 @p2 $0x1  }
0x17: {  	s4 =	simm.s32 $0x1BF5;
	[smem:$0x3FB4] =	sst s0  }
0x18: {  	s0 =	sld [smem:$0x3F97];
	_ =	swait.ge [sflag:s4], $0x0  }
0x19: {  	s7 =	sld [smem:$0x3F98]  }
0x1a: {  	s8 =	sadd.s32 $0xFFFFE003, lr  }
0x1b: {  	s9 =	sadd.s32 $0xFFFFFEF7, lr;
	s5 =	simm.s32 $0xFFFFFFFF;
	p2 =	slt.u32 s8, $0xFFFFF086  }
0x1c: {  	p1 =	slt.u32 s9, $0xF7A;
	s5 =	simm.s32 @!p2 $0x0  }
0x1d: {  	s5 =	simm.s32 @p1 $0x1;
	p0 =	seq.s32 s7, s2  }
0x1e: {  	s7 =	smul.u32 @!p0 $0xF7A, s2;
	p2 =	seq.s32 @!p0 s5, $0x0  }
0x1f: {  	s9 =	smul.u32 $0xF7A, s1;
	s8 =	simm.s32 @!p0 $0x1BF5;
	p2 =	por !p2, p0  }
0x20: {  	[sflag:s8] =	ssyncset.s32 @!p0 $0xFFFFF086;
	s6 =	sadd.s32 @!p0 s3, s7;
	s7 =	simm.s32 @!p0 $0x108  }
0x21: {  	s3 =	sadd.s32 s3, s9;
	s6 =	sadd.s32 @!p0 $0x88, s6;
	s7 =	simm.s32 @p2 $0x1082  }
0x22: {  	[simem:s7], [sflag:s8] =	dma.local @!p0 [hbm:s6], $0xF7A  }
0x23: {  	s9 =	sor.u32 $0xD0000000, s2;
	s6 =	simm.s32 $0x108;
	_ =	swait.ge @!p0 [sflag:s8], $0x0  }
0x24: {  	s3 =	sadd.s32 $0x88, s3;
	s6 =	simm.s32 @!p1 $0x1082;
	[sflag:s4] =	ssyncset.s32 $0xFFFFF086  }
0x25: {  	[simem:s6], [sflag:s4] =	dma.local [hbm:s3], $0xF7A  }
0x26: {  	[smem:$0x3F98] =	sst s1;
	(tag) =	ssettag s2;
	_ =	strace s9  }
0x27: {  	s1 =	sld [smem:$0x3FA8]  }
0x28: {  	s2 =	sld [smem:$0x3FA9]  }
0x29: {  	s4 =	sld [smem:$0x3FAB]  }
0x2a: {  	p0 =	seq.s32 s5, $0x0;
	s5 =	sld [smem:$0x3FAC]  }
0x2b: {  	s6 =	sld [smem:$0x3FAD]  }
0x2c: {  	s7 =	sld [smem:$0x3FAE]  }
0x2d: {  	s3 =	simm.s32 $0x108;
	s8 =	sld [smem:$0x3FAF]  }
0x2e: {  	s3 =	simm.s32 @!p0 $0x1082;
	s9 =	sld [smem:$0x3FB0]  }
0x2f: {  	lr =	sadd.s32 s0, s3;
	s0 =	sld [smem:$0x3FA7]  }
0x30: {  	s3 =	sld [smem:$0x3FAA]  }
0x31: {  	[smem:$0x3FB3] =	sst s10  }
0x32: {  	s10 =	sld [smem:$0x3FB1];
	_ =	sdelay $0x3  }
0x33: {  	p0 =	seq.s32 s10, $0x1;
	s10 =	sld [smem:$0x3FB3];
	_ =	sdelay $0x3  }
0x34: {  	[smem:$0x3FB3] =	sst s10  }
0x35: {  	s10 =	sld [smem:$0x3FB2];
	_ =	sdelay $0x3  }
0x36: {  	p1 =	seq.s32 s10, $0x1;
	s10 =	sld [smem:$0x3FB3];
	_ =	sdelay $0x3  }
0x37: {  	[smem:$0x3FB3] =	sst s10  }
0x38: {  	s10 =	sld [smem:$0x3FB4]  }
0x39: {  	_ = 	snop;
	(pc) =	sbr.ind lr, $3  }
0x3a: {  	_ = 	snop  }
0x3b: {  	_ = 	snop  }
0x3c: {  	p2 =	seq.s32 s10, $0x1;
	s10 =	sld [smem:$0x3FB3]  }
0x3d: {  	_ =	shalt  }
0x3e: {  	_ =	shalt  }
0x3f: {  	_ =	shalt  }
0x40: {  	_ =	shalt  }
0x41: {  	_ =	shalt  }
0x42: {  	_ =	shalt  }
0x43: {  	_ =	shalt  }
0x44: {  	_ =	shalt  }
0x45: {  	_ =	shalt  }
0x46: {  	_ =	shalt  }
0x47: {  	_ =	shalt  }
0x48: {  	_ =	shalt  }
0x49: {  	_ =	shalt  }
0x4a: {  	_ =	shalt  }
0x4b: {  	_ =	shalt  }
0x4c: {  	_ =	shalt  }
0x4d: {  	_ =	shalt  }
0x4e: {  	_ =	shalt  }
0x4f: {  	_ =	shalt  }
0x50: {  	_ =	shalt  }
0x51: {  	_ =	shalt  }
0x52: {  	_ =	shalt  }
0x53: {  	_ =	shalt  }
0x54: {  	_ =	shalt  }
0x55: {  	_ =	shalt  }
0x56: {  	_ =	shalt  }
0x57: {  	_ =	shalt  }
0x58: {  	_ =	shalt  }
0x59: {  	_ =	shalt  }
0x5a: {  	_ =	shalt  }
0x5b: {  	_ =	shalt  }
0x5c: {  	_ =	shalt  }
0x5d: {  	_ =	shalt  }
0x5e: {  	_ =	shalt  }
0x5f: {  	_ =	shalt  }
0x60: {  	_ =	shalt  }
0x61: {  	_ =	shalt  }
0x62: {  	_ =	shalt  }
0x63: {  	_ =	shalt  }
0x64: {  	_ =	shalt  }
0x65: {  	_ =	shalt  }
0x66: {  	_ =	shalt  }
0x67: {  	_ =	shalt  }
0x68: {  	_ =	shalt  }
0x69: {  	_ =	shalt  }
0x6a: {  	_ =	shalt  }
0x6b: {  	_ =	shalt  }
0x6c: {  	_ =	shalt  }
0x6d: {  	_ =	shalt  }
0x6e: {  	_ =	shalt  }
0x6f: {  	_ =	shalt  }
0x70: {  	_ =	shalt  }
0x71: {  	_ =	shalt  }
0x72: {  	_ =	shalt  }
0x73: {  	_ =	shalt  }
0x74: {  	_ =	shalt  }
0x75: {  	_ =	shalt  }
0x76: {  	_ =	shalt  }
0x77: {  	_ =	shalt  }
0x78: {  	_ =	shalt  }
0x79: {  	_ =	shalt  }
0x7a: {  	_ =	shalt  }
0x7b: {  	_ =	shalt  }
0x7c: {  	_ =	shalt  }
0x7d: {  	_ =	shalt  }
0x7e: {  	_ =	shalt  }
0x7f: {  	_ =	shalt  }
0x80: {  	_ =	shalt  }
0x81: {  	_ =	shalt  }
0x82: {  	_ =	shalt  }
0x83: {  	_ =	shalt  }
0x84: {  	_ =	shalt  }
0x85: {  	_ =	shalt  }
0x86: {  	_ =	shalt  }
0x87: {  	_ =	shalt  }
.Lfunc_end0:
.L_simem_size_0:
called_computation.1_lowered:
.L_overlay_start_0:
0x88: {  	s2 =	sld [smem:$0x3FD9]  }
0x89: {  	s3 =	sld [smem:$0x3FFE];
	_ =	sdelay $0x1  }
0x8a: {  	s1 =	srdreg.scid  }
0x8b: {  	s0 =	sand.u32 $0x1, s1  }
0x8c: {  	s16 =	sshll.u32 s0, $0xA;
	s2 =	sadd.s32 s3, s2  }
0x8d: {  	s2 =	sadd.s32 s2, s16  }
0x8e: {  	[smem:$0x3FBF] =	sst s2  }
0x8f: {  	_ = 	snop  }
0x90: {  	(tm) =	ssettm $0x1  }
0x91: {  	s17 =	sld [smem:$0x3FFB];
	_ =	sdelay $0x3  }
0x92: {  	_ =	strace s17  }
0x93: {  	s2 =	sld [smem:$0x3FFC];
	_ =	sdelay $0x3  }
0x94: {  	_ =	strace s2  }
0x95: {  	s2 =	sld [smem:$0x3FFD];
	_ =	sdelay $0x3  }
0x96: {  	_ =	strace s2  }
0x97: {  	_ =	strace $0x8FFFFFFF  }
0x98: {  	s18 =	sld [smem:$0x3FDB];
	_ =	sdelay $0x1  }
0x99: {  	s19 =	simm.s32 $_scs_section_size  }
0x9a: {  	s4 =	simm.s32 $_size__tile_overlayer_lowered;
	s5 =	simm.s32 $_tile_overlayer_lowered  }
0x9b: {  	s22 =	simm.s32 $0x1BFF;
	s21 =	sshll.u32 s5, $0x1;
	s2 =	sadd.s32 s19, s18  }
0x9c: {  	s6 =	simm.s32 $0x0;
	s20 =	sshll.u32 s4, $0x1;
	s4 =	sadd.s32 s21, s2  }
0x9d: {  	[timem:s6], [sflag:s22] =	dma.local [hbm:s4], s20  }
0x9e: {  	_ =	swait.ge [sflag:s22], s20  }
0x9f: {  	s3 =	ssub.s32 $0x0, s20;
	[sflag:s22] =	ssyncset.done $0x0  }
0xa0: {  	[sflag:s22] =	ssyncadd.s32 s3;
	_ =	sdelay $0x1  }
0xa1: {  	s23 =	simm.s32 $0x1B8B  }
0xa2: {  	_ =	swait.ge [sflag:s23], $0x1  }
0xa3: {  	[sflag:s23] =	ssyncset.done $0x0  }
0xa4: {  	s25 =	simm.s32 $0x1B8E;
	s24 =	sld [smem:$0x3FFE];
	[sflag:s23] =	ssyncadd.s32 $0xFFFFFFFF  }
0xa5: {  	s26 =	simm.s32 $execute0_lowered;
	[smem:$0x3FD2] =	sst s25  }
0xa6: {  	s4 =	sshll.u32 s26, $0x1;
	_ =	strace $0x80000049;
	[dreg:$0x1] =	wrdreg $0xFFFFFFFF  }
0xa7: {  	s28 =	simm.s32 $_size_execute0_lowered;
	s2 =	sadd.s32 s2, s4;
	[dreg:$0x0] =	wrdreg $0x0  }
0xa8: {  	s4 =	sshll.u32 s28, $0x1;
	[dreg:$0x2] =	wrdreg s2  }
0xa9: {  	[dreg:$0x3] =	wrdreg s4  }
0xaa: {  	[dreg:$0x4] =	wrdreg $0xC0  }
0xab: {  	_ =	task [dreg:s6], $0x5FFFF  }
0xac: {  	[dreg:$0x1] =	wrdreg $0xFFFFFFFF  }
0xad: {  	[dreg:$0x0] =	wrdreg $0x60  }
0xae: {  	[dreg:$0x2] =	wrdreg s24  }
0xaf: {  	[dreg:$0x3] =	wrdreg $0xB0000  }
0xb0: {  	[dreg:$0x4] =	wrdreg $0x9  }
0xb1: {  	_ =	task.clear_ibuf [dreg:s6], $0x5FFFF;
	_ =	strace $0x90000049  }
0xb2: {  	s29 =	simm.s32 $0x9;
	_ =	strace $0x8000004B  }
0xb3: {  	_ =	swait.ge [sflag:s29], $0x1  }
0xb4: {  	[sflag:s29] =	ssyncadd.s32 $0xFFFFFFFF  }
0xb5: {  	_ =	strace $0x9000004B  }
0xb6: {  	_ =	sfence  }
0xb7: {  	s30 =	sld [smem:$0x0];
	_ =	sdelay $0x2  }
0xb8: {  	s31 =	sshll.u32 s1, $0xD;
	s1 =	sshrl.u32 s1, $0x2  }
0xb9: {  	s3 =	sand.u32 $0x4000, s31;
	s1 =	sadd.s32 s1, s30  }
0xba: {  	s0 =	sor.u32 s3, s0;
	s1 =	sshll.u32 s1, $0x11  }
0xbb: {  	s0 =	sor.u32 s1, s0  }
0xbc: {  	s0 =	sadd.s32 $0x8F2B, s0  }
0xbd: {  	[sflag:s0] =	ssyncadd.remote.s32 $0x1  }
0xbe: {  	_ =	sfence.sel $0xFFFF  }
0xbf: {  	[dreg:$0x0] =	wrdreg $0xFFFFFFFF;
	(pc) =	sbr.abs _section_cstart, $3  }
0xc0: {  	[dreg:$0x1] =	wrdreg $0xFFFFFFFF  }
0xc1: {  	_ =	task.clear_ibuf [dreg:s6], $0x2FFFF;
	_ =	strace $0x9FFFFFFF  }
0xc2: {  	(tm) =	ssettm $0x7FFFFFFF  }
0xc3: {  	_ =	shalt  }
tec
execute0_lowered:
.L_overlay_start_1:
0x0: {  	(tag) =	ssettag $0x1  }
0x1: {  	s0 =	rddreg [dreg:$0x0]  }
0x2: {  	s2 =	rddreg [dreg:$0x1];
	s3 =	simm.s32 $0x0;
	s12 =	stileid.u32  }
0x3: {  	s1 =	srdreg.scid;
	s28 =	simm.s32 $0xC0;
	s5 =	smul.u32 $0x13C00, s12  }
0x4: {  	s29 =	simm.s32 $0x9000;
	s30 =	simm.s32 $0x1;
	s10 =	smul.u32 $0x4F000, s12  }
0x5: {  	s31 =	simm.s32 $0x2;
	[smem:$0x7FF] =	sst s3;
	s11 =	smul.u32 $0x140, s12  }
0x6: {  	s1 =	sand.u32 $0x1, s1;
	s4 =	sadd.s32 $0x34400, s0;
	s26 =	smul.u32 $0xA00, s12  }
0x7: {  	s8 =	sadd.s32 $0x2A400, s0;
	s13 =	sshll.u32 s12, $0x6;
	s12 =	smul.u32 $0x1400, s12  }
0x8: {  	s9 =	sadd.s32 $0x16400, s0;
	_ =	strace $0x8000004A;
	s6 =	smul.u32 $0x13C000, s1  }
0x9: {  	s23 =	ssub.s32 $0x2, s1;
	p0 =	sne.s32 s1, $0x0;
	s1 =	simm.s32 $0x4  }
0xa: {  	s7 =	sshrl.u32 s5, $0x3;
	s24 =	sshrl.u32 s23, $0x1;
	s25 =	sshrl.u32 s10, $0x2  }
0xb: {  	s14 =	sadd.s32 $0x40, s11;
	s10 =	sadd.s32 s8, s26;
	s15 =	sadd.s32 s9, s12  }
0xc: {  	s19 =	sadd.s32 $0x80, s11;
	s21 =	sadd.s32 $0xC0, s11;
	s12 =	simm.s32 $0x2E00  }
0xd: {  	s7 =	sadd.s32 s7, s0;
	s5 =	sadd.s32 s5, s6;
	[dreg:$0x5] =	wrdreg s10  }
0xe: {  	s17 =	sadd.s32 s25, s2;
	[dreg:$0x6] =	wrdreg s15;
	s16 =	sshll.u32 s14, $0x3  }
0xf: {  	s6 =	sshll.u32 s14, $0x4;
	s20 =	sshll.u32 s19, $0x3;
	s22 =	sshll.u32 s19, $0x4  }
0x10: {  	s25 =	sadd.s32 $0x100, s11;
	s26 =	sshll.u32 s21, $0x4;
	s14 =	simm.s32 $0x2F00  }
0x11: {  	s15 =	simm.s32 $0x2F80;
	s5 =	sshrl.u32 s5, $0x3;
	s18 =	sadd.s32 $0x5BC00, s7  }
0x12: {  	s7 =	sor.u32 $0x1C09, s13;
	s10 =	sadd.s32 s8, s16;
	s6 =	sadd.s32 s9, s6  }
0x13: {  	s11 =	sshll.u32 s25, $0x3;
	s13 =	simm.s32 $0x2E80;
	[dreg:$0x3] =	wrdreg s17  }
0x14: {  	s0 =	sadd.s32 s5, s0;
	s5 =	ssub.s32 s23, s24;
	[dreg:$0x7] =	wrdreg s10  }
0x15: {  	[dreg:$0x8] =	wrdreg s6;
	s6 =	sadd.s32 s8, s20;
	s23 =	sshll.u32 s21, $0x3  }
0x16: {  	s10 =	sadd.s32 s9, s26;
	s20 =	simm.s32 $0x9;
	[dreg:$0x4] =	wrdreg s18  }
0x17: {  	s21 =	simm.s32 $0x1000;
	s26 =	simm.s32 $0x7000;
	[dreg:$0x9] =	wrdreg s6  }
0x18: {  	s6 =	sadd.s32 s9, s22;
	s24 =	sadd.s32 s8, s23;
	[dreg:$0xc] =	wrdreg s10  }
0x19: {  	s8 =	sadd.s32 s8, s11;
	s5 =	smax.u32 s5, $0x1;
	s22 =	simm.s32 $0x40  }
0x1a: {  	s23 =	simm.s32 $0x3000;
	s10 =	simm.s32 $0x7;
	[dreg:$0xa] =	wrdreg s6  }
.Ltmp0:
0x1b: {  	s11 =	simm.s32 $0x8;
	[dreg:$0xb] =	wrdreg s24;
	(pc) =	sbr.rel .LBB2_1-.Ltmp0, $4  }
0x1c: {  	s6 =	sshll.u32 s25, $0x4;
	[dreg:$0xd] =	wrdreg s8;
	s24 =	simm.s32 $0x5000  }
0x1d: {  	s25 =	simm.s32 $0x80;
	[dreg:$0x10] =	wrdreg s5;
	s6 =	sadd.s32 s9, s6  }
0x1e: {  	s8 =	simm.s32 $0x5;
	[dreg:$0xe] =	wrdreg s6;
	s6 =	sadd.s32 $0x83400, s0  }
0x1f: {  	s9 =	simm.s32 $0x6;
	s0 =	simm.s32 $0x3;
	[dreg:$0xf] =	wrdreg s6  }
.LBB2_12:
0x20: {  	[tilespmem:s29], [sflag:$0x4] =	stream.indirect.gather [hbm4b:s4+s22], $0x80, s17, s22, $0xb8;
	[tilespmem:$0x1EC00] =	vst v63  }
0x21: {  	_ =	swait.ge [sflag:s30], $0x2000  }
0x22: {  	[sflag:s30] =	ssyncset.done $0x0  }
0x23: {  	[sflag:s30] =	ssyncadd.s32 $0xFFFFE000  }
0x24: {  	[spmem:s2] =	stream.indirect.scatter.add.f32 [tilespmem:s23], [sflag:$0x5], $0x80, s12, s22, $0xb8;
	[tilespmem:$0x1EC00] =	vst v63  }
0x25: {  	_ =	swait.ge [sflag:s31], $0x2000  }
0x26: {  	[sflag:s31] =	ssyncset.done $0x0  }
0x27: {  	[sflag:s31] =	ssyncadd.s32 $0xFFFFE000  }
0x28: {  	[spmem:s2] =	stream.indirect.scatter.add.f32 [tilespmem:s24], [sflag:$0x6], $0x80, s13, s22, $0xb8;
	[tilespmem:$0x1EC00] =	vst v63  }
0x29: {  	_ =	swait.ge [sflag:s0], $0x2000  }
0x2a: {  	[sflag:s0] =	ssyncset.done $0x0  }
0x2b: {  	[sflag:s0] =	ssyncadd.s32 $0xFFFFE000  }
0x2c: {  	[spmem:s2] =	stream.indirect.scatter.add.f32 [tilespmem:s26], [sflag:$0x7], $0x80, s14, s22, $0xb8;
	[tilespmem:$0x1EC00] =	vst v63  }
0x2d: {  	_ =	swait.ge [sflag:s1], $0x2000  }
0x2e: {  	[sflag:s1] =	ssyncset.done $0x0  }
0x2f: {  	[sflag:s1] =	ssyncadd.s32 $0xFFFFE000  }
0x30: {  	[spmem:s2] =	stream.indirect.scatter.add.f32 [tilespmem:s29], [sflag:$0x8], $0x80, s15, s22, $0xb8;
	[tilespmem:$0x1EC00] =	vst v63  }
0x31: {  	_ =	swait.ge [sflag:s8], $0x2000  }
0x32: {  	[sflag:s8] =	ssyncset.done $0x0  }
0x33: {  	[sflag:s8] =	ssyncadd.s32 $0xFFFFE000  }
0x34: {  	_ =	swait.ge [sflag:s9], $0x2000  }
0x35: {  	[sflag:s9] =	ssyncset.done $0x0  }
0x36: {  	[sflag:s9] =	ssyncadd.s32 $0xFFFFE000  }
0x37: {  	_ =	swait.ge [sflag:s10], $0x2000  }
0x38: {  	[sflag:s10] =	ssyncset.done $0x0  }
0x39: {  	[sflag:s10] =	ssyncadd.s32 $0xFFFFE000  }
0x3a: {  	_ =	swait.ge [sflag:s11], $0x2000  }
0x3b: {  	s17 =	rddreg [dreg:$0x3]  }
0x3c: {  	s18 =	rddreg [dreg:$0x4]  }
0x3d: {  	[sflag:s11] =	ssyncset.done $0x0;
	s6 =	rddreg [dreg:$0xf]  }
0x3e: {  	s5 =	rddreg [dreg:$0x10];
	[sflag:s11] =	ssyncadd.s32 $0xFFFFE000  }
.LBB2_13:
0x3f: {  	s3 =	sadd.s32 $0x1, s3  }
0x40: {  	p1 =	sne.s32 s3, s5  }
.Ltmp1:
0x41: {  	[bflag:$0x0] =	sbarrier.arrive $0xFFFF;
	(pc) =	sbr.rel @!p1 .LBB2_14-.Ltmp1, $4  }
0x42: {  	[hbm:s6], [sflag:s7] =	dma.local [spmem:s16], $0x2780  }
0x43: {  	_ =	swait.ge [sflag:s20], $0x2780  }
0x44: {  	[sflag:s20] =	ssyncset.done $0x0  }
0x45: {  	[sflag:s20] =	ssyncadd.s32 $0xFFFFD880  }
.LBB2_1:
0x46: {  	s16 =	sshrl.u32 s17, $0x3  }
0x47: {  	[spmem:s16], [sflag:s7] =	dma.local [hbm:s18], $0x2780  }
.Ltmp2:
0x48: {  	_ =	swait.ge [sflag:s20], $0x2780;
	(pc) =	sbr.rel @p0 .LBB2_13-.Ltmp2, $3  }
0x49: {  	[sflag:s20] =	ssyncset.done $0x0  }
0x4a: {  	[sflag:s20] =	ssyncadd.s32 $0xFFFFD880  }
0x4b: {  	[bflag:$0x0] =	sbarrier.arrive $0xFFFF;
	_ =	sdelay $0x1  }
0x4c: {  	s5 =	simm.s32 $0x0;
	s6 =	rddreg [dreg:$0x5]  }
0x4d: {  	[tilespmem:s5], [sflag:$0x9] =	stream.linear.gather [hbm4b:s6+s5], $0x1000, $0x38;
	[tilespmem:$0x1EC00] =	vst v63  }
0x4e: {  	_ =	swait.ge [sflag:s20], $0x1000  }
0x4f: {  	[sflag:s20] =	ssyncset.done $0x0  }
0x50: {  	s19 =	rddreg [dreg:$0x6];
	[sflag:s20] =	ssyncadd.s32 $0xFFFFF000  }
0x51: {  	[tilespmem:s21], [sflag:$0x9] =	stream.linear.gather [hbm4b:s19+s5], $0x2000, $0x38;
	[tilespmem:$0x1EC00] =	vst v63  }
0x52: {  	_ =	swait.ge [sflag:s20], $0x2000  }
0x53: {  	[sflag:s20] =	ssyncset.done $0x0  }
0x54: {  	[sflag:s20] =	ssyncadd.s32 $0xFFFFE000  }
0x55: {  	[tilespmem:s23], [sflag:$0x1] =	stream.indirect.gather [hbm4b:s4+s22], $0x80, s5, s22, $0xb8;
	[tilespmem:$0x1EC00] =	vst v63  }
0x56: {  	_ = 	snop  }
0x57: {  	[tilespmem:s24], [sflag:$0x2] =	stream.indirect.gather [hbm4b:s4+s22], $0x80, s22, s22, $0xb8;
	[tilespmem:$0x1EC00] =	vst v63  }
0x58: {  	_ = 	snop  }
0x59: {  	[tilespmem:s26], [sflag:$0x3] =	stream.indirect.gather [hbm4b:s4+s22], $0x80, s25, s22, $0xb8;
	[tilespmem:$0x1EC00] =	vst v63  }
0x5a: {  	_ = 	snop  }
0x5b: {  	[tilespmem:s29], [sflag:$0x4] =	stream.indirect.gather [hbm4b:s4+s22], $0x80, s28, s22, $0xb8;
	[tilespmem:$0x1EC00] =	vst v63  }
0x5c: {  	_ =	swait.ge [sflag:s30], $0x2000  }
0x5d: {  	[sflag:s30] =	ssyncset.done $0x0  }
0x5e: {  	s17 =	simm.s32 $0x1000;
	[sflag:s30] =	ssyncadd.s32 $0xFFFFE000  }
0x5f: {  	[spmem:s2] =	stream.indirect.scatter.add.f32 [tilespmem:s23], [sflag:$0x5], $0x80, s17, s22, $0xb8;
	[tilespmem:$0x1EC00] =	vst v63  }
0x60: {  	_ =	swait.ge [sflag:s31], $0x2000  }
0x61: {  	[sflag:s31] =	ssyncset.done $0x0  }
0x62: {  	s18 =	simm.s32 $0x1080;
	[sflag:s31] =	ssyncadd.s32 $0xFFFFE000  }
0x63: {  	[spmem:s2] =	stream.indirect.scatter.add.f32 [tilespmem:s24], [sflag:$0x6], $0x80, s18, s22, $0xb8;
	[tilespmem:$0x1EC00] =	vst v63  }
0x64: {  	_ =	swait.ge [sflag:s0], $0x2000  }
0x65: {  	[sflag:s0] =	ssyncset.done $0x0  }
0x66: {  	s19 =	simm.s32 $0x1100;
	[sflag:s0] =	ssyncadd.s32 $0xFFFFE000  }
0x67: {  	[spmem:s2] =	stream.indirect.scatter.add.f32 [tilespmem:s26], [sflag:$0x7], $0x80, s19, s22, $0xb8;
	[tilespmem:$0x1EC00] =	vst v63  }
0x68: {  	_ =	swait.ge [sflag:s1], $0x2000  }
0x69: {  	[sflag:s1] =	ssyncset.done $0x0  }
0x6a: {  	s6 =	simm.s32 $0x1180;
	[sflag:s1] =	ssyncadd.s32 $0xFFFFE000  }
0x6b: {  	[spmem:s2] =	stream.indirect.scatter.add.f32 [tilespmem:s29], [sflag:$0x8], $0x80, s6, s22, $0xb8;
	[tilespmem:$0x1EC00] =	vst v63  }
0x6c: {  	_ =	swait.ge [sflag:s8], $0x2000  }
0x6d: {  	[sflag:s8] =	ssyncset.done $0x0  }
0x6e: {  	s17 =	simm.s32 $0x100;
	[sflag:s8] =	ssyncadd.s32 $0xFFFFE000  }
0x6f: {  	[tilespmem:s23], [sflag:$0x1] =	stream.indirect.gather [hbm4b:s4+s22], $0x80, s17, s22, $0xb8;
	[tilespmem:$0x1EC00] =	vst v63  }
0x70: {  	_ =	swait.ge [sflag:s9], $0x2000  }
0x71: {  	[sflag:s9] =	ssyncset.done $0x0  }
0x72: {  	s18 =	simm.s32 $0x140;
	[sflag:s9] =	ssyncadd.s32 $0xFFFFE000  }
0x73: {  	[tilespmem:s24], [sflag:$0x2] =	stream.indirect.gather [hbm4b:s4+s22], $0x80, s18, s22, $0xb8;
	[tilespmem:$0x1EC00] =	vst v63  }
0x74: {  	_ =	swait.ge [sflag:s10], $0x2000  }
0x75: {  	[sflag:s10] =	ssyncset.done $0x0  }
0x76: {  	s19 =	simm.s32 $0x180;
	[sflag:s10] =	ssyncadd.s32 $0xFFFFE000  }
0x77: {  	[tilespmem:s26], [sflag:$0x3] =	stream.indirect.gather [hbm4b:s4+s22], $0x80, s19, s22, $0xb8;
	[tilespmem:$0x1EC00] =	vst v63  }
0x78: {  	_ =	swait.ge [sflag:s11], $0x2000  }
0x79: {  	s5 =	simm.s32 $0x800;
	[sflag:s11] =	ssyncset.done $0x0  }
0x7a: {  	s6 =	simm.s32 $0x2C0;
	s17 =	simm.s32 $0x1C0;
	[sflag:s11] =	ssyncadd.s32 $0xFFFFE000  }
.LBB2_3:
0x7b: {  	[tilespmem:s29], [sflag:$0x4] =	stream.indirect.gather [hbm4b:s4+s22], $0x80, s17, s22, $0xb8;
	[tilespmem:$0x1EC00] =	vst v63  }
0x7c: {  	s18 =	smov.u32 s5;
	s17 =	smov.u32 s6  }
0x7d: {  	p1 =	sne.s32 s5, $0x7000;
	s5 =	sadd.s32 $0x800, s5;
	_ =	swait.ge [sflag:s30], $0x2000  }
0x7e: {  	s18 =	sshra.s32 s18, $0x2;
	[sflag:s30] =	ssyncset.done $0x0  }
0x7f: {  	s19 =	sadd.s32 $0x1000, s18;
	[sflag:s30] =	ssyncadd.s32 $0xFFFFE000  }
0x80: {  	[spmem:s2] =	stream.indirect.scatter.add.f32 [tilespmem:s23], [sflag:$0x5], $0x80, s19, s22, $0xb8;
	[tilespmem:$0x1EC00] =	vst v63  }
0x81: {  	_ =	swait.ge [sflag:s31], $0x2000  }
0x82: {  	[sflag:s31] =	ssyncset.done $0x0  }
0x83: {  	s19 =	sadd.s32 $0x1080, s18;
	[sflag:s31] =	ssyncadd.s32 $0xFFFFE000  }
0x84: {  	[spmem:s2] =	stream.indirect.scatter.add.f32 [tilespmem:s24], [sflag:$0x6], $0x80, s19, s22, $0xb8;
	[tilespmem:$0x1EC00] =	vst v63  }
0x85: {  	_ =	swait.ge [sflag:s0], $0x2000  }
0x86: {  	[sflag:s0] =	ssyncset.done $0x0  }
0x87: {  	s19 =	sadd.s32 $0x1100, s18;
	[sflag:s0] =	ssyncadd.s32 $0xFFFFE000  }
0x88: {  	[spmem:s2] =	stream.indirect.scatter.add.f32 [tilespmem:s26], [sflag:$0x7], $0x80, s19, s22, $0xb8;
	[tilespmem:$0x1EC00] =	vst v63  }
0x89: {  	_ =	swait.ge [sflag:s1], $0x2000  }
0x8a: {  	[sflag:s1] =	ssyncset.done $0x0  }
0x8b: {  	s18 =	sadd.s32 $0x1180, s18;
	[sflag:s1] =	ssyncadd.s32 $0xFFFFE000  }
0x8c: {  	[spmem:s2] =	stream.indirect.scatter.add.f32 [tilespmem:s29], [sflag:$0x8], $0x80, s18, s22, $0xb8;
	[tilespmem:$0x1EC00] =	vst v63  }
0x8d: {  	_ =	swait.ge [sflag:s8], $0x2000  }
0x8e: {  	[sflag:s8] =	ssyncset.done $0x0  }
0x8f: {  	s18 =	sadd.s32 $0xFFFFFF40, s6;
	[sflag:s8] =	ssyncadd.s32 $0xFFFFE000  }
0x90: {  	[tilespmem:s23], [sflag:$0x1] =	stream.indirect.gather [hbm4b:s4+s22], $0x80, s18, s22, $0xb8;
	[tilespmem:$0x1EC00] =	vst v63  }
0x91: {  	_ =	swait.ge [sflag:s9], $0x2000  }
0x92: {  	[sflag:s9] =	ssyncset.done $0x0  }
0x93: {  	s18 =	sadd.s32 $0xFFFFFF80, s6;
	[sflag:s9] =	ssyncadd.s32 $0xFFFFE000  }
0x94: {  	[tilespmem:s24], [sflag:$0x2] =	stream.indirect.gather [hbm4b:s4+s22], $0x80, s18, s22, $0xb8;
	[tilespmem:$0x1EC00] =	vst v63  }
0x95: {  	_ =	swait.ge [sflag:s10], $0x2000  }
0x96: {  	[sflag:s10] =	ssyncset.done $0x0  }
.Ltmp3:
0x97: {  	s18 =	sadd.s32 $0xFFFFFFC0, s6;
	[sflag:s10] =	ssyncadd.s32 $0xFFFFE000;
	(pc) =	sbr.rel @p1 .LBB2_3-.Ltmp3, $4  }
0x98: {  	[tilespmem:s26], [sflag:$0x3] =	stream.indirect.gather [hbm4b:s4+s22], $0x80, s18, s22, $0xb8;
	[tilespmem:$0x1EC00] =	vst v63  }
0x99: {  	_ =	swait.ge [sflag:s11], $0x2000  }
0x9a: {  	[sflag:s11] =	ssyncset.done $0x0  }
0x9b: {  	s6 =	sadd.s32 $0x100, s6;
	[sflag:s11] =	ssyncadd.s32 $0xFFFFE000  }
0x9c: {  	[tilespmem:s29], [sflag:$0x4] =	stream.indirect.gather [hbm4b:s4+s22], $0x80, s17, s22, $0xb8;
	[tilespmem:$0x1EC00] =	vst v63  }
0x9d: {  	_ =	swait.ge [sflag:s30], $0x2000  }
0x9e: {  	[sflag:s30] =	ssyncset.done $0x0  }
0x9f: {  	[sflag:s30] =	ssyncadd.s32 $0xFFFFE000  }
0xa0: {  	[spmem:s2] =	stream.indirect.scatter.add.f32 [tilespmem:s23], [sflag:$0x5], $0x80, s12, s22, $0xb8;
	[tilespmem:$0x1EC00] =	vst v63  }
0xa1: {  	_ =	swait.ge [sflag:s31], $0x2000  }
0xa2: {  	[sflag:s31] =	ssyncset.done $0x0  }
0xa3: {  	[sflag:s31] =	ssyncadd.s32 $0xFFFFE000  }
0xa4: {  	[spmem:s2] =	stream.indirect.scatter.add.f32 [tilespmem:s24], [sflag:$0x6], $0x80, s13, s22, $0xb8;
	[tilespmem:$0x1EC00] =	vst v63  }
0xa5: {  	_ =	swait.ge [sflag:s0], $0x2000  }
0xa6: {  	[sflag:s0] =	ssyncset.done $0x0  }
0xa7: {  	[sflag:s0] =	ssyncadd.s32 $0xFFFFE000  }
0xa8: {  	[spmem:s2] =	stream.indirect.scatter.add.f32 [tilespmem:s26], [sflag:$0x7], $0x80, s14, s22, $0xb8;
	[tilespmem:$0x1EC00] =	vst v63  }
0xa9: {  	_ =	swait.ge [sflag:s1], $0x2000  }
0xaa: {  	[sflag:s1] =	ssyncset.done $0x0  }
0xab: {  	[sflag:s1] =	ssyncadd.s32 $0xFFFFE000  }
0xac: {  	[spmem:s2] =	stream.indirect.scatter.add.f32 [tilespmem:s29], [sflag:$0x8], $0x80, s15, s22, $0xb8;
	[tilespmem:$0x1EC00] =	vst v63  }
0xad: {  	_ =	swait.ge [sflag:s8], $0x2000  }
0xae: {  	[sflag:s8] =	ssyncset.done $0x0  }
0xaf: {  	[sflag:s8] =	ssyncadd.s32 $0xFFFFE000  }
0xb0: {  	_ =	swait.ge [sflag:s9], $0x2000  }
0xb1: {  	[sflag:s9] =	ssyncset.done $0x0  }
0xb2: {  	[sflag:s9] =	ssyncadd.s32 $0xFFFFE000  }
0xb3: {  	_ =	swait.ge [sflag:s10], $0x2000  }
0xb4: {  	[sflag:s10] =	ssyncset.done $0x0  }
0xb5: {  	[sflag:s10] =	ssyncadd.s32 $0xFFFFE000  }
0xb6: {  	_ =	swait.ge [sflag:s11], $0x2000  }
0xb7: {  	[sflag:s11] =	ssyncset.done $0x0  }
0xb8: {  	s5 =	simm.s32 $0x0;
	s6 =	rddreg [dreg:$0x7];
	[sflag:s11] =	ssyncadd.s32 $0xFFFFE000  }
0xb9: {  	[tilespmem:s5], [sflag:$0x9] =	stream.linear.gather [hbm4b:s6+s5], $0x1000, $0x38;
	[tilespmem:$0x1EC00] =	vst v63  }
0xba: {  	_ =	swait.ge [sflag:s20], $0x1000  }
0xbb: {  	[sflag:s20] =	ssyncset.done $0x0  }
0xbc: {  	s19 =	rddreg [dreg:$0x8];
	[sflag:s20] =	ssyncadd.s32 $0xFFFFF000  }
0xbd: {  	[tilespmem:s21], [sflag:$0x9] =	stream.linear.gather [hbm4b:s19+s5], $0x2000, $0x38;
	[tilespmem:$0x1EC00] =	vst v63  }
0xbe: {  	_ =	swait.ge [sflag:s20], $0x2000  }
0xbf: {  	[sflag:s20] =	ssyncset.done $0x0  }
0xc0: {  	[sflag:s20] =	ssyncadd.s32 $0xFFFFE000  }
0xc1: {  	[tilespmem:s23], [sflag:$0x1] =	stream.indirect.gather [hbm4b:s4+s22], $0x80, s5, s22, $0xb8;
	[tilespmem:$0x1EC00] =	vst v63  }
0xc2: {  	_ = 	snop  }
0xc3: {  	[tilespmem:s24], [sflag:$0x2] =	stream.indirect.gather [hbm4b:s4+s22], $0x80, s22, s22, $0xb8;
	[tilespmem:$0x1EC00] =	vst v63  }
0xc4: {  	_ = 	snop  }
0xc5: {  	[tilespmem:s26], [sflag:$0x3] =	stream.indirect.gather [hbm4b:s4+s22], $0x80, s25, s22, $0xb8;
	[tilespmem:$0x1EC00] =	vst v63  }
0xc6: {  	_ = 	snop  }
0xc7: {  	[tilespmem:s29], [sflag:$0x4] =	stream.indirect.gather [hbm4b:s4+s22], $0x80, s28, s22, $0xb8;
	[tilespmem:$0x1EC00] =	vst v63  }
0xc8: {  	_ =	swait.ge [sflag:s30], $0x2000  }
0xc9: {  	[sflag:s30] =	ssyncset.done $0x0  }
0xca: {  	s17 =	simm.s32 $0x1000;
	[sflag:s30] =	ssyncadd.s32 $0xFFFFE000  }
0xcb: {  	[spmem:s2] =	stream.indirect.scatter.add.f32 [tilespmem:s23], [sflag:$0x5], $0x80, s17, s22, $0xb8;
	[tilespmem:$0x1EC00] =	vst v63  }
0xcc: {  	_ =	swait.ge [sflag:s31], $0x2000  }
0xcd: {  	[sflag:s31] =	ssyncset.done $0x0  }
0xce: {  	s18 =	simm.s32 $0x1080;
	[sflag:s31] =	ssyncadd.s32 $0xFFFFE000  }
0xcf: {  	[spmem:s2] =	stream.indirect.scatter.add.f32 [tilespmem:s24], [sflag:$0x6], $0x80, s18, s22, $0xb8;
	[tilespmem:$0x1EC00] =	vst v63  }
0xd0: {  	_ =	swait.ge [sflag:s0], $0x2000  }
0xd1: {  	[sflag:s0] =	ssyncset.done $0x0  }
0xd2: {  	s19 =	simm.s32 $0x1100;
	[sflag:s0] =	ssyncadd.s32 $0xFFFFE000  }
0xd3: {  	[spmem:s2] =	stream.indirect.scatter.add.f32 [tilespmem:s26], [sflag:$0x7], $0x80, s19, s22, $0xb8;
	[tilespmem:$0x1EC00] =	vst v63  }
0xd4: {  	_ =	swait.ge [sflag:s1], $0x2000  }
0xd5: {  	[sflag:s1] =	ssyncset.done $0x0  }
0xd6: {  	s6 =	simm.s32 $0x1180;
	[sflag:s1] =	ssyncadd.s32 $0xFFFFE000  }
0xd7: {  	[spmem:s2] =	stream.indirect.scatter.add.f32 [tilespmem:s29], [sflag:$0x8], $0x80, s6, s22, $0xb8;
	[tilespmem:$0x1EC00] =	vst v63  }
0xd8: {  	_ =	swait.ge [sflag:s8], $0x2000  }
0xd9: {  	[sflag:s8] =	ssyncset.done $0x0  }
0xda: {  	s17 =	simm.s32 $0x100;
	[sflag:s8] =	ssyncadd.s32 $0xFFFFE000  }
0xdb: {  	[tilespmem:s23], [sflag:$0x1] =	stream.indirect.gather [hbm4b:s4+s22], $0x80, s17, s22, $0xb8;
	[tilespmem:$0x1EC00] =	vst v63  }
0xdc: {  	_ =	swait.ge [sflag:s9], $0x2000  }
0xdd: {  	[sflag:s9] =	ssyncset.done $0x0  }
0xde: {  	s18 =	simm.s32 $0x140;
	[sflag:s9] =	ssyncadd.s32 $0xFFFFE000  }
0xdf: {  	[tilespmem:s24], [sflag:$0x2] =	stream.indirect.gather [hbm4b:s4+s22], $0x80, s18, s22, $0xb8;
	[tilespmem:$0x1EC00] =	vst v63  }
0xe0: {  	_ =	swait.ge [sflag:s10], $0x2000  }
0xe1: {  	[sflag:s10] =	ssyncset.done $0x0  }
0xe2: {  	s19 =	simm.s32 $0x180;
	[sflag:s10] =	ssyncadd.s32 $0xFFFFE000  }
0xe3: {  	[tilespmem:s26], [sflag:$0x3] =	stream.indirect.gather [hbm4b:s4+s22], $0x80, s19, s22, $0xb8;
	[tilespmem:$0x1EC00] =	vst v63  }
0xe4: {  	_ =	swait.ge [sflag:s11], $0x2000  }
0xe5: {  	s5 =	simm.s32 $0x800;
	[sflag:s11] =	ssyncset.done $0x0  }
0xe6: {  	s6 =	simm.s32 $0x2C0;
	s17 =	simm.s32 $0x1C0;
	[sflag:s11] =	ssyncadd.s32 $0xFFFFE000  }
.LBB2_5:
0xe7: {  	[tilespmem:s29], [sflag:$0x4] =	stream.indirect.gather [hbm4b:s4+s22], $0x80, s17, s22, $0xb8;
	[tilespmem:$0x1EC00] =	vst v63  }
0xe8: {  	s18 =	smov.u32 s5;
	s17 =	smov.u32 s6  }
0xe9: {  	p1 =	sne.s32 s5, $0x7000;
	s5 =	sadd.s32 $0x800, s5;
	_ =	swait.ge [sflag:s30], $0x2000  }
0xea: {  	s18 =	sshra.s32 s18, $0x2;
	[sflag:s30] =	ssyncset.done $0x0  }
0xeb: {  	s19 =	sadd.s32 $0x1000, s18;
	[sflag:s30] =	ssyncadd.s32 $0xFFFFE000  }
0xec: {  	[spmem:s2] =	stream.indirect.scatter.add.f32 [tilespmem:s23], [sflag:$0x5], $0x80, s19, s22, $0xb8;
	[tilespmem:$0x1EC00] =	vst v63  }
0xed: {  	_ =	swait.ge [sflag:s31], $0x2000  }
0xee: {  	[sflag:s31] =	ssyncset.done $0x0  }
0xef: {  	s19 =	sadd.s32 $0x1080, s18;
	[sflag:s31] =	ssyncadd.s32 $0xFFFFE000  }
0xf0: {  	[spmem:s2] =	stream.indirect.scatter.add.f32 [tilespmem:s24], [sflag:$0x6], $0x80, s19, s22, $0xb8;
	[tilespmem:$0x1EC00] =	vst v63  }
0xf1: {  	_ =	swait.ge [sflag:s0], $0x2000  }
0xf2: {  	[sflag:s0] =	ssyncset.done $0x0  }
0xf3: {  	s19 =	sadd.s32 $0x1100, s18;
	[sflag:s0] =	ssyncadd.s32 $0xFFFFE000  }
0xf4: {  	[spmem:s2] =	stream.indirect.scatter.add.f32 [tilespmem:s26], [sflag:$0x7], $0x80, s19, s22, $0xb8;
	[tilespmem:$0x1EC00] =	vst v63  }
0xf5: {  	_ =	swait.ge [sflag:s1], $0x2000  }
0xf6: {  	[sflag:s1] =	ssyncset.done $0x0  }
0xf7: {  	s18 =	sadd.s32 $0x1180, s18;
	[sflag:s1] =	ssyncadd.s32 $0xFFFFE000  }
0xf8: {  	[spmem:s2] =	stream.indirect.scatter.add.f32 [tilespmem:s29], [sflag:$0x8], $0x80, s18, s22, $0xb8;
	[tilespmem:$0x1EC00] =	vst v63  }
0xf9: {  	_ =	swait.ge [sflag:s8], $0x2000  }
0xfa: {  	[sflag:s8] =	ssyncset.done $0x0  }
0xfb: {  	s18 =	sadd.s32 $0xFFFFFF40, s6;
	[sflag:s8] =	ssyncadd.s32 $0xFFFFE000  }
0xfc: {  	[tilespmem:s23], [sflag:$0x1] =	stream.indirect.gather [hbm4b:s4+s22], $0x80, s18, s22, $0xb8;
	[tilespmem:$0x1EC00] =	vst v63  }
0xfd: {  	_ =	swait.ge [sflag:s9], $0x2000  }
0xfe: {  	[sflag:s9] =	ssyncset.done $0x0  }
0xff: {  	s18 =	sadd.s32 $0xFFFFFF80, s6;
	[sflag:s9] =	ssyncadd.s32 $0xFFFFE000  }
0x100: {  	[tilespmem:s24], [sflag:$0x2] =	stream.indirect.gather [hbm4b:s4+s22], $0x80, s18, s22, $0xb8;
	[tilespmem:$0x1EC00] =	vst v63  }
0x101: {  	_ =	swait.ge [sflag:s10], $0x2000  }
0x102: {  	[sflag:s10] =	ssyncset.done $0x0  }
.Ltmp4:
0x103: {  	s18 =	sadd.s32 $0xFFFFFFC0, s6;
	[sflag:s10] =	ssyncadd.s32 $0xFFFFE000;
	(pc) =	sbr.rel @p1 .LBB2_5-.Ltmp4, $4  }
0x104: {  	[tilespmem:s26], [sflag:$0x3] =	stream.indirect.gather [hbm4b:s4+s22], $0x80, s18, s22, $0xb8;
	[tilespmem:$0x1EC00] =	vst v63  }
0x105: {  	_ =	swait.ge [sflag:s11], $0x2000  }
0x106: {  	[sflag:s11] =	ssyncset.done $0x0  }
0x107: {  	s6 =	sadd.s32 $0x100, s6;
	[sflag:s11] =	ssyncadd.s32 $0xFFFFE000  }
0x108: {  	[tilespmem:s29], [sflag:$0x4] =	stream.indirect.gather [hbm4b:s4+s22], $0x80, s17, s22, $0xb8;
	[tilespmem:$0x1EC00] =	vst v63  }
0x109: {  	_ =	swait.ge [sflag:s30], $0x2000  }
0x10a: {  	[sflag:s30] =	ssyncset.done $0x0  }
0x10b: {  	[sflag:s30] =	ssyncadd.s32 $0xFFFFE000  }
0x10c: {  	[spmem:s2] =	stream.indirect.scatter.add.f32 [tilespmem:s23], [sflag:$0x5], $0x80, s12, s22, $0xb8;
	[tilespmem:$0x1EC00] =	vst v63  }
0x10d: {  	_ =	swait.ge [sflag:s31], $0x2000  }
0x10e: {  	[sflag:s31] =	ssyncset.done $0x0  }
0x10f: {  	[sflag:s31] =	ssyncadd.s32 $0xFFFFE000  }
0x110: {  	[spmem:s2] =	stream.indirect.scatter.add.f32 [tilespmem:s24], [sflag:$0x6], $0x80, s13, s22, $0xb8;
	[tilespmem:$0x1EC00] =	vst v63  }
0x111: {  	_ =	swait.ge [sflag:s0], $0x2000  }
0x112: {  	[sflag:s0] =	ssyncset.done $0x0  }
0x113: {  	[sflag:s0] =	ssyncadd.s32 $0xFFFFE000  }
0x114: {  	[spmem:s2] =	stream.indirect.scatter.add.f32 [tilespmem:s26], [sflag:$0x7], $0x80, s14, s22, $0xb8;
	[tilespmem:$0x1EC00] =	vst v63  }
0x115: {  	_ =	swait.ge [sflag:s1], $0x2000  }
0x116: {  	[sflag:s1] =	ssyncset.done $0x0  }
0x117: {  	[sflag:s1] =	ssyncadd.s32 $0xFFFFE000  }
0x118: {  	[spmem:s2] =	stream.indirect.scatter.add.f32 [tilespmem:s29], [sflag:$0x8], $0x80, s15, s22, $0xb8;
	[tilespmem:$0x1EC00] =	vst v63  }
0x119: {  	_ =	swait.ge [sflag:s8], $0x2000  }
0x11a: {  	[sflag:s8] =	ssyncset.done $0x0  }
0x11b: {  	[sflag:s8] =	ssyncadd.s32 $0xFFFFE000  }
0x11c: {  	_ =	swait.ge [sflag:s9], $0x2000  }
0x11d: {  	[sflag:s9] =	ssyncset.done $0x0  }
0x11e: {  	[sflag:s9] =	ssyncadd.s32 $0xFFFFE000  }
0x11f: {  	_ =	swait.ge [sflag:s10], $0x2000  }
0x120: {  	[sflag:s10] =	ssyncset.done $0x0  }
0x121: {  	[sflag:s10] =	ssyncadd.s32 $0xFFFFE000  }
0x122: {  	_ =	swait.ge [sflag:s11], $0x2000  }
0x123: {  	[sflag:s11] =	ssyncset.done $0x0  }
0x124: {  	s5 =	simm.s32 $0x0;
	s6 =	rddreg [dreg:$0x9];
	[sflag:s11] =	ssyncadd.s32 $0xFFFFE000  }
0x125: {  	[tilespmem:s5], [sflag:$0x9] =	stream.linear.gather [hbm4b:s6+s5], $0x1000, $0x38;
	[tilespmem:$0x1EC00] =	vst v63  }
0x126: {  	_ =	swait.ge [sflag:s20], $0x1000  }
0x127: {  	[sflag:s20] =	ssyncset.done $0x0  }
0x128: {  	s19 =	rddreg [dreg:$0xa];
	[sflag:s20] =	ssyncadd.s32 $0xFFFFF000  }
0x129: {  	[tilespmem:s21], [sflag:$0x9] =	stream.linear.gather [hbm4b:s19+s5], $0x2000, $0x38;
	[tilespmem:$0x1EC00] =	vst v63  }
0x12a: {  	_ =	swait.ge [sflag:s20], $0x2000  }
0x12b: {  	[sflag:s20] =	ssyncset.done $0x0  }
0x12c: {  	[sflag:s20] =	ssyncadd.s32 $0xFFFFE000  }
0x12d: {  	[tilespmem:s23], [sflag:$0x1] =	stream.indirect.gather [hbm4b:s4+s22], $0x80, s5, s22, $0xb8;
	[tilespmem:$0x1EC00] =	vst v63  }
0x12e: {  	_ = 	snop  }
0x12f: {  	[tilespmem:s24], [sflag:$0x2] =	stream.indirect.gather [hbm4b:s4+s22], $0x80, s22, s22, $0xb8;
	[tilespmem:$0x1EC00] =	vst v63  }
0x130: {  	_ = 	snop  }
0x131: {  	[tilespmem:s26], [sflag:$0x3] =	stream.indirect.gather [hbm4b:s4+s22], $0x80, s25, s22, $0xb8;
	[tilespmem:$0x1EC00] =	vst v63  }
0x132: {  	_ = 	snop  }
0x133: {  	[tilespmem:s29], [sflag:$0x4] =	stream.indirect.gather [hbm4b:s4+s22], $0x80, s28, s22, $0xb8;
	[tilespmem:$0x1EC00] =	vst v63  }
0x134: {  	_ =	swait.ge [sflag:s30], $0x2000  }
0x135: {  	[sflag:s30] =	ssyncset.done $0x0  }
0x136: {  	s17 =	simm.s32 $0x1000;
	[sflag:s30] =	ssyncadd.s32 $0xFFFFE000  }
0x137: {  	[spmem:s2] =	stream.indirect.scatter.add.f32 [tilespmem:s23], [sflag:$0x5], $0x80, s17, s22, $0xb8;
	[tilespmem:$0x1EC00] =	vst v63  }
0x138: {  	_ =	swait.ge [sflag:s31], $0x2000  }
0x139: {  	[sflag:s31] =	ssyncset.done $0x0  }
0x13a: {  	s18 =	simm.s32 $0x1080;
	[sflag:s31] =	ssyncadd.s32 $0xFFFFE000  }
0x13b: {  	[spmem:s2] =	stream.indirect.scatter.add.f32 [tilespmem:s24], [sflag:$0x6], $0x80, s18, s22, $0xb8;
	[tilespmem:$0x1EC00] =	vst v63  }
0x13c: {  	_ =	swait.ge [sflag:s0], $0x2000  }
0x13d: {  	[sflag:s0] =	ssyncset.done $0x0  }
0x13e: {  	s19 =	simm.s32 $0x1100;
	[sflag:s0] =	ssyncadd.s32 $0xFFFFE000  }
0x13f: {  	[spmem:s2] =	stream.indirect.scatter.add.f32 [tilespmem:s26], [sflag:$0x7], $0x80, s19, s22, $0xb8;
	[tilespmem:$0x1EC00] =	vst v63  }
0x140: {  	_ =	swait.ge [sflag:s1], $0x2000  }
0x141: {  	[sflag:s1] =	ssyncset.done $0x0  }
0x142: {  	s6 =	simm.s32 $0x1180;
	[sflag:s1] =	ssyncadd.s32 $0xFFFFE000  }
0x143: {  	[spmem:s2] =	stream.indirect.scatter.add.f32 [tilespmem:s29], [sflag:$0x8], $0x80, s6, s22, $0xb8;
	[tilespmem:$0x1EC00] =	vst v63  }
0x144: {  	_ =	swait.ge [sflag:s8], $0x2000  }
0x145: {  	[sflag:s8] =	ssyncset.done $0x0  }
0x146: {  	s17 =	simm.s32 $0x100;
	[sflag:s8] =	ssyncadd.s32 $0xFFFFE000  }
0x147: {  	[tilespmem:s23], [sflag:$0x1] =	stream.indirect.gather [hbm4b:s4+s22], $0x80, s17, s22, $0xb8;
	[tilespmem:$0x1EC00] =	vst v63  }
0x148: {  	_ =	swait.ge [sflag:s9], $0x2000  }
0x149: {  	[sflag:s9] =	ssyncset.done $0x0  }
0x14a: {  	s18 =	simm.s32 $0x140;
	[sflag:s9] =	ssyncadd.s32 $0xFFFFE000  }
0x14b: {  	[tilespmem:s24], [sflag:$0x2] =	stream.indirect.gather [hbm4b:s4+s22], $0x80, s18, s22, $0xb8;
	[tilespmem:$0x1EC00] =	vst v63  }
0x14c: {  	_ =	swait.ge [sflag:s10], $0x2000  }
0x14d: {  	[sflag:s10] =	ssyncset.done $0x0  }
0x14e: {  	s19 =	simm.s32 $0x180;
	[sflag:s10] =	ssyncadd.s32 $0xFFFFE000  }
0x14f: {  	[tilespmem:s26], [sflag:$0x3] =	stream.indirect.gather [hbm4b:s4+s22], $0x80, s19, s22, $0xb8;
	[tilespmem:$0x1EC00] =	vst v63  }
0x150: {  	_ =	swait.ge [sflag:s11], $0x2000  }
0x151: {  	s5 =	simm.s32 $0x800;
	[sflag:s11] =	ssyncset.done $0x0  }
0x152: {  	s6 =	simm.s32 $0x2C0;
	s17 =	simm.s32 $0x1C0;
	[sflag:s11] =	ssyncadd.s32 $0xFFFFE000  }
.LBB2_7:
0x153: {  	[tilespmem:s29], [sflag:$0x4] =	stream.indirect.gather [hbm4b:s4+s22], $0x80, s17, s22, $0xb8;
	[tilespmem:$0x1EC00] =	vst v63  }
0x154: {  	s18 =	smov.u32 s5;
	s17 =	smov.u32 s6  }
0x155: {  	p1 =	sne.s32 s5, $0x7000;
	s5 =	sadd.s32 $0x800, s5;
	_ =	swait.ge [sflag:s30], $0x2000  }
0x156: {  	s18 =	sshra.s32 s18, $0x2;
	[sflag:s30] =	ssyncset.done $0x0  }
0x157: {  	s19 =	sadd.s32 $0x1000, s18;
	[sflag:s30] =	ssyncadd.s32 $0xFFFFE000  }
0x158: {  	[spmem:s2] =	stream.indirect.scatter.add.f32 [tilespmem:s23], [sflag:$0x5], $0x80, s19, s22, $0xb8;
	[tilespmem:$0x1EC00] =	vst v63  }
0x159: {  	_ =	swait.ge [sflag:s31], $0x2000  }
0x15a: {  	[sflag:s31] =	ssyncset.done $0x0  }
0x15b: {  	s19 =	sadd.s32 $0x1080, s18;
	[sflag:s31] =	ssyncadd.s32 $0xFFFFE000  }
0x15c: {  	[spmem:s2] =	stream.indirect.scatter.add.f32 [tilespmem:s24], [sflag:$0x6], $0x80, s19, s22, $0xb8;
	[tilespmem:$0x1EC00] =	vst v63  }
0x15d: {  	_ =	swait.ge [sflag:s0], $0x2000  }
0x15e: {  	[sflag:s0] =	ssyncset.done $0x0  }
0x15f: {  	s19 =	sadd.s32 $0x1100, s18;
	[sflag:s0] =	ssyncadd.s32 $0xFFFFE000  }
0x160: {  	[spmem:s2] =	stream.indirect.scatter.add.f32 [tilespmem:s26], [sflag:$0x7], $0x80, s19, s22, $0xb8;
	[tilespmem:$0x1EC00] =	vst v63  }
0x161: {  	_ =	swait.ge [sflag:s1], $0x2000  }
0x162: {  	[sflag:s1] =	ssyncset.done $0x0  }
0x163: {  	s18 =	sadd.s32 $0x1180, s18;
	[sflag:s1] =	ssyncadd.s32 $0xFFFFE000  }
0x164: {  	[spmem:s2] =	stream.indirect.scatter.add.f32 [tilespmem:s29], [sflag:$0x8], $0x80, s18, s22, $0xb8;
	[tilespmem:$0x1EC00] =	vst v63  }
0x165: {  	_ =	swait.ge [sflag:s8], $0x2000  }
0x166: {  	[sflag:s8] =	ssyncset.done $0x0  }
0x167: {  	s18 =	sadd.s32 $0xFFFFFF40, s6;
	[sflag:s8] =	ssyncadd.s32 $0xFFFFE000  }
0x168: {  	[tilespmem:s23], [sflag:$0x1] =	stream.indirect.gather [hbm4b:s4+s22], $0x80, s18, s22, $0xb8;
	[tilespmem:$0x1EC00] =	vst v63  }
0x169: {  	_ =	swait.ge [sflag:s9], $0x2000  }
0x16a: {  	[sflag:s9] =	ssyncset.done $0x0  }
0x16b: {  	s18 =	sadd.s32 $0xFFFFFF80, s6;
	[sflag:s9] =	ssyncadd.s32 $0xFFFFE000  }
0x16c: {  	[tilespmem:s24], [sflag:$0x2] =	stream.indirect.gather [hbm4b:s4+s22], $0x80, s18, s22, $0xb8;
	[tilespmem:$0x1EC00] =	vst v63  }
0x16d: {  	_ =	swait.ge [sflag:s10], $0x2000  }
0x16e: {  	[sflag:s10] =	ssyncset.done $0x0  }
.Ltmp5:
0x16f: {  	s18 =	sadd.s32 $0xFFFFFFC0, s6;
	[sflag:s10] =	ssyncadd.s32 $0xFFFFE000;
	(pc) =	sbr.rel @p1 .LBB2_7-.Ltmp5, $4  }
0x170: {  	[tilespmem:s26], [sflag:$0x3] =	stream.indirect.gather [hbm4b:s4+s22], $0x80, s18, s22, $0xb8;
	[tilespmem:$0x1EC00] =	vst v63  }
0x171: {  	_ =	swait.ge [sflag:s11], $0x2000  }
0x172: {  	[sflag:s11] =	ssyncset.done $0x0  }
0x173: {  	s6 =	sadd.s32 $0x100, s6;
	[sflag:s11] =	ssyncadd.s32 $0xFFFFE000  }
0x174: {  	[tilespmem:s29], [sflag:$0x4] =	stream.indirect.gather [hbm4b:s4+s22], $0x80, s17, s22, $0xb8;
	[tilespmem:$0x1EC00] =	vst v63  }
0x175: {  	_ =	swait.ge [sflag:s30], $0x2000  }
0x176: {  	[sflag:s30] =	ssyncset.done $0x0  }
0x177: {  	[sflag:s30] =	ssyncadd.s32 $0xFFFFE000  }
0x178: {  	[spmem:s2] =	stream.indirect.scatter.add.f32 [tilespmem:s23], [sflag:$0x5], $0x80, s12, s22, $0xb8;
	[tilespmem:$0x1EC00] =	vst v63  }
0x179: {  	_ =	swait.ge [sflag:s31], $0x2000  }
0x17a: {  	[sflag:s31] =	ssyncset.done $0x0  }
0x17b: {  	[sflag:s31] =	ssyncadd.s32 $0xFFFFE000  }
0x17c: {  	[spmem:s2] =	stream.indirect.scatter.add.f32 [tilespmem:s24], [sflag:$0x6], $0x80, s13, s22, $0xb8;
	[tilespmem:$0x1EC00] =	vst v63  }
0x17d: {  	_ =	swait.ge [sflag:s0], $0x2000  }
0x17e: {  	[sflag:s0] =	ssyncset.done $0x0  }
0x17f: {  	[sflag:s0] =	ssyncadd.s32 $0xFFFFE000  }
0x180: {  	[spmem:s2] =	stream.indirect.scatter.add.f32 [tilespmem:s26], [sflag:$0x7], $0x80, s14, s22, $0xb8;
	[tilespmem:$0x1EC00] =	vst v63  }
0x181: {  	_ =	swait.ge [sflag:s1], $0x2000  }
0x182: {  	[sflag:s1] =	ssyncset.done $0x0  }
0x183: {  	[sflag:s1] =	ssyncadd.s32 $0xFFFFE000  }
0x184: {  	[spmem:s2] =	stream.indirect.scatter.add.f32 [tilespmem:s29], [sflag:$0x8], $0x80, s15, s22, $0xb8;
	[tilespmem:$0x1EC00] =	vst v63  }
0x185: {  	_ =	swait.ge [sflag:s8], $0x2000  }
0x186: {  	[sflag:s8] =	ssyncset.done $0x0  }
0x187: {  	[sflag:s8] =	ssyncadd.s32 $0xFFFFE000  }
0x188: {  	_ =	swait.ge [sflag:s9], $0x2000  }
0x189: {  	[sflag:s9] =	ssyncset.done $0x0  }
0x18a: {  	[sflag:s9] =	ssyncadd.s32 $0xFFFFE000  }
0x18b: {  	_ =	swait.ge [sflag:s10], $0x2000  }
0x18c: {  	[sflag:s10] =	ssyncset.done $0x0  }
0x18d: {  	[sflag:s10] =	ssyncadd.s32 $0xFFFFE000  }
0x18e: {  	_ =	swait.ge [sflag:s11], $0x2000  }
0x18f: {  	[sflag:s11] =	ssyncset.done $0x0  }
0x190: {  	s5 =	simm.s32 $0x0;
	s6 =	rddreg [dreg:$0xb];
	[sflag:s11] =	ssyncadd.s32 $0xFFFFE000  }
0x191: {  	[tilespmem:s5], [sflag:$0x9] =	stream.linear.gather [hbm4b:s6+s5], $0x1000, $0x38;
	[tilespmem:$0x1EC00] =	vst v63  }
0x192: {  	_ =	swait.ge [sflag:s20], $0x1000  }
0x193: {  	[sflag:s20] =	ssyncset.done $0x0  }
0x194: {  	s19 =	rddreg [dreg:$0xc];
	[sflag:s20] =	ssyncadd.s32 $0xFFFFF000  }
0x195: {  	[tilespmem:s21], [sflag:$0x9] =	stream.linear.gather [hbm4b:s19+s5], $0x2000, $0x38;
	[tilespmem:$0x1EC00] =	vst v63  }
0x196: {  	_ =	swait.ge [sflag:s20], $0x2000  }
0x197: {  	[sflag:s20] =	ssyncset.done $0x0  }
0x198: {  	[sflag:s20] =	ssyncadd.s32 $0xFFFFE000  }
0x199: {  	[tilespmem:s23], [sflag:$0x1] =	stream.indirect.gather [hbm4b:s4+s22], $0x80, s5, s22, $0xb8;
	[tilespmem:$0x1EC00] =	vst v63  }
0x19a: {  	_ = 	snop  }
0x19b: {  	[tilespmem:s24], [sflag:$0x2] =	stream.indirect.gather [hbm4b:s4+s22], $0x80, s22, s22, $0xb8;
	[tilespmem:$0x1EC00] =	vst v63  }
0x19c: {  	_ = 	snop  }
0x19d: {  	[tilespmem:s26], [sflag:$0x3] =	stream.indirect.gather [hbm4b:s4+s22], $0x80, s25, s22, $0xb8;
	[tilespmem:$0x1EC00] =	vst v63  }
0x19e: {  	_ = 	snop  }
0x19f: {  	[tilespmem:s29], [sflag:$0x4] =	stream.indirect.gather [hbm4b:s4+s22], $0x80, s28, s22, $0xb8;
	[tilespmem:$0x1EC00] =	vst v63  }
0x1a0: {  	_ =	swait.ge [sflag:s30], $0x2000  }
0x1a1: {  	[sflag:s30] =	ssyncset.done $0x0  }
0x1a2: {  	s17 =	simm.s32 $0x1000;
	[sflag:s30] =	ssyncadd.s32 $0xFFFFE000  }
0x1a3: {  	[spmem:s2] =	stream.indirect.scatter.add.f32 [tilespmem:s23], [sflag:$0x5], $0x80, s17, s22, $0xb8;
	[tilespmem:$0x1EC00] =	vst v63  }
0x1a4: {  	_ =	swait.ge [sflag:s31], $0x2000  }
0x1a5: {  	[sflag:s31] =	ssyncset.done $0x0  }
0x1a6: {  	s18 =	simm.s32 $0x1080;
	[sflag:s31] =	ssyncadd.s32 $0xFFFFE000  }
0x1a7: {  	[spmem:s2] =	stream.indirect.scatter.add.f32 [tilespmem:s24], [sflag:$0x6], $0x80, s18, s22, $0xb8;
	[tilespmem:$0x1EC00] =	vst v63  }
0x1a8: {  	_ =	swait.ge [sflag:s0], $0x2000  }
0x1a9: {  	[sflag:s0] =	ssyncset.done $0x0  }
0x1aa: {  	s19 =	simm.s32 $0x1100;
	[sflag:s0] =	ssyncadd.s32 $0xFFFFE000  }
0x1ab: {  	[spmem:s2] =	stream.indirect.scatter.add.f32 [tilespmem:s26], [sflag:$0x7], $0x80, s19, s22, $0xb8;
	[tilespmem:$0x1EC00] =	vst v63  }
0x1ac: {  	_ =	swait.ge [sflag:s1], $0x2000  }
0x1ad: {  	[sflag:s1] =	ssyncset.done $0x0  }
0x1ae: {  	s6 =	simm.s32 $0x1180;
	[sflag:s1] =	ssyncadd.s32 $0xFFFFE000  }
0x1af: {  	[spmem:s2] =	stream.indirect.scatter.add.f32 [tilespmem:s29], [sflag:$0x8], $0x80, s6, s22, $0xb8;
	[tilespmem:$0x1EC00] =	vst v63  }
0x1b0: {  	_ =	swait.ge [sflag:s8], $0x2000  }
0x1b1: {  	[sflag:s8] =	ssyncset.done $0x0  }
0x1b2: {  	s17 =	simm.s32 $0x100;
	[sflag:s8] =	ssyncadd.s32 $0xFFFFE000  }
0x1b3: {  	[tilespmem:s23], [sflag:$0x1] =	stream.indirect.gather [hbm4b:s4+s22], $0x80, s17, s22, $0xb8;
	[tilespmem:$0x1EC00] =	vst v63  }
0x1b4: {  	_ =	swait.ge [sflag:s9], $0x2000  }
0x1b5: {  	[sflag:s9] =	ssyncset.done $0x0  }
0x1b6: {  	s18 =	simm.s32 $0x140;
	[sflag:s9] =	ssyncadd.s32 $0xFFFFE000  }
0x1b7: {  	[tilespmem:s24], [sflag:$0x2] =	stream.indirect.gather [hbm4b:s4+s22], $0x80, s18, s22, $0xb8;
	[tilespmem:$0x1EC00] =	vst v63  }
0x1b8: {  	_ =	swait.ge [sflag:s10], $0x2000  }
0x1b9: {  	[sflag:s10] =	ssyncset.done $0x0  }
0x1ba: {  	s19 =	simm.s32 $0x180;
	[sflag:s10] =	ssyncadd.s32 $0xFFFFE000  }
0x1bb: {  	[tilespmem:s26], [sflag:$0x3] =	stream.indirect.gather [hbm4b:s4+s22], $0x80, s19, s22, $0xb8;
	[tilespmem:$0x1EC00] =	vst v63  }
0x1bc: {  	_ =	swait.ge [sflag:s11], $0x2000  }
0x1bd: {  	s5 =	simm.s32 $0x800;
	[sflag:s11] =	ssyncset.done $0x0  }
0x1be: {  	s6 =	simm.s32 $0x2C0;
	s17 =	simm.s32 $0x1C0;
	[sflag:s11] =	ssyncadd.s32 $0xFFFFE000  }
.LBB2_9:
0x1bf: {  	[tilespmem:s29], [sflag:$0x4] =	stream.indirect.gather [hbm4b:s4+s22], $0x80, s17, s22, $0xb8;
	[tilespmem:$0x1EC00] =	vst v63  }
0x1c0: {  	s18 =	smov.u32 s5;
	s17 =	smov.u32 s6  }
0x1c1: {  	p1 =	sne.s32 s5, $0x7000;
	s5 =	sadd.s32 $0x800, s5;
	_ =	swait.ge [sflag:s30], $0x2000  }
0x1c2: {  	s18 =	sshra.s32 s18, $0x2;
	[sflag:s30] =	ssyncset.done $0x0  }
0x1c3: {  	s19 =	sadd.s32 $0x1000, s18;
	[sflag:s30] =	ssyncadd.s32 $0xFFFFE000  }
0x1c4: {  	[spmem:s2] =	stream.indirect.scatter.add.f32 [tilespmem:s23], [sflag:$0x5], $0x80, s19, s22, $0xb8;
	[tilespmem:$0x1EC00] =	vst v63  }
0x1c5: {  	_ =	swait.ge [sflag:s31], $0x2000  }
0x1c6: {  	[sflag:s31] =	ssyncset.done $0x0  }
0x1c7: {  	s19 =	sadd.s32 $0x1080, s18;
	[sflag:s31] =	ssyncadd.s32 $0xFFFFE000  }
0x1c8: {  	[spmem:s2] =	stream.indirect.scatter.add.f32 [tilespmem:s24], [sflag:$0x6], $0x80, s19, s22, $0xb8;
	[tilespmem:$0x1EC00] =	vst v63  }
0x1c9: {  	_ =	swait.ge [sflag:s0], $0x2000  }
0x1ca: {  	[sflag:s0] =	ssyncset.done $0x0  }
0x1cb: {  	s19 =	sadd.s32 $0x1100, s18;
	[sflag:s0] =	ssyncadd.s32 $0xFFFFE000  }
0x1cc: {  	[spmem:s2] =	stream.indirect.scatter.add.f32 [tilespmem:s26], [sflag:$0x7], $0x80, s19, s22, $0xb8;
	[tilespmem:$0x1EC00] =	vst v63  }
0x1cd: {  	_ =	swait.ge [sflag:s1], $0x2000  }
0x1ce: {  	[sflag:s1] =	ssyncset.done $0x0  }
0x1cf: {  	s18 =	sadd.s32 $0x1180, s18;
	[sflag:s1] =	ssyncadd.s32 $0xFFFFE000  }
0x1d0: {  	[spmem:s2] =	stream.indirect.scatter.add.f32 [tilespmem:s29], [sflag:$0x8], $0x80, s18, s22, $0xb8;
	[tilespmem:$0x1EC00] =	vst v63  }
0x1d1: {  	_ =	swait.ge [sflag:s8], $0x2000  }
0x1d2: {  	[sflag:s8] =	ssyncset.done $0x0  }
0x1d3: {  	s18 =	sadd.s32 $0xFFFFFF40, s6;
	[sflag:s8] =	ssyncadd.s32 $0xFFFFE000  }
0x1d4: {  	[tilespmem:s23], [sflag:$0x1] =	stream.indirect.gather [hbm4b:s4+s22], $0x80, s18, s22, $0xb8;
	[tilespmem:$0x1EC00] =	vst v63  }
0x1d5: {  	_ =	swait.ge [sflag:s9], $0x2000  }
0x1d6: {  	[sflag:s9] =	ssyncset.done $0x0  }
0x1d7: {  	s18 =	sadd.s32 $0xFFFFFF80, s6;
	[sflag:s9] =	ssyncadd.s32 $0xFFFFE000  }
0x1d8: {  	[tilespmem:s24], [sflag:$0x2] =	stream.indirect.gather [hbm4b:s4+s22], $0x80, s18, s22, $0xb8;
	[tilespmem:$0x1EC00] =	vst v63  }
0x1d9: {  	_ =	swait.ge [sflag:s10], $0x2000  }
0x1da: {  	[sflag:s10] =	ssyncset.done $0x0  }
.Ltmp6:
0x1db: {  	s18 =	sadd.s32 $0xFFFFFFC0, s6;
	[sflag:s10] =	ssyncadd.s32 $0xFFFFE000;
	(pc) =	sbr.rel @p1 .LBB2_9-.Ltmp6, $4  }
0x1dc: {  	[tilespmem:s26], [sflag:$0x3] =	stream.indirect.gather [hbm4b:s4+s22], $0x80, s18, s22, $0xb8;
	[tilespmem:$0x1EC00] =	vst v63  }
0x1dd: {  	_ =	swait.ge [sflag:s11], $0x2000  }
0x1de: {  	[sflag:s11] =	ssyncset.done $0x0  }
0x1df: {  	s6 =	sadd.s32 $0x100, s6;
	[sflag:s11] =	ssyncadd.s32 $0xFFFFE000  }
0x1e0: {  	[tilespmem:s29], [sflag:$0x4] =	stream.indirect.gather [hbm4b:s4+s22], $0x80, s17, s22, $0xb8;
	[tilespmem:$0x1EC00] =	vst v63  }
0x1e1: {  	_ =	swait.ge [sflag:s30], $0x2000  }
0x1e2: {  	[sflag:s30] =	ssyncset.done $0x0  }
0x1e3: {  	[sflag:s30] =	ssyncadd.s32 $0xFFFFE000  }
0x1e4: {  	[spmem:s2] =	stream.indirect.scatter.add.f32 [tilespmem:s23], [sflag:$0x5], $0x80, s12, s22, $0xb8;
	[tilespmem:$0x1EC00] =	vst v63  }
0x1e5: {  	_ =	swait.ge [sflag:s31], $0x2000  }
0x1e6: {  	[sflag:s31] =	ssyncset.done $0x0  }
0x1e7: {  	[sflag:s31] =	ssyncadd.s32 $0xFFFFE000  }
0x1e8: {  	[spmem:s2] =	stream.indirect.scatter.add.f32 [tilespmem:s24], [sflag:$0x6], $0x80, s13, s22, $0xb8;
	[tilespmem:$0x1EC00] =	vst v63  }
0x1e9: {  	_ =	swait.ge [sflag:s0], $0x2000  }
0x1ea: {  	[sflag:s0] =	ssyncset.done $0x0  }
0x1eb: {  	[sflag:s0] =	ssyncadd.s32 $0xFFFFE000  }
0x1ec: {  	[spmem:s2] =	stream.indirect.scatter.add.f32 [tilespmem:s26], [sflag:$0x7], $0x80, s14, s22, $0xb8;
	[tilespmem:$0x1EC00] =	vst v63  }
0x1ed: {  	_ =	swait.ge [sflag:s1], $0x2000  }
0x1ee: {  	[sflag:s1] =	ssyncset.done $0x0  }
0x1ef: {  	[sflag:s1] =	ssyncadd.s32 $0xFFFFE000  }
0x1f0: {  	[spmem:s2] =	stream.indirect.scatter.add.f32 [tilespmem:s29], [sflag:$0x8], $0x80, s15, s22, $0xb8;
	[tilespmem:$0x1EC00] =	vst v63  }
0x1f1: {  	_ =	swait.ge [sflag:s8], $0x2000  }
0x1f2: {  	[sflag:s8] =	ssyncset.done $0x0  }
0x1f3: {  	[sflag:s8] =	ssyncadd.s32 $0xFFFFE000  }
0x1f4: {  	_ =	swait.ge [sflag:s9], $0x2000  }
0x1f5: {  	[sflag:s9] =	ssyncset.done $0x0  }
0x1f6: {  	[sflag:s9] =	ssyncadd.s32 $0xFFFFE000  }
0x1f7: {  	_ =	swait.ge [sflag:s10], $0x2000  }
0x1f8: {  	[sflag:s10] =	ssyncset.done $0x0  }
0x1f9: {  	[sflag:s10] =	ssyncadd.s32 $0xFFFFE000  }
0x1fa: {  	_ =	swait.ge [sflag:s11], $0x2000  }
0x1fb: {  	[sflag:s11] =	ssyncset.done $0x0  }
0x1fc: {  	s5 =	simm.s32 $0x0;
	s6 =	rddreg [dreg:$0xd];
	[sflag:s11] =	ssyncadd.s32 $0xFFFFE000  }
0x1fd: {  	[tilespmem:s5], [sflag:$0x9] =	stream.linear.gather [hbm4b:s6+s5], $0x1000, $0x38;
	[tilespmem:$0x1EC00] =	vst v63  }
0x1fe: {  	_ =	swait.ge [sflag:s20], $0x1000  }
0x1ff: {  	[sflag:s20] =	ssyncset.done $0x0  }
0x200: {  	s19 =	rddreg [dreg:$0xe];
	[sflag:s20] =	ssyncadd.s32 $0xFFFFF000  }
0x201: {  	[tilespmem:s21], [sflag:$0x9] =	stream.linear.gather [hbm4b:s19+s5], $0x2000, $0x38;
	[tilespmem:$0x1EC00] =	vst v63  }
0x202: {  	_ =	swait.ge [sflag:s20], $0x2000  }
0x203: {  	[sflag:s20] =	ssyncset.done $0x0  }
0x204: {  	[sflag:s20] =	ssyncadd.s32 $0xFFFFE000  }
0x205: {  	[tilespmem:s23], [sflag:$0x1] =	stream.indirect.gather [hbm4b:s4+s22], $0x80, s5, s22, $0xb8;
	[tilespmem:$0x1EC00] =	vst v63  }
0x206: {  	_ = 	snop  }
0x207: {  	[tilespmem:s24], [sflag:$0x2] =	stream.indirect.gather [hbm4b:s4+s22], $0x80, s22, s22, $0xb8;
	[tilespmem:$0x1EC00] =	vst v63  }
0x208: {  	_ = 	snop  }
0x209: {  	[tilespmem:s26], [sflag:$0x3] =	stream.indirect.gather [hbm4b:s4+s22], $0x80, s25, s22, $0xb8;
	[tilespmem:$0x1EC00] =	vst v63  }
0x20a: {  	_ = 	snop  }
0x20b: {  	[tilespmem:s29], [sflag:$0x4] =	stream.indirect.gather [hbm4b:s4+s22], $0x80, s28, s22, $0xb8;
	[tilespmem:$0x1EC00] =	vst v63  }
0x20c: {  	_ =	swait.ge [sflag:s30], $0x2000  }
0x20d: {  	[sflag:s30] =	ssyncset.done $0x0  }
0x20e: {  	s17 =	simm.s32 $0x1000;
	[sflag:s30] =	ssyncadd.s32 $0xFFFFE000  }
0x20f: {  	[spmem:s2] =	stream.indirect.scatter.add.f32 [tilespmem:s23], [sflag:$0x5], $0x80, s17, s22, $0xb8;
	[tilespmem:$0x1EC00] =	vst v63  }
0x210: {  	_ =	swait.ge [sflag:s31], $0x2000  }
0x211: {  	[sflag:s31] =	ssyncset.done $0x0  }
0x212: {  	s18 =	simm.s32 $0x1080;
	[sflag:s31] =	ssyncadd.s32 $0xFFFFE000  }
0x213: {  	[spmem:s2] =	stream.indirect.scatter.add.f32 [tilespmem:s24], [sflag:$0x6], $0x80, s18, s22, $0xb8;
	[tilespmem:$0x1EC00] =	vst v63  }
0x214: {  	_ =	swait.ge [sflag:s0], $0x2000  }
0x215: {  	[sflag:s0] =	ssyncset.done $0x0  }
0x216: {  	s19 =	simm.s32 $0x1100;
	[sflag:s0] =	ssyncadd.s32 $0xFFFFE000  }
0x217: {  	[spmem:s2] =	stream.indirect.scatter.add.f32 [tilespmem:s26], [sflag:$0x7], $0x80, s19, s22, $0xb8;
	[tilespmem:$0x1EC00] =	vst v63  }
0x218: {  	_ =	swait.ge [sflag:s1], $0x2000  }
0x219: {  	[sflag:s1] =	ssyncset.done $0x0  }
0x21a: {  	s6 =	simm.s32 $0x1180;
	[sflag:s1] =	ssyncadd.s32 $0xFFFFE000  }
0x21b: {  	[spmem:s2] =	stream.indirect.scatter.add.f32 [tilespmem:s29], [sflag:$0x8], $0x80, s6, s22, $0xb8;
	[tilespmem:$0x1EC00] =	vst v63  }
0x21c: {  	_ =	swait.ge [sflag:s8], $0x2000  }
0x21d: {  	[sflag:s8] =	ssyncset.done $0x0  }
0x21e: {  	s17 =	simm.s32 $0x100;
	[sflag:s8] =	ssyncadd.s32 $0xFFFFE000  }
0x21f: {  	[tilespmem:s23], [sflag:$0x1] =	stream.indirect.gather [hbm4b:s4+s22], $0x80, s17, s22, $0xb8;
	[tilespmem:$0x1EC00] =	vst v63  }
0x220: {  	_ =	swait.ge [sflag:s9], $0x2000  }
0x221: {  	[sflag:s9] =	ssyncset.done $0x0  }
0x222: {  	s18 =	simm.s32 $0x140;
	[sflag:s9] =	ssyncadd.s32 $0xFFFFE000  }
0x223: {  	[tilespmem:s24], [sflag:$0x2] =	stream.indirect.gather [hbm4b:s4+s22], $0x80, s18, s22, $0xb8;
	[tilespmem:$0x1EC00] =	vst v63  }
0x224: {  	_ =	swait.ge [sflag:s10], $0x2000  }
0x225: {  	[sflag:s10] =	ssyncset.done $0x0  }
0x226: {  	s19 =	simm.s32 $0x180;
	[sflag:s10] =	ssyncadd.s32 $0xFFFFE000  }
0x227: {  	[tilespmem:s26], [sflag:$0x3] =	stream.indirect.gather [hbm4b:s4+s22], $0x80, s19, s22, $0xb8;
	[tilespmem:$0x1EC00] =	vst v63  }
0x228: {  	_ =	swait.ge [sflag:s11], $0x2000  }
0x229: {  	s5 =	simm.s32 $0x800;
	[sflag:s11] =	ssyncset.done $0x0  }
0x22a: {  	s6 =	simm.s32 $0x2C0;
	s17 =	simm.s32 $0x1C0;
	[sflag:s11] =	ssyncadd.s32 $0xFFFFE000  }
.LBB2_11:
0x22b: {  	[tilespmem:s29], [sflag:$0x4] =	stream.indirect.gather [hbm4b:s4+s22], $0x80, s17, s22, $0xb8;
	[tilespmem:$0x1EC00] =	vst v63  }
0x22c: {  	s18 =	smov.u32 s5;
	s17 =	smov.u32 s6  }
0x22d: {  	p1 =	sne.s32 s5, $0x7000;
	s5 =	sadd.s32 $0x800, s5;
	_ =	swait.ge [sflag:s30], $0x2000  }
0x22e: {  	s18 =	sshra.s32 s18, $0x2;
	[sflag:s30] =	ssyncset.done $0x0  }
0x22f: {  	s19 =	sadd.s32 $0x1000, s18;
	[sflag:s30] =	ssyncadd.s32 $0xFFFFE000  }
0x230: {  	[spmem:s2] =	stream.indirect.scatter.add.f32 [tilespmem:s23], [sflag:$0x5], $0x80, s19, s22, $0xb8;
	[tilespmem:$0x1EC00] =	vst v63  }
0x231: {  	_ =	swait.ge [sflag:s31], $0x2000  }
0x232: {  	[sflag:s31] =	ssyncset.done $0x0  }
0x233: {  	s19 =	sadd.s32 $0x1080, s18;
	[sflag:s31] =	ssyncadd.s32 $0xFFFFE000  }
0x234: {  	[spmem:s2] =	stream.indirect.scatter.add.f32 [tilespmem:s24], [sflag:$0x6], $0x80, s19, s22, $0xb8;
	[tilespmem:$0x1EC00] =	vst v63  }
0x235: {  	_ =	swait.ge [sflag:s0], $0x2000  }
0x236: {  	[sflag:s0] =	ssyncset.done $0x0  }
0x237: {  	s19 =	sadd.s32 $0x1100, s18;
	[sflag:s0] =	ssyncadd.s32 $0xFFFFE000  }
0x238: {  	[spmem:s2] =	stream.indirect.scatter.add.f32 [tilespmem:s26], [sflag:$0x7], $0x80, s19, s22, $0xb8;
	[tilespmem:$0x1EC00] =	vst v63  }
0x239: {  	_ =	swait.ge [sflag:s1], $0x2000  }
0x23a: {  	[sflag:s1] =	ssyncset.done $0x0  }
0x23b: {  	s18 =	sadd.s32 $0x1180, s18;
	[sflag:s1] =	ssyncadd.s32 $0xFFFFE000  }
0x23c: {  	[spmem:s2] =	stream.indirect.scatter.add.f32 [tilespmem:s29], [sflag:$0x8], $0x80, s18, s22, $0xb8;
	[tilespmem:$0x1EC00] =	vst v63  }
0x23d: {  	_ =	swait.ge [sflag:s8], $0x2000  }
0x23e: {  	[sflag:s8] =	ssyncset.done $0x0  }
0x23f: {  	s18 =	sadd.s32 $0xFFFFFF40, s6;
	[sflag:s8] =	ssyncadd.s32 $0xFFFFE000  }
0x240: {  	[tilespmem:s23], [sflag:$0x1] =	stream.indirect.gather [hbm4b:s4+s22], $0x80, s18, s22, $0xb8;
	[tilespmem:$0x1EC00] =	vst v63  }
0x241: {  	_ =	swait.ge [sflag:s9], $0x2000  }
0x242: {  	[sflag:s9] =	ssyncset.done $0x0  }
0x243: {  	s18 =	sadd.s32 $0xFFFFFF80, s6;
	[sflag:s9] =	ssyncadd.s32 $0xFFFFE000  }
0x244: {  	[tilespmem:s24], [sflag:$0x2] =	stream.indirect.gather [hbm4b:s4+s22], $0x80, s18, s22, $0xb8;
	[tilespmem:$0x1EC00] =	vst v63  }
0x245: {  	_ =	swait.ge [sflag:s10], $0x2000  }
0x246: {  	[sflag:s10] =	ssyncset.done $0x0  }
.Ltmp7:
0x247: {  	s18 =	sadd.s32 $0xFFFFFFC0, s6;
	[sflag:s10] =	ssyncadd.s32 $0xFFFFE000;
	(pc) =	sbr.rel @p1 .LBB2_11-.Ltmp7, $4  }
0x248: {  	[tilespmem:s26], [sflag:$0x3] =	stream.indirect.gather [hbm4b:s4+s22], $0x80, s18, s22, $0xb8;
	[tilespmem:$0x1EC00] =	vst v63  }
0x249: {  	_ =	swait.ge [sflag:s11], $0x2000  }
0x24a: {  	[sflag:s11] =	ssyncset.done $0x0  }
0x24b: {  	s6 =	sadd.s32 $0x100, s6;
	[sflag:s11] =	ssyncadd.s32 $0xFFFFE000  }
.Ltmp8:
0x24c: {  	_ = 	snop;
	(pc) =	sbr.rel .LBB2_12-.Ltmp8, $1  }
0x24d: {  	_ =	sdelay $0x3  }
.LBB2_14:
0x24e: {  	_ =	sfence.sel $0x180000  }
0x24f: {  	[bflag:$0x0] =	sbarrier.arrive $0xFFFF  }
0x250: {  	_ =	strace $0x9000004A  }
0x251: {  	s0 =	stileid.u32;
	[bflag:$0x2] =	sbarrier.arrive $0xFFFF  }
0x252: {  	p0 =	sne.s32 s0, $0x0;
	s0 =	rddreg [dreg:$0x2]  }
0x253: {  	s0 =	sadd.s32 @!p0 $0x100000, s0  }
0x254: {  	[sflag:s0] =	ssyncadd.tile.s32 @!p0 $0x1;
	_ =	shalt  }
.Lfunc_end2:
_tile_overlayer_lowered:
.L_overlay_start_2:
0x255: {  	(tag) =	ssettag $0x2  }
0x256: {  	s0 =	rddreg [dreg:$0x0];
	s2 =	stileid.u32  }
0x257: {  	s1 =	rddreg [dreg:$0x1];
	p0 =	sne.s32 s2, $0x0  }
0x258: {  	s3 =	rddreg [dreg:$0x2];
	[bflag:$0x3] =	sbarrier.arrive $0xFFFF;
	s2 =	simm.s32 @!p0 $0x1C09  }
0x259: {  	[timem:s3], [sflag:s2] =	dma.local @!p0 [hbm:s0], s1  }
0x25a: {  	s0 =	simm.s32 @!p0 $0x9  }
0x25b: {  	_ =	swait.ge @!p0 [sflag:s0], s1  }
0x25c: {  	s1 =	ssub.s32 @!p0 $0x0, s1;
	[sflag:s0] =	ssyncset.done @!p0 $0x0  }
0x25d: {  	[sflag:s0] =	ssyncadd.s32 @!p0 s1  }
0x25e: {  	[bflag:$0x3] =	sbarrier.arrive $0xFFFF  }
0x25f: {  	_ =	shalt  }

// kernel: kernel.14.cloned.1.call-start
scs
__scs_entry_jumppad:
0x0: {  	(pc) =	sbr.rel $0x88, $3  }
0x1: {  	(tag) =	ssettag $0x0;
	lr =	simm.s32 $0x1  }
0x2: {  	[smem:$0x3F98] =	sst lr;
	_ =	strace $0xD0000000  }
0x3: {  	_ = 	snop  }
0x4: {  	_ = 	snop  }
0x5: {  	_ = 	snop  }
0x6: {  	_ = 	snop  }
0x7: {  	_ = 	snop  }
__scs_overlays_trampoline_lowered:
0x8: {  	[smem:$0x3FA7] =	sst s0  }
0x9: {  	[smem:$0x3FA8] =	sst s1  }
0xa: {  	[smem:$0x3FA9] =	sst s2  }
0xb: {  	[smem:$0x3FAA] =	sst s3  }
0xc: {  	[smem:$0x3FAB] =	sst s4  }
0xd: {  	[smem:$0x3FAC] =	sst s5  }
0xe: {  	[smem:$0x3FAD] =	sst s6  }
0xf: {  	[smem:$0x3FAE] =	sst s7  }
0x10: {  	[smem:$0x3FAF] =	sst s8  }
0x11: {  	[smem:$0x3FB0] =	sst s9;
	s0 =	simm.s32 @!p0 $0x0  }
0x12: {  	s1 =	sld [smem:$0x3F96];
	s0 =	simm.s32 @p0 $0x1  }
0x13: {  	[smem:$0x3FB1] =	sst s0;
	s0 =	simm.s32 @!p1 $0x0  }
0x14: {  	s2 =	sld [smem:$0x3F95];
	s0 =	simm.s32 @p1 $0x1  }
0x15: {  	[smem:$0x3FB2] =	sst s0;
	s0 =	simm.s32 @!p2 $0x0  }
0x16: {  	s3 =	sld [smem:$0x3FDB];
	s0 =	simm.s32 @p2 $0x1  }
0x17: {  	s4 =	simm.s32 $0x1BF5;
	[smem:$0x3FB4] =	sst s0  }
0x18: {  	s0 =	sld [smem:$0x3F97];
	_ =	swait.ge [sflag:s4], $0x0  }
0x19: {  	s7 =	sld [smem:$0x3F98]  }
0x1a: {  	s8 =	sadd.s32 $0xFFFFE003, lr  }
0x1b: {  	s9 =	sadd.s32 $0xFFFFFEF7, lr;
	s5 =	simm.s32 $0xFFFFFFFF;
	p2 =	slt.u32 s8, $0xFFFFF086  }
0x1c: {  	p1 =	slt.u32 s9, $0xF7A;
	s5 =	simm.s32 @!p2 $0x0  }
0x1d: {  	s5 =	simm.s32 @p1 $0x1;
	p0 =	seq.s32 s7, s2  }
0x1e: {  	s7 =	smul.u32 @!p0 $0xF7A, s2;
	p2 =	seq.s32 @!p0 s5, $0x0  }
0x1f: {  	s9 =	smul.u32 $0xF7A, s1;
	s8 =	simm.s32 @!p0 $0x1BF5;
	p2 =	por !p2, p0  }
0x20: {  	[sflag:s8] =	ssyncset.s32 @!p0 $0xFFFFF086;
	s6 =	sadd.s32 @!p0 s3, s7;
	s7 =	simm.s32 @!p0 $0x108  }
0x21: {  	s3 =	sadd.s32 s3, s9;
	s6 =	sadd.s32 @!p0 $0x88, s6;
	s7 =	simm.s32 @p2 $0x1082  }
0x22: {  	[simem:s7], [sflag:s8] =	dma.local @!p0 [hbm:s6], $0xF7A  }
0x23: {  	s9 =	sor.u32 $0xD0000000, s2;
	s6 =	simm.s32 $0x108;
	_ =	swait.ge @!p0 [sflag:s8], $0x0  }
0x24: {  	s3 =	sadd.s32 $0x88, s3;
	s6 =	simm.s32 @!p1 $0x1082;
	[sflag:s4] =	ssyncset.s32 $0xFFFFF086  }
0x25: {  	[simem:s6], [sflag:s4] =	dma.local [hbm:s3], $0xF7A  }
0x26: {  	[smem:$0x3F98] =	sst s1;
	(tag) =	ssettag s2;
	_ =	strace s9  }
0x27: {  	s1 =	sld [smem:$0x3FA8]  }
0x28: {  	s2 =	sld [smem:$0x3FA9]  }
0x29: {  	s4 =	sld [smem:$0x3FAB]  }
0x2a: {  	p0 =	seq.s32 s5, $0x0;
	s5 =	sld [smem:$0x3FAC]  }
0x2b: {  	s6 =	sld [smem:$0x3FAD]  }
0x2c: {  	s7 =	sld [smem:$0x3FAE]  }
0x2d: {  	s3 =	simm.s32 $0x108;
	s8 =	sld [smem:$0x3FAF]  }
0x2e: {  	s3 =	simm.s32 @!p0 $0x1082;
	s9 =	sld [smem:$0x3FB0]  }
0x2f: {  	lr =	sadd.s32 s0, s3;
	s0 =	sld [smem:$0x3FA7]  }
0x30: {  	s3 =	sld [smem:$0x3FAA]  }
0x31: {  	[smem:$0x3FB3] =	sst s10  }
0x32: {  	s10 =	sld [smem:$0x3FB1];
	_ =	sdelay $0x3  }
0x33: {  	p0 =	seq.s32 s10, $0x1;
	s10 =	sld [smem:$0x3FB3];
	_ =	sdelay $0x3  }
0x34: {  	[smem:$0x3FB3] =	sst s10  }
0x35: {  	s10 =	sld [smem:$0x3FB2];
	_ =	sdelay $0x3  }
0x36: {  	p1 =	seq.s32 s10, $0x1;
	s10 =	sld [smem:$0x3FB3];
	_ =	sdelay $0x3  }
0x37: {  	[smem:$0x3FB3] =	sst s10  }
0x38: {  	s10 =	sld [smem:$0x3FB4]  }
0x39: {  	_ = 	snop;
	(pc) =	sbr.ind lr, $3  }
0x3a: {  	_ = 	snop  }
0x3b: {  	_ = 	snop  }
0x3c: {  	p2 =	seq.s32 s10, $0x1;
	s10 =	sld [smem:$0x3FB3]  }
0x3d: {  	_ =	shalt  }
0x3e: {  	_ =	shalt  }
0x3f: {  	_ =	shalt  }
0x40: {  	_ =	shalt  }
0x41: {  	_ =	shalt  }
0x42: {  	_ =	shalt  }
0x43: {  	_ =	shalt  }
0x44: {  	_ =	shalt  }
0x45: {  	_ =	shalt  }
0x46: {  	_ =	shalt  }
0x47: {  	_ =	shalt  }
0x48: {  	_ =	shalt  }
0x49: {  	_ =	shalt  }
0x4a: {  	_ =	shalt  }
0x4b: {  	_ =	shalt  }
0x4c: {  	_ =	shalt  }
0x4d: {  	_ =	shalt  }
0x4e: {  	_ =	shalt  }
0x4f: {  	_ =	shalt  }
0x50: {  	_ =	shalt  }
0x51: {  	_ =	shalt  }
0x52: {  	_ =	shalt  }
0x53: {  	_ =	shalt  }
0x54: {  	_ =	shalt  }
0x55: {  	_ =	shalt  }
0x56: {  	_ =	shalt  }
0x57: {  	_ =	shalt  }
0x58: {  	_ =	shalt  }
0x59: {  	_ =	shalt  }
0x5a: {  	_ =	shalt  }
0x5b: {  	_ =	shalt  }
0x5c: {  	_ =	shalt  }
0x5d: {  	_ =	shalt  }
0x5e: {  	_ =	shalt  }
0x5f: {  	_ =	shalt  }
0x60: {  	_ =	shalt  }
0x61: {  	_ =	shalt  }
0x62: {  	_ =	shalt  }
0x63: {  	_ =	shalt  }
0x64: {  	_ =	shalt  }
0x65: {  	_ =	shalt  }
0x66: {  	_ =	shalt  }
0x67: {  	_ =	shalt  }
0x68: {  	_ =	shalt  }
0x69: {  	_ =	shalt  }
0x6a: {  	_ =	shalt  }
0x6b: {  	_ =	shalt  }
0x6c: {  	_ =	shalt  }
0x6d: {  	_ =	shalt  }
0x6e: {  	_ =	shalt  }
0x6f: {  	_ =	shalt  }
0x70: {  	_ =	shalt  }
0x71: {  	_ =	shalt  }
0x72: {  	_ =	shalt  }
0x73: {  	_ =	shalt  }
0x74: {  	_ =	shalt  }
0x75: {  	_ =	shalt  }
0x76: {  	_ =	shalt  }
0x77: {  	_ =	shalt  }
0x78: {  	_ =	shalt  }
0x79: {  	_ =	shalt  }
0x7a: {  	_ =	shalt  }
0x7b: {  	_ =	shalt  }
0x7c: {  	_ =	shalt  }
0x7d: {  	_ =	shalt  }
0x7e: {  	_ =	shalt  }
0x7f: {  	_ =	shalt  }
0x80: {  	_ =	shalt  }
0x81: {  	_ =	shalt  }
0x82: {  	_ =	shalt  }
0x83: {  	_ =	shalt  }
0x84: {  	_ =	shalt  }
0x85: {  	_ =	shalt  }
0x86: {  	_ =	shalt  }
0x87: {  	_ =	shalt  }
.Lfunc_end0:
.L_simem_size_0:
called_computation.2_lowered:
.L_overlay_start_0:
0x88: {  	s2 =	sld [smem:$0x3FD9]  }
0x89: {  	s3 =	sld [smem:$0x3FFE];
	_ =	sdelay $0x1  }
0x8a: {  	s1 =	srdreg.scid  }
0x8b: {  	s0 =	sand.u32 $0x1, s1  }
0x8c: {  	s16 =	sshll.u32 s0, $0xA;
	s2 =	sadd.s32 s3, s2  }
0x8d: {  	s2 =	sadd.s32 s2, s16  }
0x8e: {  	[smem:$0x3FBF] =	sst s2  }
0x8f: {  	_ = 	snop  }
0x90: {  	(tm) =	ssettm $0x1  }
0x91: {  	s17 =	sld [smem:$0x3FFB];
	_ =	sdelay $0x3  }
0x92: {  	_ =	strace s17  }
0x93: {  	s2 =	sld [smem:$0x3FFC];
	_ =	sdelay $0x3  }
0x94: {  	_ =	strace s2  }
0x95: {  	s2 =	sld [smem:$0x3FFD];
	_ =	sdelay $0x3  }
0x96: {  	_ =	strace s2  }
0x97: {  	_ =	strace $0x8FFFFFFF  }
0x98: {  	s18 =	sld [smem:$0x3FDB];
	_ =	sdelay $0x1  }
0x99: {  	s19 =	simm.s32 $_scs_section_size  }
0x9a: {  	s4 =	simm.s32 $_size__tile_overlayer_lowered;
	s5 =	simm.s32 $_tile_overlayer_lowered  }
0x9b: {  	s22 =	simm.s32 $0x1BFF;
	s21 =	sshll.u32 s5, $0x1;
	s2 =	sadd.s32 s19, s18  }
0x9c: {  	s6 =	simm.s32 $0x0;
	s20 =	sshll.u32 s4, $0x1;
	s4 =	sadd.s32 s21, s2  }
0x9d: {  	[timem:s6], [sflag:s22] =	dma.local [hbm:s4], s20  }
0x9e: {  	_ =	swait.ge [sflag:s22], s20  }
0x9f: {  	s3 =	ssub.s32 $0x0, s20;
	[sflag:s22] =	ssyncset.done $0x0  }
0xa0: {  	[sflag:s22] =	ssyncadd.s32 s3;
	_ =	sdelay $0x1  }
0xa1: {  	s23 =	simm.s32 $0x1B8B  }
0xa2: {  	_ =	swait.ge [sflag:s23], $0x1  }
0xa3: {  	[sflag:s23] =	ssyncset.done $0x0  }
0xa4: {  	s25 =	simm.s32 $0x1B8E;
	s24 =	sld [smem:$0x3FFE];
	[sflag:s23] =	ssyncadd.s32 $0xFFFFFFFF  }
0xa5: {  	s26 =	simm.s32 $execute0_lowered;
	[smem:$0x3FD2] =	sst s25  }
0xa6: {  	s4 =	sshll.u32 s26, $0x1;
	_ =	strace $0x8000004C;
	[dreg:$0x1] =	wrdreg $0xFFFFFFFF  }
0xa7: {  	s28 =	simm.s32 $_size_execute0_lowered;
	s2 =	sadd.s32 s2, s4;
	[dreg:$0x0] =	wrdreg $0x0  }
0xa8: {  	s4 =	sshll.u32 s28, $0x1;
	[dreg:$0x2] =	wrdreg s2  }
0xa9: {  	[dreg:$0x3] =	wrdreg s4  }
0xaa: {  	[dreg:$0x4] =	wrdreg $0xC0  }
0xab: {  	_ =	task [dreg:s6], $0x5FFFF  }
0xac: {  	[dreg:$0x1] =	wrdreg $0xFFFFFFFF  }
0xad: {  	[dreg:$0x0] =	wrdreg $0x60  }
0xae: {  	[dreg:$0x2] =	wrdreg s24  }
0xaf: {  	[dreg:$0x3] =	wrdreg $0xB0000  }
0xb0: {  	[dreg:$0x4] =	wrdreg $0x9  }
0xb1: {  	_ =	task.clear_ibuf [dreg:s6], $0x5FFFF;
	_ =	strace $0x9000004C  }
0xb2: {  	s29 =	simm.s32 $0x9;
	_ =	strace $0x8000004E  }
0xb3: {  	_ =	swait.ge [sflag:s29], $0x1  }
0xb4: {  	[sflag:s29] =	ssyncadd.s32 $0xFFFFFFFF  }
0xb5: {  	_ =	strace $0x9000004E  }
0xb6: {  	_ =	sfence  }
0xb7: {  	s30 =	sld [smem:$0x0];
	_ =	sdelay $0x2  }
0xb8: {  	s31 =	sshll.u32 s1, $0xD;
	s1 =	sshrl.u32 s1, $0x2  }
0xb9: {  	s3 =	sand.u32 $0x4000, s31;
	s1 =	sadd.s32 s1, s30  }
0xba: {  	s0 =	sor.u32 s3, s0;
	s1 =	sshll.u32 s1, $0x11  }
0xbb: {  	s0 =	sor.u32 s1, s0  }
0xbc: {  	s0 =	sadd.s32 $0x8F2B, s0  }
0xbd: {  	[sflag:s0] =	ssyncadd.remote.s32 $0x1  }
0xbe: {  	_ =	sfence.sel $0xFFFF  }
0xbf: {  	[dreg:$0x0] =	wrdreg $0xFFFFFFFF;
	(pc) =	sbr.abs _section_cstart, $3  }
0xc0: {  	[dreg:$0x1] =	wrdreg $0xFFFFFFFF  }
0xc1: {  	_ =	task.clear_ibuf [dreg:s6], $0x2FFFF;
	_ =	strace $0x9FFFFFFF  }
0xc2: {  	(tm) =	ssettm $0x7FFFFFFF  }
0xc3: {  	_ =	shalt  }
tec
execute0_lowered:
.L_overlay_start_1:
0x0: {  	(tag) =	ssettag $0x1  }
0x1: {  	s0 =	rddreg [dreg:$0x0]  }
0x2: {  	s2 =	rddreg [dreg:$0x1];
	s3 =	simm.s32 $0x0;
	s12 =	stileid.u32  }
0x3: {  	s1 =	srdreg.scid;
	s28 =	simm.s32 $0xC0;
	s5 =	smul.u32 $0x13C00, s12  }
0x4: {  	s29 =	simm.s32 $0x9000;
	s30 =	simm.s32 $0x1;
	s10 =	smul.u32 $0x4F000, s12  }
0x5: {  	s31 =	simm.s32 $0x2;
	[smem:$0x7FF] =	sst s3;
	s11 =	smul.u32 $0x140, s12  }
0x6: {  	s1 =	sand.u32 $0x1, s1;
	s4 =	sadd.s32 $0x34400, s0;
	s26 =	smul.u32 $0xA00, s12  }
0x7: {  	s8 =	sadd.s32 $0x2A400, s0;
	s13 =	sshll.u32 s12, $0x6;
	s12 =	smul.u32 $0x1400, s12  }
0x8: {  	s9 =	sadd.s32 $0x16400, s0;
	_ =	strace $0x8000004D;
	s6 =	smul.u32 $0x13C000, s1  }
0x9: {  	s23 =	ssub.s32 $0x2, s1;
	p0 =	sne.s32 s1, $0x0;
	s1 =	simm.s32 $0x4  }
0xa: {  	s7 =	sshrl.u32 s5, $0x3;
	s24 =	sshrl.u32 s23, $0x1;
	s25 =	sshrl.u32 s10, $0x2  }
0xb: {  	s14 =	sadd.s32 $0x40, s11;
	s10 =	sadd.s32 s8, s26;
	s15 =	sadd.s32 s9, s12  }
0xc: {  	s19 =	sadd.s32 $0x80, s11;
	s21 =	sadd.s32 $0xC0, s11;
	s12 =	simm.s32 $0x2E00  }
0xd: {  	s7 =	sadd.s32 s7, s0;
	s5 =	sadd.s32 s5, s6;
	[dreg:$0x5] =	wrdreg s10  }
0xe: {  	s17 =	sadd.s32 s25, s2;
	[dreg:$0x6] =	wrdreg s15;
	s16 =	sshll.u32 s14, $0x3  }
0xf: {  	s6 =	sshll.u32 s14, $0x4;
	s20 =	sshll.u32 s19, $0x3;
	s22 =	sshll.u32 s19, $0x4  }
0x10: {  	s25 =	sadd.s32 $0x100, s11;
	s26 =	sshll.u32 s21, $0x4;
	s14 =	simm.s32 $0x2F00  }
0x11: {  	s15 =	simm.s32 $0x2F80;
	s5 =	sshrl.u32 s5, $0x3;
	s18 =	sadd.s32 $0x5BC00, s7  }
0x12: {  	s7 =	sor.u32 $0x1C09, s13;
	s10 =	sadd.s32 s8, s16;
	s6 =	sadd.s32 s9, s6  }
0x13: {  	s11 =	sshll.u32 s25, $0x3;
	s13 =	simm.s32 $0x2E80;
	[dreg:$0x3] =	wrdreg s17  }
0x14: {  	s0 =	sadd.s32 s5, s0;
	s5 =	ssub.s32 s23, s24;
	[dreg:$0x7] =	wrdreg s10  }
0x15: {  	[dreg:$0x8] =	wrdreg s6;
	s6 =	sadd.s32 s8, s20;
	s23 =	sshll.u32 s21, $0x3  }
0x16: {  	s10 =	sadd.s32 s9, s26;
	s20 =	simm.s32 $0x9;
	[dreg:$0x4] =	wrdreg s18  }
0x17: {  	s21 =	simm.s32 $0x1000;
	s26 =	simm.s32 $0x7000;
	[dreg:$0x9] =	wrdreg s6  }
0x18: {  	s6 =	sadd.s32 s9, s22;
	s24 =	sadd.s32 s8, s23;
	[dreg:$0xc] =	wrdreg s10  }
0x19: {  	s8 =	sadd.s32 s8, s11;
	s5 =	smax.u32 s5, $0x1;
	s22 =	simm.s32 $0x40  }
0x1a: {  	s23 =	simm.s32 $0x3000;
	s10 =	simm.s32 $0x7;
	[dreg:$0xa] =	wrdreg s6  }
.Ltmp0:
0x1b: {  	s11 =	simm.s32 $0x8;
	[dreg:$0xb] =	wrdreg s24;
	(pc) =	sbr.rel .LBB2_1-.Ltmp0, $4  }
0x1c: {  	s6 =	sshll.u32 s25, $0x4;
	[dreg:$0xd] =	wrdreg s8;
	s24 =	simm.s32 $0x5000  }
0x1d: {  	s25 =	simm.s32 $0x80;
	[dreg:$0x10] =	wrdreg s5;
	s6 =	sadd.s32 s9, s6  }
0x1e: {  	s8 =	simm.s32 $0x5;
	[dreg:$0xe] =	wrdreg s6;
	s6 =	sadd.s32 $0x83400, s0  }
0x1f: {  	s9 =	simm.s32 $0x6;
	s0 =	simm.s32 $0x3;
	[dreg:$0xf] =	wrdreg s6  }
.LBB2_12:
0x20: {  	[tilespmem:s29], [sflag:$0x4] =	stream.indirect.gather [hbm4b:s4+s22], $0x80, s17, s22, $0xb8;
	[tilespmem:$0x1EC00] =	vst v63  }
0x21: {  	_ =	swait.ge [sflag:s30], $0x2000  }
0x22: {  	[sflag:s30] =	ssyncset.done $0x0  }
0x23: {  	[sflag:s30] =	ssyncadd.s32 $0xFFFFE000  }
0x24: {  	[spmem:s2] =	stream.indirect.scatter.add.f32 [tilespmem:s23], [sflag:$0x5], $0x80, s12, s22, $0xb8;
	[tilespmem:$0x1EC00] =	vst v63  }
0x25: {  	_ =	swait.ge [sflag:s31], $0x2000  }
0x26: {  	[sflag:s31] =	ssyncset.done $0x0  }
0x27: {  	[sflag:s31] =	ssyncadd.s32 $0xFFFFE000  }
0x28: {  	[spmem:s2] =	stream.indirect.scatter.add.f32 [tilespmem:s24], [sflag:$0x6], $0x80, s13, s22, $0xb8;
	[tilespmem:$0x1EC00] =	vst v63  }
0x29: {  	_ =	swait.ge [sflag:s0], $0x2000  }
0x2a: {  	[sflag:s0] =	ssyncset.done $0x0  }
0x2b: {  	[sflag:s0] =	ssyncadd.s32 $0xFFFFE000  }
0x2c: {  	[spmem:s2] =	stream.indirect.scatter.add.f32 [tilespmem:s26], [sflag:$0x7], $0x80, s14, s22, $0xb8;
	[tilespmem:$0x1EC00] =	vst v63  }
0x2d: {  	_ =	swait.ge [sflag:s1], $0x2000  }
0x2e: {  	[sflag:s1] =	ssyncset.done $0x0  }
0x2f: {  	[sflag:s1] =	ssyncadd.s32 $0xFFFFE000  }
0x30: {  	[spmem:s2] =	stream.indirect.scatter.add.f32 [tilespmem:s29], [sflag:$0x8], $0x80, s15, s22, $0xb8;
	[tilespmem:$0x1EC00] =	vst v63  }
0x31: {  	_ =	swait.ge [sflag:s8], $0x2000  }
0x32: {  	[sflag:s8] =	ssyncset.done $0x0  }
0x33: {  	[sflag:s8] =	ssyncadd.s32 $0xFFFFE000  }
0x34: {  	_ =	swait.ge [sflag:s9], $0x2000  }
0x35: {  	[sflag:s9] =	ssyncset.done $0x0  }
0x36: {  	[sflag:s9] =	ssyncadd.s32 $0xFFFFE000  }
0x37: {  	_ =	swait.ge [sflag:s10], $0x2000  }
0x38: {  	[sflag:s10] =	ssyncset.done $0x0  }
0x39: {  	[sflag:s10] =	ssyncadd.s32 $0xFFFFE000  }
0x3a: {  	_ =	swait.ge [sflag:s11], $0x2000  }
0x3b: {  	s17 =	rddreg [dreg:$0x3]  }
0x3c: {  	s18 =	rddreg [dreg:$0x4]  }
0x3d: {  	[sflag:s11] =	ssyncset.done $0x0;
	s6 =	rddreg [dreg:$0xf]  }
0x3e: {  	s5 =	rddreg [dreg:$0x10];
	[sflag:s11] =	ssyncadd.s32 $0xFFFFE000  }
.LBB2_13:
0x3f: {  	s3 =	sadd.s32 $0x1, s3  }
0x40: {  	p1 =	sne.s32 s3, s5  }
.Ltmp1:
0x41: {  	[bflag:$0x0] =	sbarrier.arrive $0xFFFF;
	(pc) =	sbr.rel @!p1 .LBB2_14-.Ltmp1, $4  }
0x42: {  	[hbm:s6], [sflag:s7] =	dma.local [spmem:s16], $0x2780  }
0x43: {  	_ =	swait.ge [sflag:s20], $0x2780  }
0x44: {  	[sflag:s20] =	ssyncset.done $0x0  }
0x45: {  	[sflag:s20] =	ssyncadd.s32 $0xFFFFD880  }
.LBB2_1:
0x46: {  	s16 =	sshrl.u32 s17, $0x3  }
0x47: {  	[spmem:s16], [sflag:s7] =	dma.local [hbm:s18], $0x2780  }
.Ltmp2:
0x48: {  	_ =	swait.ge [sflag:s20], $0x2780;
	(pc) =	sbr.rel @p0 .LBB2_13-.Ltmp2, $3  }
0x49: {  	[sflag:s20] =	ssyncset.done $0x0  }
0x4a: {  	[sflag:s20] =	ssyncadd.s32 $0xFFFFD880  }
0x4b: {  	[bflag:$0x0] =	sbarrier.arrive $0xFFFF;
	_ =	sdelay $0x1  }
0x4c: {  	s5 =	simm.s32 $0x0;
	s6 =	rddreg [dreg:$0x5]  }
0x4d: {  	[tilespmem:s5], [sflag:$0x9] =	stream.linear.gather [hbm4b:s6+s5], $0x1000, $0x38;
	[tilespmem:$0x1EC00] =	vst v63  }
0x4e: {  	_ =	swait.ge [sflag:s20], $0x1000  }
0x4f: {  	[sflag:s20] =	ssyncset.done $0x0  }
0x50: {  	s19 =	rddreg [dreg:$0x6];
	[sflag:s20] =	ssyncadd.s32 $0xFFFFF000  }
0x51: {  	[tilespmem:s21], [sflag:$0x9] =	stream.linear.gather [hbm4b:s19+s5], $0x2000, $0x38;
	[tilespmem:$0x1EC00] =	vst v63  }
0x52: {  	_ =	swait.ge [sflag:s20], $0x2000  }
0x53: {  	[sflag:s20] =	ssyncset.done $0x0  }
0x54: {  	[sflag:s20] =	ssyncadd.s32 $0xFFFFE000  }
0x55: {  	[tilespmem:s23], [sflag:$0x1] =	stream.indirect.gather [hbm4b:s4+s22], $0x80, s5, s22, $0xb8;
	[tilespmem:$0x1EC00] =	vst v63  }
0x56: {  	_ = 	snop  }
0x57: {  	[tilespmem:s24], [sflag:$0x2] =	stream.indirect.gather [hbm4b:s4+s22], $0x80, s22, s22, $0xb8;
	[tilespmem:$0x1EC00] =	vst v63  }
0x58: {  	_ = 	snop  }
0x59: {  	[tilespmem:s26], [sflag:$0x3] =	stream.indirect.gather [hbm4b:s4+s22], $0x80, s25, s22, $0xb8;
	[tilespmem:$0x1EC00] =	vst v63  }
0x5a: {  	_ = 	snop  }
0x5b: {  	[tilespmem:s29], [sflag:$0x4] =	stream.indirect.gather [hbm4b:s4+s22], $0x80, s28, s22, $0xb8;
	[tilespmem:$0x1EC00] =	vst v63  }
0x5c: {  	_ =	swait.ge [sflag:s30], $0x2000  }
0x5d: {  	[sflag:s30] =	ssyncset.done $0x0  }
0x5e: {  	s17 =	simm.s32 $0x1000;
	[sflag:s30] =	ssyncadd.s32 $0xFFFFE000  }
0x5f: {  	[spmem:s2] =	stream.indirect.scatter.add.f32 [tilespmem:s23], [sflag:$0x5], $0x80, s17, s22, $0xb8;
	[tilespmem:$0x1EC00] =	vst v63  }
0x60: {  	_ =	swait.ge [sflag:s31], $0x2000  }
0x61: {  	[sflag:s31] =	ssyncset.done $0x0  }
0x62: {  	s18 =	simm.s32 $0x1080;
	[sflag:s31] =	ssyncadd.s32 $0xFFFFE000  }
0x63: {  	[spmem:s2] =	stream.indirect.scatter.add.f32 [tilespmem:s24], [sflag:$0x6], $0x80, s18, s22, $0xb8;
	[tilespmem:$0x1EC00] =	vst v63  }
0x64: {  	_ =	swait.ge [sflag:s0], $0x2000  }
0x65: {  	[sflag:s0] =	ssyncset.done $0x0  }
0x66: {  	s19 =	simm.s32 $0x1100;
	[sflag:s0] =	ssyncadd.s32 $0xFFFFE000  }
0x67: {  	[spmem:s2] =	stream.indirect.scatter.add.f32 [tilespmem:s26], [sflag:$0x7], $0x80, s19, s22, $0xb8;
	[tilespmem:$0x1EC00] =	vst v63  }
0x68: {  	_ =	swait.ge [sflag:s1], $0x2000  }
0x69: {  	[sflag:s1] =	ssyncset.done $0x0  }
0x6a: {  	s6 =	simm.s32 $0x1180;
	[sflag:s1] =	ssyncadd.s32 $0xFFFFE000  }
0x6b: {  	[spmem:s2] =	stream.indirect.scatter.add.f32 [tilespmem:s29], [sflag:$0x8], $0x80, s6, s22, $0xb8;
	[tilespmem:$0x1EC00] =	vst v63  }
0x6c: {  	_ =	swait.ge [sflag:s8], $0x2000  }
0x6d: {  	[sflag:s8] =	ssyncset.done $0x0  }
0x6e: {  	s17 =	simm.s32 $0x100;
	[sflag:s8] =	ssyncadd.s32 $0xFFFFE000  }
0x6f: {  	[tilespmem:s23], [sflag:$0x1] =	stream.indirect.gather [hbm4b:s4+s22], $0x80, s17, s22, $0xb8;
	[tilespmem:$0x1EC00] =	vst v63  }
0x70: {  	_ =	swait.ge [sflag:s9], $0x2000  }
0x71: {  	[sflag:s9] =	ssyncset.done $0x0  }
0x72: {  	s18 =	simm.s32 $0x140;
	[sflag:s9] =	ssyncadd.s32 $0xFFFFE000  }
0x73: {  	[tilespmem:s24], [sflag:$0x2] =	stream.indirect.gather [hbm4b:s4+s22], $0x80, s18, s22, $0xb8;
	[tilespmem:$0x1EC00] =	vst v63  }
0x74: {  	_ =	swait.ge [sflag:s10], $0x2000  }
0x75: {  	[sflag:s10] =	ssyncset.done $0x0  }
0x76: {  	s19 =	simm.s32 $0x180;
	[sflag:s10] =	ssyncadd.s32 $0xFFFFE000  }
0x77: {  	[tilespmem:s26], [sflag:$0x3] =	stream.indirect.gather [hbm4b:s4+s22], $0x80, s19, s22, $0xb8;
	[tilespmem:$0x1EC00] =	vst v63  }
0x78: {  	_ =	swait.ge [sflag:s11], $0x2000  }
0x79: {  	s5 =	simm.s32 $0x800;
	[sflag:s11] =	ssyncset.done $0x0  }
0x7a: {  	s6 =	simm.s32 $0x2C0;
	s17 =	simm.s32 $0x1C0;
	[sflag:s11] =	ssyncadd.s32 $0xFFFFE000  }
.LBB2_3:
0x7b: {  	[tilespmem:s29], [sflag:$0x4] =	stream.indirect.gather [hbm4b:s4+s22], $0x80, s17, s22, $0xb8;
	[tilespmem:$0x1EC00] =	vst v63  }
0x7c: {  	s18 =	smov.u32 s5;
	s17 =	smov.u32 s6  }
0x7d: {  	p1 =	sne.s32 s5, $0x7000;
	s5 =	sadd.s32 $0x800, s5;
	_ =	swait.ge [sflag:s30], $0x2000  }
0x7e: {  	s18 =	sshra.s32 s18, $0x2;
	[sflag:s30] =	ssyncset.done $0x0  }
0x7f: {  	s19 =	sadd.s32 $0x1000, s18;
	[sflag:s30] =	ssyncadd.s32 $0xFFFFE000  }
0x80: {  	[spmem:s2] =	stream.indirect.scatter.add.f32 [tilespmem:s23], [sflag:$0x5], $0x80, s19, s22, $0xb8;
	[tilespmem:$0x1EC00] =	vst v63  }
0x81: {  	_ =	swait.ge [sflag:s31], $0x2000  }
0x82: {  	[sflag:s31] =	ssyncset.done $0x0  }
0x83: {  	s19 =	sadd.s32 $0x1080, s18;
	[sflag:s31] =	ssyncadd.s32 $0xFFFFE000  }
0x84: {  	[spmem:s2] =	stream.indirect.scatter.add.f32 [tilespmem:s24], [sflag:$0x6], $0x80, s19, s22, $0xb8;
	[tilespmem:$0x1EC00] =	vst v63  }
0x85: {  	_ =	swait.ge [sflag:s0], $0x2000  }
0x86: {  	[sflag:s0] =	ssyncset.done $0x0  }
0x87: {  	s19 =	sadd.s32 $0x1100, s18;
	[sflag:s0] =	ssyncadd.s32 $0xFFFFE000  }
0x88: {  	[spmem:s2] =	stream.indirect.scatter.add.f32 [tilespmem:s26], [sflag:$0x7], $0x80, s19, s22, $0xb8;
	[tilespmem:$0x1EC00] =	vst v63  }
0x89: {  	_ =	swait.ge [sflag:s1], $0x2000  }
0x8a: {  	[sflag:s1] =	ssyncset.done $0x0  }
0x8b: {  	s18 =	sadd.s32 $0x1180, s18;
	[sflag:s1] =	ssyncadd.s32 $0xFFFFE000  }
0x8c: {  	[spmem:s2] =	stream.indirect.scatter.add.f32 [tilespmem:s29], [sflag:$0x8], $0x80, s18, s22, $0xb8;
	[tilespmem:$0x1EC00] =	vst v63  }
0x8d: {  	_ =	swait.ge [sflag:s8], $0x2000  }
0x8e: {  	[sflag:s8] =	ssyncset.done $0x0  }
0x8f: {  	s18 =	sadd.s32 $0xFFFFFF40, s6;
	[sflag:s8] =	ssyncadd.s32 $0xFFFFE000  }
0x90: {  	[tilespmem:s23], [sflag:$0x1] =	stream.indirect.gather [hbm4b:s4+s22], $0x80, s18, s22, $0xb8;
	[tilespmem:$0x1EC00] =	vst v63  }
0x91: {  	_ =	swait.ge [sflag:s9], $0x2000  }
0x92: {  	[sflag:s9] =	ssyncset.done $0x0  }
0x93: {  	s18 =	sadd.s32 $0xFFFFFF80, s6;
	[sflag:s9] =	ssyncadd.s32 $0xFFFFE000  }
0x94: {  	[tilespmem:s24], [sflag:$0x2] =	stream.indirect.gather [hbm4b:s4+s22], $0x80, s18, s22, $0xb8;
	[tilespmem:$0x1EC00] =	vst v63  }
0x95: {  	_ =	swait.ge [sflag:s10], $0x2000  }
0x96: {  	[sflag:s10] =	ssyncset.done $0x0  }
.Ltmp3:
0x97: {  	s18 =	sadd.s32 $0xFFFFFFC0, s6;
	[sflag:s10] =	ssyncadd.s32 $0xFFFFE000;
	(pc) =	sbr.rel @p1 .LBB2_3-.Ltmp3, $4  }
0x98: {  	[tilespmem:s26], [sflag:$0x3] =	stream.indirect.gather [hbm4b:s4+s22], $0x80, s18, s22, $0xb8;
	[tilespmem:$0x1EC00] =	vst v63  }
0x99: {  	_ =	swait.ge [sflag:s11], $0x2000  }
0x9a: {  	[sflag:s11] =	ssyncset.done $0x0  }
0x9b: {  	s6 =	sadd.s32 $0x100, s6;
	[sflag:s11] =	ssyncadd.s32 $0xFFFFE000  }
0x9c: {  	[tilespmem:s29], [sflag:$0x4] =	stream.indirect.gather [hbm4b:s4+s22], $0x80, s17, s22, $0xb8;
	[tilespmem:$0x1EC00] =	vst v63  }
0x9d: {  	_ =	swait.ge [sflag:s30], $0x2000  }
0x9e: {  	[sflag:s30] =	ssyncset.done $0x0  }
0x9f: {  	[sflag:s30] =	ssyncadd.s32 $0xFFFFE000  }
0xa0: {  	[spmem:s2] =	stream.indirect.scatter.add.f32 [tilespmem:s23], [sflag:$0x5], $0x80, s12, s22, $0xb8;
	[tilespmem:$0x1EC00] =	vst v63  }
0xa1: {  	_ =	swait.ge [sflag:s31], $0x2000  }
0xa2: {  	[sflag:s31] =	ssyncset.done $0x0  }
0xa3: {  	[sflag:s31] =	ssyncadd.s32 $0xFFFFE000  }
0xa4: {  	[spmem:s2] =	stream.indirect.scatter.add.f32 [tilespmem:s24], [sflag:$0x6], $0x80, s13, s22, $0xb8;
	[tilespmem:$0x1EC00] =	vst v63  }
0xa5: {  	_ =	swait.ge [sflag:s0], $0x2000  }
0xa6: {  	[sflag:s0] =	ssyncset.done $0x0  }
0xa7: {  	[sflag:s0] =	ssyncadd.s32 $0xFFFFE000  }
0xa8: {  	[spmem:s2] =	stream.indirect.scatter.add.f32 [tilespmem:s26], [sflag:$0x7], $0x80, s14, s22, $0xb8;
	[tilespmem:$0x1EC00] =	vst v63  }
0xa9: {  	_ =	swait.ge [sflag:s1], $0x2000  }
0xaa: {  	[sflag:s1] =	ssyncset.done $0x0  }
0xab: {  	[sflag:s1] =	ssyncadd.s32 $0xFFFFE000  }
0xac: {  	[spmem:s2] =	stream.indirect.scatter.add.f32 [tilespmem:s29], [sflag:$0x8], $0x80, s15, s22, $0xb8;
	[tilespmem:$0x1EC00] =	vst v63  }
0xad: {  	_ =	swait.ge [sflag:s8], $0x2000  }
0xae: {  	[sflag:s8] =	ssyncset.done $0x0  }
0xaf: {  	[sflag:s8] =	ssyncadd.s32 $0xFFFFE000  }
0xb0: {  	_ =	swait.ge [sflag:s9], $0x2000  }
0xb1: {  	[sflag:s9] =	ssyncset.done $0x0  }
0xb2: {  	[sflag:s9] =	ssyncadd.s32 $0xFFFFE000  }
0xb3: {  	_ =	swait.ge [sflag:s10], $0x2000  }
0xb4: {  	[sflag:s10] =	ssyncset.done $0x0  }
0xb5: {  	[sflag:s10] =	ssyncadd.s32 $0xFFFFE000  }
0xb6: {  	_ =	swait.ge [sflag:s11], $0x2000  }
0xb7: {  	[sflag:s11] =	ssyncset.done $0x0  }
0xb8: {  	s5 =	simm.s32 $0x0;
	s6 =	rddreg [dreg:$0x7];
	[sflag:s11] =	ssyncadd.s32 $0xFFFFE000  }
0xb9: {  	[tilespmem:s5], [sflag:$0x9] =	stream.linear.gather [hbm4b:s6+s5], $0x1000, $0x38;
	[tilespmem:$0x1EC00] =	vst v63  }
0xba: {  	_ =	swait.ge [sflag:s20], $0x1000  }
0xbb: {  	[sflag:s20] =	ssyncset.done $0x0  }
0xbc: {  	s19 =	rddreg [dreg:$0x8];
	[sflag:s20] =	ssyncadd.s32 $0xFFFFF000  }
0xbd: {  	[tilespmem:s21], [sflag:$0x9] =	stream.linear.gather [hbm4b:s19+s5], $0x2000, $0x38;
	[tilespmem:$0x1EC00] =	vst v63  }
0xbe: {  	_ =	swait.ge [sflag:s20], $0x2000  }
0xbf: {  	[sflag:s20] =	ssyncset.done $0x0  }
0xc0: {  	[sflag:s20] =	ssyncadd.s32 $0xFFFFE000  }
0xc1: {  	[tilespmem:s23], [sflag:$0x1] =	stream.indirect.gather [hbm4b:s4+s22], $0x80, s5, s22, $0xb8;
	[tilespmem:$0x1EC00] =	vst v63  }
0xc2: {  	_ = 	snop  }
0xc3: {  	[tilespmem:s24], [sflag:$0x2] =	stream.indirect.gather [hbm4b:s4+s22], $0x80, s22, s22, $0xb8;
	[tilespmem:$0x1EC00] =	vst v63  }
0xc4: {  	_ = 	snop  }
0xc5: {  	[tilespmem:s26], [sflag:$0x3] =	stream.indirect.gather [hbm4b:s4+s22], $0x80, s25, s22, $0xb8;
	[tilespmem:$0x1EC00] =	vst v63  }
0xc6: {  	_ = 	snop  }
0xc7: {  	[tilespmem:s29], [sflag:$0x4] =	stream.indirect.gather [hbm4b:s4+s22], $0x80, s28, s22, $0xb8;
	[tilespmem:$0x1EC00] =	vst v63  }
0xc8: {  	_ =	swait.ge [sflag:s30], $0x2000  }
0xc9: {  	[sflag:s30] =	ssyncset.done $0x0  }
0xca: {  	s17 =	simm.s32 $0x1000;
	[sflag:s30] =	ssyncadd.s32 $0xFFFFE000  }
0xcb: {  	[spmem:s2] =	stream.indirect.scatter.add.f32 [tilespmem:s23], [sflag:$0x5], $0x80, s17, s22, $0xb8;
	[tilespmem:$0x1EC00] =	vst v63  }
0xcc: {  	_ =	swait.ge [sflag:s31], $0x2000  }
0xcd: {  	[sflag:s31] =	ssyncset.done $0x0  }
0xce: {  	s18 =	simm.s32 $0x1080;
	[sflag:s31] =	ssyncadd.s32 $0xFFFFE000  }
0xcf: {  	[spmem:s2] =	stream.indirect.scatter.add.f32 [tilespmem:s24], [sflag:$0x6], $0x80, s18, s22, $0xb8;
	[tilespmem:$0x1EC00] =	vst v63  }
0xd0: {  	_ =	swait.ge [sflag:s0], $0x2000  }
0xd1: {  	[sflag:s0] =	ssyncset.done $0x0  }
0xd2: {  	s19 =	simm.s32 $0x1100;
	[sflag:s0] =	ssyncadd.s32 $0xFFFFE000  }
0xd3: {  	[spmem:s2] =	stream.indirect.scatter.add.f32 [tilespmem:s26], [sflag:$0x7], $0x80, s19, s22, $0xb8;
	[tilespmem:$0x1EC00] =	vst v63  }
0xd4: {  	_ =	swait.ge [sflag:s1], $0x2000  }
0xd5: {  	[sflag:s1] =	ssyncset.done $0x0  }
0xd6: {  	s6 =	simm.s32 $0x1180;
	[sflag:s1] =	ssyncadd.s32 $0xFFFFE000  }
0xd7: {  	[spmem:s2] =	stream.indirect.scatter.add.f32 [tilespmem:s29], [sflag:$0x8], $0x80, s6, s22, $0xb8;
	[tilespmem:$0x1EC00] =	vst v63  }
0xd8: {  	_ =	swait.ge [sflag:s8], $0x2000  }
0xd9: {  	[sflag:s8] =	ssyncset.done $0x0  }
0xda: {  	s17 =	simm.s32 $0x100;
	[sflag:s8] =	ssyncadd.s32 $0xFFFFE000  }
0xdb: {  	[tilespmem:s23], [sflag:$0x1] =	stream.indirect.gather [hbm4b:s4+s22], $0x80, s17, s22, $0xb8;
	[tilespmem:$0x1EC00] =	vst v63  }
0xdc: {  	_ =	swait.ge [sflag:s9], $0x2000  }
0xdd: {  	[sflag:s9] =	ssyncset.done $0x0  }
0xde: {  	s18 =	simm.s32 $0x140;
	[sflag:s9] =	ssyncadd.s32 $0xFFFFE000  }
0xdf: {  	[tilespmem:s24], [sflag:$0x2] =	stream.indirect.gather [hbm4b:s4+s22], $0x80, s18, s22, $0xb8;
	[tilespmem:$0x1EC00] =	vst v63  }
0xe0: {  	_ =	swait.ge [sflag:s10], $0x2000  }
0xe1: {  	[sflag:s10] =	ssyncset.done $0x0  }
0xe2: {  	s19 =	simm.s32 $0x180;
	[sflag:s10] =	ssyncadd.s32 $0xFFFFE000  }
0xe3: {  	[tilespmem:s26], [sflag:$0x3] =	stream.indirect.gather [hbm4b:s4+s22], $0x80, s19, s22, $0xb8;
	[tilespmem:$0x1EC00] =	vst v63  }
0xe4: {  	_ =	swait.ge [sflag:s11], $0x2000  }
0xe5: {  	s5 =	simm.s32 $0x800;
	[sflag:s11] =	ssyncset.done $0x0  }
0xe6: {  	s6 =	simm.s32 $0x2C0;
	s17 =	simm.s32 $0x1C0;
	[sflag:s11] =	ssyncadd.s32 $0xFFFFE000  }
.LBB2_5:
0xe7: {  	[tilespmem:s29], [sflag:$0x4] =	stream.indirect.gather [hbm4b:s4+s22], $0x80, s17, s22, $0xb8;
	[tilespmem:$0x1EC00] =	vst v63  }
0xe8: {  	s18 =	smov.u32 s5;
	s17 =	smov.u32 s6  }
0xe9: {  	p1 =	sne.s32 s5, $0x7000;
	s5 =	sadd.s32 $0x800, s5;
	_ =	swait.ge [sflag:s30], $0x2000  }
0xea: {  	s18 =	sshra.s32 s18, $0x2;
	[sflag:s30] =	ssyncset.done $0x0  }
0xeb: {  	s19 =	sadd.s32 $0x1000, s18;
	[sflag:s30] =	ssyncadd.s32 $0xFFFFE000  }
0xec: {  	[spmem:s2] =	stream.indirect.scatter.add.f32 [tilespmem:s23], [sflag:$0x5], $0x80, s19, s22, $0xb8;
	[tilespmem:$0x1EC00] =	vst v63  }
0xed: {  	_ =	swait.ge [sflag:s31], $0x2000  }
0xee: {  	[sflag:s31] =	ssyncset.done $0x0  }
0xef: {  	s19 =	sadd.s32 $0x1080, s18;
	[sflag:s31] =	ssyncadd.s32 $0xFFFFE000  }
0xf0: {  	[spmem:s2] =	stream.indirect.scatter.add.f32 [tilespmem:s24], [sflag:$0x6], $0x80, s19, s22, $0xb8;
	[tilespmem:$0x1EC00] =	vst v63  }
0xf1: {  	_ =	swait.ge [sflag:s0], $0x2000  }
0xf2: {  	[sflag:s0] =	ssyncset.done $0x0  }
0xf3: {  	s19 =	sadd.s32 $0x1100, s18;
	[sflag:s0] =	ssyncadd.s32 $0xFFFFE000  }
0xf4: {  	[spmem:s2] =	stream.indirect.scatter.add.f32 [tilespmem:s26], [sflag:$0x7], $0x80, s19, s22, $0xb8;
	[tilespmem:$0x1EC00] =	vst v63  }
0xf5: {  	_ =	swait.ge [sflag:s1], $0x2000  }
0xf6: {  	[sflag:s1] =	ssyncset.done $0x0  }
0xf7: {  	s18 =	sadd.s32 $0x1180, s18;
	[sflag:s1] =	ssyncadd.s32 $0xFFFFE000  }
0xf8: {  	[spmem:s2] =	stream.indirect.scatter.add.f32 [tilespmem:s29], [sflag:$0x8], $0x80, s18, s22, $0xb8;
	[tilespmem:$0x1EC00] =	vst v63  }
0xf9: {  	_ =	swait.ge [sflag:s8], $0x2000  }
0xfa: {  	[sflag:s8] =	ssyncset.done $0x0  }
0xfb: {  	s18 =	sadd.s32 $0xFFFFFF40, s6;
	[sflag:s8] =	ssyncadd.s32 $0xFFFFE000  }
0xfc: {  	[tilespmem:s23], [sflag:$0x1] =	stream.indirect.gather [hbm4b:s4+s22], $0x80, s18, s22, $0xb8;
	[tilespmem:$0x1EC00] =	vst v63  }
0xfd: {  	_ =	swait.ge [sflag:s9], $0x2000  }
0xfe: {  	[sflag:s9] =	ssyncset.done $0x0  }
0xff: {  	s18 =	sadd.s32 $0xFFFFFF80, s6;
	[sflag:s9] =	ssyncadd.s32 $0xFFFFE000  }
0x100: {  	[tilespmem:s24], [sflag:$0x2] =	stream.indirect.gather [hbm4b:s4+s22], $0x80, s18, s22, $0xb8;
	[tilespmem:$0x1EC00] =	vst v63  }
0x101: {  	_ =	swait.ge [sflag:s10], $0x2000  }
0x102: {  	[sflag:s10] =	ssyncset.done $0x0  }
.Ltmp4:
0x103: {  	s18 =	sadd.s32 $0xFFFFFFC0, s6;
	[sflag:s10] =	ssyncadd.s32 $0xFFFFE000;
	(pc) =	sbr.rel @p1 .LBB2_5-.Ltmp4, $4  }
0x104: {  	[tilespmem:s26], [sflag:$0x3] =	stream.indirect.gather [hbm4b:s4+s22], $0x80, s18, s22, $0xb8;
	[tilespmem:$0x1EC00] =	vst v63  }
0x105: {  	_ =	swait.ge [sflag:s11], $0x2000  }
0x106: {  	[sflag:s11] =	ssyncset.done $0x0  }
0x107: {  	s6 =	sadd.s32 $0x100, s6;
	[sflag:s11] =	ssyncadd.s32 $0xFFFFE000  }
0x108: {  	[tilespmem:s29], [sflag:$0x4] =	stream.indirect.gather [hbm4b:s4+s22], $0x80, s17, s22, $0xb8;
	[tilespmem:$0x1EC00] =	vst v63  }
0x109: {  	_ =	swait.ge [sflag:s30], $0x2000  }
0x10a: {  	[sflag:s30] =	ssyncset.done $0x0  }
0x10b: {  	[sflag:s30] =	ssyncadd.s32 $0xFFFFE000  }
0x10c: {  	[spmem:s2] =	stream.indirect.scatter.add.f32 [tilespmem:s23], [sflag:$0x5], $0x80, s12, s22, $0xb8;
	[tilespmem:$0x1EC00] =	vst v63  }
0x10d: {  	_ =	swait.ge [sflag:s31], $0x2000  }
0x10e: {  	[sflag:s31] =	ssyncset.done $0x0  }
0x10f: {  	[sflag:s31] =	ssyncadd.s32 $0xFFFFE000  }
0x110: {  	[spmem:s2] =	stream.indirect.scatter.add.f32 [tilespmem:s24], [sflag:$0x6], $0x80, s13, s22, $0xb8;
	[tilespmem:$0x1EC00] =	vst v63  }
0x111: {  	_ =	swait.ge [sflag:s0], $0x2000  }
0x112: {  	[sflag:s0] =	ssyncset.done $0x0  }
0x113: {  	[sflag:s0] =	ssyncadd.s32 $0xFFFFE000  }
0x114: {  	[spmem:s2] =	stream.indirect.scatter.add.f32 [tilespmem:s26], [sflag:$0x7], $0x80, s14, s22, $0xb8;
	[tilespmem:$0x1EC00] =	vst v63  }
0x115: {  	_ =	swait.ge [sflag:s1], $0x2000  }
0x116: {  	[sflag:s1] =	ssyncset.done $0x0  }
0x117: {  	[sflag:s1] =	ssyncadd.s32 $0xFFFFE000  }
0x118: {  	[spmem:s2] =	stream.indirect.scatter.add.f32 [tilespmem:s29], [sflag:$0x8], $0x80, s15, s22, $0xb8;
	[tilespmem:$0x1EC00] =	vst v63  }
0x119: {  	_ =	swait.ge [sflag:s8], $0x2000  }
0x11a: {  	[sflag:s8] =	ssyncset.done $0x0  }
0x11b: {  	[sflag:s8] =	ssyncadd.s32 $0xFFFFE000  }
0x11c: {  	_ =	swait.ge [sflag:s9], $0x2000  }
0x11d: {  	[sflag:s9] =	ssyncset.done $0x0  }
0x11e: {  	[sflag:s9] =	ssyncadd.s32 $0xFFFFE000  }
0x11f: {  	_ =	swait.ge [sflag:s10], $0x2000  }
0x120: {  	[sflag:s10] =	ssyncset.done $0x0  }
0x121: {  	[sflag:s10] =	ssyncadd.s32 $0xFFFFE000  }
0x122: {  	_ =	swait.ge [sflag:s11], $0x2000  }
0x123: {  	[sflag:s11] =	ssyncset.done $0x0  }
0x124: {  	s5 =	simm.s32 $0x0;
	s6 =	rddreg [dreg:$0x9];
	[sflag:s11] =	ssyncadd.s32 $0xFFFFE000  }
0x125: {  	[tilespmem:s5], [sflag:$0x9] =	stream.linear.gather [hbm4b:s6+s5], $0x1000, $0x38;
	[tilespmem:$0x1EC00] =	vst v63  }
0x126: {  	_ =	swait.ge [sflag:s20], $0x1000  }
0x127: {  	[sflag:s20] =	ssyncset.done $0x0  }
0x128: {  	s19 =	rddreg [dreg:$0xa];
	[sflag:s20] =	ssyncadd.s32 $0xFFFFF000  }
0x129: {  	[tilespmem:s21], [sflag:$0x9] =	stream.linear.gather [hbm4b:s19+s5], $0x2000, $0x38;
	[tilespmem:$0x1EC00] =	vst v63  }
0x12a: {  	_ =	swait.ge [sflag:s20], $0x2000  }
0x12b: {  	[sflag:s20] =	ssyncset.done $0x0  }
0x12c: {  	[sflag:s20] =	ssyncadd.s32 $0xFFFFE000  }
0x12d: {  	[tilespmem:s23], [sflag:$0x1] =	stream.indirect.gather [hbm4b:s4+s22], $0x80, s5, s22, $0xb8;
	[tilespmem:$0x1EC00] =	vst v63  }
0x12e: {  	_ = 	snop  }
0x12f: {  	[tilespmem:s24], [sflag:$0x2] =	stream.indirect.gather [hbm4b:s4+s22], $0x80, s22, s22, $0xb8;
	[tilespmem:$0x1EC00] =	vst v63  }
0x130: {  	_ = 	snop  }
0x131: {  	[tilespmem:s26], [sflag:$0x3] =	stream.indirect.gather [hbm4b:s4+s22], $0x80, s25, s22, $0xb8;
	[tilespmem:$0x1EC00] =	vst v63  }
0x132: {  	_ = 	snop  }
0x133: {  	[tilespmem:s29], [sflag:$0x4] =	stream.indirect.gather [hbm4b:s4+s22], $0x80, s28, s22, $0xb8;
	[tilespmem:$0x1EC00] =	vst v63  }
0x134: {  	_ =	swait.ge [sflag:s30], $0x2000  }
0x135: {  	[sflag:s30] =	ssyncset.done $0x0  }
0x136: {  	s17 =	simm.s32 $0x1000;
	[sflag:s30] =	ssyncadd.s32 $0xFFFFE000  }
0x137: {  	[spmem:s2] =	stream.indirect.scatter.add.f32 [tilespmem:s23], [sflag:$0x5], $0x80, s17, s22, $0xb8;
	[tilespmem:$0x1EC00] =	vst v63  }
0x138: {  	_ =	swait.ge [sflag:s31], $0x2000  }
0x139: {  	[sflag:s31] =	ssyncset.done $0x0  }
0x13a: {  	s18 =	simm.s32 $0x1080;
	[sflag:s31] =	ssyncadd.s32 $0xFFFFE000  }
0x13b: {  	[spmem:s2] =	stream.indirect.scatter.add.f32 [tilespmem:s24], [sflag:$0x6], $0x80, s18, s22, $0xb8;
	[tilespmem:$0x1EC00] =	vst v63  }
0x13c: {  	_ =	swait.ge [sflag:s0], $0x2000  }
0x13d: {  	[sflag:s0] =	ssyncset.done $0x0  }
0x13e: {  	s19 =	simm.s32 $0x1100;
	[sflag:s0] =	ssyncadd.s32 $0xFFFFE000  }
0x13f: {  	[spmem:s2] =	stream.indirect.scatter.add.f32 [tilespmem:s26], [sflag:$0x7], $0x80, s19, s22, $0xb8;
	[tilespmem:$0x1EC00] =	vst v63  }
0x140: {  	_ =	swait.ge [sflag:s1], $0x2000  }
0x141: {  	[sflag:s1] =	ssyncset.done $0x0  }
0x142: {  	s6 =	simm.s32 $0x1180;
	[sflag:s1] =	ssyncadd.s32 $0xFFFFE000  }
0x143: {  	[spmem:s2] =	stream.indirect.scatter.add.f32 [tilespmem:s29], [sflag:$0x8], $0x80, s6, s22, $0xb8;
	[tilespmem:$0x1EC00] =	vst v63  }
0x144: {  	_ =	swait.ge [sflag:s8], $0x2000  }
0x145: {  	[sflag:s8] =	ssyncset.done $0x0  }
0x146: {  	s17 =	simm.s32 $0x100;
	[sflag:s8] =	ssyncadd.s32 $0xFFFFE000  }
0x147: {  	[tilespmem:s23], [sflag:$0x1] =	stream.indirect.gather [hbm4b:s4+s22], $0x80, s17, s22, $0xb8;
	[tilespmem:$0x1EC00] =	vst v63  }
0x148: {  	_ =	swait.ge [sflag:s9], $0x2000  }
0x149: {  	[sflag:s9] =	ssyncset.done $0x0  }
0x14a: {  	s18 =	simm.s32 $0x140;
	[sflag:s9] =	ssyncadd.s32 $0xFFFFE000  }
0x14b: {  	[tilespmem:s24], [sflag:$0x2] =	stream.indirect.gather [hbm4b:s4+s22], $0x80, s18, s22, $0xb8;
	[tilespmem:$0x1EC00] =	vst v63  }
0x14c: {  	_ =	swait.ge [sflag:s10], $0x2000  }
0x14d: {  	[sflag:s10] =	ssyncset.done $0x0  }
0x14e: {  	s19 =	simm.s32 $0x180;
	[sflag:s10] =	ssyncadd.s32 $0xFFFFE000  }
0x14f: {  	[tilespmem:s26], [sflag:$0x3] =	stream.indirect.gather [hbm4b:s4+s22], $0x80, s19, s22, $0xb8;
	[tilespmem:$0x1EC00] =	vst v63  }
0x150: {  	_ =	swait.ge [sflag:s11], $0x2000  }
0x151: {  	s5 =	simm.s32 $0x800;
	[sflag:s11] =	ssyncset.done $0x0  }
0x152: {  	s6 =	simm.s32 $0x2C0;
	s17 =	simm.s32 $0x1C0;
	[sflag:s11] =	ssyncadd.s32 $0xFFFFE000  }
.LBB2_7:
0x153: {  	[tilespmem:s29], [sflag:$0x4] =	stream.indirect.gather [hbm4b:s4+s22], $0x80, s17, s22, $0xb8;
	[tilespmem:$0x1EC00] =	vst v63  }
0x154: {  	s18 =	smov.u32 s5;
	s17 =	smov.u32 s6  }
0x155: {  	p1 =	sne.s32 s5, $0x7000;
	s5 =	sadd.s32 $0x800, s5;
	_ =	swait.ge [sflag:s30], $0x2000  }
0x156: {  	s18 =	sshra.s32 s18, $0x2;
	[sflag:s30] =	ssyncset.done $0x0  }
0x157: {  	s19 =	sadd.s32 $0x1000, s18;
	[sflag:s30] =	ssyncadd.s32 $0xFFFFE000  }
0x158: {  	[spmem:s2] =	stream.indirect.scatter.add.f32 [tilespmem:s23], [sflag:$0x5], $0x80, s19, s22, $0xb8;
	[tilespmem:$0x1EC00] =	vst v63  }
0x159: {  	_ =	swait.ge [sflag:s31], $0x2000  }
0x15a: {  	[sflag:s31] =	ssyncset.done $0x0  }
0x15b: {  	s19 =	sadd.s32 $0x1080, s18;
	[sflag:s31] =	ssyncadd.s32 $0xFFFFE000  }
0x15c: {  	[spmem:s2] =	stream.indirect.scatter.add.f32 [tilespmem:s24], [sflag:$0x6], $0x80, s19, s22, $0xb8;
	[tilespmem:$0x1EC00] =	vst v63  }
0x15d: {  	_ =	swait.ge [sflag:s0], $0x2000  }
0x15e: {  	[sflag:s0] =	ssyncset.done $0x0  }
0x15f: {  	s19 =	sadd.s32 $0x1100, s18;
	[sflag:s0] =	ssyncadd.s32 $0xFFFFE000  }
0x160: {  	[spmem:s2] =	stream.indirect.scatter.add.f32 [tilespmem:s26], [sflag:$0x7], $0x80, s19, s22, $0xb8;
	[tilespmem:$0x1EC00] =	vst v63  }
0x161: {  	_ =	swait.ge [sflag:s1], $0x2000  }
0x162: {  	[sflag:s1] =	ssyncset.done $0x0  }
0x163: {  	s18 =	sadd.s32 $0x1180, s18;
	[sflag:s1] =	ssyncadd.s32 $0xFFFFE000  }
0x164: {  	[spmem:s2] =	stream.indirect.scatter.add.f32 [tilespmem:s29], [sflag:$0x8], $0x80, s18, s22, $0xb8;
	[tilespmem:$0x1EC00] =	vst v63  }
0x165: {  	_ =	swait.ge [sflag:s8], $0x2000  }
0x166: {  	[sflag:s8] =	ssyncset.done $0x0  }
0x167: {  	s18 =	sadd.s32 $0xFFFFFF40, s6;
	[sflag:s8] =	ssyncadd.s32 $0xFFFFE000  }
0x168: {  	[tilespmem:s23], [sflag:$0x1] =	stream.indirect.gather [hbm4b:s4+s22], $0x80, s18, s22, $0xb8;
	[tilespmem:$0x1EC00] =	vst v63  }
0x169: {  	_ =	swait.ge [sflag:s9], $0x2000  }
0x16a: {  	[sflag:s9] =	ssyncset.done $0x0  }
0x16b: {  	s18 =	sadd.s32 $0xFFFFFF80, s6;
	[sflag:s9] =	ssyncadd.s32 $0xFFFFE000  }
0x16c: {  	[tilespmem:s24], [sflag:$0x2] =	stream.indirect.gather [hbm4b:s4+s22], $0x80, s18, s22, $0xb8;
	[tilespmem:$0x1EC00] =	vst v63  }
0x16d: {  	_ =	swait.ge [sflag:s10], $0x2000  }
0x16e: {  	[sflag:s10] =	ssyncset.done $0x0  }
.Ltmp5:
0x16f: {  	s18 =	sadd.s32 $0xFFFFFFC0, s6;
	[sflag:s10] =	ssyncadd.s32 $0xFFFFE000;
	(pc) =	sbr.rel @p1 .LBB2_7-.Ltmp5, $4  }
0x170: {  	[tilespmem:s26], [sflag:$0x3] =	stream.indirect.gather [hbm4b:s4+s22], $0x80, s18, s22, $0xb8;
	[tilespmem:$0x1EC00] =	vst v63  }
0x171: {  	_ =	swait.ge [sflag:s11], $0x2000  }
0x172: {  	[sflag:s11] =	ssyncset.done $0x0  }
0x173: {  	s6 =	sadd.s32 $0x100, s6;
	[sflag:s11] =	ssyncadd.s32 $0xFFFFE000  }
0x174: {  	[tilespmem:s29], [sflag:$0x4] =	stream.indirect.gather [hbm4b:s4+s22], $0x80, s17, s22, $0xb8;
	[tilespmem:$0x1EC00] =	vst v63  }
0x175: {  	_ =	swait.ge [sflag:s30], $0x2000  }
0x176: {  	[sflag:s30] =	ssyncset.done $0x0  }
0x177: {  	[sflag:s30] =	ssyncadd.s32 $0xFFFFE000  }
0x178: {  	[spmem:s2] =	stream.indirect.scatter.add.f32 [tilespmem:s23], [sflag:$0x5], $0x80, s12, s22, $0xb8;
	[tilespmem:$0x1EC00] =	vst v63  }
0x179: {  	_ =	swait.ge [sflag:s31], $0x2000  }
0x17a: {  	[sflag:s31] =	ssyncset.done $0x0  }
0x17b: {  	[sflag:s31] =	ssyncadd.s32 $0xFFFFE000  }
0x17c: {  	[spmem:s2] =	stream.indirect.scatter.add.f32 [tilespmem:s24], [sflag:$0x6], $0x80, s13, s22, $0xb8;
	[tilespmem:$0x1EC00] =	vst v63  }
0x17d: {  	_ =	swait.ge [sflag:s0], $0x2000  }
0x17e: {  	[sflag:s0] =	ssyncset.done $0x0  }
0x17f: {  	[sflag:s0] =	ssyncadd.s32 $0xFFFFE000  }
0x180: {  	[spmem:s2] =	stream.indirect.scatter.add.f32 [tilespmem:s26], [sflag:$0x7], $0x80, s14, s22, $0xb8;
	[tilespmem:$0x1EC00] =	vst v63  }
0x181: {  	_ =	swait.ge [sflag:s1], $0x2000  }
0x182: {  	[sflag:s1] =	ssyncset.done $0x0  }
0x183: {  	[sflag:s1] =	ssyncadd.s32 $0xFFFFE000  }
0x184: {  	[spmem:s2] =	stream.indirect.scatter.add.f32 [tilespmem:s29], [sflag:$0x8], $0x80, s15, s22, $0xb8;
	[tilespmem:$0x1EC00] =	vst v63  }
0x185: {  	_ =	swait.ge [sflag:s8], $0x2000  }
0x186: {  	[sflag:s8] =	ssyncset.done $0x0  }
0x187: {  	[sflag:s8] =	ssyncadd.s32 $0xFFFFE000  }
0x188: {  	_ =	swait.ge [sflag:s9], $0x2000  }
0x189: {  	[sflag:s9] =	ssyncset.done $0x0  }
0x18a: {  	[sflag:s9] =	ssyncadd.s32 $0xFFFFE000  }
0x18b: {  	_ =	swait.ge [sflag:s10], $0x2000  }
0x18c: {  	[sflag:s10] =	ssyncset.done $0x0  }
0x18d: {  	[sflag:s10] =	ssyncadd.s32 $0xFFFFE000  }
0x18e: {  	_ =	swait.ge [sflag:s11], $0x2000  }
0x18f: {  	[sflag:s11] =	ssyncset.done $0x0  }
0x190: {  	s5 =	simm.s32 $0x0;
	s6 =	rddreg [dreg:$0xb];
	[sflag:s11] =	ssyncadd.s32 $0xFFFFE000  }
0x191: {  	[tilespmem:s5], [sflag:$0x9] =	stream.linear.gather [hbm4b:s6+s5], $0x1000, $0x38;
	[tilespmem:$0x1EC00] =	vst v63  }
0x192: {  	_ =	swait.ge [sflag:s20], $0x1000  }
0x193: {  	[sflag:s20] =	ssyncset.done $0x0  }
0x194: {  	s19 =	rddreg [dreg:$0xc];
	[sflag:s20] =	ssyncadd.s32 $0xFFFFF000  }
0x195: {  	[tilespmem:s21], [sflag:$0x9] =	stream.linear.gather [hbm4b:s19+s5], $0x2000, $0x38;
	[tilespmem:$0x1EC00] =	vst v63  }
0x196: {  	_ =	swait.ge [sflag:s20], $0x2000  }
0x197: {  	[sflag:s20] =	ssyncset.done $0x0  }
0x198: {  	[sflag:s20] =	ssyncadd.s32 $0xFFFFE000  }
0x199: {  	[tilespmem:s23], [sflag:$0x1] =	stream.indirect.gather [hbm4b:s4+s22], $0x80, s5, s22, $0xb8;
	[tilespmem:$0x1EC00] =	vst v63  }
0x19a: {  	_ = 	snop  }
0x19b: {  	[tilespmem:s24], [sflag:$0x2] =	stream.indirect.gather [hbm4b:s4+s22], $0x80, s22, s22, $0xb8;
	[tilespmem:$0x1EC00] =	vst v63  }
0x19c: {  	_ = 	snop  }
0x19d: {  	[tilespmem:s26], [sflag:$0x3] =	stream.indirect.gather [hbm4b:s4+s22], $0x80, s25, s22, $0xb8;
	[tilespmem:$0x1EC00] =	vst v63  }
0x19e: {  	_ = 	snop  }
0x19f: {  	[tilespmem:s29], [sflag:$0x4] =	stream.indirect.gather [hbm4b:s4+s22], $0x80, s28, s22, $0xb8;
	[tilespmem:$0x1EC00] =	vst v63  }
0x1a0: {  	_ =	swait.ge [sflag:s30], $0x2000  }
0x1a1: {  	[sflag:s30] =	ssyncset.done $0x0  }
0x1a2: {  	s17 =	simm.s32 $0x1000;
	[sflag:s30] =	ssyncadd.s32 $0xFFFFE000  }
0x1a3: {  	[spmem:s2] =	stream.indirect.scatter.add.f32 [tilespmem:s23], [sflag:$0x5], $0x80, s17, s22, $0xb8;
	[tilespmem:$0x1EC00] =	vst v63  }
0x1a4: {  	_ =	swait.ge [sflag:s31], $0x2000  }
0x1a5: {  	[sflag:s31] =	ssyncset.done $0x0  }
0x1a6: {  	s18 =	simm.s32 $0x1080;
	[sflag:s31] =	ssyncadd.s32 $0xFFFFE000  }
0x1a7: {  	[spmem:s2] =	stream.indirect.scatter.add.f32 [tilespmem:s24], [sflag:$0x6], $0x80, s18, s22, $0xb8;
	[tilespmem:$0x1EC00] =	vst v63  }
0x1a8: {  	_ =	swait.ge [sflag:s0], $0x2000  }
0x1a9: {  	[sflag:s0] =	ssyncset.done $0x0  }
0x1aa: {  	s19 =	simm.s32 $0x1100;
	[sflag:s0] =	ssyncadd.s32 $0xFFFFE000  }
0x1ab: {  	[spmem:s2] =	stream.indirect.scatter.add.f32 [tilespmem:s26], [sflag:$0x7], $0x80, s19, s22, $0xb8;
	[tilespmem:$0x1EC00] =	vst v63  }
0x1ac: {  	_ =	swait.ge [sflag:s1], $0x2000  }
0x1ad: {  	[sflag:s1] =	ssyncset.done $0x0  }
0x1ae: {  	s6 =	simm.s32 $0x1180;
	[sflag:s1] =	ssyncadd.s32 $0xFFFFE000  }
0x1af: {  	[spmem:s2] =	stream.indirect.scatter.add.f32 [tilespmem:s29], [sflag:$0x8], $0x80, s6, s22, $0xb8;
	[tilespmem:$0x1EC00] =	vst v63  }
0x1b0: {  	_ =	swait.ge [sflag:s8], $0x2000  }
0x1b1: {  	[sflag:s8] =	ssyncset.done $0x0  }
0x1b2: {  	s17 =	simm.s32 $0x100;
	[sflag:s8] =	ssyncadd.s32 $0xFFFFE000  }
0x1b3: {  	[tilespmem:s23], [sflag:$0x1] =	stream.indirect.gather [hbm4b:s4+s22], $0x80, s17, s22, $0xb8;
	[tilespmem:$0x1EC00] =	vst v63  }
0x1b4: {  	_ =	swait.ge [sflag:s9], $0x2000  }
0x1b5: {  	[sflag:s9] =	ssyncset.done $0x0  }
0x1b6: {  	s18 =	simm.s32 $0x140;
	[sflag:s9] =	ssyncadd.s32 $0xFFFFE000  }
0x1b7: {  	[tilespmem:s24], [sflag:$0x2] =	stream.indirect.gather [hbm4b:s4+s22], $0x80, s18, s22, $0xb8;
	[tilespmem:$0x1EC00] =	vst v63  }
0x1b8: {  	_ =	swait.ge [sflag:s10], $0x2000  }
0x1b9: {  	[sflag:s10] =	ssyncset.done $0x0  }
0x1ba: {  	s19 =	simm.s32 $0x180;
	[sflag:s10] =	ssyncadd.s32 $0xFFFFE000  }
0x1bb: {  	[tilespmem:s26], [sflag:$0x3] =	stream.indirect.gather [hbm4b:s4+s22], $0x80, s19, s22, $0xb8;
	[tilespmem:$0x1EC00] =	vst v63  }
0x1bc: {  	_ =	swait.ge [sflag:s11], $0x2000  }
0x1bd: {  	s5 =	simm.s32 $0x800;
	[sflag:s11] =	ssyncset.done $0x0  }
0x1be: {  	s6 =	simm.s32 $0x2C0;
	s17 =	simm.s32 $0x1C0;
	[sflag:s11] =	ssyncadd.s32 $0xFFFFE000  }
.LBB2_9:
0x1bf: {  	[tilespmem:s29], [sflag:$0x4] =	stream.indirect.gather [hbm4b:s4+s22], $0x80, s17, s22, $0xb8;
	[tilespmem:$0x1EC00] =	vst v63  }
0x1c0: {  	s18 =	smov.u32 s5;
	s17 =	smov.u32 s6  }
0x1c1: {  	p1 =	sne.s32 s5, $0x7000;
	s5 =	sadd.s32 $0x800, s5;
	_ =	swait.ge [sflag:s30], $0x2000  }
0x1c2: {  	s18 =	sshra.s32 s18, $0x2;
	[sflag:s30] =	ssyncset.done $0x0  }
0x1c3: {  	s19 =	sadd.s32 $0x1000, s18;
	[sflag:s30] =	ssyncadd.s32 $0xFFFFE000  }
0x1c4: {  	[spmem:s2] =	stream.indirect.scatter.add.f32 [tilespmem:s23], [sflag:$0x5], $0x80, s19, s22, $0xb8;
	[tilespmem:$0x1EC00] =	vst v63  }
0x1c5: {  	_ =	swait.ge [sflag:s31], $0x2000  }
0x1c6: {  	[sflag:s31] =	ssyncset.done $0x0  }
0x1c7: {  	s19 =	sadd.s32 $0x1080, s18;
	[sflag:s31] =	ssyncadd.s32 $0xFFFFE000  }
0x1c8: {  	[spmem:s2] =	stream.indirect.scatter.add.f32 [tilespmem:s24], [sflag:$0x6], $0x80, s19, s22, $0xb8;
	[tilespmem:$0x1EC00] =	vst v63  }
0x1c9: {  	_ =	swait.ge [sflag:s0], $0x2000  }
0x1ca: {  	[sflag:s0] =	ssyncset.done $0x0  }
0x1cb: {  	s19 =	sadd.s32 $0x1100, s18;
	[sflag:s0] =	ssyncadd.s32 $0xFFFFE000  }
0x1cc: {  	[spmem:s2] =	stream.indirect.scatter.add.f32 [tilespmem:s26], [sflag:$0x7], $0x80, s19, s22, $0xb8;
	[tilespmem:$0x1EC00] =	vst v63  }
0x1cd: {  	_ =	swait.ge [sflag:s1], $0x2000  }
0x1ce: {  	[sflag:s1] =	ssyncset.done $0x0  }
0x1cf: {  	s18 =	sadd.s32 $0x1180, s18;
	[sflag:s1] =	ssyncadd.s32 $0xFFFFE000  }
0x1d0: {  	[spmem:s2] =	stream.indirect.scatter.add.f32 [tilespmem:s29], [sflag:$0x8], $0x80, s18, s22, $0xb8;
	[tilespmem:$0x1EC00] =	vst v63  }
0x1d1: {  	_ =	swait.ge [sflag:s8], $0x2000  }
0x1d2: {  	[sflag:s8] =	ssyncset.done $0x0  }
0x1d3: {  	s18 =	sadd.s32 $0xFFFFFF40, s6;
	[sflag:s8] =	ssyncadd.s32 $0xFFFFE000  }
0x1d4: {  	[tilespmem:s23], [sflag:$0x1] =	stream.indirect.gather [hbm4b:s4+s22], $0x80, s18, s22, $0xb8;
	[tilespmem:$0x1EC00] =	vst v63  }
0x1d5: {  	_ =	swait.ge [sflag:s9], $0x2000  }
0x1d6: {  	[sflag:s9] =	ssyncset.done $0x0  }
0x1d7: {  	s18 =	sadd.s32 $0xFFFFFF80, s6;
	[sflag:s9] =	ssyncadd.s32 $0xFFFFE000  }
0x1d8: {  	[tilespmem:s24], [sflag:$0x2] =	stream.indirect.gather [hbm4b:s4+s22], $0x80, s18, s22, $0xb8;
	[tilespmem:$0x1EC00] =	vst v63  }
0x1d9: {  	_ =	swait.ge [sflag:s10], $0x2000  }
0x1da: {  	[sflag:s10] =	ssyncset.done $0x0  }
.Ltmp6:
0x1db: {  	s18 =	sadd.s32 $0xFFFFFFC0, s6;
	[sflag:s10] =	ssyncadd.s32 $0xFFFFE000;
	(pc) =	sbr.rel @p1 .LBB2_9-.Ltmp6, $4  }
0x1dc: {  	[tilespmem:s26], [sflag:$0x3] =	stream.indirect.gather [hbm4b:s4+s22], $0x80, s18, s22, $0xb8;
	[tilespmem:$0x1EC00] =	vst v63  }
0x1dd: {  	_ =	swait.ge [sflag:s11], $0x2000  }
0x1de: {  	[sflag:s11] =	ssyncset.done $0x0  }
0x1df: {  	s6 =	sadd.s32 $0x100, s6;
	[sflag:s11] =	ssyncadd.s32 $0xFFFFE000  }
0x1e0: {  	[tilespmem:s29], [sflag:$0x4] =	stream.indirect.gather [hbm4b:s4+s22], $0x80, s17, s22, $0xb8;
	[tilespmem:$0x1EC00] =	vst v63  }
0x1e1: {  	_ =	swait.ge [sflag:s30], $0x2000  }
0x1e2: {  	[sflag:s30] =	ssyncset.done $0x0  }
0x1e3: {  	[sflag:s30] =	ssyncadd.s32 $0xFFFFE000  }
0x1e4: {  	[spmem:s2] =	stream.indirect.scatter.add.f32 [tilespmem:s23], [sflag:$0x5], $0x80, s12, s22, $0xb8;
	[tilespmem:$0x1EC00] =	vst v63  }
0x1e5: {  	_ =	swait.ge [sflag:s31], $0x2000  }
0x1e6: {  	[sflag:s31] =	ssyncset.done $0x0  }
0x1e7: {  	[sflag:s31] =	ssyncadd.s32 $0xFFFFE000  }
0x1e8: {  	[spmem:s2] =	stream.indirect.scatter.add.f32 [tilespmem:s24], [sflag:$0x6], $0x80, s13, s22, $0xb8;
	[tilespmem:$0x1EC00] =	vst v63  }
0x1e9: {  	_ =	swait.ge [sflag:s0], $0x2000  }
0x1ea: {  	[sflag:s0] =	ssyncset.done $0x0  }
0x1eb: {  	[sflag:s0] =	ssyncadd.s32 $0xFFFFE000  }
0x1ec: {  	[spmem:s2] =	stream.indirect.scatter.add.f32 [tilespmem:s26], [sflag:$0x7], $0x80, s14, s22, $0xb8;
	[tilespmem:$0x1EC00] =	vst v63  }
0x1ed: {  	_ =	swait.ge [sflag:s1], $0x2000  }
0x1ee: {  	[sflag:s1] =	ssyncset.done $0x0  }
0x1ef: {  	[sflag:s1] =	ssyncadd.s32 $0xFFFFE000  }
0x1f0: {  	[spmem:s2] =	stream.indirect.scatter.add.f32 [tilespmem:s29], [sflag:$0x8], $0x80, s15, s22, $0xb8;
	[tilespmem:$0x1EC00] =	vst v63  }
0x1f1: {  	_ =	swait.ge [sflag:s8], $0x2000  }
0x1f2: {  	[sflag:s8] =	ssyncset.done $0x0  }
0x1f3: {  	[sflag:s8] =	ssyncadd.s32 $0xFFFFE000  }
0x1f4: {  	_ =	swait.ge [sflag:s9], $0x2000  }
0x1f5: {  	[sflag:s9] =	ssyncset.done $0x0  }
0x1f6: {  	[sflag:s9] =	ssyncadd.s32 $0xFFFFE000  }
0x1f7: {  	_ =	swait.ge [sflag:s10], $0x2000  }
0x1f8: {  	[sflag:s10] =	ssyncset.done $0x0  }
0x1f9: {  	[sflag:s10] =	ssyncadd.s32 $0xFFFFE000  }
0x1fa: {  	_ =	swait.ge [sflag:s11], $0x2000  }
0x1fb: {  	[sflag:s11] =	ssyncset.done $0x0  }
0x1fc: {  	s5 =	simm.s32 $0x0;
	s6 =	rddreg [dreg:$0xd];
	[sflag:s11] =	ssyncadd.s32 $0xFFFFE000  }
0x1fd: {  	[tilespmem:s5], [sflag:$0x9] =	stream.linear.gather [hbm4b:s6+s5], $0x1000, $0x38;
	[tilespmem:$0x1EC00] =	vst v63  }
0x1fe: {  	_ =	swait.ge [sflag:s20], $0x1000  }
0x1ff: {  	[sflag:s20] =	ssyncset.done $0x0  }
0x200: {  	s19 =	rddreg [dreg:$0xe];
	[sflag:s20] =	ssyncadd.s32 $0xFFFFF000  }
0x201: {  	[tilespmem:s21], [sflag:$0x9] =	stream.linear.gather [hbm4b:s19+s5], $0x2000, $0x38;
	[tilespmem:$0x1EC00] =	vst v63  }
0x202: {  	_ =	swait.ge [sflag:s20], $0x2000  }
0x203: {  	[sflag:s20] =	ssyncset.done $0x0  }
0x204: {  	[sflag:s20] =	ssyncadd.s32 $0xFFFFE000  }
0x205: {  	[tilespmem:s23], [sflag:$0x1] =	stream.indirect.gather [hbm4b:s4+s22], $0x80, s5, s22, $0xb8;
	[tilespmem:$0x1EC00] =	vst v63  }
0x206: {  	_ = 	snop  }
0x207: {  	[tilespmem:s24], [sflag:$0x2] =	stream.indirect.gather [hbm4b:s4+s22], $0x80, s22, s22, $0xb8;
	[tilespmem:$0x1EC00] =	vst v63  }
0x208: {  	_ = 	snop  }
0x209: {  	[tilespmem:s26], [sflag:$0x3] =	stream.indirect.gather [hbm4b:s4+s22], $0x80, s25, s22, $0xb8;
	[tilespmem:$0x1EC00] =	vst v63  }
0x20a: {  	_ = 	snop  }
0x20b: {  	[tilespmem:s29], [sflag:$0x4] =	stream.indirect.gather [hbm4b:s4+s22], $0x80, s28, s22, $0xb8;
	[tilespmem:$0x1EC00] =	vst v63  }
0x20c: {  	_ =	swait.ge [sflag:s30], $0x2000  }
0x20d: {  	[sflag:s30] =	ssyncset.done $0x0  }
0x20e: {  	s17 =	simm.s32 $0x1000;
	[sflag:s30] =	ssyncadd.s32 $0xFFFFE000  }
0x20f: {  	[spmem:s2] =	stream.indirect.scatter.add.f32 [tilespmem:s23], [sflag:$0x5], $0x80, s17, s22, $0xb8;
	[tilespmem:$0x1EC00] =	vst v63  }
0x210: {  	_ =	swait.ge [sflag:s31], $0x2000  }
0x211: {  	[sflag:s31] =	ssyncset.done $0x0  }
0x212: {  	s18 =	simm.s32 $0x1080;
	[sflag:s31] =	ssyncadd.s32 $0xFFFFE000  }
0x213: {  	[spmem:s2] =	stream.indirect.scatter.add.f32 [tilespmem:s24], [sflag:$0x6], $0x80, s18, s22, $0xb8;
	[tilespmem:$0x1EC00] =	vst v63  }
0x214: {  	_ =	swait.ge [sflag:s0], $0x2000  }
0x215: {  	[sflag:s0] =	ssyncset.done $0x0  }
0x216: {  	s19 =	simm.s32 $0x1100;
	[sflag:s0] =	ssyncadd.s32 $0xFFFFE000  }
0x217: {  	[spmem:s2] =	stream.indirect.scatter.add.f32 [tilespmem:s26], [sflag:$0x7], $0x80, s19, s22, $0xb8;
	[tilespmem:$0x1EC00] =	vst v63  }
0x218: {  	_ =	swait.ge [sflag:s1], $0x2000  }
0x219: {  	[sflag:s1] =	ssyncset.done $0x0  }
0x21a: {  	s6 =	simm.s32 $0x1180;
	[sflag:s1] =	ssyncadd.s32 $0xFFFFE000  }
0x21b: {  	[spmem:s2] =	stream.indirect.scatter.add.f32 [tilespmem:s29], [sflag:$0x8], $0x80, s6, s22, $0xb8;
	[tilespmem:$0x1EC00] =	vst v63  }
0x21c: {  	_ =	swait.ge [sflag:s8], $0x2000  }
0x21d: {  	[sflag:s8] =	ssyncset.done $0x0  }
0x21e: {  	s17 =	simm.s32 $0x100;
	[sflag:s8] =	ssyncadd.s32 $0xFFFFE000  }
0x21f: {  	[tilespmem:s23], [sflag:$0x1] =	stream.indirect.gather [hbm4b:s4+s22], $0x80, s17, s22, $0xb8;
	[tilespmem:$0x1EC00] =	vst v63  }
0x220: {  	_ =	swait.ge [sflag:s9], $0x2000  }
0x221: {  	[sflag:s9] =	ssyncset.done $0x0  }
0x222: {  	s18 =	simm.s32 $0x140;
	[sflag:s9] =	ssyncadd.s32 $0xFFFFE000  }
0x223: {  	[tilespmem:s24], [sflag:$0x2] =	stream.indirect.gather [hbm4b:s4+s22], $0x80, s18, s22, $0xb8;
	[tilespmem:$0x1EC00] =	vst v63  }
0x224: {  	_ =	swait.ge [sflag:s10], $0x2000  }
0x225: {  	[sflag:s10] =	ssyncset.done $0x0  }
0x226: {  	s19 =	simm.s32 $0x180;
	[sflag:s10] =	ssyncadd.s32 $0xFFFFE000  }
0x227: {  	[tilespmem:s26], [sflag:$0x3] =	stream.indirect.gather [hbm4b:s4+s22], $0x80, s19, s22, $0xb8;
	[tilespmem:$0x1EC00] =	vst v63  }
0x228: {  	_ =	swait.ge [sflag:s11], $0x2000  }
0x229: {  	s5 =	simm.s32 $0x800;
	[sflag:s11] =	ssyncset.done $0x0  }
0x22a: {  	s6 =	simm.s32 $0x2C0;
	s17 =	simm.s32 $0x1C0;
	[sflag:s11] =	ssyncadd.s32 $0xFFFFE000  }
.LBB2_11:
0x22b: {  	[tilespmem:s29], [sflag:$0x4] =	stream.indirect.gather [hbm4b:s4+s22], $0x80, s17, s22, $0xb8;
	[tilespmem:$0x1EC00] =	vst v63  }
0x22c: {  	s18 =	smov.u32 s5;
	s17 =	smov.u32 s6  }
0x22d: {  	p1 =	sne.s32 s5, $0x7000;
	s5 =	sadd.s32 $0x800, s5;
	_ =	swait.ge [sflag:s30], $0x2000  }
0x22e: {  	s18 =	sshra.s32 s18, $0x2;
	[sflag:s30] =	ssyncset.done $0x0  }
0x22f: {  	s19 =	sadd.s32 $0x1000, s18;
	[sflag:s30] =	ssyncadd.s32 $0xFFFFE000  }
0x230: {  	[spmem:s2] =	stream.indirect.scatter.add.f32 [tilespmem:s23], [sflag:$0x5], $0x80, s19, s22, $0xb8;
	[tilespmem:$0x1EC00] =	vst v63  }
0x231: {  	_ =	swait.ge [sflag:s31], $0x2000  }
0x232: {  	[sflag:s31] =	ssyncset.done $0x0  }
0x233: {  	s19 =	sadd.s32 $0x1080, s18;
	[sflag:s31] =	ssyncadd.s32 $0xFFFFE000  }
0x234: {  	[spmem:s2] =	stream.indirect.scatter.add.f32 [tilespmem:s24], [sflag:$0x6], $0x80, s19, s22, $0xb8;
	[tilespmem:$0x1EC00] =	vst v63  }
0x235: {  	_ =	swait.ge [sflag:s0], $0x2000  }
0x236: {  	[sflag:s0] =	ssyncset.done $0x0  }
0x237: {  	s19 =	sadd.s32 $0x1100, s18;
	[sflag:s0] =	ssyncadd.s32 $0xFFFFE000  }
0x238: {  	[spmem:s2] =	stream.indirect.scatter.add.f32 [tilespmem:s26], [sflag:$0x7], $0x80, s19, s22, $0xb8;
	[tilespmem:$0x1EC00] =	vst v63  }
0x239: {  	_ =	swait.ge [sflag:s1], $0x2000  }
0x23a: {  	[sflag:s1] =	ssyncset.done $0x0  }
0x23b: {  	s18 =	sadd.s32 $0x1180, s18;
	[sflag:s1] =	ssyncadd.s32 $0xFFFFE000  }
0x23c: {  	[spmem:s2] =	stream.indirect.scatter.add.f32 [tilespmem:s29], [sflag:$0x8], $0x80, s18, s22, $0xb8;
	[tilespmem:$0x1EC00] =	vst v63  }
0x23d: {  	_ =	swait.ge [sflag:s8], $0x2000  }
0x23e: {  	[sflag:s8] =	ssyncset.done $0x0  }
0x23f: {  	s18 =	sadd.s32 $0xFFFFFF40, s6;
	[sflag:s8] =	ssyncadd.s32 $0xFFFFE000  }
0x240: {  	[tilespmem:s23], [sflag:$0x1] =	stream.indirect.gather [hbm4b:s4+s22], $0x80, s18, s22, $0xb8;
	[tilespmem:$0x1EC00] =	vst v63  }
0x241: {  	_ =	swait.ge [sflag:s9], $0x2000  }
0x242: {  	[sflag:s9] =	ssyncset.done $0x0  }
0x243: {  	s18 =	sadd.s32 $0xFFFFFF80, s6;
	[sflag:s9] =	ssyncadd.s32 $0xFFFFE000  }
0x244: {  	[tilespmem:s24], [sflag:$0x2] =	stream.indirect.gather [hbm4b:s4+s22], $0x80, s18, s22, $0xb8;
	[tilespmem:$0x1EC00] =	vst v63  }
0x245: {  	_ =	swait.ge [sflag:s10], $0x2000  }
0x246: {  	[sflag:s10] =	ssyncset.done $0x0  }
.Ltmp7:
0x247: {  	s18 =	sadd.s32 $0xFFFFFFC0, s6;
	[sflag:s10] =	ssyncadd.s32 $0xFFFFE000;
	(pc) =	sbr.rel @p1 .LBB2_11-.Ltmp7, $4  }
0x248: {  	[tilespmem:s26], [sflag:$0x3] =	stream.indirect.gather [hbm4b:s4+s22], $0x80, s18, s22, $0xb8;
	[tilespmem:$0x1EC00] =	vst v63  }
0x249: {  	_ =	swait.ge [sflag:s11], $0x2000  }
0x24a: {  	[sflag:s11] =	ssyncset.done $0x0  }
0x24b: {  	s6 =	sadd.s32 $0x100, s6;
	[sflag:s11] =	ssyncadd.s32 $0xFFFFE000  }
.Ltmp8:
0x24c: {  	_ = 	snop;
	(pc) =	sbr.rel .LBB2_12-.Ltmp8, $1  }
0x24d: {  	_ =	sdelay $0x3  }
.LBB2_14:
0x24e: {  	_ =	sfence.sel $0x180000  }
0x24f: {  	[bflag:$0x0] =	sbarrier.arrive $0xFFFF  }
0x250: {  	_ =	strace $0x9000004D  }
0x251: {  	s0 =	stileid.u32;
	[bflag:$0x2] =	sbarrier.arrive $0xFFFF  }
0x252: {  	p0 =	sne.s32 s0, $0x0;
	s0 =	rddreg [dreg:$0x2]  }
0x253: {  	s0 =	sadd.s32 @!p0 $0x100000, s0  }
0x254: {  	[sflag:s0] =	ssyncadd.tile.s32 @!p0 $0x1;
	_ =	shalt  }
.Lfunc_end2:
_tile_overlayer_lowered:
.L_overlay_start_2:
0x255: {  	(tag) =	ssettag $0x2  }
0x256: {  	s0 =	rddreg [dreg:$0x0];
	s2 =	stileid.u32  }
0x257: {  	s1 =	rddreg [dreg:$0x1];
	p0 =	sne.s32 s2, $0x0  }
0x258: {  	s3 =	rddreg [dreg:$0x2];
	[bflag:$0x3] =	sbarrier.arrive $0xFFFF;
	s2 =	simm.s32 @!p0 $0x1C09  }
0x259: {  	[timem:s3], [sflag:s2] =	dma.local @!p0 [hbm:s0], s1  }
0x25a: {  	s0 =	simm.s32 @!p0 $0x9  }
0x25b: {  	_ =	swait.ge @!p0 [sflag:s0], s1  }
0x25c: {  	s1 =	ssub.s32 @!p0 $0x0, s1;
	[sflag:s0] =	ssyncset.done @!p0 $0x0  }
0x25d: {  	[sflag:s0] =	ssyncadd.s32 @!p0 s1  }
0x25e: {  	[bflag:$0x3] =	sbarrier.arrive $0xFFFF  }
0x25f: {  	_ =	shalt  }

// kernel: kernel.8.cloned.1.call-start
scs
__scs_entry_jumppad:
0x0: {  	(pc) =	sbr.rel $0x88, $3  }
0x1: {  	(tag) =	ssettag $0x0;
	lr =	simm.s32 $0x1  }
0x2: {  	[smem:$0x3F98] =	sst lr;
	_ =	strace $0xD0000000  }
0x3: {  	_ = 	snop  }
0x4: {  	_ = 	snop  }
0x5: {  	_ = 	snop  }
0x6: {  	_ = 	snop  }
0x7: {  	_ = 	snop  }
__scs_overlays_trampoline_lowered:
0x8: {  	[smem:$0x3FA7] =	sst s0  }
0x9: {  	[smem:$0x3FA8] =	sst s1  }
0xa: {  	[smem:$0x3FA9] =	sst s2  }
0xb: {  	[smem:$0x3FAA] =	sst s3  }
0xc: {  	[smem:$0x3FAB] =	sst s4  }
0xd: {  	[smem:$0x3FAC] =	sst s5  }
0xe: {  	[smem:$0x3FAD] =	sst s6  }
0xf: {  	[smem:$0x3FAE] =	sst s7  }
0x10: {  	[smem:$0x3FAF] =	sst s8  }
0x11: {  	[smem:$0x3FB0] =	sst s9;
	s0 =	simm.s32 @!p0 $0x0  }
0x12: {  	s1 =	sld [smem:$0x3F96];
	s0 =	simm.s32 @p0 $0x1  }
0x13: {  	[smem:$0x3FB1] =	sst s0;
	s0 =	simm.s32 @!p1 $0x0  }
0x14: {  	s2 =	sld [smem:$0x3F95];
	s0 =	simm.s32 @p1 $0x1  }
0x15: {  	[smem:$0x3FB2] =	sst s0;
	s0 =	simm.s32 @!p2 $0x0  }
0x16: {  	s3 =	sld [smem:$0x3FDB];
	s0 =	simm.s32 @p2 $0x1  }
0x17: {  	s4 =	simm.s32 $0x1BF5;
	[smem:$0x3FB4] =	sst s0  }
0x18: {  	s0 =	sld [smem:$0x3F97];
	_ =	swait.ge [sflag:s4], $0x0  }
0x19: {  	s7 =	sld [smem:$0x3F98]  }
0x1a: {  	s8 =	sadd.s32 $0xFFFFE003, lr  }
0x1b: {  	s9 =	sadd.s32 $0xFFFFFEF7, lr;
	s5 =	simm.s32 $0xFFFFFFFF;
	p2 =	slt.u32 s8, $0xFFFFF086  }
0x1c: {  	p1 =	slt.u32 s9, $0xF7A;
	s5 =	simm.s32 @!p2 $0x0  }
0x1d: {  	s5 =	simm.s32 @p1 $0x1;
	p0 =	seq.s32 s7, s2  }
0x1e: {  	s7 =	smul.u32 @!p0 $0xF7A, s2;
	p2 =	seq.s32 @!p0 s5, $0x0  }
0x1f: {  	s9 =	smul.u32 $0xF7A, s1;
	s8 =	simm.s32 @!p0 $0x1BF5;
	p2 =	por !p2, p0  }
0x20: {  	[sflag:s8] =	ssyncset.s32 @!p0 $0xFFFFF086;
	s6 =	sadd.s32 @!p0 s3, s7;
	s7 =	simm.s32 @!p0 $0x108  }
0x21: {  	s3 =	sadd.s32 s3, s9;
	s6 =	sadd.s32 @!p0 $0x88, s6;
	s7 =	simm.s32 @p2 $0x1082  }
0x22: {  	[simem:s7], [sflag:s8] =	dma.local @!p0 [hbm:s6], $0xF7A  }
0x23: {  	s9 =	sor.u32 $0xD0000000, s2;
	s6 =	simm.s32 $0x108;
	_ =	swait.ge @!p0 [sflag:s8], $0x0  }
0x24: {  	s3 =	sadd.s32 $0x88, s3;
	s6 =	simm.s32 @!p1 $0x1082;
	[sflag:s4] =	ssyncset.s32 $0xFFFFF086  }
0x25: {  	[simem:s6], [sflag:s4] =	dma.local [hbm:s3], $0xF7A  }
0x26: {  	[smem:$0x3F98] =	sst s1;
	(tag) =	ssettag s2;
	_ =	strace s9  }
0x27: {  	s1 =	sld [smem:$0x3FA8]  }
0x28: {  	s2 =	sld [smem:$0x3FA9]  }
0x29: {  	s4 =	sld [smem:$0x3FAB]  }
0x2a: {  	p0 =	seq.s32 s5, $0x0;
	s5 =	sld [smem:$0x3FAC]  }
0x2b: {  	s6 =	sld [smem:$0x3FAD]  }
0x2c: {  	s7 =	sld [smem:$0x3FAE]  }
0x2d: {  	s3 =	simm.s32 $0x108;
	s8 =	sld [smem:$0x3FAF]  }
0x2e: {  	s3 =	simm.s32 @!p0 $0x1082;
	s9 =	sld [smem:$0x3FB0]  }
0x2f: {  	lr =	sadd.s32 s0, s3;
	s0 =	sld [smem:$0x3FA7]  }
0x30: {  	s3 =	sld [smem:$0x3FAA]  }
0x31: {  	[smem:$0x3FB3] =	sst s10  }
0x32: {  	s10 =	sld [smem:$0x3FB1];
	_ =	sdelay $0x3  }
0x33: {  	p0 =	seq.s32 s10, $0x1;
	s10 =	sld [smem:$0x3FB3];
	_ =	sdelay $0x3  }
0x34: {  	[smem:$0x3FB3] =	sst s10  }
0x35: {  	s10 =	sld [smem:$0x3FB2];
	_ =	sdelay $0x3  }
0x36: {  	p1 =	seq.s32 s10, $0x1;
	s10 =	sld [smem:$0x3FB3];
	_ =	sdelay $0x3  }
0x37: {  	[smem:$0x3FB3] =	sst s10  }
0x38: {  	s10 =	sld [smem:$0x3FB4]  }
0x39: {  	_ = 	snop;
	(pc) =	sbr.ind lr, $3  }
0x3a: {  	_ = 	snop  }
0x3b: {  	_ = 	snop  }
0x3c: {  	p2 =	seq.s32 s10, $0x1;
	s10 =	sld [smem:$0x3FB3]  }
0x3d: {  	_ =	shalt  }
0x3e: {  	_ =	shalt  }
0x3f: {  	_ =	shalt  }
0x40: {  	_ =	shalt  }
0x41: {  	_ =	shalt  }
0x42: {  	_ =	shalt  }
0x43: {  	_ =	shalt  }
0x44: {  	_ =	shalt  }
0x45: {  	_ =	shalt  }
0x46: {  	_ =	shalt  }
0x47: {  	_ =	shalt  }
0x48: {  	_ =	shalt  }
0x49: {  	_ =	shalt  }
0x4a: {  	_ =	shalt  }
0x4b: {  	_ =	shalt  }
0x4c: {  	_ =	shalt  }
0x4d: {  	_ =	shalt  }
0x4e: {  	_ =	shalt  }
0x4f: {  	_ =	shalt  }
0x50: {  	_ =	shalt  }
0x51: {  	_ =	shalt  }
0x52: {  	_ =	shalt  }
0x53: {  	_ =	shalt  }
0x54: {  	_ =	shalt  }
0x55: {  	_ =	shalt  }
0x56: {  	_ =	shalt  }
0x57: {  	_ =	shalt  }
0x58: {  	_ =	shalt  }
0x59: {  	_ =	shalt  }
0x5a: {  	_ =	shalt  }
0x5b: {  	_ =	shalt  }
0x5c: {  	_ =	shalt  }
0x5d: {  	_ =	shalt  }
0x5e: {  	_ =	shalt  }
0x5f: {  	_ =	shalt  }
0x60: {  	_ =	shalt  }
0x61: {  	_ =	shalt  }
0x62: {  	_ =	shalt  }
0x63: {  	_ =	shalt  }
0x64: {  	_ =	shalt  }
0x65: {  	_ =	shalt  }
0x66: {  	_ =	shalt  }
0x67: {  	_ =	shalt  }
0x68: {  	_ =	shalt  }
0x69: {  	_ =	shalt  }
0x6a: {  	_ =	shalt  }
0x6b: {  	_ =	shalt  }
0x6c: {  	_ =	shalt  }
0x6d: {  	_ =	shalt  }
0x6e: {  	_ =	shalt  }
0x6f: {  	_ =	shalt  }
0x70: {  	_ =	shalt  }
0x71: {  	_ =	shalt  }
0x72: {  	_ =	shalt  }
0x73: {  	_ =	shalt  }
0x74: {  	_ =	shalt  }
0x75: {  	_ =	shalt  }
0x76: {  	_ =	shalt  }
0x77: {  	_ =	shalt  }
0x78: {  	_ =	shalt  }
0x79: {  	_ =	shalt  }
0x7a: {  	_ =	shalt  }
0x7b: {  	_ =	shalt  }
0x7c: {  	_ =	shalt  }
0x7d: {  	_ =	shalt  }
0x7e: {  	_ =	shalt  }
0x7f: {  	_ =	shalt  }
0x80: {  	_ =	shalt  }
0x81: {  	_ =	shalt  }
0x82: {  	_ =	shalt  }
0x83: {  	_ =	shalt  }
0x84: {  	_ =	shalt  }
0x85: {  	_ =	shalt  }
0x86: {  	_ =	shalt  }
0x87: {  	_ =	shalt  }
.Lfunc_end0:
.L_simem_size_0:
called_computation_lowered:
.L_overlay_start_0:
0x88: {  	s2 =	sld [smem:$0x3FD9]  }
0x89: {  	s3 =	sld [smem:$0x3FFE];
	_ =	sdelay $0x1  }
0x8a: {  	s1 =	srdreg.scid  }
0x8b: {  	s0 =	sand.u32 $0x1, s1  }
0x8c: {  	s16 =	sshll.u32 s0, $0xA;
	s2 =	sadd.s32 s3, s2  }
0x8d: {  	s2 =	sadd.s32 s2, s16  }
0x8e: {  	[smem:$0x3FBF] =	sst s2  }
0x8f: {  	_ = 	snop  }
0x90: {  	(tm) =	ssettm $0x1  }
0x91: {  	s17 =	sld [smem:$0x3FFB];
	_ =	sdelay $0x3  }
0x92: {  	_ =	strace s17  }
0x93: {  	s2 =	sld [smem:$0x3FFC];
	_ =	sdelay $0x3  }
0x94: {  	_ =	strace s2  }
0x95: {  	s2 =	sld [smem:$0x3FFD];
	_ =	sdelay $0x3  }
0x96: {  	_ =	strace s2  }
0x97: {  	_ =	strace $0x8FFFFFFF  }
0x98: {  	s18 =	sld [smem:$0x3FDB];
	_ =	sdelay $0x1  }
0x99: {  	s19 =	simm.s32 $_scs_section_size  }
0x9a: {  	s4 =	simm.s32 $_size__tile_overlayer_lowered;
	s5 =	simm.s32 $_tile_overlayer_lowered  }
0x9b: {  	s22 =	simm.s32 $0x1BFF;
	s21 =	sshll.u32 s5, $0x1;
	s2 =	sadd.s32 s19, s18  }
0x9c: {  	s6 =	simm.s32 $0x0;
	s20 =	sshll.u32 s4, $0x1;
	s4 =	sadd.s32 s21, s2  }
0x9d: {  	[timem:s6], [sflag:s22] =	dma.local [hbm:s4], s20  }
0x9e: {  	_ =	swait.ge [sflag:s22], s20  }
0x9f: {  	s3 =	ssub.s32 $0x0, s20;
	[sflag:s22] =	ssyncset.done $0x0  }
0xa0: {  	[sflag:s22] =	ssyncadd.s32 s3;
	_ =	sdelay $0x1  }
0xa1: {  	s23 =	simm.s32 $0x1B8B  }
0xa2: {  	_ =	swait.ge [sflag:s23], $0x1  }
0xa3: {  	[sflag:s23] =	ssyncset.done $0x0  }
0xa4: {  	s25 =	simm.s32 $0x1B8E;
	s24 =	sld [smem:$0x3FFE];
	[sflag:s23] =	ssyncadd.s32 $0xFFFFFFFF  }
0xa5: {  	s26 =	simm.s32 $execute0_lowered;
	[smem:$0x3FD2] =	sst s25  }
0xa6: {  	s4 =	sshll.u32 s26, $0x1;
	_ =	strace $0x80000046;
	[dreg:$0x1] =	wrdreg $0xFFFFFFFF  }
0xa7: {  	s28 =	simm.s32 $_size_execute0_lowered;
	s2 =	sadd.s32 s2, s4;
	[dreg:$0x0] =	wrdreg $0x0  }
0xa8: {  	s4 =	sshll.u32 s28, $0x1;
	[dreg:$0x2] =	wrdreg s2  }
0xa9: {  	[dreg:$0x3] =	wrdreg s4  }
0xaa: {  	[dreg:$0x4] =	wrdreg $0xC0  }
0xab: {  	_ =	task [dreg:s6], $0x5FFFF  }
0xac: {  	[dreg:$0x1] =	wrdreg $0xFFFFFFFF  }
0xad: {  	[dreg:$0x0] =	wrdreg $0x60  }
0xae: {  	[dreg:$0x2] =	wrdreg s24  }
0xaf: {  	[dreg:$0x3] =	wrdreg $0x9  }
0xb0: {  	_ =	task.clear_ibuf [dreg:s6], $0x4FFFF;
	_ =	strace $0x90000046  }
0xb1: {  	s29 =	simm.s32 $0x9;
	_ =	strace $0x80000048  }
0xb2: {  	_ =	swait.ge [sflag:s29], $0x1  }
0xb3: {  	[sflag:s29] =	ssyncadd.s32 $0xFFFFFFFF  }
0xb4: {  	_ =	strace $0x90000048  }
0xb5: {  	_ =	sfence  }
0xb6: {  	s30 =	sld [smem:$0x0];
	_ =	sdelay $0x2  }
0xb7: {  	s31 =	sshll.u32 s1, $0xD;
	s1 =	sshrl.u32 s1, $0x2  }
0xb8: {  	s3 =	sand.u32 $0x4000, s31;
	s1 =	sadd.s32 s1, s30  }
0xb9: {  	s0 =	sor.u32 s3, s0;
	s1 =	sshll.u32 s1, $0x11  }
0xba: {  	s0 =	sor.u32 s1, s0  }
0xbb: {  	s0 =	sadd.s32 $0x8F2B, s0  }
0xbc: {  	[sflag:s0] =	ssyncadd.remote.s32 $0x1  }
0xbd: {  	_ =	sfence.sel $0xFFFF  }
0xbe: {  	[dreg:$0x0] =	wrdreg $0xFFFFFFFF;
	(pc) =	sbr.abs _section_cstart, $3  }
0xbf: {  	[dreg:$0x1] =	wrdreg $0xFFFFFFFF  }
0xc0: {  	_ =	task.clear_ibuf [dreg:s6], $0x2FFFF;
	_ =	strace $0x9FFFFFFF  }
0xc1: {  	(tm) =	ssettm $0x7FFFFFFF  }
tec
execute0_lowered:
.L_overlay_start_1:
0x0: {  	(tag) =	ssettag $0x1  }
0x1: {  	s0 =	srdreg.scid  }
0x2: {  	s5 =	rddreg [dreg:$0x0];
	s3 =	sand.u32 $0x1, s0  }
0x3: {  	s2 =	simm.s32 $0x0;
	s0 =	stileid.u32;
	s1 =	sshll.u32 s3, $0x4  }
0x4: {  	s8 =	simm.s32 $0x80;
	s9 =	simm.s32 $0x400;
	s4 =	sor.u32 s0, s1  }
0x5: {  	s10 =	simm.s32 $0x0;
	[smem:$0x7FF] =	sst s2;
	s1 =	sshrl.u32 s4, $0x3  }
0x6: {  	s7 =	sshll.u32 s0, $0x7;
	s3 =	ssub.s32 $0x2, s3;
	s6 =	smul.u32 $0x13C00, s1  }
0x7: {  	s7 =	sand.u32 $0x380, s7;
	s31 =	sshrl.u32 s3, $0x1;
	s4 =	smul.u32 $0x500, s4  }
0x8: {  	s1 =	rddreg [dreg:$0x1];
	_ =	strace $0x80000047;
	s6 =	sor.u32 s7, s6  }
0x9: {  	s4 =	sadd.s32 s4, s5;
	s7 =	simm.s32 $0x1;
	s6 =	sshrl.u32 s6, $0x3  }
0xa: {  	s5 =	sadd.s32 s6, s5;
	s6 =	ssub.s32 s3, s31;
	s3 =	sadd.s32 $0x2600, s4  }
0xb: {  	v0 =	vimm.f32 $0.0e+00;
	v1 =	vimm.f32 $1.000000000e+00;
	s4 =	sadd.s32 $0xC600, s5;
	s5 =	smax.u32 s6, $0x1;
	s6 =	simm.s32 $0x2780  }
.LBB2_1:
0xc: {  	s11 =	simm.s32 $0x40;
	s12 =	simm.s32 $0x0  }
.LBB2_2:
0xd: {  	p0 =	sne.s32 s11, $0x9DC0;
	[tilespmem:s12+$0x0] =	vst v0;
	s12 =	smov.u32 s11;
	s11 =	sadd.s32 $0x40, s11  }
.Ltmp0:
0xe: {  	(pc) =	sbr.rel @p0 .LBB2_2-.Ltmp0, $2  }
0xf: {  	_ =	sdelay $0x2  }
0x10: {  	s12 =	sshra.s32 s12, $0x2  }
0x11: {  	[tilespmem:s12+$0x0] =	vst v0;
	s11 =	simm.s32 $0x0  }
0x12: {  	[tilespmem:s6], [sflag:$0x1] =	stream.linear.gather [hbm4b:s3+s11], $0x2800, $0x38;
	[tilespmem:$0x4F80] =	vst v63  }
0x13: {  	_ =	swait.ge [sflag:s7], $0x2800  }
0x14: {  	[sflag:s7] =	ssyncset.done $0x0  }
0x15: {  	s12 =	simm.s32 $0x0;
	s11 =	simm.s32 $0x40;
	[sflag:s7] =	ssyncadd.s32 $0xFFFFD800  }
.LBB2_4:
0x16: {  	p0 =	sne.s32 s11, $0x9FC0;
	v2 =	vld [tilespmem:s12+$0x2780];
	_ =	sdelay $0x3  }
.Ltmp1:
0x17: {  	(pc) =	sbr.rel @p0 .LBB2_4-.Ltmp1, $2  }
0x18: {  	_ =	sdelay $0x2  }
0x19: {  	s12 =	sshra.s32 s11, $0x2;
	s11 =	sadd.s32 $0x40, s11;
	[tilespmem:v2+s2+$0x0] =	vst.idx.add.f32.msk $0xffff, v1  }
0x1a: {  	v2 =	vld [tilespmem:s12+$0x2780];
	_ =	sdelay $0x5  }
0x1b: {  	s10 =	sadd.s32 $0x1, s10  }
0x1c: {  	p0 =	sne.s32 s10, s5  }
.Ltmp2:
0x1d: {  	[tilespmem:v2+s2+$0x0] =	vst.idx.add.f32.msk $0xffff, v1;
	(pc) =	sbr.rel @p0 .LBB2_1-.Ltmp2, $4  }
0x1e: {  	[hbm4b:s4+s8] =	stream.strided.scatter [tilespmem:s2], [sflag:$0x1], $0x2780, s9, s8, $0x38;
	[tilespmem:$0x4F80] =	vst v63  }
0x1f: {  	_ =	swait.ge [sflag:s7], $0x2780  }
0x20: {  	[sflag:s7] =	ssyncset.done $0x0  }
0x21: {  	[sflag:s7] =	ssyncadd.s32 $0xFFFFD880  }
0x22: {  	_ =	sfence.sel $0x180000  }
0x23: {  	[bflag:$0x0] =	sbarrier.arrive $0xFFFF  }
0x24: {  	p0 =	sne.s32 s0, $0x0;
	_ =	strace $0x90000047  }
0x25: {  	s0 =	sadd.s32 @!p0 $0x100000, s1;
	[bflag:$0x2] =	sbarrier.arrive $0xFFFF  }
0x26: {  	[sflag:s0] =	ssyncadd.tile.s32 @!p0 $0x1;
	_ =	shalt  }
.Lfunc_end2:
_tile_overlayer_lowered:
.L_overlay_start_2:
0x27: {  	(tag) =	ssettag $0x2  }
0x28: {  	s0 =	rddreg [dreg:$0x0];
	s2 =	stileid.u32  }
0x29: {  	s1 =	rddreg [dreg:$0x1];
	p0 =	sne.s32 s2, $0x0  }
0x2a: {  	s3 =	rddreg [dreg:$0x2];
	[bflag:$0x3] =	sbarrier.arrive $0xFFFF;
	s2 =	simm.s32 @!p0 $0x1C01  }
0x2b: {  	[timem:s3], [sflag:s2] =	dma.local @!p0 [hbm:s0], s1  }
0x2c: {  	s0 =	simm.s32 @!p0 $0x1  }
0x2d: {  	_ =	swait.ge @!p0 [sflag:s0], s1  }
0x2e: {  	s1 =	ssub.s32 @!p0 $0x0, s1;
	[sflag:s0] =	ssyncset.done @!p0 $0x0  }
0x2f: {  	[sflag:s0] =	ssyncadd.s32 @!p0 s1  }
0x30: {  	[bflag:$0x3] =	sbarrier.arrive $0xFFFF  }
0x31: {  	_ =	shalt  }

</sc_bundles>
